<compile_context>
chip_gen: v7x
topology: tpu7x:2x2x1
jax: 0.10.2.dev20260603
libtpu: 0.0.44.dev20260713+nightly
codegen_flags: <defaults>
</compile_context>

<pallas_src>
import functools

import jax
import jax.numpy as jnp
from jax import lax
from jax.experimental import pallas as pl
from jax.experimental.pallas import tpu as pltpu
from jax.experimental.pallas import tpu_sc as plsc

_B, _N, _K = 4, 512, 8
_HID = 64
_JT = 128
_NW = 32
_RPW = _B * _N // _NW


def _d2_kernel(p_ref, pT_ref, d2_ref):
    p = p_ref[0]
    pT = pT_ref[0]
    dx = p[:, 0:1] - pT[0:1, :]
    dy = p[:, 1:2] - pT[1:2, :]
    d2_ref[0] = dx * dx + dy * dy


@functools.cache
def _make_sc_topk():
    mesh = plsc.VectorSubcoreMesh(core_axis_name="c", subcore_axis_name="s")
    return functools.partial(
        pl.kernel,
        mesh=mesh,
        out_type=jax.ShapeDtypeStruct((_B * _N * _N,), jnp.float32),
        scratch_types=[
            pltpu.VMEM((_RPW * _N,), jnp.float32),
            pltpu.VMEM((_RPW * _N,), jnp.float32),
        ],
    )(_sc_topk_body)


def _sc_topk_body(d2_hbm, out_hbm, rows_v, mask_v):
    wid = lax.axis_index("s") * 2 + lax.axis_index("c")
    base = wid * _RPW * _N
    pltpu.sync_copy(d2_hbm.at[pl.ds(base, _RPW * _N)], rows_v)

    lane = lax.iota(jnp.int32, 16)
    zero16 = jnp.zeros((16,), jnp.float32)
    inf16 = jnp.full((16,), jnp.inf, jnp.float32)
    nseg = _N // 16
    perms = [jnp.bitwise_xor(lane, s) for s in (8, 4, 2, 1)]

    def _allmin(x):
        for pm in perms:
            x = jnp.minimum(x, x.at[pm].get(mode="promise_in_bounds"))
        return x

    def row_body(r, _):
        r0 = r * _N
        for j in range(nseg):
            mask_v[pl.ds(r0 + j * 16, 16)] = zero16

        def t_body(t, _):
            m = inf16
            mi = jnp.zeros((16,), jnp.int32)
            for j in range(nseg):
                v = rows_v[pl.ds(r0 + j * 16, 16)]
                ltm = v < m
                m = jnp.where(ltm, v, m)
                mi = jnp.where(ltm, j, mi)
            mn = _allmin(m)
            cand = jnp.where(m == mn, mi * 16 + lane, jnp.int32(1 << 30))
            found = _allmin(cand)[0]
            seg = r0 + (found // 16) * 16
            eq = lane == (found % 16)
            v = rows_v[pl.ds(seg, 16)]
            rows_v[pl.ds(seg, 16)] = jnp.where(eq, jnp.inf, v)
            mv = mask_v[pl.ds(seg, 16)]
            hitf = (t > 0).astype(jnp.float32)
            mask_v[pl.ds(seg, 16)] = jnp.where(eq, hitf, mv)
            return 0

        lax.fori_loop(0, _K + 1, t_body, 0)
        return 0

    lax.fori_loop(0, _RPW, row_body, 0)
    pltpu.sync_copy(mask_v, out_hbm.at[pl.ds(base, _RPW * _N)])


def _gcn_mlp_kernel(p_ref, pT_ref, M_ref, W1_ref, b1_ref, W2_ref, b2_ref,
                    W3_ref, b3_ref, Wm1_ref, bm1_ref, Wm2T_ref, bm2_ref,
                    out_ref):
    N = _N
    f32 = jnp.float32

    p = p_ref[0]
    pT = pT_ref[0]
    px_c = p[:, 0:1]
    py_c = p[:, 1:2]

    row = lax.broadcasted_iota(jnp.int32, (N, N), 0)
    col = lax.broadcasted_iota(jnp.int32, (N, N), 1)

    M = M_ref[0]
    eye = (row == col).astype(f32)
    cnt = M + M.T + eye
    deg = jnp.sum(cnt, axis=0, keepdims=True)
    dis_r = 1.0 / jnp.sqrt(deg)
    dis_c = dis_r.T
    Anorm = cnt * dis_c * dis_r

    dot = functools.partial(jnp.dot, preferred_element_type=f32)

    XW = px_c * W1_ref[0:1, :] + py_c * W1_ref[1:2, :]
    h = jnp.maximum(dot(Anorm, XW) + b1_ref[0:1, :], 0.0)
    h = jnp.maximum(dot(Anorm, dot(h, W2_ref[...])) + b2_ref[0:1, :], 0.0)
    h = jnp.maximum(dot(Anorm, dot(h, W3_ref[...])) + b3_ref[0:1, :], 0.0)

    Wm1 = Wm1_ref[...]
    Ae = dot(h, Wm1[0:_HID, :]) + bm1_ref[0:1, :]
    Be = dot(h, Wm1[_HID:, :])
    BeT = Be.T
    w_col = Wm2T_ref[0:1, :].T
    c_col = dot(Ae, w_col)
    r_row = dot(Be, w_col).T
    base = bm2_ref[0:1, 0:1] * 2.0

    T = _JT
    tri = lax.broadcasted_iota(jnp.int32, (T, T), 0) < \
        lax.broadcasted_iota(jnp.int32, (T, T), 1)
    for it in range(N // T):
        i0 = it * T
        acc = c_col[i0:i0 + T, :] + r_row[:, i0:] + base
        for k in range(_HID):
            t = Ae[i0:i0 + T, k:k + 1] + BeT[k:k + 1, i0:]
            acc = acc + jnp.abs(t) * Wm2T_ref[0:1, k:k + 1]
        prob = jax.nn.sigmoid(acc * 0.5)
        up = jnp.where(tri, prob[:, 0:T], 0.0)
        out_ref[0, i0:i0 + T, i0:i0 + T] = up + up.T
        for jt in range(it + 1, N // T):
            off = jt * T - i0
            blk = prob[:, off:off + T]
            out_ref[0, i0:i0 + T, jt * T:(jt + 1) * T] = blk
            out_ref[0, jt * T:(jt + 1) * T, i0:i0 + T] = blk.T


def kernel(batch_points, W1, b1, W2, b2, W3, b3, Wm1, bm1, Wm2, bm2):
    B, N = _B, _N
    pT = jnp.transpose(batch_points, (0, 2, 1))
    b1r = b1.reshape(1, _HID)
    b2r = b2.reshape(1, _HID)
    b3r = b3.reshape(1, _HID)
    bm1r = bm1.reshape(1, _HID)
    Wm2T = Wm2.reshape(1, _HID)
    bm2r = bm2.reshape(1, 1)

    d2 = pl.pallas_call(
        _d2_kernel,
        grid=(B,),
        in_specs=[
            pl.BlockSpec((1, N, 2), lambda g: (g, 0, 0)),
            pl.BlockSpec((1, 2, N), lambda g: (g, 0, 0)),
        ],
        out_specs=pl.BlockSpec((1, N, N), lambda g: (g, 0, 0)),
        out_shape=jax.ShapeDtypeStruct((B, N, N), jnp.float32),
    )(batch_points, pT)

    M = _make_sc_topk()(d2.reshape(B * N * N)).reshape(B, N, N)

    rep = lambda shape: pl.BlockSpec(shape, lambda g: (0,) * len(shape))
    out = pl.pallas_call(
        _gcn_mlp_kernel,
        grid=(B,),
        in_specs=[
            pl.BlockSpec((1, N, 2), lambda g: (g, 0, 0)),
            pl.BlockSpec((1, 2, N), lambda g: (g, 0, 0)),
            pl.BlockSpec((1, N, N), lambda g: (g, 0, 0)),
            rep((2, _HID)), rep((1, _HID)),
            rep((_HID, _HID)), rep((1, _HID)),
            rep((_HID, _HID)), rep((1, _HID)),
            rep((2 * _HID, _HID)), rep((1, _HID)),
            rep((1, _HID)), rep((1, 1)),
        ],
        out_specs=pl.BlockSpec((1, N, N), lambda g: (g, 0, 0)),
        out_shape=jax.ShapeDtypeStruct((B, N, N), jnp.float32),
        compiler_params=pltpu.CompilerParams(
            dimension_semantics=("parallel",)),
    )(batch_points, pT, M, W1, b1r, W2, b2r, W3, b3r, Wm1, bm1r, Wm2T, bm2r)
    return out

# --- scband reference (transcript-rebuilt; emitter-appended) ---
"""Pipeline reference for scband-graph-edge-predictor-30580167147631 (READ-ONLY COPY).

The authoritative reference and input builder live on the scoring server;
editing this copy changes nothing except your own understanding.
"""

import jax, jax.numpy as jnp
import numpy as np

B, N, K = 4, 512, 8
HID = 64
MLP_HID = 64

def _glorot(key, shape):
    lim = (6.0 / (shape[0] + shape[1])) ** 0.5
    return jax.random.uniform(key, shape, jnp.float32, -lim, lim)

def setup_inputs(seed: int = 0) -> dict:
    key = jax.random.key(seed)
    ks = jax.random.split(key, 8)
    return {
        "batch_points": jax.random.normal(ks[0], (B, N, 2), jnp.float32),
        "W1": _glorot(ks[1], (2, HID)), "b1": jnp.zeros((HID,), jnp.float32),
        "W2": _glorot(ks[2], (HID, HID)), "b2": jnp.zeros((HID,), jnp.float32),
        "W3": _glorot(ks[3], (HID, HID)), "b3": jnp.zeros((HID,), jnp.float32),
        "Wm1": _glorot(ks[4], (2 * HID, MLP_HID)), "bm1": jnp.zeros((MLP_HID,), jnp.float32),
        "Wm2": _glorot(ks[5], (MLP_HID, 1)), "bm2": jnp.zeros((1,), jnp.float32),
    }

def build_knn_edges(points):
    # indices from topk are non-differentiable in torch as well; use squared
    # distances (same ordering as p=2 cdist) and stop_gradient for safety.
    p = jax.lax.stop_gradient(points)
    d2 = jnp.sum((p[:, :, None, :] - p[:, None, :, :]) ** 2, axis=-1)  # (B,N,N)
    _, knn_idx = jax.lax.top_k(-d2, K + 1)
    knn_idx = knn_idx[:, :, 1:]  # drop self
    src = jnp.broadcast_to(jnp.arange(N)[None, :, None], (B, N, K))
    off = (jnp.arange(B) * N)[:, None, None]
    s = (src + off).reshape(-1)
    t = (knn_idx + off).reshape(-1)
    edge_index = jnp.concatenate([jnp.stack([s, t], axis=0), jnp.stack([t, s], axis=0)], axis=1)
    return edge_index

def gcn_conv(x, edge_index, W, b):
    num_nodes = x.shape[0]
    x = x @ W
    loops = jnp.arange(num_nodes)
    row = jnp.concatenate([edge_index[0], loops])
    col = jnp.concatenate([edge_index[1], loops])
    deg = jax.ops.segment_sum(jnp.ones(row.shape[0], jnp.float32), col, num_segments=num_nodes)
    dis = jnp.where(deg > 0, 1.0 / jnp.sqrt(jnp.maximum(deg, 1e-12)), 0.0)
    norm = dis[row] * dis[col]
    out = jax.ops.segment_sum(norm[:, None] * x[row], col, num_segments=num_nodes)
    return out + b

def reference(batch_points, W1, b1, W2, b2, W3, b3, Wm1, bm1, Wm2, bm2):
    edge_index = build_knn_edges(batch_points)
    x = batch_points.reshape(B * N, 2)
    for W, bb in ((W1, b1), (W2, b2), (W3, b3)):
        x = jax.nn.relu(gcn_conv(x, edge_index, W, bb))
    H = x.reshape(B, N, HID)
    ii, jj = jnp.triu_indices(N, k=1)  # same order as itertools.combinations
    h_cat = jnp.concatenate([H[:, ii], H[:, jj]], axis=-1).reshape(-1, 2 * HID)
    prob = jax.nn.sigmoid(jax.nn.relu(h_cat @ Wm1 + bm1) @ Wm2 + bm2)
    prob = prob.reshape(B, -1)
    adj = jnp.zeros((B, N, N), jnp.float32).at[:, ii, jj].set(prob)
    adj = adj + jnp.transpose(adj, (0, 2, 1))
    return adj

if __name__ == "__main__":
    import jax
    _d = setup_inputs()
    print(jax.jit(kernel)(*tuple(_d.values())))

</pallas_src>

<mosaic_0001>
#map = affine_map<(d0, d1) -> (0)>
module attributes {stable_mosaic.version = 14 : i64} {
  func.func @_sc_topk_body(%arg0: i32, %arg1: i32, %arg2: memref<1048576xf32, #tpu.memory_space<hbm>>, %arg3: memref<1048576xf32, #tpu.memory_space<hbm>>, %arg4: memref<32768xf32, #tpu.memory_space<vmem>>, %arg5: memref<32768xf32, #tpu.memory_space<vmem>>) attributes {dimension_semantics = [#tpu.dimension_semantics<core_parallel>, #tpu.dimension_semantics<subcore_parallel>], iteration_bounds = array<i64: 2, 16>, scalar_prefetch = 0 : i64, scratch_operands = 2 : i64, tpu.core_type = #tpu.core_type<sc_vector_subcore>, window_params = [{transform_indices = #map}, {transform_indices = #map}]} {
    %mul3A = arith.constant 2 : i32
    %mul3A_0 = arith.muli %arg1, %mul3A : i32
    %add3A = arith.addi %mul3A_0, %arg0 : i32
    %mul3A_1 = arith.constant 64 : i32
    %mul3A_2 = arith.muli %add3A, %mul3A_1 : i32
    %mul3A_3 = arith.constant 512 : i32
    %mul3A_4 = arith.muli %mul3A_2, %mul3A_3 : i32
    "tpu.region"() ({
      %run_scoped3A = tpu.sem_alloc : memref<!tpu.dma_semaphore, #tpu.memory_space<semaphore_mem>>
      %dma_start3A = tpu.memref_slice %arg2[%mul3A_4] : memref<1048576xf32, #tpu.memory_space<hbm>> -> memref<32768xf32, #tpu.memory_space<hbm>>
      %dma_start3A_25 = tpu.memref_slice %arg2[%mul3A_4] : memref<1048576xf32, #tpu.memory_space<hbm>> -> memref<32768xf32, #tpu.memory_space<hbm>>
      tpu.enqueue_dma source(%dma_start3A_25 : memref<32768xf32, #tpu.memory_space<hbm>>) target(%arg4 : memref<32768xf32, #tpu.memory_space<vmem>>) target_semaphore(%run_scoped3A : memref<!tpu.dma_semaphore, #tpu.memory_space<semaphore_mem>>)
      %dma_wait3A = tpu.memref_slice %arg2[%mul3A_4] : memref<1048576xf32, #tpu.memory_space<hbm>> -> memref<32768xf32, #tpu.memory_space<hbm>>
      %dma_wait3A_26 = tpu.memref_slice %arg2[%mul3A_4] : memref<1048576xf32, #tpu.memory_space<hbm>> -> memref<32768xf32, #tpu.memory_space<hbm>>
      tpu.wait_dma2 semaphore(%run_scoped3A : memref<!tpu.dma_semaphore, #tpu.memory_space<semaphore_mem>>) src(%dma_wait3A_26 : memref<32768xf32, #tpu.memory_space<hbm>>) dst(%arg4 : memref<32768xf32, #tpu.memory_space<vmem>>)
      tpu.yield
    }) : () -> ()
    %iota3A = tpu.iota {dimensions = array<i32: 0>} : vector<16xi32>
    %broadcast_in_dim3A = arith.constant 0.000000e+00 : f32
    %broadcast_in_dim3A_5 = vector.broadcast %broadcast_in_dim3A : f32 to vector<16xf32>
    %broadcast_in_dim3A_6 = arith.constant 0x7F800000 : f32
    %broadcast_in_dim3A_7 = vector.broadcast %broadcast_in_dim3A_6 : f32 to vector<16xf32>
    %xor3A = arith.constant 8 : i32
    %xor3A_8 = vector.broadcast %xor3A : i32 to vector<16xi32>
    %xor3A_9 = arith.xori %iota3A, %xor3A_8 : vector<16xi32>
    %xor3A_10 = arith.constant 4 : i32
    %xor3A_11 = vector.broadcast %xor3A_10 : i32 to vector<16xi32>
    %xor3A_12 = arith.xori %iota3A, %xor3A_11 : vector<16xi32>
    %xor3A_13 = arith.constant 2 : i32
    %xor3A_14 = vector.broadcast %xor3A_13 : i32 to vector<16xi32>
    %xor3A_15 = arith.xori %iota3A, %xor3A_14 : vector<16xi32>
    %xor3A_16 = arith.constant 1 : i32
    %xor3A_17 = vector.broadcast %xor3A_16 : i32 to vector<16xi32>
    %xor3A_18 = arith.xori %iota3A, %xor3A_17 : vector<16xi32>
    %scan3A = arith.constant 0 : i32
    %scan3A_19 = arith.constant 0 : i32
    %scan3A_20 = arith.constant 64 : i32
    %scan3A_21 = arith.addi %scan3A_19, %scan3A_20 : i32
    %scan3A_22 = arith.constant 1 : i32
    %scan3A_23 = scf.for %scan3A_25 = %scan3A_19 to %scan3A_21 step %scan3A_22 iter_args(%scan3A_26 = %scan3A) -> (i32)  : i32 {
      %mul3A_27 = arith.constant 512 : i32
      %mul3A_28 = arith.muli %scan3A_25, %mul3A_27 : i32
      %add3A_29 = arith.constant 0 : i32
      %add3A_30 = arith.addi %mul3A_28, %add3A_29 : i32
      %swap3A = arith.index_cast %add3A_30 : i32 to index
      %swap3A_31 = tpu.vector_load %arg5[%swap3A] {strides = array<i32>} : memref<32768xf32, #tpu.memory_space<vmem>>, vector<16xf32>,
      %swap3A_32 = vector.shape_cast %swap3A_31 : vector<16xf32> to vector<16xf32>
      %swap3A_33 = vector.shape_cast %broadcast_in_dim3A_5 : vector<16xf32> to vector<16xf32>
      tpu.vector_store %arg5[%swap3A], %swap3A_33 {strides = array<i32>} : memref<32768xf32, #tpu.memory_space<vmem>>, vector<16xf32>,
      %add3A_34 = arith.constant 16 : i32
      %add3A_35 = arith.addi %mul3A_28, %add3A_34 : i32
      %swap3A_36 = arith.index_cast %add3A_35 : i32 to index
      %swap3A_37 = tpu.vector_load %arg5[%swap3A_36] {strides = array<i32>} : memref<32768xf32, #tpu.memory_space<vmem>>, vector<16xf32>,
      %swap3A_38 = vector.shape_cast %swap3A_37 : vector<16xf32> to vector<16xf32>
      %swap3A_39 = vector.shape_cast %broadcast_in_dim3A_5 : vector<16xf32> to vector<16xf32>
      tpu.vector_store %arg5[%swap3A_36], %swap3A_39 {strides = array<i32>} : memref<32768xf32, #tpu.memory_space<vmem>>, vector<16xf32>,
      %add3A_40 = arith.constant 32 : i32
      %add3A_41 = arith.addi %mul3A_28, %add3A_40 : i32
      %swap3A_42 = arith.index_cast %add3A_41 : i32 to index
      %swap3A_43 = tpu.vector_load %arg5[%swap3A_42] {strides = array<i32>} : memref<32768xf32, #tpu.memory_space<vmem>>, vector<16xf32>,
      %swap3A_44 = vector.shape_cast %swap3A_43 : vector<16xf32> to vector<16xf32>
      %swap3A_45 = vector.shape_cast %broadcast_in_dim3A_5 : vector<16xf32> to vector<16xf32>
      tpu.vector_store %arg5[%swap3A_42], %swap3A_45 {strides = array<i32>} : memref<32768xf32, #tpu.memory_space<vmem>>, vector<16xf32>,
      %add3A_46 = arith.constant 48 : i32
      %add3A_47 = arith.addi %mul3A_28, %add3A_46 : i32
      %swap3A_48 = arith.index_cast %add3A_47 : i32 to index
      %swap3A_49 = tpu.vector_load %arg5[%swap3A_48] {strides = array<i32>} : memref<32768xf32, #tpu.memory_space<vmem>>, vector<16xf32>,
      %swap3A_50 = vector.shape_cast %swap3A_49 : vector<16xf32> to vector<16xf32>
      %swap3A_51 = vector.shape_cast %broadcast_in_dim3A_5 : vector<16xf32> to vector<16xf32>
      tpu.vector_store %arg5[%swap3A_48], %swap3A_51 {strides = array<i32>} : memref<32768xf32, #tpu.memory_space<vmem>>, vector<16xf32>,
      %add3A_52 = arith.constant 64 : i32
      %add3A_53 = arith.addi %mul3A_28, %add3A_52 : i32
      %swap3A_54 = arith.index_cast %add3A_53 : i32 to index
      %swap3A_55 = tpu.vector_load %arg5[%swap3A_54] {strides = array<i32>} : memref<32768xf32, #tpu.memory_space<vmem>>, vector<16xf32>,
      %swap3A_56 = vector.shape_cast %swap3A_55 : vector<16xf32> to vector<16xf32>
      %swap3A_57 = vector.shape_cast %broadcast_in_dim3A_5 : vector<16xf32> to vector<16xf32>
      tpu.vector_store %arg5[%swap3A_54], %swap3A_57 {strides = array<i32>} : memref<32768xf32, #tpu.memory_space<vmem>>, vector<16xf32>,
      %add3A_58 = arith.constant 80 : i32
      %add3A_59 = arith.addi %mul3A_28, %add3A_58 : i32
      %swap3A_60 = arith.index_cast %add3A_59 : i32 to index
      %swap3A_61 = tpu.vector_load %arg5[%swap3A_60] {strides = array<i32>} : memref<32768xf32, #tpu.memory_space<vmem>>, vector<16xf32>,
      %swap3A_62 = vector.shape_cast %swap3A_61 : vector<16xf32> to vector<16xf32>
      %swap3A_63 = vector.shape_cast %broadcast_in_dim3A_5 : vector<16xf32> to vector<16xf32>
      tpu.vector_store %arg5[%swap3A_60], %swap3A_63 {strides = array<i32>} : memref<32768xf32, #tpu.memory_space<vmem>>, vector<16xf32>,
      %add3A_64 = arith.constant 96 : i32
      %add3A_65 = arith.addi %mul3A_28, %add3A_64 : i32
      %swap3A_66 = arith.index_cast %add3A_65 : i32 to index
      %swap3A_67 = tpu.vector_load %arg5[%swap3A_66] {strides = array<i32>} : memref<32768xf32, #tpu.memory_space<vmem>>, vector<16xf32>,
      %swap3A_68 = vector.shape_cast %swap3A_67 : vector<16xf32> to vector<16xf32>
      %swap3A_69 = vector.shape_cast %broadcast_in_dim3A_5 : vector<16xf32> to vector<16xf32>
      tpu.vector_store %arg5[%swap3A_66], %swap3A_69 {strides = array<i32>} : memref<32768xf32, #tpu.memory_space<vmem>>, vector<16xf32>,
      %add3A_70 = arith.constant 112 : i32
      %add3A_71 = arith.addi %mul3A_28, %add3A_70 : i32
      %swap3A_72 = arith.index_cast %add3A_71 : i32 to index
      %swap3A_73 = tpu.vector_load %arg5[%swap3A_72] {strides = array<i32>} : memref<32768xf32, #tpu.memory_space<vmem>>, vector<16xf32>,
      %swap3A_74 = vector.shape_cast %swap3A_73 : vector<16xf32> to vector<16xf32>
      %swap3A_75 = vector.shape_cast %broadcast_in_dim3A_5 : vector<16xf32> to vector<16xf32>
      tpu.vector_store %arg5[%swap3A_72], %swap3A_75 {strides = array<i32>} : memref<32768xf32, #tpu.memory_space<vmem>>, vector<16xf32>,
      %add3A_76 = arith.constant 128 : i32
      %add3A_77 = arith.addi %mul3A_28, %add3A_76 : i32
      %swap3A_78 = arith.index_cast %add3A_77 : i32 to index
      %swap3A_79 = tpu.vector_load %arg5[%swap3A_78] {strides = array<i32>} : memref<32768xf32, #tpu.memory_space<vmem>>, vector<16xf32>,
      %swap3A_80 = vector.shape_cast %swap3A_79 : vector<16xf32> to vector<16xf32>
      %swap3A_81 = vector.shape_cast %broadcast_in_dim3A_5 : vector<16xf32> to vector<16xf32>
      tpu.vector_store %arg5[%swap3A_78], %swap3A_81 {strides = array<i32>} : memref<32768xf32, #tpu.memory_space<vmem>>, vector<16xf32>,
      %add3A_82 = arith.constant 144 : i32
      %add3A_83 = arith.addi %mul3A_28, %add3A_82 : i32
      %swap3A_84 = arith.index_cast %add3A_83 : i32 to index
      %swap3A_85 = tpu.vector_load %arg5[%swap3A_84] {strides = array<i32>} : memref<32768xf32, #tpu.memory_space<vmem>>, vector<16xf32>,
      %swap3A_86 = vector.shape_cast %swap3A_85 : vector<16xf32> to vector<16xf32>
      %swap3A_87 = vector.shape_cast %broadcast_in_dim3A_5 : vector<16xf32> to vector<16xf32>
      tpu.vector_store %arg5[%swap3A_84], %swap3A_87 {strides = array<i32>} : memref<32768xf32, #tpu.memory_space<vmem>>, vector<16xf32>,
      %add3A_88 = arith.constant 160 : i32
      %add3A_89 = arith.addi %mul3A_28, %add3A_88 : i32
      %swap3A_90 = arith.index_cast %add3A_89 : i32 to index
      %swap3A_91 = tpu.vector_load %arg5[%swap3A_90] {strides = array<i32>} : memref<32768xf32, #tpu.memory_space<vmem>>, vector<16xf32>,
      %swap3A_92 = vector.shape_cast %swap3A_91 : vector<16xf32> to vector<16xf32>
      %swap3A_93 = vector.shape_cast %broadcast_in_dim3A_5 : vector<16xf32> to vector<16xf32>
      tpu.vector_store %arg5[%swap3A_90], %swap3A_93 {strides = array<i32>} : memref<32768xf32, #tpu.memory_space<vmem>>, vector<16xf32>,
      %add3A_94 = arith.constant 176 : i32
      %add3A_95 = arith.addi %mul3A_28, %add3A_94 : i32
      %swap3A_96 = arith.index_cast %add3A_95 : i32 to index
      %swap3A_97 = tpu.vector_load %arg5[%swap3A_96] {strides = array<i32>} : memref<32768xf32, #tpu.memory_space<vmem>>, vector<16xf32>,
      %swap3A_98 = vector.shape_cast %swap3A_97 : vector<16xf32> to vector<16xf32>
      %swap3A_99 = vector.shape_cast %broadcast_in_dim3A_5 : vector<16xf32> to vector<16xf32>
      tpu.vector_store %arg5[%swap3A_96], %swap3A_99 {strides = array<i32>} : memref<32768xf32, #tpu.memory_space<vmem>>, vector<16xf32>,
      %add3A_100 = arith.constant 192 : i32
      %add3A_101 = arith.addi %mul3A_28, %add3A_100 : i32
      %swap3A_102 = arith.index_cast %add3A_101 : i32 to index
      %swap3A_103 = tpu.vector_load %arg5[%swap3A_102] {strides = array<i32>} : memref<32768xf32, #tpu.memory_space<vmem>>, vector<16xf32>,
      %swap3A_104 = vector.shape_cast %swap3A_103 : vector<16xf32> to vector<16xf32>
      %swap3A_105 = vector.shape_cast %broadcast_in_dim3A_5 : vector<16xf32> to vector<16xf32>
      tpu.vector_store %arg5[%swap3A_102], %swap3A_105 {strides = array<i32>} : memref<32768xf32, #tpu.memory_space<vmem>>, vector<16xf32>,
      %add3A_106 = arith.constant 208 : i32
      %add3A_107 = arith.addi %mul3A_28, %add3A_106 : i32
      %swap3A_108 = arith.index_cast %add3A_107 : i32 to index
      %swap3A_109 = tpu.vector_load %arg5[%swap3A_108] {strides = array<i32>} : memref<32768xf32, #tpu.memory_space<vmem>>, vector<16xf32>,
      %swap3A_110 = vector.shape_cast %swap3A_109 : vector<16xf32> to vector<16xf32>
      %swap3A_111 = vector.shape_cast %broadcast_in_dim3A_5 : vector<16xf32> to vector<16xf32>
      tpu.vector_store %arg5[%swap3A_108], %swap3A_111 {strides = array<i32>} : memref<32768xf32, #tpu.memory_space<vmem>>, vector<16xf32>,
      %add3A_112 = arith.constant 224 : i32
      %add3A_113 = arith.addi %mul3A_28, %add3A_112 : i32
      %swap3A_114 = arith.index_cast %add3A_113 : i32 to index
      %swap3A_115 = tpu.vector_load %arg5[%swap3A_114] {strides = array<i32>} : memref<32768xf32, #tpu.memory_space<vmem>>, vector<16xf32>,
      %swap3A_116 = vector.shape_cast %swap3A_115 : vector<16xf32> to vector<16xf32>
      %swap3A_117 = vector.shape_cast %broadcast_in_dim3A_5 : vector<16xf32> to vector<16xf32>
      tpu.vector_store %arg5[%swap3A_114], %swap3A_117 {strides = array<i32>} : memref<32768xf32, #tpu.memory_space<vmem>>, vector<16xf32>,
      %add3A_118 = arith.constant 240 : i32
      %add3A_119 = arith.addi %mul3A_28, %add3A_118 : i32
      %swap3A_120 = arith.index_cast %add3A_119 : i32 to index
      %swap3A_121 = tpu.vector_load %arg5[%swap3A_120] {strides = array<i32>} : memref<32768xf32, #tpu.memory_space<vmem>>, vector<16xf32>,
      %swap3A_122 = vector.shape_cast %swap3A_121 : vector<16xf32> to vector<16xf32>
      %swap3A_123 = vector.shape_cast %broadcast_in_dim3A_5 : vector<16xf32> to vector<16xf32>
      tpu.vector_store %arg5[%swap3A_120], %swap3A_123 {strides = array<i32>} : memref<32768xf32, #tpu.memory_space<vmem>>, vector<16xf32>,
      %add3A_124 = arith.constant 256 : i32
      %add3A_125 = arith.addi %mul3A_28, %add3A_124 : i32
      %swap3A_126 = arith.index_cast %add3A_125 : i32 to index
      %swap3A_127 = tpu.vector_load %arg5[%swap3A_126] {strides = array<i32>} : memref<32768xf32, #tpu.memory_space<vmem>>, vector<16xf32>,
      %swap3A_128 = vector.shape_cast %swap3A_127 : vector<16xf32> to vector<16xf32>
      %swap3A_129 = vector.shape_cast %broadcast_in_dim3A_5 : vector<16xf32> to vector<16xf32>
      tpu.vector_store %arg5[%swap3A_126], %swap3A_129 {strides = array<i32>} : memref<32768xf32, #tpu.memory_space<vmem>>, vector<16xf32>,
      %add3A_130 = arith.constant 272 : i32
      %add3A_131 = arith.addi %mul3A_28, %add3A_130 : i32
      %swap3A_132 = arith.index_cast %add3A_131 : i32 to index
      %swap3A_133 = tpu.vector_load %arg5[%swap3A_132] {strides = array<i32>} : memref<32768xf32, #tpu.memory_space<vmem>>, vector<16xf32>,
      %swap3A_134 = vector.shape_cast %swap3A_133 : vector<16xf32> to vector<16xf32>
      %swap3A_135 = vector.shape_cast %broadcast_in_dim3A_5 : vector<16xf32> to vector<16xf32>
      tpu.vector_store %arg5[%swap3A_132], %swap3A_135 {strides = array<i32>} : memref<32768xf32, #tpu.memory_space<vmem>>, vector<16xf32>,
      %add3A_136 = arith.constant 288 : i32
      %add3A_137 = arith.addi %mul3A_28, %add3A_136 : i32
      %swap3A_138 = arith.index_cast %add3A_137 : i32 to index
      %swap3A_139 = tpu.vector_load %arg5[%swap3A_138] {strides = array<i32>} : memref<32768xf32, #tpu.memory_space<vmem>>, vector<16xf32>,
      %swap3A_140 = vector.shape_cast %swap3A_139 : vector<16xf32> to vector<16xf32>
      %swap3A_141 = vector.shape_cast %broadcast_in_dim3A_5 : vector<16xf32> to vector<16xf32>
      tpu.vector_store %arg5[%swap3A_138], %swap3A_141 {strides = array<i32>} : memref<32768xf32, #tpu.memory_space<vmem>>, vector<16xf32>,
      %add3A_142 = arith.constant 304 : i32
      %add3A_143 = arith.addi %mul3A_28, %add3A_142 : i32
      %swap3A_144 = arith.index_cast %add3A_143 : i32 to index
      %swap3A_145 = tpu.vector_load %arg5[%swap3A_144] {strides = array<i32>} : memref<32768xf32, #tpu.memory_space<vmem>>, vector<16xf32>,
      %swap3A_146 = vector.shape_cast %swap3A_145 : vector<16xf32> to vector<16xf32>
      %swap3A_147 = vector.shape_cast %broadcast_in_dim3A_5 : vector<16xf32> to vector<16xf32>
      tpu.vector_store %arg5[%swap3A_144], %swap3A_147 {strides = array<i32>} : memref<32768xf32, #tpu.memory_space<vmem>>, vector<16xf32>,
      %add3A_148 = arith.constant 320 : i32
      %add3A_149 = arith.addi %mul3A_28, %add3A_148 : i32
      %swap3A_150 = arith.index_cast %add3A_149 : i32 to index
      %swap3A_151 = tpu.vector_load %arg5[%swap3A_150] {strides = array<i32>} : memref<32768xf32, #tpu.memory_space<vmem>>, vector<16xf32>,
      %swap3A_152 = vector.shape_cast %swap3A_151 : vector<16xf32> to vector<16xf32>
      %swap3A_153 = vector.shape_cast %broadcast_in_dim3A_5 : vector<16xf32> to vector<16xf32>
      tpu.vector_store %arg5[%swap3A_150], %swap3A_153 {strides = array<i32>} : memref<32768xf32, #tpu.memory_space<vmem>>, vector<16xf32>,
      %add3A_154 = arith.constant 336 : i32
      %add3A_155 = arith.addi %mul3A_28, %add3A_154 : i32
      %swap3A_156 = arith.index_cast %add3A_155 : i32 to index
      %swap3A_157 = tpu.vector_load %arg5[%swap3A_156] {strides = array<i32>} : memref<32768xf32, #tpu.memory_space<vmem>>, vector<16xf32>,
      %swap3A_158 = vector.shape_cast %swap3A_157 : vector<16xf32> to vector<16xf32>
      %swap3A_159 = vector.shape_cast %broadcast_in_dim3A_5 : vector<16xf32> to vector<16xf32>
      tpu.vector_store %arg5[%swap3A_156], %swap3A_159 {strides = array<i32>} : memref<32768xf32, #tpu.memory_space<vmem>>, vector<16xf32>,
      %add3A_160 = arith.constant 352 : i32
      %add3A_161 = arith.addi %mul3A_28, %add3A_160 : i32
      %swap3A_162 = arith.index_cast %add3A_161 : i32 to index
      %swap3A_163 = tpu.vector_load %arg5[%swap3A_162] {strides = array<i32>} : memref<32768xf32, #tpu.memory_space<vmem>>, vector<16xf32>,
      %swap3A_164 = vector.shape_cast %swap3A_163 : vector<16xf32> to vector<16xf32>
      %swap3A_165 = vector.shape_cast %broadcast_in_dim3A_5 : vector<16xf32> to vector<16xf32>
      tpu.vector_store %arg5[%swap3A_162], %swap3A_165 {strides = array<i32>} : memref<32768xf32, #tpu.memory_space<vmem>>, vector<16xf32>,
      %add3A_166 = arith.constant 368 : i32
      %add3A_167 = arith.addi %mul3A_28, %add3A_166 : i32
      %swap3A_168 = arith.index_cast %add3A_167 : i32 to index
      %swap3A_169 = tpu.vector_load %arg5[%swap3A_168] {strides = array<i32>} : memref<32768xf32, #tpu.memory_space<vmem>>, vector<16xf32>,
      %swap3A_170 = vector.shape_cast %swap3A_169 : vector<16xf32> to vector<16xf32>
      %swap3A_171 = vector.shape_cast %broadcast_in_dim3A_5 : vector<16xf32> to vector<16xf32>
      tpu.vector_store %arg5[%swap3A_168], %swap3A_171 {strides = array<i32>} : memref<32768xf32, #tpu.memory_space<vmem>>, vector<16xf32>,
      %add3A_172 = arith.constant 384 : i32
      %add3A_173 = arith.addi %mul3A_28, %add3A_172 : i32
      %swap3A_174 = arith.index_cast %add3A_173 : i32 to index
      %swap3A_175 = tpu.vector_load %arg5[%swap3A_174] {strides = array<i32>} : memref<32768xf32, #tpu.memory_space<vmem>>, vector<16xf32>,
      %swap3A_176 = vector.shape_cast %swap3A_175 : vector<16xf32> to vector<16xf32>
      %swap3A_177 = vector.shape_cast %broadcast_in_dim3A_5 : vector<16xf32> to vector<16xf32>
      tpu.vector_store %arg5[%swap3A_174], %swap3A_177 {strides = array<i32>} : memref<32768xf32, #tpu.memory_space<vmem>>, vector<16xf32>,
      %add3A_178 = arith.constant 400 : i32
      %add3A_179 = arith.addi %mul3A_28, %add3A_178 : i32
      %swap3A_180 = arith.index_cast %add3A_179 : i32 to index
      %swap3A_181 = tpu.vector_load %arg5[%swap3A_180] {strides = array<i32>} : memref<32768xf32, #tpu.memory_space<vmem>>, vector<16xf32>,
      %swap3A_182 = vector.shape_cast %swap3A_181 : vector<16xf32> to vector<16xf32>
      %swap3A_183 = vector.shape_cast %broadcast_in_dim3A_5 : vector<16xf32> to vector<16xf32>
      tpu.vector_store %arg5[%swap3A_180], %swap3A_183 {strides = array<i32>} : memref<32768xf32, #tpu.memory_space<vmem>>, vector<16xf32>,
      %add3A_184 = arith.constant 416 : i32
      %add3A_185 = arith.addi %mul3A_28, %add3A_184 : i32
      %swap3A_186 = arith.index_cast %add3A_185 : i32 to index
      %swap3A_187 = tpu.vector_load %arg5[%swap3A_186] {strides = array<i32>} : memref<32768xf32, #tpu.memory_space<vmem>>, vector<16xf32>,
      %swap3A_188 = vector.shape_cast %swap3A_187 : vector<16xf32> to vector<16xf32>
      %swap3A_189 = vector.shape_cast %broadcast_in_dim3A_5 : vector<16xf32> to vector<16xf32>
      tpu.vector_store %arg5[%swap3A_186], %swap3A_189 {strides = array<i32>} : memref<32768xf32, #tpu.memory_space<vmem>>, vector<16xf32>,
      %add3A_190 = arith.constant 432 : i32
      %add3A_191 = arith.addi %mul3A_28, %add3A_190 : i32
      %swap3A_192 = arith.index_cast %add3A_191 : i32 to index
      %swap3A_193 = tpu.vector_load %arg5[%swap3A_192] {strides = array<i32>} : memref<32768xf32, #tpu.memory_space<vmem>>, vector<16xf32>,
      %swap3A_194 = vector.shape_cast %swap3A_193 : vector<16xf32> to vector<16xf32>
      %swap3A_195 = vector.shape_cast %broadcast_in_dim3A_5 : vector<16xf32> to vector<16xf32>
      tpu.vector_store %arg5[%swap3A_192], %swap3A_195 {strides = array<i32>} : memref<32768xf32, #tpu.memory_space<vmem>>, vector<16xf32>,
      %add3A_196 = arith.constant 448 : i32
      %add3A_197 = arith.addi %mul3A_28, %add3A_196 : i32
      %swap3A_198 = arith.index_cast %add3A_197 : i32 to index
      %swap3A_199 = tpu.vector_load %arg5[%swap3A_198] {strides = array<i32>} : memref<32768xf32, #tpu.memory_space<vmem>>, vector<16xf32>,
      %swap3A_200 = vector.shape_cast %swap3A_199 : vector<16xf32> to vector<16xf32>
      %swap3A_201 = vector.shape_cast %broadcast_in_dim3A_5 : vector<16xf32> to vector<16xf32>
      tpu.vector_store %arg5[%swap3A_198], %swap3A_201 {strides = array<i32>} : memref<32768xf32, #tpu.memory_space<vmem>>, vector<16xf32>,
      %add3A_202 = arith.constant 464 : i32
      %add3A_203 = arith.addi %mul3A_28, %add3A_202 : i32
      %swap3A_204 = arith.index_cast %add3A_203 : i32 to index
      %swap3A_205 = tpu.vector_load %arg5[%swap3A_204] {strides = array<i32>} : memref<32768xf32, #tpu.memory_space<vmem>>, vector<16xf32>,
      %swap3A_206 = vector.shape_cast %swap3A_205 : vector<16xf32> to vector<16xf32>
      %swap3A_207 = vector.shape_cast %broadcast_in_dim3A_5 : vector<16xf32> to vector<16xf32>
      tpu.vector_store %arg5[%swap3A_204], %swap3A_207 {strides = array<i32>} : memref<32768xf32, #tpu.memory_space<vmem>>, vector<16xf32>,
      %add3A_208 = arith.constant 480 : i32
      %add3A_209 = arith.addi %mul3A_28, %add3A_208 : i32
      %swap3A_210 = arith.index_cast %add3A_209 : i32 to index
      %swap3A_211 = tpu.vector_load %arg5[%swap3A_210] {strides = array<i32>} : memref<32768xf32, #tpu.memory_space<vmem>>, vector<16xf32>,
      %swap3A_212 = vector.shape_cast %swap3A_211 : vector<16xf32> to vector<16xf32>
      %swap3A_213 = vector.shape_cast %broadcast_in_dim3A_5 : vector<16xf32> to vector<16xf32>
      tpu.vector_store %arg5[%swap3A_210], %swap3A_213 {strides = array<i32>} : memref<32768xf32, #tpu.memory_space<vmem>>, vector<16xf32>,
      %add3A_214 = arith.constant 496 : i32
      %add3A_215 = arith.addi %mul3A_28, %add3A_214 : i32
      %swap3A_216 = arith.index_cast %add3A_215 : i32 to index
      %swap3A_217 = tpu.vector_load %arg5[%swap3A_216] {strides = array<i32>} : memref<32768xf32, #tpu.memory_space<vmem>>, vector<16xf32>,
      %swap3A_218 = vector.shape_cast %swap3A_217 : vector<16xf32> to vector<16xf32>
      %swap3A_219 = vector.shape_cast %broadcast_in_dim3A_5 : vector<16xf32> to vector<16xf32>
      tpu.vector_store %arg5[%swap3A_216], %swap3A_219 {strides = array<i32>} : memref<32768xf32, #tpu.memory_space<vmem>>, vector<16xf32>,
      %scan3A_220 = arith.constant 0 : i32
      %scan3A_221 = arith.constant 0 : i32
      %scan3A_222 = arith.constant 9 : i32
      %scan3A_223 = arith.addi %scan3A_221, %scan3A_222 : i32
      %scan3A_224 = arith.constant 1 : i32
      %scan3A_225 = scf.for %scan3A_228 = %scan3A_221 to %scan3A_223 step %scan3A_224 iter_args(%scan3A_229 = %scan3A_220) -> (i32)  : i32 {
        %broadcast_in_dim3A_230 = arith.constant 0 : i32
        %broadcast_in_dim3A_231 = vector.broadcast %broadcast_in_dim3A_230 : i32 to vector<16xi32>
        %add3A_232 = arith.constant 0 : i32
        %add3A_233 = arith.addi %mul3A_28, %add3A_232 : i32
        %get3A = arith.index_cast %add3A_233 : i32 to index
        %get3A_234 = tpu.vector_load %arg4[%get3A] {strides = array<i32>} : memref<32768xf32, #tpu.memory_space<vmem>>, vector<16xf32>,
        %get3A_235 = vector.shape_cast %get3A_234 : vector<16xf32> to vector<16xf32>
        %lt3A = arith.cmpf olt, %get3A_235, %broadcast_in_dim3A_7 : vector<16xf32>
        %select_n3A = arith.select %lt3A, %get3A_235, %broadcast_in_dim3A_7 : vector<16xi1>, vector<16xf32>
        %jit3A = arith.constant 0 : i32
        %broadcast_in_dim3A_236 = vector.broadcast %jit3A : i32 to vector<16xi32>
        %select_n3A_237 = arith.select %lt3A, %broadcast_in_dim3A_236, %broadcast_in_dim3A_231 : vector<16xi1>, vector<16xi32>
        %add3A_238 = arith.constant 16 : i32
        %add3A_239 = arith.addi %mul3A_28, %add3A_238 : i32
        %get3A_240 = arith.index_cast %add3A_239 : i32 to index
        %get3A_241 = tpu.vector_load %arg4[%get3A_240] {strides = array<i32>} : memref<32768xf32, #tpu.memory_space<vmem>>, vector<16xf32>,
        %get3A_242 = vector.shape_cast %get3A_241 : vector<16xf32> to vector<16xf32>
        %lt3A_243 = arith.cmpf olt, %get3A_242, %select_n3A : vector<16xf32>
        %select_n3A_244 = arith.select %lt3A_243, %get3A_242, %select_n3A : vector<16xi1>, vector<16xf32>
        %jit3A_245 = arith.constant 1 : i32
        %broadcast_in_dim3A_246 = vector.broadcast %jit3A_245 : i32 to vector<16xi32>
        %select_n3A_247 = arith.select %lt3A_243, %broadcast_in_dim3A_246, %select_n3A_237 : vector<16xi1>, vector<16xi32>
        %add3A_248 = arith.constant 32 : i32
        %add3A_249 = arith.addi %mul3A_28, %add3A_248 : i32
        %get3A_250 = arith.index_cast %add3A_249 : i32 to index
        %get3A_251 = tpu.vector_load %arg4[%get3A_250] {strides = array<i32>} : memref<32768xf32, #tpu.memory_space<vmem>>, vector<16xf32>,
        %get3A_252 = vector.shape_cast %get3A_251 : vector<16xf32> to vector<16xf32>
        %lt3A_253 = arith.cmpf olt, %get3A_252, %select_n3A_244 : vector<16xf32>
        %select_n3A_254 = arith.select %lt3A_253, %get3A_252, %select_n3A_244 : vector<16xi1>, vector<16xf32>
        %jit3A_255 = arith.constant 2 : i32
        %broadcast_in_dim3A_256 = vector.broadcast %jit3A_255 : i32 to vector<16xi32>
        %select_n3A_257 = arith.select %lt3A_253, %broadcast_in_dim3A_256, %select_n3A_247 : vector<16xi1>, vector<16xi32>
        %add3A_258 = arith.constant 48 : i32
        %add3A_259 = arith.addi %mul3A_28, %add3A_258 : i32
        %get3A_260 = arith.index_cast %add3A_259 : i32 to index
        %get3A_261 = tpu.vector_load %arg4[%get3A_260] {strides = array<i32>} : memref<32768xf32, #tpu.memory_space<vmem>>, vector<16xf32>,
        %get3A_262 = vector.shape_cast %get3A_261 : vector<16xf32> to vector<16xf32>
        %lt3A_263 = arith.cmpf olt, %get3A_262, %select_n3A_254 : vector<16xf32>
        %select_n3A_264 = arith.select %lt3A_263, %get3A_262, %select_n3A_254 : vector<16xi1>, vector<16xf32>
        %jit3A_265 = arith.constant 3 : i32
        %broadcast_in_dim3A_266 = vector.broadcast %jit3A_265 : i32 to vector<16xi32>
        %select_n3A_267 = arith.select %lt3A_263, %broadcast_in_dim3A_266, %select_n3A_257 : vector<16xi1>, vector<16xi32>
        %add3A_268 = arith.constant 64 : i32
        %add3A_269 = arith.addi %mul3A_28, %add3A_268 : i32
        %get3A_270 = arith.index_cast %add3A_269 : i32 to index
        %get3A_271 = tpu.vector_load %arg4[%get3A_270] {strides = array<i32>} : memref<32768xf32, #tpu.memory_space<vmem>>, vector<16xf32>,
        %get3A_272 = vector.shape_cast %get3A_271 : vector<16xf32> to vector<16xf32>
        %lt3A_273 = arith.cmpf olt, %get3A_272, %select_n3A_264 : vector<16xf32>
        %select_n3A_274 = arith.select %lt3A_273, %get3A_272, %select_n3A_264 : vector<16xi1>, vector<16xf32>
        %jit3A_275 = arith.constant 4 : i32
        %broadcast_in_dim3A_276 = vector.broadcast %jit3A_275 : i32 to vector<16xi32>
        %select_n3A_277 = arith.select %lt3A_273, %broadcast_in_dim3A_276, %select_n3A_267 : vector<16xi1>, vector<16xi32>
        %add3A_278 = arith.constant 80 : i32
        %add3A_279 = arith.addi %mul3A_28, %add3A_278 : i32
        %get3A_280 = arith.index_cast %add3A_279 : i32 to index
        %get3A_281 = tpu.vector_load %arg4[%get3A_280] {strides = array<i32>} : memref<32768xf32, #tpu.memory_space<vmem>>, vector<16xf32>,
        %get3A_282 = vector.shape_cast %get3A_281 : vector<16xf32> to vector<16xf32>
        %lt3A_283 = arith.cmpf olt, %get3A_282, %select_n3A_274 : vector<16xf32>
        %select_n3A_284 = arith.select %lt3A_283, %get3A_282, %select_n3A_274 : vector<16xi1>, vector<16xf32>
        %jit3A_285 = arith.constant 5 : i32
        %broadcast_in_dim3A_286 = vector.broadcast %jit3A_285 : i32 to vector<16xi32>
        %select_n3A_287 = arith.select %lt3A_283, %broadcast_in_dim3A_286, %select_n3A_277 : vector<16xi1>, vector<16xi32>
        %add3A_288 = arith.constant 96 : i32
        %add3A_289 = arith.addi %mul3A_28, %add3A_288 : i32
        %get3A_290 = arith.index_cast %add3A_289 : i32 to index
        %get3A_291 = tpu.vector_load %arg4[%get3A_290] {strides = array<i32>} : memref<32768xf32, #tpu.memory_space<vmem>>, vector<16xf32>,
        %get3A_292 = vector.shape_cast %get3A_291 : vector<16xf32> to vector<16xf32>
        %lt3A_293 = arith.cmpf olt, %get3A_292, %select_n3A_284 : vector<16xf32>
        %select_n3A_294 = arith.select %lt3A_293, %get3A_292, %select_n3A_284 : vector<16xi1>, vector<16xf32>
        %jit3A_295 = arith.constant 6 : i32
        %broadcast_in_dim3A_296 = vector.broadcast %jit3A_295 : i32 to vector<16xi32>
        %select_n3A_297 = arith.select %lt3A_293, %broadcast_in_dim3A_296, %select_n3A_287 : vector<16xi1>, vector<16xi32>
        %add3A_298 = arith.constant 112 : i32
        %add3A_299 = arith.addi %mul3A_28, %add3A_298 : i32
        %get3A_300 = arith.index_cast %add3A_299 : i32 to index
        %get3A_301 = tpu.vector_load %arg4[%get3A_300] {strides = array<i32>} : memref<32768xf32, #tpu.memory_space<vmem>>, vector<16xf32>,
        %get3A_302 = vector.shape_cast %get3A_301 : vector<16xf32> to vector<16xf32>
        %lt3A_303 = arith.cmpf olt, %get3A_302, %select_n3A_294 : vector<16xf32>
        %select_n3A_304 = arith.select %lt3A_303, %get3A_302, %select_n3A_294 : vector<16xi1>, vector<16xf32>
        %jit3A_305 = arith.constant 7 : i32
        %broadcast_in_dim3A_306 = vector.broadcast %jit3A_305 : i32 to vector<16xi32>
        %select_n3A_307 = arith.select %lt3A_303, %broadcast_in_dim3A_306, %select_n3A_297 : vector<16xi1>, vector<16xi32>
        %add3A_308 = arith.constant 128 : i32
        %add3A_309 = arith.addi %mul3A_28, %add3A_308 : i32
        %get3A_310 = arith.index_cast %add3A_309 : i32 to index
        %get3A_311 = tpu.vector_load %arg4[%get3A_310] {strides = array<i32>} : memref<32768xf32, #tpu.memory_space<vmem>>, vector<16xf32>,
        %get3A_312 = vector.shape_cast %get3A_311 : vector<16xf32> to vector<16xf32>
        %lt3A_313 = arith.cmpf olt, %get3A_312, %select_n3A_304 : vector<16xf32>
        %select_n3A_314 = arith.select %lt3A_313, %get3A_312, %select_n3A_304 : vector<16xi1>, vector<16xf32>
        %jit3A_315 = arith.constant 8 : i32
        %broadcast_in_dim3A_316 = vector.broadcast %jit3A_315 : i32 to vector<16xi32>
        %select_n3A_317 = arith.select %lt3A_313, %broadcast_in_dim3A_316, %select_n3A_307 : vector<16xi1>, vector<16xi32>
        %add3A_318 = arith.constant 144 : i32
        %add3A_319 = arith.addi %mul3A_28, %add3A_318 : i32
        %get3A_320 = arith.index_cast %add3A_319 : i32 to index
        %get3A_321 = tpu.vector_load %arg4[%get3A_320] {strides = array<i32>} : memref<32768xf32, #tpu.memory_space<vmem>>, vector<16xf32>,
        %get3A_322 = vector.shape_cast %get3A_321 : vector<16xf32> to vector<16xf32>
        %lt3A_323 = arith.cmpf olt, %get3A_322, %select_n3A_314 : vector<16xf32>
        %select_n3A_324 = arith.select %lt3A_323, %get3A_322, %select_n3A_314 : vector<16xi1>, vector<16xf32>
        %jit3A_325 = arith.constant 9 : i32
        %broadcast_in_dim3A_326 = vector.broadcast %jit3A_325 : i32 to vector<16xi32>
        %select_n3A_327 = arith.select %lt3A_323, %broadcast_in_dim3A_326, %select_n3A_317 : vector<16xi1>, vector<16xi32>
        %add3A_328 = arith.constant 160 : i32
        %add3A_329 = arith.addi %mul3A_28, %add3A_328 : i32
        %get3A_330 = arith.index_cast %add3A_329 : i32 to index
        %get3A_331 = tpu.vector_load %arg4[%get3A_330] {strides = array<i32>} : memref<32768xf32, #tpu.memory_space<vmem>>, vector<16xf32>,
        %get3A_332 = vector.shape_cast %get3A_331 : vector<16xf32> to vector<16xf32>
        %lt3A_333 = arith.cmpf olt, %get3A_332, %select_n3A_324 : vector<16xf32>
        %select_n3A_334 = arith.select %lt3A_333, %get3A_332, %select_n3A_324 : vector<16xi1>, vector<16xf32>
        %jit3A_335 = arith.constant 10 : i32
        %broadcast_in_dim3A_336 = vector.broadcast %jit3A_335 : i32 to vector<16xi32>
        %select_n3A_337 = arith.select %lt3A_333, %broadcast_in_dim3A_336, %select_n3A_327 : vector<16xi1>, vector<16xi32>
        %add3A_338 = arith.constant 176 : i32
        %add3A_339 = arith.addi %mul3A_28, %add3A_338 : i32
        %get3A_340 = arith.index_cast %add3A_339 : i32 to index
        %get3A_341 = tpu.vector_load %arg4[%get3A_340] {strides = array<i32>} : memref<32768xf32, #tpu.memory_space<vmem>>, vector<16xf32>,
        %get3A_342 = vector.shape_cast %get3A_341 : vector<16xf32> to vector<16xf32>
        %lt3A_343 = arith.cmpf olt, %get3A_342, %select_n3A_334 : vector<16xf32>
        %select_n3A_344 = arith.select %lt3A_343, %get3A_342, %select_n3A_334 : vector<16xi1>, vector<16xf32>
        %jit3A_345 = arith.constant 11 : i32
        %broadcast_in_dim3A_346 = vector.broadcast %jit3A_345 : i32 to vector<16xi32>
        %select_n3A_347 = arith.select %lt3A_343, %broadcast_in_dim3A_346, %select_n3A_337 : vector<16xi1>, vector<16xi32>
        %add3A_348 = arith.constant 192 : i32
        %add3A_349 = arith.addi %mul3A_28, %add3A_348 : i32
        %get3A_350 = arith.index_cast %add3A_349 : i32 to index
        %get3A_351 = tpu.vector_load %arg4[%get3A_350] {strides = array<i32>} : memref<32768xf32, #tpu.memory_space<vmem>>, vector<16xf32>,
        %get3A_352 = vector.shape_cast %get3A_351 : vector<16xf32> to vector<16xf32>
        %lt3A_353 = arith.cmpf olt, %get3A_352, %select_n3A_344 : vector<16xf32>
        %select_n3A_354 = arith.select %lt3A_353, %get3A_352, %select_n3A_344 : vector<16xi1>, vector<16xf32>
        %jit3A_355 = arith.constant 12 : i32
        %broadcast_in_dim3A_356 = vector.broadcast %jit3A_355 : i32 to vector<16xi32>
        %select_n3A_357 = arith.select %lt3A_353, %broadcast_in_dim3A_356, %select_n3A_347 : vector<16xi1>, vector<16xi32>
        %add3A_358 = arith.constant 208 : i32
        %add3A_359 = arith.addi %mul3A_28, %add3A_358 : i32
        %get3A_360 = arith.index_cast %add3A_359 : i32 to index
        %get3A_361 = tpu.vector_load %arg4[%get3A_360] {strides = array<i32>} : memref<32768xf32, #tpu.memory_space<vmem>>, vector<16xf32>,
        %get3A_362 = vector.shape_cast %get3A_361 : vector<16xf32> to vector<16xf32>
        %lt3A_363 = arith.cmpf olt, %get3A_362, %select_n3A_354 : vector<16xf32>
        %select_n3A_364 = arith.select %lt3A_363, %get3A_362, %select_n3A_354 : vector<16xi1>, vector<16xf32>
        %jit3A_365 = arith.constant 13 : i32
        %broadcast_in_dim3A_366 = vector.broadcast %jit3A_365 : i32 to vector<16xi32>
        %select_n3A_367 = arith.select %lt3A_363, %broadcast_in_dim3A_366, %select_n3A_357 : vector<16xi1>, vector<16xi32>
        %add3A_368 = arith.constant 224 : i32
        %add3A_369 = arith.addi %mul3A_28, %add3A_368 : i32
        %get3A_370 = arith.index_cast %add3A_369 : i32 to index
        %get3A_371 = tpu.vector_load %arg4[%get3A_370] {strides = array<i32>} : memref<32768xf32, #tpu.memory_space<vmem>>, vector<16xf32>,
        %get3A_372 = vector.shape_cast %get3A_371 : vector<16xf32> to vector<16xf32>
        %lt3A_373 = arith.cmpf olt, %get3A_372, %select_n3A_364 : vector<16xf32>
        %select_n3A_374 = arith.select %lt3A_373, %get3A_372, %select_n3A_364 : vector<16xi1>, vector<16xf32>
        %jit3A_375 = arith.constant 14 : i32
        %broadcast_in_dim3A_376 = vector.broadcast %jit3A_375 : i32 to vector<16xi32>
        %select_n3A_377 = arith.select %lt3A_373, %broadcast_in_dim3A_376, %select_n3A_367 : vector<16xi1>, vector<16xi32>
        %add3A_378 = arith.constant 240 : i32
        %add3A_379 = arith.addi %mul3A_28, %add3A_378 : i32
        %get3A_380 = arith.index_cast %add3A_379 : i32 to index
        %get3A_381 = tpu.vector_load %arg4[%get3A_380] {strides = array<i32>} : memref<32768xf32, #tpu.memory_space<vmem>>, vector<16xf32>,
        %get3A_382 = vector.shape_cast %get3A_381 : vector<16xf32> to vector<16xf32>
        %lt3A_383 = arith.cmpf olt, %get3A_382, %select_n3A_374 : vector<16xf32>
        %select_n3A_384 = arith.select %lt3A_383, %get3A_382, %select_n3A_374 : vector<16xi1>, vector<16xf32>
        %jit3A_385 = arith.constant 15 : i32
        %broadcast_in_dim3A_386 = vector.broadcast %jit3A_385 : i32 to vector<16xi32>
        %select_n3A_387 = arith.select %lt3A_383, %broadcast_in_dim3A_386, %select_n3A_377 : vector<16xi1>, vector<16xi32>
        %add3A_388 = arith.constant 256 : i32
        %add3A_389 = arith.addi %mul3A_28, %add3A_388 : i32
        %get3A_390 = arith.index_cast %add3A_389 : i32 to index
        %get3A_391 = tpu.vector_load %arg4[%get3A_390] {strides = array<i32>} : memref<32768xf32, #tpu.memory_space<vmem>>, vector<16xf32>,
        %get3A_392 = vector.shape_cast %get3A_391 : vector<16xf32> to vector<16xf32>
        %lt3A_393 = arith.cmpf olt, %get3A_392, %select_n3A_384 : vector<16xf32>
        %select_n3A_394 = arith.select %lt3A_393, %get3A_392, %select_n3A_384 : vector<16xi1>, vector<16xf32>
        %jit3A_395 = arith.constant 16 : i32
        %broadcast_in_dim3A_396 = vector.broadcast %jit3A_395 : i32 to vector<16xi32>
        %select_n3A_397 = arith.select %lt3A_393, %broadcast_in_dim3A_396, %select_n3A_387 : vector<16xi1>, vector<16xi32>
        %add3A_398 = arith.constant 272 : i32
        %add3A_399 = arith.addi %mul3A_28, %add3A_398 : i32
        %get3A_400 = arith.index_cast %add3A_399 : i32 to index
        %get3A_401 = tpu.vector_load %arg4[%get3A_400] {strides = array<i32>} : memref<32768xf32, #tpu.memory_space<vmem>>, vector<16xf32>,
        %get3A_402 = vector.shape_cast %get3A_401 : vector<16xf32> to vector<16xf32>
        %lt3A_403 = arith.cmpf olt, %get3A_402, %select_n3A_394 : vector<16xf32>
        %select_n3A_404 = arith.select %lt3A_403, %get3A_402, %select_n3A_394 : vector<16xi1>, vector<16xf32>
        %jit3A_405 = arith.constant 17 : i32
        %broadcast_in_dim3A_406 = vector.broadcast %jit3A_405 : i32 to vector<16xi32>
        %select_n3A_407 = arith.select %lt3A_403, %broadcast_in_dim3A_406, %select_n3A_397 : vector<16xi1>, vector<16xi32>
        %add3A_408 = arith.constant 288 : i32
        %add3A_409 = arith.addi %mul3A_28, %add3A_408 : i32
        %get3A_410 = arith.index_cast %add3A_409 : i32 to index
        %get3A_411 = tpu.vector_load %arg4[%get3A_410] {strides = array<i32>} : memref<32768xf32, #tpu.memory_space<vmem>>, vector<16xf32>,
        %get3A_412 = vector.shape_cast %get3A_411 : vector<16xf32> to vector<16xf32>
        %lt3A_413 = arith.cmpf olt, %get3A_412, %select_n3A_404 : vector<16xf32>
        %select_n3A_414 = arith.select %lt3A_413, %get3A_412, %select_n3A_404 : vector<16xi1>, vector<16xf32>
        %jit3A_415 = arith.constant 18 : i32
        %broadcast_in_dim3A_416 = vector.broadcast %jit3A_415 : i32 to vector<16xi32>
        %select_n3A_417 = arith.select %lt3A_413, %broadcast_in_dim3A_416, %select_n3A_407 : vector<16xi1>, vector<16xi32>
        %add3A_418 = arith.constant 304 : i32
        %add3A_419 = arith.addi %mul3A_28, %add3A_418 : i32
        %get3A_420 = arith.index_cast %add3A_419 : i32 to index
        %get3A_421 = tpu.vector_load %arg4[%get3A_420] {strides = array<i32>} : memref<32768xf32, #tpu.memory_space<vmem>>, vector<16xf32>,
        %get3A_422 = vector.shape_cast %get3A_421 : vector<16xf32> to vector<16xf32>
        %lt3A_423 = arith.cmpf olt, %get3A_422, %select_n3A_414 : vector<16xf32>
        %select_n3A_424 = arith.select %lt3A_423, %get3A_422, %select_n3A_414 : vector<16xi1>, vector<16xf32>
        %jit3A_425 = arith.constant 19 : i32
        %broadcast_in_dim3A_426 = vector.broadcast %jit3A_425 : i32 to vector<16xi32>
        %select_n3A_427 = arith.select %lt3A_423, %broadcast_in_dim3A_426, %select_n3A_417 : vector<16xi1>, vector<16xi32>
        %add3A_428 = arith.constant 320 : i32
        %add3A_429 = arith.addi %mul3A_28, %add3A_428 : i32
        %get3A_430 = arith.index_cast %add3A_429 : i32 to index
        %get3A_431 = tpu.vector_load %arg4[%get3A_430] {strides = array<i32>} : memref<32768xf32, #tpu.memory_space<vmem>>, vector<16xf32>,
        %get3A_432 = vector.shape_cast %get3A_431 : vector<16xf32> to vector<16xf32>
        %lt3A_433 = arith.cmpf olt, %get3A_432, %select_n3A_424 : vector<16xf32>
        %select_n3A_434 = arith.select %lt3A_433, %get3A_432, %select_n3A_424 : vector<16xi1>, vector<16xf32>
        %jit3A_435 = arith.constant 20 : i32
        %broadcast_in_dim3A_436 = vector.broadcast %jit3A_435 : i32 to vector<16xi32>
        %select_n3A_437 = arith.select %lt3A_433, %broadcast_in_dim3A_436, %select_n3A_427 : vector<16xi1>, vector<16xi32>
        %add3A_438 = arith.constant 336 : i32
        %add3A_439 = arith.addi %mul3A_28, %add3A_438 : i32
        %get3A_440 = arith.index_cast %add3A_439 : i32 to index
        %get3A_441 = tpu.vector_load %arg4[%get3A_440] {strides = array<i32>} : memref<32768xf32, #tpu.memory_space<vmem>>, vector<16xf32>,
        %get3A_442 = vector.shape_cast %get3A_441 : vector<16xf32> to vector<16xf32>
        %lt3A_443 = arith.cmpf olt, %get3A_442, %select_n3A_434 : vector<16xf32>
        %select_n3A_444 = arith.select %lt3A_443, %get3A_442, %select_n3A_434 : vector<16xi1>, vector<16xf32>
        %jit3A_445 = arith.constant 21 : i32
        %broadcast_in_dim3A_446 = vector.broadcast %jit3A_445 : i32 to vector<16xi32>
        %select_n3A_447 = arith.select %lt3A_443, %broadcast_in_dim3A_446, %select_n3A_437 : vector<16xi1>, vector<16xi32>
        %add3A_448 = arith.constant 352 : i32
        %add3A_449 = arith.addi %mul3A_28, %add3A_448 : i32
        %get3A_450 = arith.index_cast %add3A_449 : i32 to index
        %get3A_451 = tpu.vector_load %arg4[%get3A_450] {strides = array<i32>} : memref<32768xf32, #tpu.memory_space<vmem>>, vector<16xf32>,
        %get3A_452 = vector.shape_cast %get3A_451 : vector<16xf32> to vector<16xf32>
        %lt3A_453 = arith.cmpf olt, %get3A_452, %select_n3A_444 : vector<16xf32>
        %select_n3A_454 = arith.select %lt3A_453, %get3A_452, %select_n3A_444 : vector<16xi1>, vector<16xf32>
        %jit3A_455 = arith.constant 22 : i32
        %broadcast_in_dim3A_456 = vector.broadcast %jit3A_455 : i32 to vector<16xi32>
        %select_n3A_457 = arith.select %lt3A_453, %broadcast_in_dim3A_456, %select_n3A_447 : vector<16xi1>, vector<16xi32>
        %add3A_458 = arith.constant 368 : i32
        %add3A_459 = arith.addi %mul3A_28, %add3A_458 : i32
        %get3A_460 = arith.index_cast %add3A_459 : i32 to index
        %get3A_461 = tpu.vector_load %arg4[%get3A_460] {strides = array<i32>} : memref<32768xf32, #tpu.memory_space<vmem>>, vector<16xf32>,
        %get3A_462 = vector.shape_cast %get3A_461 : vector<16xf32> to vector<16xf32>
        %lt3A_463 = arith.cmpf olt, %get3A_462, %select_n3A_454 : vector<16xf32>
        %select_n3A_464 = arith.select %lt3A_463, %get3A_462, %select_n3A_454 : vector<16xi1>, vector<16xf32>
        %jit3A_465 = arith.constant 23 : i32
        %broadcast_in_dim3A_466 = vector.broadcast %jit3A_465 : i32 to vector<16xi32>
        %select_n3A_467 = arith.select %lt3A_463, %broadcast_in_dim3A_466, %select_n3A_457 : vector<16xi1>, vector<16xi32>
        %add3A_468 = arith.constant 384 : i32
        %add3A_469 = arith.addi %mul3A_28, %add3A_468 : i32
        %get3A_470 = arith.index_cast %add3A_469 : i32 to index
        %get3A_471 = tpu.vector_load %arg4[%get3A_470] {strides = array<i32>} : memref<32768xf32, #tpu.memory_space<vmem>>, vector<16xf32>,
        %get3A_472 = vector.shape_cast %get3A_471 : vector<16xf32> to vector<16xf32>
        %lt3A_473 = arith.cmpf olt, %get3A_472, %select_n3A_464 : vector<16xf32>
        %select_n3A_474 = arith.select %lt3A_473, %get3A_472, %select_n3A_464 : vector<16xi1>, vector<16xf32>
        %jit3A_475 = arith.constant 24 : i32
        %broadcast_in_dim3A_476 = vector.broadcast %jit3A_475 : i32 to vector<16xi32>
        %select_n3A_477 = arith.select %lt3A_473, %broadcast_in_dim3A_476, %select_n3A_467 : vector<16xi1>, vector<16xi32>
        %add3A_478 = arith.constant 400 : i32
        %add3A_479 = arith.addi %mul3A_28, %add3A_478 : i32
        %get3A_480 = arith.index_cast %add3A_479 : i32 to index
        %get3A_481 = tpu.vector_load %arg4[%get3A_480] {strides = array<i32>} : memref<32768xf32, #tpu.memory_space<vmem>>, vector<16xf32>,
        %get3A_482 = vector.shape_cast %get3A_481 : vector<16xf32> to vector<16xf32>
        %lt3A_483 = arith.cmpf olt, %get3A_482, %select_n3A_474 : vector<16xf32>
        %select_n3A_484 = arith.select %lt3A_483, %get3A_482, %select_n3A_474 : vector<16xi1>, vector<16xf32>
        %jit3A_485 = arith.constant 25 : i32
        %broadcast_in_dim3A_486 = vector.broadcast %jit3A_485 : i32 to vector<16xi32>
        %select_n3A_487 = arith.select %lt3A_483, %broadcast_in_dim3A_486, %select_n3A_477 : vector<16xi1>, vector<16xi32>
        %add3A_488 = arith.constant 416 : i32
        %add3A_489 = arith.addi %mul3A_28, %add3A_488 : i32
        %get3A_490 = arith.index_cast %add3A_489 : i32 to index
        %get3A_491 = tpu.vector_load %arg4[%get3A_490] {strides = array<i32>} : memref<32768xf32, #tpu.memory_space<vmem>>, vector<16xf32>,
        %get3A_492 = vector.shape_cast %get3A_491 : vector<16xf32> to vector<16xf32>
        %lt3A_493 = arith.cmpf olt, %get3A_492, %select_n3A_484 : vector<16xf32>
        %select_n3A_494 = arith.select %lt3A_493, %get3A_492, %select_n3A_484 : vector<16xi1>, vector<16xf32>
        %jit3A_495 = arith.constant 26 : i32
        %broadcast_in_dim3A_496 = vector.broadcast %jit3A_495 : i32 to vector<16xi32>
        %select_n3A_497 = arith.select %lt3A_493, %broadcast_in_dim3A_496, %select_n3A_487 : vector<16xi1>, vector<16xi32>
        %add3A_498 = arith.constant 432 : i32
        %add3A_499 = arith.addi %mul3A_28, %add3A_498 : i32
        %get3A_500 = arith.index_cast %add3A_499 : i32 to index
        %get3A_501 = tpu.vector_load %arg4[%get3A_500] {strides = array<i32>} : memref<32768xf32, #tpu.memory_space<vmem>>, vector<16xf32>,
        %get3A_502 = vector.shape_cast %get3A_501 : vector<16xf32> to vector<16xf32>
        %lt3A_503 = arith.cmpf olt, %get3A_502, %select_n3A_494 : vector<16xf32>
        %select_n3A_504 = arith.select %lt3A_503, %get3A_502, %select_n3A_494 : vector<16xi1>, vector<16xf32>
        %jit3A_505 = arith.constant 27 : i32
        %broadcast_in_dim3A_506 = vector.broadcast %jit3A_505 : i32 to vector<16xi32>
        %select_n3A_507 = arith.select %lt3A_503, %broadcast_in_dim3A_506, %select_n3A_497 : vector<16xi1>, vector<16xi32>
        %add3A_508 = arith.constant 448 : i32
        %add3A_509 = arith.addi %mul3A_28, %add3A_508 : i32
        %get3A_510 = arith.index_cast %add3A_509 : i32 to index
        %get3A_511 = tpu.vector_load %arg4[%get3A_510] {strides = array<i32>} : memref<32768xf32, #tpu.memory_space<vmem>>, vector<16xf32>,
        %get3A_512 = vector.shape_cast %get3A_511 : vector<16xf32> to vector<16xf32>
        %lt3A_513 = arith.cmpf olt, %get3A_512, %select_n3A_504 : vector<16xf32>
        %select_n3A_514 = arith.select %lt3A_513, %get3A_512, %select_n3A_504 : vector<16xi1>, vector<16xf32>
        %jit3A_515 = arith.constant 28 : i32
        %broadcast_in_dim3A_516 = vector.broadcast %jit3A_515 : i32 to vector<16xi32>
        %select_n3A_517 = arith.select %lt3A_513, %broadcast_in_dim3A_516, %select_n3A_507 : vector<16xi1>, vector<16xi32>
        %add3A_518 = arith.constant 464 : i32
        %add3A_519 = arith.addi %mul3A_28, %add3A_518 : i32
        %get3A_520 = arith.index_cast %add3A_519 : i32 to index
        %get3A_521 = tpu.vector_load %arg4[%get3A_520] {strides = array<i32>} : memref<32768xf32, #tpu.memory_space<vmem>>, vector<16xf32>,
        %get3A_522 = vector.shape_cast %get3A_521 : vector<16xf32> to vector<16xf32>
        %lt3A_523 = arith.cmpf olt, %get3A_522, %select_n3A_514 : vector<16xf32>
        %select_n3A_524 = arith.select %lt3A_523, %get3A_522, %select_n3A_514 : vector<16xi1>, vector<16xf32>
        %jit3A_525 = arith.constant 29 : i32
        %broadcast_in_dim3A_526 = vector.broadcast %jit3A_525 : i32 to vector<16xi32>
        %select_n3A_527 = arith.select %lt3A_523, %broadcast_in_dim3A_526, %select_n3A_517 : vector<16xi1>, vector<16xi32>
        %add3A_528 = arith.constant 480 : i32
        %add3A_529 = arith.addi %mul3A_28, %add3A_528 : i32
        %get3A_530 = arith.index_cast %add3A_529 : i32 to index
        %get3A_531 = tpu.vector_load %arg4[%get3A_530] {strides = array<i32>} : memref<32768xf32, #tpu.memory_space<vmem>>, vector<16xf32>,
        %get3A_532 = vector.shape_cast %get3A_531 : vector<16xf32> to vector<16xf32>
        %lt3A_533 = arith.cmpf olt, %get3A_532, %select_n3A_524 : vector<16xf32>
        %select_n3A_534 = arith.select %lt3A_533, %get3A_532, %select_n3A_524 : vector<16xi1>, vector<16xf32>
        %jit3A_535 = arith.constant 30 : i32
        %broadcast_in_dim3A_536 = vector.broadcast %jit3A_535 : i32 to vector<16xi32>
        %select_n3A_537 = arith.select %lt3A_533, %broadcast_in_dim3A_536, %select_n3A_527 : vector<16xi1>, vector<16xi32>
        %add3A_538 = arith.constant 496 : i32
        %add3A_539 = arith.addi %mul3A_28, %add3A_538 : i32
        %get3A_540 = arith.index_cast %add3A_539 : i32 to index
        %get3A_541 = tpu.vector_load %arg4[%get3A_540] {strides = array<i32>} : memref<32768xf32, #tpu.memory_space<vmem>>, vector<16xf32>,
        %get3A_542 = vector.shape_cast %get3A_541 : vector<16xf32> to vector<16xf32>
        %lt3A_543 = arith.cmpf olt, %get3A_542, %select_n3A_534 : vector<16xf32>
        %select_n3A_544 = arith.select %lt3A_543, %get3A_542, %select_n3A_534 : vector<16xi1>, vector<16xf32>
        %jit3A_545 = arith.constant 31 : i32
        %broadcast_in_dim3A_546 = vector.broadcast %jit3A_545 : i32 to vector<16xi32>
        %select_n3A_547 = arith.select %lt3A_543, %broadcast_in_dim3A_546, %select_n3A_537 : vector<16xi1>, vector<16xi32>
        %lt3A_548 = arith.constant 0 : i32
        %lt3A_549 = vector.broadcast %lt3A_548 : i32 to vector<16xi32>
        %lt3A_550 = arith.cmpi slt, %xor3A_9, %lt3A_549 : vector<16xi32>
        %add3A_551 = arith.constant 16 : i32
        %add3A_552 = vector.broadcast %add3A_551 : i32 to vector<16xi32>
        %add3A_553 = arith.addi %xor3A_9, %add3A_552 : vector<16xi32>
        %select_n3A_554 = arith.select %lt3A_550, %add3A_553, %xor3A_9 : vector<16xi1>, vector<16xi32>
        %broadcast_in_dim3A_555 = vector.shape_cast %select_n3A_554 : vector<16xi32> to vector<16x1xi32>
        %gather3A = vector.shape_cast %broadcast_in_dim3A_555 : vector<16x1xi32> to vector<16xi32>
        %gather3A_556 = tpu.dynamic_gather %select_n3A_544[%gather3A] in [0] : vector<16xf32>, vector<16xi32> -> vector<16xf32>
        %min3A = arith.minimumf %select_n3A_544, %gather3A_556 : vector<16xf32>
        %lt3A_557 = arith.constant 0 : i32
        %lt3A_558 = vector.broadcast %lt3A_557 : i32 to vector<16xi32>
        %lt3A_559 = arith.cmpi slt, %xor3A_12, %lt3A_558 : vector<16xi32>
        %add3A_560 = arith.constant 16 : i32
        %add3A_561 = vector.broadcast %add3A_560 : i32 to vector<16xi32>
        %add3A_562 = arith.addi %xor3A_12, %add3A_561 : vector<16xi32>
        %select_n3A_563 = arith.select %lt3A_559, %add3A_562, %xor3A_12 : vector<16xi1>, vector<16xi32>
        %broadcast_in_dim3A_564 = vector.shape_cast %select_n3A_563 : vector<16xi32> to vector<16x1xi32>
        %gather3A_565 = vector.shape_cast %broadcast_in_dim3A_564 : vector<16x1xi32> to vector<16xi32>
        %gather3A_566 = tpu.dynamic_gather %min3A[%gather3A_565] in [0] : vector<16xf32>, vector<16xi32> -> vector<16xf32>
        %min3A_567 = arith.minimumf %min3A, %gather3A_566 : vector<16xf32>
        %lt3A_568 = arith.constant 0 : i32
        %lt3A_569 = vector.broadcast %lt3A_568 : i32 to vector<16xi32>
        %lt3A_570 = arith.cmpi slt, %xor3A_15, %lt3A_569 : vector<16xi32>
        %add3A_571 = arith.constant 16 : i32
        %add3A_572 = vector.broadcast %add3A_571 : i32 to vector<16xi32>
        %add3A_573 = arith.addi %xor3A_15, %add3A_572 : vector<16xi32>
        %select_n3A_574 = arith.select %lt3A_570, %add3A_573, %xor3A_15 : vector<16xi1>, vector<16xi32>
        %broadcast_in_dim3A_575 = vector.shape_cast %select_n3A_574 : vector<16xi32> to vector<16x1xi32>
        %gather3A_576 = vector.shape_cast %broadcast_in_dim3A_575 : vector<16x1xi32> to vector<16xi32>
        %gather3A_577 = tpu.dynamic_gather %min3A_567[%gather3A_576] in [0] : vector<16xf32>, vector<16xi32> -> vector<16xf32>
        %min3A_578 = arith.minimumf %min3A_567, %gather3A_577 : vector<16xf32>
        %lt3A_579 = arith.constant 0 : i32
        %lt3A_580 = vector.broadcast %lt3A_579 : i32 to vector<16xi32>
        %lt3A_581 = arith.cmpi slt, %xor3A_18, %lt3A_580 : vector<16xi32>
        %add3A_582 = arith.constant 16 : i32
        %add3A_583 = vector.broadcast %add3A_582 : i32 to vector<16xi32>
        %add3A_584 = arith.addi %xor3A_18, %add3A_583 : vector<16xi32>
        %select_n3A_585 = arith.select %lt3A_581, %add3A_584, %xor3A_18 : vector<16xi1>, vector<16xi32>
        %broadcast_in_dim3A_586 = vector.shape_cast %select_n3A_585 : vector<16xi32> to vector<16x1xi32>
        %gather3A_587 = vector.shape_cast %broadcast_in_dim3A_586 : vector<16x1xi32> to vector<16xi32>
        %gather3A_588 = tpu.dynamic_gather %min3A_578[%gather3A_587] in [0] : vector<16xf32>, vector<16xi32> -> vector<16xf32>
        %min3A_589 = arith.minimumf %min3A_578, %gather3A_588 : vector<16xf32>
        %eq3A = arith.cmpf oeq, %select_n3A_544, %min3A_589 : vector<16xf32>
        %mul3A_590 = arith.constant 16 : i32
        %mul3A_591 = vector.broadcast %mul3A_590 : i32 to vector<16xi32>
        %mul3A_592 = arith.muli %select_n3A_547, %mul3A_591 : vector<16xi32>
        %add3A_593 = arith.addi %mul3A_592, %iota3A : vector<16xi32>
        %jit3A_594 = arith.constant 1073741824 : i32
        %broadcast_in_dim3A_595 = vector.broadcast %jit3A_594 : i32 to vector<16xi32>
        %select_n3A_596 = arith.select %eq3A, %add3A_593, %broadcast_in_dim3A_595 : vector<16xi1>, vector<16xi32>
        %lt3A_597 = arith.constant 0 : i32
        %lt3A_598 = vector.broadcast %lt3A_597 : i32 to vector<16xi32>
        %lt3A_599 = arith.cmpi slt, %xor3A_9, %lt3A_598 : vector<16xi32>
        %add3A_600 = arith.constant 16 : i32
        %add3A_601 = vector.broadcast %add3A_600 : i32 to vector<16xi32>
        %add3A_602 = arith.addi %xor3A_9, %add3A_601 : vector<16xi32>
        %select_n3A_603 = arith.select %lt3A_599, %add3A_602, %xor3A_9 : vector<16xi1>, vector<16xi32>
        %broadcast_in_dim3A_604 = vector.shape_cast %select_n3A_603 : vector<16xi32> to vector<16x1xi32>
        %gather3A_605 = vector.shape_cast %broadcast_in_dim3A_604 : vector<16x1xi32> to vector<16xi32>
        %gather3A_606 = tpu.dynamic_gather %select_n3A_596[%gather3A_605] in [0] : vector<16xi32>, vector<16xi32> -> vector<16xi32>
        %min3A_607 = arith.minsi %select_n3A_596, %gather3A_606 : vector<16xi32>
        %lt3A_608 = arith.constant 0 : i32
        %lt3A_609 = vector.broadcast %lt3A_608 : i32 to vector<16xi32>
        %lt3A_610 = arith.cmpi slt, %xor3A_12, %lt3A_609 : vector<16xi32>
        %add3A_611 = arith.constant 16 : i32
        %add3A_612 = vector.broadcast %add3A_611 : i32 to vector<16xi32>
        %add3A_613 = arith.addi %xor3A_12, %add3A_612 : vector<16xi32>
        %select_n3A_614 = arith.select %lt3A_610, %add3A_613, %xor3A_12 : vector<16xi1>, vector<16xi32>
        %broadcast_in_dim3A_615 = vector.shape_cast %select_n3A_614 : vector<16xi32> to vector<16x1xi32>
        %gather3A_616 = vector.shape_cast %broadcast_in_dim3A_615 : vector<16x1xi32> to vector<16xi32>
        %gather3A_617 = tpu.dynamic_gather %min3A_607[%gather3A_616] in [0] : vector<16xi32>, vector<16xi32> -> vector<16xi32>
        %min3A_618 = arith.minsi %min3A_607, %gather3A_617 : vector<16xi32>
        %lt3A_619 = arith.constant 0 : i32
        %lt3A_620 = vector.broadcast %lt3A_619 : i32 to vector<16xi32>
        %lt3A_621 = arith.cmpi slt, %xor3A_15, %lt3A_620 : vector<16xi32>
        %add3A_622 = arith.constant 16 : i32
        %add3A_623 = vector.broadcast %add3A_622 : i32 to vector<16xi32>
        %add3A_624 = arith.addi %xor3A_15, %add3A_623 : vector<16xi32>
        %select_n3A_625 = arith.select %lt3A_621, %add3A_624, %xor3A_15 : vector<16xi1>, vector<16xi32>
        %broadcast_in_dim3A_626 = vector.shape_cast %select_n3A_625 : vector<16xi32> to vector<16x1xi32>
        %gather3A_627 = vector.shape_cast %broadcast_in_dim3A_626 : vector<16x1xi32> to vector<16xi32>
        %gather3A_628 = tpu.dynamic_gather %min3A_618[%gather3A_627] in [0] : vector<16xi32>, vector<16xi32> -> vector<16xi32>
        %min3A_629 = arith.minsi %min3A_618, %gather3A_628 : vector<16xi32>
        %lt3A_630 = arith.constant 0 : i32
        %lt3A_631 = vector.broadcast %lt3A_630 : i32 to vector<16xi32>
        %lt3A_632 = arith.cmpi slt, %xor3A_18, %lt3A_631 : vector<16xi32>
        %add3A_633 = arith.constant 16 : i32
        %add3A_634 = vector.broadcast %add3A_633 : i32 to vector<16xi32>
        %add3A_635 = arith.addi %xor3A_18, %add3A_634 : vector<16xi32>
        %select_n3A_636 = arith.select %lt3A_632, %add3A_635, %xor3A_18 : vector<16xi1>, vector<16xi32>
        %broadcast_in_dim3A_637 = vector.shape_cast %select_n3A_636 : vector<16xi32> to vector<16x1xi32>
        %gather3A_638 = vector.shape_cast %broadcast_in_dim3A_637 : vector<16x1xi32> to vector<16xi32>
        %gather3A_639 = tpu.dynamic_gather %min3A_629[%gather3A_638] in [0] : vector<16xi32>, vector<16xi32> -> vector<16xi32>
        %min3A_640 = arith.minsi %min3A_629, %gather3A_639 : vector<16xi32>
        %slice3A = vector.extract_strided_slice %min3A_640 {offsets = [0], sizes = [1], strides = [1]} : vector<16xi32> to vector<1xi32>
        %squeeze3A = vector.extract %slice3A[0] : i32 from vector<1xi32>
        %jit3A_641 = arith.constant 16 : i32
        %div3A = arith.divsi %squeeze3A, %jit3A_641 : i32
        %sign3A = arith.constant 0 : i32
        %sign3A_642 = arith.cmpi sgt, %squeeze3A, %sign3A : i32
        %sign3A_643 = arith.extui %sign3A_642 : i1 to i32
        %sign3A_644 = arith.constant 0 : i32
        %sign3A_645 = arith.cmpi slt, %squeeze3A, %sign3A_644 : i32
        %sign3A_646 = arith.extui %sign3A_645 : i1 to i32
        %sign3A_647 = arith.subi %sign3A_643, %sign3A_646 : i32
        %sign3A_648 = arith.constant 0 : i32
        %sign3A_649 = arith.cmpi sgt, %jit3A_641, %sign3A_648 : i32
        %sign3A_650 = arith.extui %sign3A_649 : i1 to i32
        %sign3A_651 = arith.constant 0 : i32
        %sign3A_652 = arith.cmpi slt, %jit3A_641, %sign3A_651 : i32
        %sign3A_653 = arith.extui %sign3A_652 : i1 to i32
        %sign3A_654 = arith.subi %sign3A_650, %sign3A_653 : i32
        %ne3A = arith.cmpi ne, %sign3A_647, %sign3A_654 : i32
        %rem3A = arith.remsi %squeeze3A, %jit3A_641 : i32
        %ne3A_655 = arith.constant 0 : i32
        %ne3A_656 = arith.cmpi ne, %rem3A, %ne3A_655 : i32
        %and3A = arith.andi %ne3A, %ne3A_656 : i1
        %sub3A = arith.constant 1 : i32
        %sub3A_657 = arith.subi %div3A, %sub3A : i32
        %select_n3A_658 = arith.select %and3A, %sub3A_657, %div3A : i32
        %mul3A_659 = arith.constant 16 : i32
        %mul3A_660 = arith.muli %select_n3A_658, %mul3A_659 : i32
        %add3A_661 = arith.addi %mul3A_28, %mul3A_660 : i32
        %jit3A_662 = arith.constant 16 : i32
        %eq3A_663 = arith.constant 0 : i32
        %eq3A_664 = arith.cmpi eq, %jit3A_662, %eq3A_663 : i32
        %jit3A_665 = arith.constant 1 : i32
        %select_n3A_666 = arith.select %eq3A_664, %jit3A_665, %jit3A_662 : i32
        %rem3A_667 = arith.remsi %squeeze3A, %select_n3A_666 : i32
        %ne3A_668 = arith.constant 0 : i32
        %ne3A_669 = arith.cmpi ne, %rem3A_667, %ne3A_668 : i32
        %lt3A_670 = arith.constant 0 : i32
        %lt3A_671 = arith.cmpi slt, %rem3A_667, %lt3A_670 : i32
        %lt3A_672 = arith.constant 0 : i32
        %lt3A_673 = arith.cmpi slt, %select_n3A_666, %lt3A_672 : i32
        %ne3A_674 = arith.xori %lt3A_671, %lt3A_673 : i1
        %and3A_675 = arith.andi %ne3A_674, %ne3A_669 : i1
        %add3A_676 = arith.addi %rem3A_667, %select_n3A_666 : i32
        %select_n3A_677 = arith.select %and3A_675, %add3A_676, %rem3A_667 : i32
        %eq3A_678 = vector.broadcast %select_n3A_677 : i32 to vector<16xi32>
        %eq3A_679 = arith.cmpi eq, %iota3A, %eq3A_678 : vector<16xi32>
        %get3A_680 = arith.index_cast %add3A_661 : i32 to index
        %get3A_681 = tpu.vector_load %arg4[%get3A_680] {strides = array<i32>} : memref<32768xf32, #tpu.memory_space<vmem>>, vector<16xf32>,
        %get3A_682 = vector.shape_cast %get3A_681 : vector<16xf32> to vector<16xf32>
        %jit3A_683 = arith.constant 0x7F800000 : f32
        %broadcast_in_dim3A_684 = vector.broadcast %jit3A_683 : f32 to vector<16xf32>
        %select_n3A_685 = arith.select %eq3A_679, %broadcast_in_dim3A_684, %get3A_682 : vector<16xi1>, vector<16xf32>
        %swap3A_686 = arith.index_cast %add3A_661 : i32 to index
        %swap3A_687 = tpu.vector_load %arg4[%swap3A_686] {strides = array<i32>} : memref<32768xf32, #tpu.memory_space<vmem>>, vector<16xf32>,
        %swap3A_688 = vector.shape_cast %swap3A_687 : vector<16xf32> to vector<16xf32>
        %swap3A_689 = vector.shape_cast %select_n3A_685 : vector<16xf32> to vector<16xf32>
        tpu.vector_store %arg4[%swap3A_686], %swap3A_689 {strides = array<i32>} : memref<32768xf32, #tpu.memory_space<vmem>>, vector<16xf32>,
        %get3A_690 = arith.index_cast %add3A_661 : i32 to index
        %get3A_691 = tpu.vector_load %arg5[%get3A_690] {strides = array<i32>} : memref<32768xf32, #tpu.memory_space<vmem>>, vector<16xf32>,
        %get3A_692 = vector.shape_cast %get3A_691 : vector<16xf32> to vector<16xf32>
        %gt3A = arith.constant 0 : i32
        %gt3A_693 = arith.cmpi sgt, %scan3A_228, %gt3A : i32
        %convert_element_type3A = arith.extui %gt3A_693 : i1 to i32
        %convert_element_type3A_694 = arith.sitofp %convert_element_type3A : i32 to f32
        %broadcast_in_dim3A_695 = vector.broadcast %convert_element_type3A_694 : f32 to vector<16xf32>
        %select_n3A_696 = arith.select %eq3A_679, %broadcast_in_dim3A_695, %get3A_692 : vector<16xi1>, vector<16xf32>
        %swap3A_697 = arith.index_cast %add3A_661 : i32 to index
        %swap3A_698 = tpu.vector_load %arg5[%swap3A_697] {strides = array<i32>} : memref<32768xf32, #tpu.memory_space<vmem>>, vector<16xf32>,
        %swap3A_699 = vector.shape_cast %swap3A_698 : vector<16xf32> to vector<16xf32>
        %swap3A_700 = vector.shape_cast %select_n3A_696 : vector<16xf32> to vector<16xf32>
        tpu.vector_store %arg5[%swap3A_697], %swap3A_700 {strides = array<i32>} : memref<32768xf32, #tpu.memory_space<vmem>>, vector<16xf32>,
        %scan3A_701 = arith.constant 0 : i32
        scf.yield %scan3A_701 : i32
      }
      %scan3A_226 = arith.constant 9 : i32
      %scan3A_227 = arith.constant 0 : i32
      scf.yield %scan3A_227 : i32
    }
    %scan3A_24 = arith.constant 64 : i32
    "tpu.region"() ({
      %run_scoped3A = tpu.sem_alloc : memref<!tpu.dma_semaphore, #tpu.memory_space<semaphore_mem>>
      %dma_start3A = tpu.memref_slice %arg3[%mul3A_4] : memref<1048576xf32, #tpu.memory_space<hbm>> -> memref<32768xf32, #tpu.memory_space<hbm>>
      %dma_start3A_25 = tpu.memref_slice %arg3[%mul3A_4] : memref<1048576xf32, #tpu.memory_space<hbm>> -> memref<32768xf32, #tpu.memory_space<hbm>>
      tpu.enqueue_dma source(%arg5 : memref<32768xf32, #tpu.memory_space<vmem>>) target(%dma_start3A_25 : memref<32768xf32, #tpu.memory_space<hbm>>) target_semaphore(%run_scoped3A : memref<!tpu.dma_semaphore, #tpu.memory_space<semaphore_mem>>)
      %dma_wait3A = tpu.memref_slice %arg3[%mul3A_4] : memref<1048576xf32, #tpu.memory_space<hbm>> -> memref<32768xf32, #tpu.memory_space<hbm>>
      %dma_wait3A_26 = tpu.memref_slice %arg3[%mul3A_4] : memref<1048576xf32, #tpu.memory_space<hbm>> -> memref<32768xf32, #tpu.memory_space<hbm>>
      tpu.wait_dma2 semaphore(%run_scoped3A : memref<!tpu.dma_semaphore, #tpu.memory_space<semaphore_mem>>) src(%arg5 : memref<32768xf32, #tpu.memory_space<vmem>>) dst(%dma_wait3A_26 : memref<32768xf32, #tpu.memory_space<hbm>>)
      tpu.yield
    }) : () -> ()
    return
  }
}

module attributes {stable_mosaic.version = 14 : i64} {
  func.func @_d2_kernel(%arg0: i32, %arg1: memref<1x512x2xf32, #tpu.memory_space<vmem>>, %arg2: memref<1x2x512xf32, #tpu.memory_space<vmem>>, %arg3: memref<1x512x512xf32, #tpu.memory_space<vmem>>) attributes {dimension_semantics = [#tpu.dimension_semantics<arbitrary>], iteration_bounds = array<i64: 4>, scalar_prefetch = 0 : i64, scratch_operands = 0 : i64, tpu.core_type = #tpu.core_type<tc>, window_params = [{transform_indices = @transform_0, window_bounds = array<i64: 1, 512, 2>}, {transform_indices = @transform_1, window_bounds = array<i64: 1, 2, 512>}, {transform_indices = @transform_2, window_bounds = array<i64: 1, 512, 512>}]} {
    %get3A = arith.constant 0 : index
    %get3A_0 = arith.constant 0 : index
    %get3A_1 = arith.constant 0 : index
    %get3A_2 = vector.load %arg1[%get3A, %get3A_0, %get3A_1] : memref<1x512x2xf32, #tpu.memory_space<vmem>>, vector<1x512x2xf32>
    %get3A_3 = vector.shape_cast %get3A_2 : vector<1x512x2xf32> to vector<512x2xf32>
    %get3A_4 = arith.constant 0 : index
    %get3A_5 = arith.constant 0 : index
    %get3A_6 = arith.constant 0 : index
    %get3A_7 = vector.load %arg2[%get3A_4, %get3A_5, %get3A_6] : memref<1x2x512xf32, #tpu.memory_space<vmem>>, vector<1x2x512xf32>
    %get3A_8 = vector.shape_cast %get3A_7 : vector<1x2x512xf32> to vector<2x512xf32>
    %slice3A = vector.extract_strided_slice %get3A_3 {offsets = [0, 0], sizes = [512, 1], strides = [1, 1]} : vector<512x2xf32> to vector<512x1xf32>
    %slice3A_9 = vector.extract_strided_slice %get3A_8 {offsets = [0, 0], sizes = [1, 512], strides = [1, 1]} : vector<2x512xf32> to vector<1x512xf32>
    %sub3A = vector.broadcast %slice3A : vector<512x1xf32> to vector<512x512xf32>
    %sub3A_10 = vector.broadcast %slice3A_9 : vector<1x512xf32> to vector<512x512xf32>
    %sub3A_11 = arith.subf %sub3A, %sub3A_10 : vector<512x512xf32>
    %slice3A_12 = vector.extract_strided_slice %get3A_3 {offsets = [0, 1], sizes = [512, 1], strides = [1, 1]} : vector<512x2xf32> to vector<512x1xf32>
    %slice3A_13 = vector.extract_strided_slice %get3A_8 {offsets = [1, 0], sizes = [1, 512], strides = [1, 1]} : vector<2x512xf32> to vector<1x512xf32>
    %sub3A_14 = vector.broadcast %slice3A_12 : vector<512x1xf32> to vector<512x512xf32>
    %sub3A_15 = vector.broadcast %slice3A_13 : vector<1x512xf32> to vector<512x512xf32>
    %sub3A_16 = arith.subf %sub3A_14, %sub3A_15 : vector<512x512xf32>
    %mul3A = arith.mulf %sub3A_11, %sub3A_11 : vector<512x512xf32>
    %mul3A_17 = arith.mulf %sub3A_16, %sub3A_16 : vector<512x512xf32>
    %add3A = arith.addf %mul3A, %mul3A_17 : vector<512x512xf32>
    %swap3A = arith.constant 0 : index
    %swap3A_18 = arith.constant 0 : index
    %swap3A_19 = arith.constant 0 : index
    %swap3A_20 = vector.load %arg3[%swap3A, %swap3A_18, %swap3A_19] : memref<1x512x512xf32, #tpu.memory_space<vmem>>, vector<1x512x512xf32>
    %swap3A_21 = vector.shape_cast %swap3A_20 : vector<1x512x512xf32> to vector<512x512xf32>
    %swap3A_22 = vector.shape_cast %add3A : vector<512x512xf32> to vector<1x512x512xf32>
    tpu.vector_store %arg3[%swap3A, %swap3A_18, %swap3A_19], %swap3A_22 {strides = array<i32>} : memref<1x512x512xf32, #tpu.memory_space<vmem>>, vector<1x512x512xf32>,
    return
  }
  func.func @transform_0(%arg0: i32) -> (i32, i32, i32) {
    %c0_i32 = arith.constant 0 : i32
    %c0_i32_0 = arith.constant 0 : i32
    %c0_i32_1 = arith.constant 0 : i32
    return %arg0, %c0_i32, %c0_i32_0 : i32, i32, i32
  }
  func.func @transform_1(%arg0: i32) -> (i32, i32, i32) {
    %c0_i32 = arith.constant 0 : i32
    %c0_i32_0 = arith.constant 0 : i32
    %c0_i32_1 = arith.constant 0 : i32
    return %arg0, %c0_i32, %c0_i32_0 : i32, i32, i32
  }
  func.func @transform_2(%arg0: i32) -> (i32, i32, i32) {
    %c0_i32 = arith.constant 0 : i32
    %c0_i32_0 = arith.constant 0 : i32
    %c0_i32_1 = arith.constant 0 : i32
    return %arg0, %c0_i32, %c0_i32_0 : i32, i32, i32
  }
}

module attributes {stable_mosaic.version = 14 : i64} {
  func.func @_gcn_mlp_kernel(%arg0: i32, %arg1: memref<1x512x2xf32, #tpu.memory_space<vmem>>, %arg2: memref<1x2x512xf32, #tpu.memory_space<vmem>>, %arg3: memref<1x512x512xf32, #tpu.memory_space<vmem>>, %arg4: memref<2x64xf32, #tpu.memory_space<vmem>>, %arg5: memref<1x64xf32, #tpu.memory_space<vmem>>, %arg6: memref<64x64xf32, #tpu.memory_space<vmem>>, %arg7: memref<1x64xf32, #tpu.memory_space<vmem>>, %arg8: memref<64x64xf32, #tpu.memory_space<vmem>>, %arg9: memref<1x64xf32, #tpu.memory_space<vmem>>, %arg10: memref<128x64xf32, #tpu.memory_space<vmem>>, %arg11: memref<1x64xf32, #tpu.memory_space<vmem>>, %arg12: memref<1x64xf32, #tpu.memory_space<vmem>>, %arg13: memref<1x1xf32, #tpu.memory_space<vmem>>, %arg14: memref<1x512x512xf32, #tpu.memory_space<vmem>>) attributes {dimension_semantics = [#tpu.dimension_semantics<parallel>], iteration_bounds = array<i64: 4>, scalar_prefetch = 0 : i64, scratch_operands = 0 : i64, tpu.core_type = #tpu.core_type<tc>, window_params = [{transform_indices = @transform_0, window_bounds = array<i64: 1, 512, 2>}, {transform_indices = @transform_1, window_bounds = array<i64: 1, 2, 512>}, {transform_indices = @transform_2, window_bounds = array<i64: 1, 512, 512>}, {pipeline_mode = #tpu.pipeline_mode<synchronous>, transform_indices = @transform_3, window_bounds = array<i64: 2, 64>}, {pipeline_mode = #tpu.pipeline_mode<synchronous>, transform_indices = @transform_4, window_bounds = array<i64: 1, 64>}, {pipeline_mode = #tpu.pipeline_mode<synchronous>, transform_indices = @transform_5, window_bounds = array<i64: 64, 64>}, {pipeline_mode = #tpu.pipeline_mode<synchronous>, transform_indices = @transform_6, window_bounds = array<i64: 1, 64>}, {pipeline_mode = #tpu.pipeline_mode<synchronous>, transform_indices = @transform_7, window_bounds = array<i64: 64, 64>}, {pipeline_mode = #tpu.pipeline_mode<synchronous>, transform_indices = @transform_8, window_bounds = array<i64: 1, 64>}, {pipeline_mode = #tpu.pipeline_mode<synchronous>, transform_indices = @transform_9, window_bounds = array<i64: 128, 64>}, {pipeline_mode = #tpu.pipeline_mode<synchronous>, transform_indices = @transform_10, window_bounds = array<i64: 1, 64>}, {pipeline_mode = #tpu.pipeline_mode<synchronous>, transform_indices = @transform_11, window_bounds = array<i64: 1, 64>}, {pipeline_mode = #tpu.pipeline_mode<synchronous>, transform_indices = @transform_12, window_bounds = array<i64: 1, 1>}, {transform_indices = @transform_13, window_bounds = array<i64: 1, 512, 512>}]} {
    %get3A = arith.constant 0 : index
    %get3A_0 = arith.constant 0 : index
    %get3A_1 = arith.constant 0 : index
    %get3A_2 = vector.load %arg1[%get3A, %get3A_0, %get3A_1] : memref<1x512x2xf32, #tpu.memory_space<vmem>>, vector<1x512x2xf32>
    %get3A_3 = vector.shape_cast %get3A_2 : vector<1x512x2xf32> to vector<512x2xf32>
    %slice3A = vector.extract_strided_slice %get3A_3 {offsets = [0, 0], sizes = [512, 1], strides = [1, 1]} : vector<512x2xf32> to vector<512x1xf32>
    %slice3A_4 = vector.extract_strided_slice %get3A_3 {offsets = [0, 1], sizes = [512, 1], strides = [1, 1]} : vector<512x2xf32> to vector<512x1xf32>
    %iota3A = tpu.iota {dimensions = array<i32: 0>} : vector<512x512xi32>
    %iota3A_5 = tpu.iota {dimensions = array<i32: 1>} : vector<512x512xi32>
    %get3A_6 = arith.constant 0 : index
    %get3A_7 = arith.constant 0 : index
    %get3A_8 = arith.constant 0 : index
    %get3A_9 = vector.load %arg3[%get3A_6, %get3A_7, %get3A_8] : memref<1x512x512xf32, #tpu.memory_space<vmem>>, vector<1x512x512xf32>
    %get3A_10 = vector.shape_cast %get3A_9 : vector<1x512x512xf32> to vector<512x512xf32>
    %eq3A = arith.cmpi eq, %iota3A, %iota3A_5 : vector<512x512xi32>
    %convert_element_type3A = arith.extui %eq3A : vector<512x512xi1> to vector<512x512xi32>
    %convert_element_type3A_11 = arith.sitofp %convert_element_type3A : vector<512x512xi32> to vector<512x512xf32>
    %transpose3A = tpu.transpose %get3A_10, [1, 0] : vector<512x512xf32> -> vector<512x512xf32>
    %add3A = arith.addf %get3A_10, %transpose3A : vector<512x512xf32>
    %add3A_12 = arith.addf %add3A, %convert_element_type3A_11 : vector<512x512xf32>
    %reduce_sum3A = arith.constant dense<0.000000e+00> : vector<512xf32>
    %reduce_sum3A_13 = vector.multi_reduction <add>, %add3A_12, %reduce_sum3A [0] : vector<512x512xf32> to vector<512xf32>
    %broadcast_in_dim3A = vector.shape_cast %reduce_sum3A_13 : vector<512xf32> to vector<1x512xf32>
    %sqrt3A = math.sqrt %broadcast_in_dim3A : vector<1x512xf32>
    %div3A = arith.constant 1.000000e+00 : f32
    %div3A_14 = vector.broadcast %div3A : f32 to vector<1x512xf32>
    %div3A_15 = arith.divf %div3A_14, %sqrt3A : vector<1x512xf32>
    %transpose3A_16 = tpu.transpose %div3A_15, [1, 0] : vector<1x512xf32> -> vector<512x1xf32>
    %mul3A = vector.broadcast %transpose3A_16 : vector<512x1xf32> to vector<512x512xf32>
    %mul3A_17 = arith.mulf %add3A_12, %mul3A : vector<512x512xf32>
    %mul3A_18 = vector.broadcast %div3A_15 : vector<1x512xf32> to vector<512x512xf32>
    %mul3A_19 = arith.mulf %mul3A_17, %mul3A_18 : vector<512x512xf32>
    %get3A_20 = arith.constant 0 : index
    %get3A_21 = arith.constant 0 : index
    %get3A_22 = vector.load %arg4[%get3A_20, %get3A_21] : memref<2x64xf32, #tpu.memory_space<vmem>>, vector<1x64xf32>
    %mul3A_23 = vector.broadcast %slice3A : vector<512x1xf32> to vector<512x64xf32>
    %mul3A_24 = vector.broadcast %get3A_22 : vector<1x64xf32> to vector<512x64xf32>
    %mul3A_25 = arith.mulf %mul3A_23, %mul3A_24 : vector<512x64xf32>
    %get3A_26 = arith.constant 1 : index
    %get3A_27 = arith.constant 0 : index
    %get3A_28 = vector.load %arg4[%get3A_26, %get3A_27] : memref<2x64xf32, #tpu.memory_space<vmem>>, vector<1x64xf32>
    %mul3A_29 = vector.broadcast %slice3A_4 : vector<512x1xf32> to vector<512x64xf32>
    %mul3A_30 = vector.broadcast %get3A_28 : vector<1x64xf32> to vector<512x64xf32>
    %mul3A_31 = arith.mulf %mul3A_29, %mul3A_30 : vector<512x64xf32>
    %add3A_32 = arith.addf %mul3A_25, %mul3A_31 : vector<512x64xf32>
    %dot_general3A = arith.constant dense<0.000000e+00> : vector<512x64xf32>
    %dot_general3A_33 = tpu.matmul %mul3A_19, %add3A_32, %dot_general3A {dimension_numbers = #tpu.dot_dimension_numbers<[1], [0], [0], [1], [0, 0, 1, 1], [], []>, transpose_lhs_hint = false} : vector<512x512xf32>, vector<512x64xf32>, vector<512x64xf32> -> vector<512x64xf32>
    %get3A_34 = arith.constant 0 : index
    %get3A_35 = arith.constant 0 : index
    %get3A_36 = vector.load %arg5[%get3A_34, %get3A_35] : memref<1x64xf32, #tpu.memory_space<vmem>>, vector<1x64xf32>
    %add3A_37 = vector.broadcast %get3A_36 : vector<1x64xf32> to vector<512x64xf32>
    %add3A_38 = arith.addf %dot_general3A_33, %add3A_37 : vector<512x64xf32>
    %max3A = arith.constant 0.000000e+00 : f32
    %max3A_39 = vector.broadcast %max3A : f32 to vector<512x64xf32>
    %max3A_40 = arith.maximumf %add3A_38, %max3A_39 : vector<512x64xf32>
    %get3A_41 = arith.constant 0 : index
    %get3A_42 = arith.constant 0 : index
    %get3A_43 = vector.load %arg6[%get3A_41, %get3A_42] : memref<64x64xf32, #tpu.memory_space<vmem>>, vector<64x64xf32>
    %dot_general3A_44 = arith.constant dense<0.000000e+00> : vector<512x64xf32>
    %dot_general3A_45 = tpu.matmul %max3A_40, %get3A_43, %dot_general3A_44 {dimension_numbers = #tpu.dot_dimension_numbers<[1], [0], [0], [1], [0, 0, 1, 1], [], []>, transpose_lhs_hint = false} : vector<512x64xf32>, vector<64x64xf32>, vector<512x64xf32> -> vector<512x64xf32>
    %dot_general3A_46 = arith.constant dense<0.000000e+00> : vector<512x64xf32>
    %dot_general3A_47 = tpu.matmul %mul3A_19, %dot_general3A_45, %dot_general3A_46 {dimension_numbers = #tpu.dot_dimension_numbers<[1], [0], [0], [1], [0, 0, 1, 1], [], []>, transpose_lhs_hint = false} : vector<512x512xf32>, vector<512x64xf32>, vector<512x64xf32> -> vector<512x64xf32>
    %get3A_48 = arith.constant 0 : index
    %get3A_49 = arith.constant 0 : index
    %get3A_50 = vector.load %arg7[%get3A_48, %get3A_49] : memref<1x64xf32, #tpu.memory_space<vmem>>, vector<1x64xf32>
    %add3A_51 = vector.broadcast %get3A_50 : vector<1x64xf32> to vector<512x64xf32>
    %add3A_52 = arith.addf %dot_general3A_47, %add3A_51 : vector<512x64xf32>
    %max3A_53 = arith.constant 0.000000e+00 : f32
    %max3A_54 = vector.broadcast %max3A_53 : f32 to vector<512x64xf32>
    %max3A_55 = arith.maximumf %add3A_52, %max3A_54 : vector<512x64xf32>
    %get3A_56 = arith.constant 0 : index
    %get3A_57 = arith.constant 0 : index
    %get3A_58 = vector.load %arg8[%get3A_56, %get3A_57] : memref<64x64xf32, #tpu.memory_space<vmem>>, vector<64x64xf32>
    %dot_general3A_59 = arith.constant dense<0.000000e+00> : vector<512x64xf32>
    %dot_general3A_60 = tpu.matmul %max3A_55, %get3A_58, %dot_general3A_59 {dimension_numbers = #tpu.dot_dimension_numbers<[1], [0], [0], [1], [0, 0, 1, 1], [], []>, transpose_lhs_hint = false} : vector<512x64xf32>, vector<64x64xf32>, vector<512x64xf32> -> vector<512x64xf32>
    %dot_general3A_61 = arith.constant dense<0.000000e+00> : vector<512x64xf32>
    %dot_general3A_62 = tpu.matmul %mul3A_19, %dot_general3A_60, %dot_general3A_61 {dimension_numbers = #tpu.dot_dimension_numbers<[1], [0], [0], [1], [0, 0, 1, 1], [], []>, transpose_lhs_hint = false} : vector<512x512xf32>, vector<512x64xf32>, vector<512x64xf32> -> vector<512x64xf32>
    %get3A_63 = arith.constant 0 : index
    %get3A_64 = arith.constant 0 : index
    %get3A_65 = vector.load %arg9[%get3A_63, %get3A_64] : memref<1x64xf32, #tpu.memory_space<vmem>>, vector<1x64xf32>
    %add3A_66 = vector.broadcast %get3A_65 : vector<1x64xf32> to vector<512x64xf32>
    %add3A_67 = arith.addf %dot_general3A_62, %add3A_66 : vector<512x64xf32>
    %max3A_68 = arith.constant 0.000000e+00 : f32
    %max3A_69 = vector.broadcast %max3A_68 : f32 to vector<512x64xf32>
    %max3A_70 = arith.maximumf %add3A_67, %max3A_69 : vector<512x64xf32>
    %get3A_71 = arith.constant 0 : index
    %get3A_72 = arith.constant 0 : index
    %get3A_73 = vector.load %arg10[%get3A_71, %get3A_72] : memref<128x64xf32, #tpu.memory_space<vmem>>, vector<128x64xf32>
    %slice3A_74 = vector.extract_strided_slice %get3A_73 {offsets = [0, 0], sizes = [64, 64], strides = [1, 1]} : vector<128x64xf32> to vector<64x64xf32>
    %dot_general3A_75 = arith.constant dense<0.000000e+00> : vector<512x64xf32>
    %dot_general3A_76 = tpu.matmul %max3A_70, %slice3A_74, %dot_general3A_75 {dimension_numbers = #tpu.dot_dimension_numbers<[1], [0], [0], [1], [0, 0, 1, 1], [], []>, transpose_lhs_hint = false} : vector<512x64xf32>, vector<64x64xf32>, vector<512x64xf32> -> vector<512x64xf32>
    %get3A_77 = arith.constant 0 : index
    %get3A_78 = arith.constant 0 : index
    %get3A_79 = vector.load %arg11[%get3A_77, %get3A_78] : memref<1x64xf32, #tpu.memory_space<vmem>>, vector<1x64xf32>
    %add3A_80 = vector.broadcast %get3A_79 : vector<1x64xf32> to vector<512x64xf32>
    %add3A_81 = arith.addf %dot_general3A_76, %add3A_80 : vector<512x64xf32>
    %slice3A_82 = vector.extract_strided_slice %get3A_73 {offsets = [64, 0], sizes = [64, 64], strides = [1, 1]} : vector<128x64xf32> to vector<64x64xf32>
    %dot_general3A_83 = arith.constant dense<0.000000e+00> : vector<512x64xf32>
    %dot_general3A_84 = tpu.matmul %max3A_70, %slice3A_82, %dot_general3A_83 {dimension_numbers = #tpu.dot_dimension_numbers<[1], [0], [0], [1], [0, 0, 1, 1], [], []>, transpose_lhs_hint = false} : vector<512x64xf32>, vector<64x64xf32>, vector<512x64xf32> -> vector<512x64xf32>
    %transpose3A_85 = tpu.transpose %dot_general3A_84, [1, 0] : vector<512x64xf32> -> vector<64x512xf32>
    %get3A_86 = arith.constant 0 : index
    %get3A_87 = arith.constant 0 : index
    %get3A_88 = vector.load %arg12[%get3A_86, %get3A_87] : memref<1x64xf32, #tpu.memory_space<vmem>>, vector<1x64xf32>
    %transpose3A_89 = tpu.transpose %get3A_88, [1, 0] : vector<1x64xf32> -> vector<64x1xf32>
    %dot_general3A_90 = arith.constant dense<0.000000e+00> : vector<512x1xf32>
    %dot_general3A_91 = tpu.matmul %add3A_81, %transpose3A_89, %dot_general3A_90 {dimension_numbers = #tpu.dot_dimension_numbers<[1], [0], [0], [1], [0, 0, 1, 1], [], []>, transpose_lhs_hint = false} : vector<512x64xf32>, vector<64x1xf32>, vector<512x1xf32> -> vector<512x1xf32>
    %dot_general3A_92 = arith.constant dense<0.000000e+00> : vector<512x1xf32>
    %dot_general3A_93 = tpu.matmul %dot_general3A_84, %transpose3A_89, %dot_general3A_92 {dimension_numbers = #tpu.dot_dimension_numbers<[1], [0], [0], [1], [0, 0, 1, 1], [], []>, transpose_lhs_hint = false} : vector<512x64xf32>, vector<64x1xf32>, vector<512x1xf32> -> vector<512x1xf32>
    %transpose3A_94 = tpu.transpose %dot_general3A_93, [1, 0] : vector<512x1xf32> -> vector<1x512xf32>
    %get3A_95 = arith.constant 0 : index
    %get3A_96 = arith.constant 0 : index
    %get3A_97 = vector.load %arg13[%get3A_95, %get3A_96] : memref<1x1xf32, #tpu.memory_space<vmem>>, vector<1x1xf32>
    %mul3A_98 = arith.constant 2.000000e+00 : f32
    %mul3A_99 = vector.broadcast %mul3A_98 : f32 to vector<1x1xf32>
    %mul3A_100 = arith.mulf %get3A_97, %mul3A_99 : vector<1x1xf32>
    %iota3A_101 = tpu.iota {dimensions = array<i32: 0>} : vector<128x128xi32>
    %iota3A_102 = tpu.iota {dimensions = array<i32: 1>} : vector<128x128xi32>
    %lt3A = arith.cmpi slt, %iota3A_101, %iota3A_102 : vector<128x128xi32>
    %slice3A_103 = vector.extract_strided_slice %dot_general3A_91 {offsets = [0, 0], sizes = [128, 1], strides = [1, 1]} : vector<512x1xf32> to vector<128x1xf32>
    %add3A_104 = vector.broadcast %slice3A_103 : vector<128x1xf32> to vector<128x512xf32>
    %add3A_105 = vector.broadcast %transpose3A_94 : vector<1x512xf32> to vector<128x512xf32>
    %add3A_106 = arith.addf %add3A_104, %add3A_105 : vector<128x512xf32>
    %add3A_107 = vector.broadcast %mul3A_100 : vector<1x1xf32> to vector<128x512xf32>
    %add3A_108 = arith.addf %add3A_106, %add3A_107 : vector<128x512xf32>
    %slice3A_109 = vector.extract_strided_slice %add3A_81 {offsets = [0, 0], sizes = [128, 1], strides = [1, 1]} : vector<512x64xf32> to vector<128x1xf32>
    %slice3A_110 = vector.extract_strided_slice %transpose3A_85 {offsets = [0, 0], sizes = [1, 512], strides = [1, 1]} : vector<64x512xf32> to vector<1x512xf32>
    %add3A_111 = vector.broadcast %slice3A_109 : vector<128x1xf32> to vector<128x512xf32>
    %add3A_112 = vector.broadcast %slice3A_110 : vector<1x512xf32> to vector<128x512xf32>
    %add3A_113 = arith.addf %add3A_111, %add3A_112 : vector<128x512xf32>
    %abs3A = math.absf %add3A_113 : vector<128x512xf32>
    %get3A_114 = arith.constant 0 : index
    %get3A_115 = arith.constant 0 : index
    %get3A_116 = vector.load %arg12[%get3A_114, %get3A_115] : memref<1x64xf32, #tpu.memory_space<vmem>>, vector<1x1xf32>
    %mul3A_117 = vector.broadcast %get3A_116 : vector<1x1xf32> to vector<128x512xf32>
    %mul3A_118 = arith.mulf %abs3A, %mul3A_117 : vector<128x512xf32>
    %add3A_119 = arith.addf %add3A_108, %mul3A_118 : vector<128x512xf32>
    %slice3A_120 = vector.extract_strided_slice %add3A_81 {offsets = [0, 1], sizes = [128, 1], strides = [1, 1]} : vector<512x64xf32> to vector<128x1xf32>
    %slice3A_121 = vector.extract_strided_slice %transpose3A_85 {offsets = [1, 0], sizes = [1, 512], strides = [1, 1]} : vector<64x512xf32> to vector<1x512xf32>
    %add3A_122 = vector.broadcast %slice3A_120 : vector<128x1xf32> to vector<128x512xf32>
    %add3A_123 = vector.broadcast %slice3A_121 : vector<1x512xf32> to vector<128x512xf32>
    %add3A_124 = arith.addf %add3A_122, %add3A_123 : vector<128x512xf32>
    %abs3A_125 = math.absf %add3A_124 : vector<128x512xf32>
    %get3A_126 = arith.constant 0 : index
    %get3A_127 = arith.constant 1 : index
    %get3A_128 = vector.load %arg12[%get3A_126, %get3A_127] : memref<1x64xf32, #tpu.memory_space<vmem>>, vector<1x1xf32>
    %mul3A_129 = vector.broadcast %get3A_128 : vector<1x1xf32> to vector<128x512xf32>
    %mul3A_130 = arith.mulf %abs3A_125, %mul3A_129 : vector<128x512xf32>
    %add3A_131 = arith.addf %add3A_119, %mul3A_130 : vector<128x512xf32>
    %slice3A_132 = vector.extract_strided_slice %add3A_81 {offsets = [0, 2], sizes = [128, 1], strides = [1, 1]} : vector<512x64xf32> to vector<128x1xf32>
    %slice3A_133 = vector.extract_strided_slice %transpose3A_85 {offsets = [2, 0], sizes = [1, 512], strides = [1, 1]} : vector<64x512xf32> to vector<1x512xf32>
    %add3A_134 = vector.broadcast %slice3A_132 : vector<128x1xf32> to vector<128x512xf32>
    %add3A_135 = vector.broadcast %slice3A_133 : vector<1x512xf32> to vector<128x512xf32>
    %add3A_136 = arith.addf %add3A_134, %add3A_135 : vector<128x512xf32>
    %abs3A_137 = math.absf %add3A_136 : vector<128x512xf32>
    %get3A_138 = arith.constant 0 : index
    %get3A_139 = arith.constant 2 : index
    %get3A_140 = vector.load %arg12[%get3A_138, %get3A_139] : memref<1x64xf32, #tpu.memory_space<vmem>>, vector<1x1xf32>
    %mul3A_141 = vector.broadcast %get3A_140 : vector<1x1xf32> to vector<128x512xf32>
    %mul3A_142 = arith.mulf %abs3A_137, %mul3A_141 : vector<128x512xf32>
    %add3A_143 = arith.addf %add3A_131, %mul3A_142 : vector<128x512xf32>
    %slice3A_144 = vector.extract_strided_slice %add3A_81 {offsets = [0, 3], sizes = [128, 1], strides = [1, 1]} : vector<512x64xf32> to vector<128x1xf32>
    %slice3A_145 = vector.extract_strided_slice %transpose3A_85 {offsets = [3, 0], sizes = [1, 512], strides = [1, 1]} : vector<64x512xf32> to vector<1x512xf32>
    %add3A_146 = vector.broadcast %slice3A_144 : vector<128x1xf32> to vector<128x512xf32>
    %add3A_147 = vector.broadcast %slice3A_145 : vector<1x512xf32> to vector<128x512xf32>
    %add3A_148 = arith.addf %add3A_146, %add3A_147 : vector<128x512xf32>
    %abs3A_149 = math.absf %add3A_148 : vector<128x512xf32>
    %get3A_150 = arith.constant 0 : index
    %get3A_151 = arith.constant 3 : index
    %get3A_152 = vector.load %arg12[%get3A_150, %get3A_151] : memref<1x64xf32, #tpu.memory_space<vmem>>, vector<1x1xf32>
    %mul3A_153 = vector.broadcast %get3A_152 : vector<1x1xf32> to vector<128x512xf32>
    %mul3A_154 = arith.mulf %abs3A_149, %mul3A_153 : vector<128x512xf32>
    %add3A_155 = arith.addf %add3A_143, %mul3A_154 : vector<128x512xf32>
    %slice3A_156 = vector.extract_strided_slice %add3A_81 {offsets = [0, 4], sizes = [128, 1], strides = [1, 1]} : vector<512x64xf32> to vector<128x1xf32>
    %slice3A_157 = vector.extract_strided_slice %transpose3A_85 {offsets = [4, 0], sizes = [1, 512], strides = [1, 1]} : vector<64x512xf32> to vector<1x512xf32>
    %add3A_158 = vector.broadcast %slice3A_156 : vector<128x1xf32> to vector<128x512xf32>
    %add3A_159 = vector.broadcast %slice3A_157 : vector<1x512xf32> to vector<128x512xf32>
    %add3A_160 = arith.addf %add3A_158, %add3A_159 : vector<128x512xf32>
    %abs3A_161 = math.absf %add3A_160 : vector<128x512xf32>
    %get3A_162 = arith.constant 0 : index
    %get3A_163 = arith.constant 4 : index
    %get3A_164 = vector.load %arg12[%get3A_162, %get3A_163] : memref<1x64xf32, #tpu.memory_space<vmem>>, vector<1x1xf32>
    %mul3A_165 = vector.broadcast %get3A_164 : vector<1x1xf32> to vector<128x512xf32>
    %mul3A_166 = arith.mulf %abs3A_161, %mul3A_165 : vector<128x512xf32>
    %add3A_167 = arith.addf %add3A_155, %mul3A_166 : vector<128x512xf32>
    %slice3A_168 = vector.extract_strided_slice %add3A_81 {offsets = [0, 5], sizes = [128, 1], strides = [1, 1]} : vector<512x64xf32> to vector<128x1xf32>
    %slice3A_169 = vector.extract_strided_slice %transpose3A_85 {offsets = [5, 0], sizes = [1, 512], strides = [1, 1]} : vector<64x512xf32> to vector<1x512xf32>
    %add3A_170 = vector.broadcast %slice3A_168 : vector<128x1xf32> to vector<128x512xf32>
    %add3A_171 = vector.broadcast %slice3A_169 : vector<1x512xf32> to vector<128x512xf32>
    %add3A_172 = arith.addf %add3A_170, %add3A_171 : vector<128x512xf32>
    %abs3A_173 = math.absf %add3A_172 : vector<128x512xf32>
    %get3A_174 = arith.constant 0 : index
    %get3A_175 = arith.constant 5 : index
    %get3A_176 = vector.load %arg12[%get3A_174, %get3A_175] : memref<1x64xf32, #tpu.memory_space<vmem>>, vector<1x1xf32>
    %mul3A_177 = vector.broadcast %get3A_176 : vector<1x1xf32> to vector<128x512xf32>
    %mul3A_178 = arith.mulf %abs3A_173, %mul3A_177 : vector<128x512xf32>
    %add3A_179 = arith.addf %add3A_167, %mul3A_178 : vector<128x512xf32>
    %slice3A_180 = vector.extract_strided_slice %add3A_81 {offsets = [0, 6], sizes = [128, 1], strides = [1, 1]} : vector<512x64xf32> to vector<128x1xf32>
    %slice3A_181 = vector.extract_strided_slice %transpose3A_85 {offsets = [6, 0], sizes = [1, 512], strides = [1, 1]} : vector<64x512xf32> to vector<1x512xf32>
    %add3A_182 = vector.broadcast %slice3A_180 : vector<128x1xf32> to vector<128x512xf32>
    %add3A_183 = vector.broadcast %slice3A_181 : vector<1x512xf32> to vector<128x512xf32>
    %add3A_184 = arith.addf %add3A_182, %add3A_183 : vector<128x512xf32>
    %abs3A_185 = math.absf %add3A_184 : vector<128x512xf32>
    %get3A_186 = arith.constant 0 : index
    %get3A_187 = arith.constant 6 : index
    %get3A_188 = vector.load %arg12[%get3A_186, %get3A_187] : memref<1x64xf32, #tpu.memory_space<vmem>>, vector<1x1xf32>
    %mul3A_189 = vector.broadcast %get3A_188 : vector<1x1xf32> to vector<128x512xf32>
    %mul3A_190 = arith.mulf %abs3A_185, %mul3A_189 : vector<128x512xf32>
    %add3A_191 = arith.addf %add3A_179, %mul3A_190 : vector<128x512xf32>
    %slice3A_192 = vector.extract_strided_slice %add3A_81 {offsets = [0, 7], sizes = [128, 1], strides = [1, 1]} : vector<512x64xf32> to vector<128x1xf32>
    %slice3A_193 = vector.extract_strided_slice %transpose3A_85 {offsets = [7, 0], sizes = [1, 512], strides = [1, 1]} : vector<64x512xf32> to vector<1x512xf32>
    %add3A_194 = vector.broadcast %slice3A_192 : vector<128x1xf32> to vector<128x512xf32>
    %add3A_195 = vector.broadcast %slice3A_193 : vector<1x512xf32> to vector<128x512xf32>
    %add3A_196 = arith.addf %add3A_194, %add3A_195 : vector<128x512xf32>
    %abs3A_197 = math.absf %add3A_196 : vector<128x512xf32>
    %get3A_198 = arith.constant 0 : index
    %get3A_199 = arith.constant 7 : index
    %get3A_200 = vector.load %arg12[%get3A_198, %get3A_199] : memref<1x64xf32, #tpu.memory_space<vmem>>, vector<1x1xf32>
    %mul3A_201 = vector.broadcast %get3A_200 : vector<1x1xf32> to vector<128x512xf32>
    %mul3A_202 = arith.mulf %abs3A_197, %mul3A_201 : vector<128x512xf32>
    %add3A_203 = arith.addf %add3A_191, %mul3A_202 : vector<128x512xf32>
    %slice3A_204 = vector.extract_strided_slice %add3A_81 {offsets = [0, 8], sizes = [128, 1], strides = [1, 1]} : vector<512x64xf32> to vector<128x1xf32>
    %slice3A_205 = vector.extract_strided_slice %transpose3A_85 {offsets = [8, 0], sizes = [1, 512], strides = [1, 1]} : vector<64x512xf32> to vector<1x512xf32>
    %add3A_206 = vector.broadcast %slice3A_204 : vector<128x1xf32> to vector<128x512xf32>
    %add3A_207 = vector.broadcast %slice3A_205 : vector<1x512xf32> to vector<128x512xf32>
    %add3A_208 = arith.addf %add3A_206, %add3A_207 : vector<128x512xf32>
    %abs3A_209 = math.absf %add3A_208 : vector<128x512xf32>
    %get3A_210 = arith.constant 0 : index
    %get3A_211 = arith.constant 8 : index
    %get3A_212 = vector.load %arg12[%get3A_210, %get3A_211] : memref<1x64xf32, #tpu.memory_space<vmem>>, vector<1x1xf32>
    %mul3A_213 = vector.broadcast %get3A_212 : vector<1x1xf32> to vector<128x512xf32>
    %mul3A_214 = arith.mulf %abs3A_209, %mul3A_213 : vector<128x512xf32>
    %add3A_215 = arith.addf %add3A_203, %mul3A_214 : vector<128x512xf32>
    %slice3A_216 = vector.extract_strided_slice %add3A_81 {offsets = [0, 9], sizes = [128, 1], strides = [1, 1]} : vector<512x64xf32> to vector<128x1xf32>
    %slice3A_217 = vector.extract_strided_slice %transpose3A_85 {offsets = [9, 0], sizes = [1, 512], strides = [1, 1]} : vector<64x512xf32> to vector<1x512xf32>
    %add3A_218 = vector.broadcast %slice3A_216 : vector<128x1xf32> to vector<128x512xf32>
    %add3A_219 = vector.broadcast %slice3A_217 : vector<1x512xf32> to vector<128x512xf32>
    %add3A_220 = arith.addf %add3A_218, %add3A_219 : vector<128x512xf32>
    %abs3A_221 = math.absf %add3A_220 : vector<128x512xf32>
    %get3A_222 = arith.constant 0 : index
    %get3A_223 = arith.constant 9 : index
    %get3A_224 = vector.load %arg12[%get3A_222, %get3A_223] : memref<1x64xf32, #tpu.memory_space<vmem>>, vector<1x1xf32>
    %mul3A_225 = vector.broadcast %get3A_224 : vector<1x1xf32> to vector<128x512xf32>
    %mul3A_226 = arith.mulf %abs3A_221, %mul3A_225 : vector<128x512xf32>
    %add3A_227 = arith.addf %add3A_215, %mul3A_226 : vector<128x512xf32>
    %slice3A_228 = vector.extract_strided_slice %add3A_81 {offsets = [0, 10], sizes = [128, 1], strides = [1, 1]} : vector<512x64xf32> to vector<128x1xf32>
    %slice3A_229 = vector.extract_strided_slice %transpose3A_85 {offsets = [10, 0], sizes = [1, 512], strides = [1, 1]} : vector<64x512xf32> to vector<1x512xf32>
    %add3A_230 = vector.broadcast %slice3A_228 : vector<128x1xf32> to vector<128x512xf32>
    %add3A_231 = vector.broadcast %slice3A_229 : vector<1x512xf32> to vector<128x512xf32>
    %add3A_232 = arith.addf %add3A_230, %add3A_231 : vector<128x512xf32>
    %abs3A_233 = math.absf %add3A_232 : vector<128x512xf32>
    %get3A_234 = arith.constant 0 : index
    %get3A_235 = arith.constant 10 : index
    %get3A_236 = vector.load %arg12[%get3A_234, %get3A_235] : memref<1x64xf32, #tpu.memory_space<vmem>>, vector<1x1xf32>
    %mul3A_237 = vector.broadcast %get3A_236 : vector<1x1xf32> to vector<128x512xf32>
    %mul3A_238 = arith.mulf %abs3A_233, %mul3A_237 : vector<128x512xf32>
    %add3A_239 = arith.addf %add3A_227, %mul3A_238 : vector<128x512xf32>
    %slice3A_240 = vector.extract_strided_slice %add3A_81 {offsets = [0, 11], sizes = [128, 1], strides = [1, 1]} : vector<512x64xf32> to vector<128x1xf32>
    %slice3A_241 = vector.extract_strided_slice %transpose3A_85 {offsets = [11, 0], sizes = [1, 512], strides = [1, 1]} : vector<64x512xf32> to vector<1x512xf32>
    %add3A_242 = vector.broadcast %slice3A_240 : vector<128x1xf32> to vector<128x512xf32>
    %add3A_243 = vector.broadcast %slice3A_241 : vector<1x512xf32> to vector<128x512xf32>
    %add3A_244 = arith.addf %add3A_242, %add3A_243 : vector<128x512xf32>
    %abs3A_245 = math.absf %add3A_244 : vector<128x512xf32>
    %get3A_246 = arith.constant 0 : index
    %get3A_247 = arith.constant 11 : index
    %get3A_248 = vector.load %arg12[%get3A_246, %get3A_247] : memref<1x64xf32, #tpu.memory_space<vmem>>, vector<1x1xf32>
    %mul3A_249 = vector.broadcast %get3A_248 : vector<1x1xf32> to vector<128x512xf32>
    %mul3A_250 = arith.mulf %abs3A_245, %mul3A_249 : vector<128x512xf32>
    %add3A_251 = arith.addf %add3A_239, %mul3A_250 : vector<128x512xf32>
    %slice3A_252 = vector.extract_strided_slice %add3A_81 {offsets = [0, 12], sizes = [128, 1], strides = [1, 1]} : vector<512x64xf32> to vector<128x1xf32>
    %slice3A_253 = vector.extract_strided_slice %transpose3A_85 {offsets = [12, 0], sizes = [1, 512], strides = [1, 1]} : vector<64x512xf32> to vector<1x512xf32>
    %add3A_254 = vector.broadcast %slice3A_252 : vector<128x1xf32> to vector<128x512xf32>
    %add3A_255 = vector.broadcast %slice3A_253 : vector<1x512xf32> to vector<128x512xf32>
    %add3A_256 = arith.addf %add3A_254, %add3A_255 : vector<128x512xf32>
    %abs3A_257 = math.absf %add3A_256 : vector<128x512xf32>
    %get3A_258 = arith.constant 0 : index
    %get3A_259 = arith.constant 12 : index
    %get3A_260 = vector.load %arg12[%get3A_258, %get3A_259] : memref<1x64xf32, #tpu.memory_space<vmem>>, vector<1x1xf32>
    %mul3A_261 = vector.broadcast %get3A_260 : vector<1x1xf32> to vector<128x512xf32>
    %mul3A_262 = arith.mulf %abs3A_257, %mul3A_261 : vector<128x512xf32>
    %add3A_263 = arith.addf %add3A_251, %mul3A_262 : vector<128x512xf32>
    %slice3A_264 = vector.extract_strided_slice %add3A_81 {offsets = [0, 13], sizes = [128, 1], strides = [1, 1]} : vector<512x64xf32> to vector<128x1xf32>
    %slice3A_265 = vector.extract_strided_slice %transpose3A_85 {offsets = [13, 0], sizes = [1, 512], strides = [1, 1]} : vector<64x512xf32> to vector<1x512xf32>
    %add3A_266 = vector.broadcast %slice3A_264 : vector<128x1xf32> to vector<128x512xf32>
    %add3A_267 = vector.broadcast %slice3A_265 : vector<1x512xf32> to vector<128x512xf32>
    %add3A_268 = arith.addf %add3A_266, %add3A_267 : vector<128x512xf32>
    %abs3A_269 = math.absf %add3A_268 : vector<128x512xf32>
    %get3A_270 = arith.constant 0 : index
    %get3A_271 = arith.constant 13 : index
    %get3A_272 = vector.load %arg12[%get3A_270, %get3A_271] : memref<1x64xf32, #tpu.memory_space<vmem>>, vector<1x1xf32>
    %mul3A_273 = vector.broadcast %get3A_272 : vector<1x1xf32> to vector<128x512xf32>
    %mul3A_274 = arith.mulf %abs3A_269, %mul3A_273 : vector<128x512xf32>
    %add3A_275 = arith.addf %add3A_263, %mul3A_274 : vector<128x512xf32>
    %slice3A_276 = vector.extract_strided_slice %add3A_81 {offsets = [0, 14], sizes = [128, 1], strides = [1, 1]} : vector<512x64xf32> to vector<128x1xf32>
    %slice3A_277 = vector.extract_strided_slice %transpose3A_85 {offsets = [14, 0], sizes = [1, 512], strides = [1, 1]} : vector<64x512xf32> to vector<1x512xf32>
    %add3A_278 = vector.broadcast %slice3A_276 : vector<128x1xf32> to vector<128x512xf32>
    %add3A_279 = vector.broadcast %slice3A_277 : vector<1x512xf32> to vector<128x512xf32>
    %add3A_280 = arith.addf %add3A_278, %add3A_279 : vector<128x512xf32>
    %abs3A_281 = math.absf %add3A_280 : vector<128x512xf32>
    %get3A_282 = arith.constant 0 : index
    %get3A_283 = arith.constant 14 : index
    %get3A_284 = vector.load %arg12[%get3A_282, %get3A_283] : memref<1x64xf32, #tpu.memory_space<vmem>>, vector<1x1xf32>
    %mul3A_285 = vector.broadcast %get3A_284 : vector<1x1xf32> to vector<128x512xf32>
    %mul3A_286 = arith.mulf %abs3A_281, %mul3A_285 : vector<128x512xf32>
    %add3A_287 = arith.addf %add3A_275, %mul3A_286 : vector<128x512xf32>
    %slice3A_288 = vector.extract_strided_slice %add3A_81 {offsets = [0, 15], sizes = [128, 1], strides = [1, 1]} : vector<512x64xf32> to vector<128x1xf32>
    %slice3A_289 = vector.extract_strided_slice %transpose3A_85 {offsets = [15, 0], sizes = [1, 512], strides = [1, 1]} : vector<64x512xf32> to vector<1x512xf32>
    %add3A_290 = vector.broadcast %slice3A_288 : vector<128x1xf32> to vector<128x512xf32>
    %add3A_291 = vector.broadcast %slice3A_289 : vector<1x512xf32> to vector<128x512xf32>
    %add3A_292 = arith.addf %add3A_290, %add3A_291 : vector<128x512xf32>
    %abs3A_293 = math.absf %add3A_292 : vector<128x512xf32>
    %get3A_294 = arith.constant 0 : index
    %get3A_295 = arith.constant 15 : index
    %get3A_296 = vector.load %arg12[%get3A_294, %get3A_295] : memref<1x64xf32, #tpu.memory_space<vmem>>, vector<1x1xf32>
    %mul3A_297 = vector.broadcast %get3A_296 : vector<1x1xf32> to vector<128x512xf32>
    %mul3A_298 = arith.mulf %abs3A_293, %mul3A_297 : vector<128x512xf32>
    %add3A_299 = arith.addf %add3A_287, %mul3A_298 : vector<128x512xf32>
    %slice3A_300 = vector.extract_strided_slice %add3A_81 {offsets = [0, 16], sizes = [128, 1], strides = [1, 1]} : vector<512x64xf32> to vector<128x1xf32>
    %slice3A_301 = vector.extract_strided_slice %transpose3A_85 {offsets = [16, 0], sizes = [1, 512], strides = [1, 1]} : vector<64x512xf32> to vector<1x512xf32>
    %add3A_302 = vector.broadcast %slice3A_300 : vector<128x1xf32> to vector<128x512xf32>
    %add3A_303 = vector.broadcast %slice3A_301 : vector<1x512xf32> to vector<128x512xf32>
    %add3A_304 = arith.addf %add3A_302, %add3A_303 : vector<128x512xf32>
    %abs3A_305 = math.absf %add3A_304 : vector<128x512xf32>
    %get3A_306 = arith.constant 0 : index
    %get3A_307 = arith.constant 16 : index
    %get3A_308 = vector.load %arg12[%get3A_306, %get3A_307] : memref<1x64xf32, #tpu.memory_space<vmem>>, vector<1x1xf32>
    %mul3A_309 = vector.broadcast %get3A_308 : vector<1x1xf32> to vector<128x512xf32>
    %mul3A_310 = arith.mulf %abs3A_305, %mul3A_309 : vector<128x512xf32>
    %add3A_311 = arith.addf %add3A_299, %mul3A_310 : vector<128x512xf32>
    %slice3A_312 = vector.extract_strided_slice %add3A_81 {offsets = [0, 17], sizes = [128, 1], strides = [1, 1]} : vector<512x64xf32> to vector<128x1xf32>
    %slice3A_313 = vector.extract_strided_slice %transpose3A_85 {offsets = [17, 0], sizes = [1, 512], strides = [1, 1]} : vector<64x512xf32> to vector<1x512xf32>
    %add3A_314 = vector.broadcast %slice3A_312 : vector<128x1xf32> to vector<128x512xf32>
    %add3A_315 = vector.broadcast %slice3A_313 : vector<1x512xf32> to vector<128x512xf32>
    %add3A_316 = arith.addf %add3A_314, %add3A_315 : vector<128x512xf32>
    %abs3A_317 = math.absf %add3A_316 : vector<128x512xf32>
    %get3A_318 = arith.constant 0 : index
    %get3A_319 = arith.constant 17 : index
    %get3A_320 = vector.load %arg12[%get3A_318, %get3A_319] : memref<1x64xf32, #tpu.memory_space<vmem>>, vector<1x1xf32>
    %mul3A_321 = vector.broadcast %get3A_320 : vector<1x1xf32> to vector<128x512xf32>
    %mul3A_322 = arith.mulf %abs3A_317, %mul3A_321 : vector<128x512xf32>
    %add3A_323 = arith.addf %add3A_311, %mul3A_322 : vector<128x512xf32>
    %slice3A_324 = vector.extract_strided_slice %add3A_81 {offsets = [0, 18], sizes = [128, 1], strides = [1, 1]} : vector<512x64xf32> to vector<128x1xf32>
    %slice3A_325 = vector.extract_strided_slice %transpose3A_85 {offsets = [18, 0], sizes = [1, 512], strides = [1, 1]} : vector<64x512xf32> to vector<1x512xf32>
    %add3A_326 = vector.broadcast %slice3A_324 : vector<128x1xf32> to vector<128x512xf32>
    %add3A_327 = vector.broadcast %slice3A_325 : vector<1x512xf32> to vector<128x512xf32>
    %add3A_328 = arith.addf %add3A_326, %add3A_327 : vector<128x512xf32>
    %abs3A_329 = math.absf %add3A_328 : vector<128x512xf32>
    %get3A_330 = arith.constant 0 : index
    %get3A_331 = arith.constant 18 : index
    %get3A_332 = vector.load %arg12[%get3A_330, %get3A_331] : memref<1x64xf32, #tpu.memory_space<vmem>>, vector<1x1xf32>
    %mul3A_333 = vector.broadcast %get3A_332 : vector<1x1xf32> to vector<128x512xf32>
    %mul3A_334 = arith.mulf %abs3A_329, %mul3A_333 : vector<128x512xf32>
    %add3A_335 = arith.addf %add3A_323, %mul3A_334 : vector<128x512xf32>
    %slice3A_336 = vector.extract_strided_slice %add3A_81 {offsets = [0, 19], sizes = [128, 1], strides = [1, 1]} : vector<512x64xf32> to vector<128x1xf32>
    %slice3A_337 = vector.extract_strided_slice %transpose3A_85 {offsets = [19, 0], sizes = [1, 512], strides = [1, 1]} : vector<64x512xf32> to vector<1x512xf32>
    %add3A_338 = vector.broadcast %slice3A_336 : vector<128x1xf32> to vector<128x512xf32>
    %add3A_339 = vector.broadcast %slice3A_337 : vector<1x512xf32> to vector<128x512xf32>
    %add3A_340 = arith.addf %add3A_338, %add3A_339 : vector<128x512xf32>
    %abs3A_341 = math.absf %add3A_340 : vector<128x512xf32>
    %get3A_342 = arith.constant 0 : index
    %get3A_343 = arith.constant 19 : index
    %get3A_344 = vector.load %arg12[%get3A_342, %get3A_343] : memref<1x64xf32, #tpu.memory_space<vmem>>, vector<1x1xf32>
    %mul3A_345 = vector.broadcast %get3A_344 : vector<1x1xf32> to vector<128x512xf32>
    %mul3A_346 = arith.mulf %abs3A_341, %mul3A_345 : vector<128x512xf32>
    %add3A_347 = arith.addf %add3A_335, %mul3A_346 : vector<128x512xf32>
    %slice3A_348 = vector.extract_strided_slice %add3A_81 {offsets = [0, 20], sizes = [128, 1], strides = [1, 1]} : vector<512x64xf32> to vector<128x1xf32>
    %slice3A_349 = vector.extract_strided_slice %transpose3A_85 {offsets = [20, 0], sizes = [1, 512], strides = [1, 1]} : vector<64x512xf32> to vector<1x512xf32>
    %add3A_350 = vector.broadcast %slice3A_348 : vector<128x1xf32> to vector<128x512xf32>
    %add3A_351 = vector.broadcast %slice3A_349 : vector<1x512xf32> to vector<128x512xf32>
    %add3A_352 = arith.addf %add3A_350, %add3A_351 : vector<128x512xf32>
    %abs3A_353 = math.absf %add3A_352 : vector<128x512xf32>
    %get3A_354 = arith.constant 0 : index
    %get3A_355 = arith.constant 20 : index
    %get3A_356 = vector.load %arg12[%get3A_354, %get3A_355] : memref<1x64xf32, #tpu.memory_space<vmem>>, vector<1x1xf32>
    %mul3A_357 = vector.broadcast %get3A_356 : vector<1x1xf32> to vector<128x512xf32>
    %mul3A_358 = arith.mulf %abs3A_353, %mul3A_357 : vector<128x512xf32>
    %add3A_359 = arith.addf %add3A_347, %mul3A_358 : vector<128x512xf32>
    %slice3A_360 = vector.extract_strided_slice %add3A_81 {offsets = [0, 21], sizes = [128, 1], strides = [1, 1]} : vector<512x64xf32> to vector<128x1xf32>
    %slice3A_361 = vector.extract_strided_slice %transpose3A_85 {offsets = [21, 0], sizes = [1, 512], strides = [1, 1]} : vector<64x512xf32> to vector<1x512xf32>
    %add3A_362 = vector.broadcast %slice3A_360 : vector<128x1xf32> to vector<128x512xf32>
    %add3A_363 = vector.broadcast %slice3A_361 : vector<1x512xf32> to vector<128x512xf32>
    %add3A_364 = arith.addf %add3A_362, %add3A_363 : vector<128x512xf32>
    %abs3A_365 = math.absf %add3A_364 : vector<128x512xf32>
    %get3A_366 = arith.constant 0 : index
    %get3A_367 = arith.constant 21 : index
    %get3A_368 = vector.load %arg12[%get3A_366, %get3A_367] : memref<1x64xf32, #tpu.memory_space<vmem>>, vector<1x1xf32>
    %mul3A_369 = vector.broadcast %get3A_368 : vector<1x1xf32> to vector<128x512xf32>
    %mul3A_370 = arith.mulf %abs3A_365, %mul3A_369 : vector<128x512xf32>
    %add3A_371 = arith.addf %add3A_359, %mul3A_370 : vector<128x512xf32>
    %slice3A_372 = vector.extract_strided_slice %add3A_81 {offsets = [0, 22], sizes = [128, 1], strides = [1, 1]} : vector<512x64xf32> to vector<128x1xf32>
    %slice3A_373 = vector.extract_strided_slice %transpose3A_85 {offsets = [22, 0], sizes = [1, 512], strides = [1, 1]} : vector<64x512xf32> to vector<1x512xf32>
    %add3A_374 = vector.broadcast %slice3A_372 : vector<128x1xf32> to vector<128x512xf32>
    %add3A_375 = vector.broadcast %slice3A_373 : vector<1x512xf32> to vector<128x512xf32>
    %add3A_376 = arith.addf %add3A_374, %add3A_375 : vector<128x512xf32>
    %abs3A_377 = math.absf %add3A_376 : vector<128x512xf32>
    %get3A_378 = arith.constant 0 : index
    %get3A_379 = arith.constant 22 : index
    %get3A_380 = vector.load %arg12[%get3A_378, %get3A_379] : memref<1x64xf32, #tpu.memory_space<vmem>>, vector<1x1xf32>
    %mul3A_381 = vector.broadcast %get3A_380 : vector<1x1xf32> to vector<128x512xf32>
    %mul3A_382 = arith.mulf %abs3A_377, %mul3A_381 : vector<128x512xf32>
    %add3A_383 = arith.addf %add3A_371, %mul3A_382 : vector<128x512xf32>
    %slice3A_384 = vector.extract_strided_slice %add3A_81 {offsets = [0, 23], sizes = [128, 1], strides = [1, 1]} : vector<512x64xf32> to vector<128x1xf32>
    %slice3A_385 = vector.extract_strided_slice %transpose3A_85 {offsets = [23, 0], sizes = [1, 512], strides = [1, 1]} : vector<64x512xf32> to vector<1x512xf32>
    %add3A_386 = vector.broadcast %slice3A_384 : vector<128x1xf32> to vector<128x512xf32>
    %add3A_387 = vector.broadcast %slice3A_385 : vector<1x512xf32> to vector<128x512xf32>
    %add3A_388 = arith.addf %add3A_386, %add3A_387 : vector<128x512xf32>
    %abs3A_389 = math.absf %add3A_388 : vector<128x512xf32>
    %get3A_390 = arith.constant 0 : index
    %get3A_391 = arith.constant 23 : index
    %get3A_392 = vector.load %arg12[%get3A_390, %get3A_391] : memref<1x64xf32, #tpu.memory_space<vmem>>, vector<1x1xf32>
    %mul3A_393 = vector.broadcast %get3A_392 : vector<1x1xf32> to vector<128x512xf32>
    %mul3A_394 = arith.mulf %abs3A_389, %mul3A_393 : vector<128x512xf32>
    %add3A_395 = arith.addf %add3A_383, %mul3A_394 : vector<128x512xf32>
    %slice3A_396 = vector.extract_strided_slice %add3A_81 {offsets = [0, 24], sizes = [128, 1], strides = [1, 1]} : vector<512x64xf32> to vector<128x1xf32>
    %slice3A_397 = vector.extract_strided_slice %transpose3A_85 {offsets = [24, 0], sizes = [1, 512], strides = [1, 1]} : vector<64x512xf32> to vector<1x512xf32>
    %add3A_398 = vector.broadcast %slice3A_396 : vector<128x1xf32> to vector<128x512xf32>
    %add3A_399 = vector.broadcast %slice3A_397 : vector<1x512xf32> to vector<128x512xf32>
    %add3A_400 = arith.addf %add3A_398, %add3A_399 : vector<128x512xf32>
    %abs3A_401 = math.absf %add3A_400 : vector<128x512xf32>
    %get3A_402 = arith.constant 0 : index
    %get3A_403 = arith.constant 24 : index
    %get3A_404 = vector.load %arg12[%get3A_402, %get3A_403] : memref<1x64xf32, #tpu.memory_space<vmem>>, vector<1x1xf32>
    %mul3A_405 = vector.broadcast %get3A_404 : vector<1x1xf32> to vector<128x512xf32>
    %mul3A_406 = arith.mulf %abs3A_401, %mul3A_405 : vector<128x512xf32>
    %add3A_407 = arith.addf %add3A_395, %mul3A_406 : vector<128x512xf32>
    %slice3A_408 = vector.extract_strided_slice %add3A_81 {offsets = [0, 25], sizes = [128, 1], strides = [1, 1]} : vector<512x64xf32> to vector<128x1xf32>
    %slice3A_409 = vector.extract_strided_slice %transpose3A_85 {offsets = [25, 0], sizes = [1, 512], strides = [1, 1]} : vector<64x512xf32> to vector<1x512xf32>
    %add3A_410 = vector.broadcast %slice3A_408 : vector<128x1xf32> to vector<128x512xf32>
    %add3A_411 = vector.broadcast %slice3A_409 : vector<1x512xf32> to vector<128x512xf32>
    %add3A_412 = arith.addf %add3A_410, %add3A_411 : vector<128x512xf32>
    %abs3A_413 = math.absf %add3A_412 : vector<128x512xf32>
    %get3A_414 = arith.constant 0 : index
    %get3A_415 = arith.constant 25 : index
    %get3A_416 = vector.load %arg12[%get3A_414, %get3A_415] : memref<1x64xf32, #tpu.memory_space<vmem>>, vector<1x1xf32>
    %mul3A_417 = vector.broadcast %get3A_416 : vector<1x1xf32> to vector<128x512xf32>
    %mul3A_418 = arith.mulf %abs3A_413, %mul3A_417 : vector<128x512xf32>
    %add3A_419 = arith.addf %add3A_407, %mul3A_418 : vector<128x512xf32>
    %slice3A_420 = vector.extract_strided_slice %add3A_81 {offsets = [0, 26], sizes = [128, 1], strides = [1, 1]} : vector<512x64xf32> to vector<128x1xf32>
    %slice3A_421 = vector.extract_strided_slice %transpose3A_85 {offsets = [26, 0], sizes = [1, 512], strides = [1, 1]} : vector<64x512xf32> to vector<1x512xf32>
    %add3A_422 = vector.broadcast %slice3A_420 : vector<128x1xf32> to vector<128x512xf32>
    %add3A_423 = vector.broadcast %slice3A_421 : vector<1x512xf32> to vector<128x512xf32>
    %add3A_424 = arith.addf %add3A_422, %add3A_423 : vector<128x512xf32>
    %abs3A_425 = math.absf %add3A_424 : vector<128x512xf32>
    %get3A_426 = arith.constant 0 : index
    %get3A_427 = arith.constant 26 : index
    %get3A_428 = vector.load %arg12[%get3A_426, %get3A_427] : memref<1x64xf32, #tpu.memory_space<vmem>>, vector<1x1xf32>
    %mul3A_429 = vector.broadcast %get3A_428 : vector<1x1xf32> to vector<128x512xf32>
    %mul3A_430 = arith.mulf %abs3A_425, %mul3A_429 : vector<128x512xf32>
    %add3A_431 = arith.addf %add3A_419, %mul3A_430 : vector<128x512xf32>
    %slice3A_432 = vector.extract_strided_slice %add3A_81 {offsets = [0, 27], sizes = [128, 1], strides = [1, 1]} : vector<512x64xf32> to vector<128x1xf32>
    %slice3A_433 = vector.extract_strided_slice %transpose3A_85 {offsets = [27, 0], sizes = [1, 512], strides = [1, 1]} : vector<64x512xf32> to vector<1x512xf32>
    %add3A_434 = vector.broadcast %slice3A_432 : vector<128x1xf32> to vector<128x512xf32>
    %add3A_435 = vector.broadcast %slice3A_433 : vector<1x512xf32> to vector<128x512xf32>
    %add3A_436 = arith.addf %add3A_434, %add3A_435 : vector<128x512xf32>
    %abs3A_437 = math.absf %add3A_436 : vector<128x512xf32>
    %get3A_438 = arith.constant 0 : index
    %get3A_439 = arith.constant 27 : index
    %get3A_440 = vector.load %arg12[%get3A_438, %get3A_439] : memref<1x64xf32, #tpu.memory_space<vmem>>, vector<1x1xf32>
    %mul3A_441 = vector.broadcast %get3A_440 : vector<1x1xf32> to vector<128x512xf32>
    %mul3A_442 = arith.mulf %abs3A_437, %mul3A_441 : vector<128x512xf32>
    %add3A_443 = arith.addf %add3A_431, %mul3A_442 : vector<128x512xf32>
    %slice3A_444 = vector.extract_strided_slice %add3A_81 {offsets = [0, 28], sizes = [128, 1], strides = [1, 1]} : vector<512x64xf32> to vector<128x1xf32>
    %slice3A_445 = vector.extract_strided_slice %transpose3A_85 {offsets = [28, 0], sizes = [1, 512], strides = [1, 1]} : vector<64x512xf32> to vector<1x512xf32>
    %add3A_446 = vector.broadcast %slice3A_444 : vector<128x1xf32> to vector<128x512xf32>
    %add3A_447 = vector.broadcast %slice3A_445 : vector<1x512xf32> to vector<128x512xf32>
    %add3A_448 = arith.addf %add3A_446, %add3A_447 : vector<128x512xf32>
    %abs3A_449 = math.absf %add3A_448 : vector<128x512xf32>
    %get3A_450 = arith.constant 0 : index
    %get3A_451 = arith.constant 28 : index
    %get3A_452 = vector.load %arg12[%get3A_450, %get3A_451] : memref<1x64xf32, #tpu.memory_space<vmem>>, vector<1x1xf32>
    %mul3A_453 = vector.broadcast %get3A_452 : vector<1x1xf32> to vector<128x512xf32>
    %mul3A_454 = arith.mulf %abs3A_449, %mul3A_453 : vector<128x512xf32>
    %add3A_455 = arith.addf %add3A_443, %mul3A_454 : vector<128x512xf32>
    %slice3A_456 = vector.extract_strided_slice %add3A_81 {offsets = [0, 29], sizes = [128, 1], strides = [1, 1]} : vector<512x64xf32> to vector<128x1xf32>
    %slice3A_457 = vector.extract_strided_slice %transpose3A_85 {offsets = [29, 0], sizes = [1, 512], strides = [1, 1]} : vector<64x512xf32> to vector<1x512xf32>
    %add3A_458 = vector.broadcast %slice3A_456 : vector<128x1xf32> to vector<128x512xf32>
    %add3A_459 = vector.broadcast %slice3A_457 : vector<1x512xf32> to vector<128x512xf32>
    %add3A_460 = arith.addf %add3A_458, %add3A_459 : vector<128x512xf32>
    %abs3A_461 = math.absf %add3A_460 : vector<128x512xf32>
    %get3A_462 = arith.constant 0 : index
    %get3A_463 = arith.constant 29 : index
    %get3A_464 = vector.load %arg12[%get3A_462, %get3A_463] : memref<1x64xf32, #tpu.memory_space<vmem>>, vector<1x1xf32>
    %mul3A_465 = vector.broadcast %get3A_464 : vector<1x1xf32> to vector<128x512xf32>
    %mul3A_466 = arith.mulf %abs3A_461, %mul3A_465 : vector<128x512xf32>
    %add3A_467 = arith.addf %add3A_455, %mul3A_466 : vector<128x512xf32>
    %slice3A_468 = vector.extract_strided_slice %add3A_81 {offsets = [0, 30], sizes = [128, 1], strides = [1, 1]} : vector<512x64xf32> to vector<128x1xf32>
    %slice3A_469 = vector.extract_strided_slice %transpose3A_85 {offsets = [30, 0], sizes = [1, 512], strides = [1, 1]} : vector<64x512xf32> to vector<1x512xf32>
    %add3A_470 = vector.broadcast %slice3A_468 : vector<128x1xf32> to vector<128x512xf32>
    %add3A_471 = vector.broadcast %slice3A_469 : vector<1x512xf32> to vector<128x512xf32>
    %add3A_472 = arith.addf %add3A_470, %add3A_471 : vector<128x512xf32>
    %abs3A_473 = math.absf %add3A_472 : vector<128x512xf32>
    %get3A_474 = arith.constant 0 : index
    %get3A_475 = arith.constant 30 : index
    %get3A_476 = vector.load %arg12[%get3A_474, %get3A_475] : memref<1x64xf32, #tpu.memory_space<vmem>>, vector<1x1xf32>
    %mul3A_477 = vector.broadcast %get3A_476 : vector<1x1xf32> to vector<128x512xf32>
    %mul3A_478 = arith.mulf %abs3A_473, %mul3A_477 : vector<128x512xf32>
    %add3A_479 = arith.addf %add3A_467, %mul3A_478 : vector<128x512xf32>
    %slice3A_480 = vector.extract_strided_slice %add3A_81 {offsets = [0, 31], sizes = [128, 1], strides = [1, 1]} : vector<512x64xf32> to vector<128x1xf32>
    %slice3A_481 = vector.extract_strided_slice %transpose3A_85 {offsets = [31, 0], sizes = [1, 512], strides = [1, 1]} : vector<64x512xf32> to vector<1x512xf32>
    %add3A_482 = vector.broadcast %slice3A_480 : vector<128x1xf32> to vector<128x512xf32>
    %add3A_483 = vector.broadcast %slice3A_481 : vector<1x512xf32> to vector<128x512xf32>
    %add3A_484 = arith.addf %add3A_482, %add3A_483 : vector<128x512xf32>
    %abs3A_485 = math.absf %add3A_484 : vector<128x512xf32>
    %get3A_486 = arith.constant 0 : index
    %get3A_487 = arith.constant 31 : index
    %get3A_488 = vector.load %arg12[%get3A_486, %get3A_487] : memref<1x64xf32, #tpu.memory_space<vmem>>, vector<1x1xf32>
    %mul3A_489 = vector.broadcast %get3A_488 : vector<1x1xf32> to vector<128x512xf32>
    %mul3A_490 = arith.mulf %abs3A_485, %mul3A_489 : vector<128x512xf32>
    %add3A_491 = arith.addf %add3A_479, %mul3A_490 : vector<128x512xf32>
    %slice3A_492 = vector.extract_strided_slice %add3A_81 {offsets = [0, 32], sizes = [128, 1], strides = [1, 1]} : vector<512x64xf32> to vector<128x1xf32>
    %slice3A_493 = vector.extract_strided_slice %transpose3A_85 {offsets = [32, 0], sizes = [1, 512], strides = [1, 1]} : vector<64x512xf32> to vector<1x512xf32>
    %add3A_494 = vector.broadcast %slice3A_492 : vector<128x1xf32> to vector<128x512xf32>
    %add3A_495 = vector.broadcast %slice3A_493 : vector<1x512xf32> to vector<128x512xf32>
    %add3A_496 = arith.addf %add3A_494, %add3A_495 : vector<128x512xf32>
    %abs3A_497 = math.absf %add3A_496 : vector<128x512xf32>
    %get3A_498 = arith.constant 0 : index
    %get3A_499 = arith.constant 32 : index
    %get3A_500 = vector.load %arg12[%get3A_498, %get3A_499] : memref<1x64xf32, #tpu.memory_space<vmem>>, vector<1x1xf32>
    %mul3A_501 = vector.broadcast %get3A_500 : vector<1x1xf32> to vector<128x512xf32>
    %mul3A_502 = arith.mulf %abs3A_497, %mul3A_501 : vector<128x512xf32>
    %add3A_503 = arith.addf %add3A_491, %mul3A_502 : vector<128x512xf32>
    %slice3A_504 = vector.extract_strided_slice %add3A_81 {offsets = [0, 33], sizes = [128, 1], strides = [1, 1]} : vector<512x64xf32> to vector<128x1xf32>
    %slice3A_505 = vector.extract_strided_slice %transpose3A_85 {offsets = [33, 0], sizes = [1, 512], strides = [1, 1]} : vector<64x512xf32> to vector<1x512xf32>
    %add3A_506 = vector.broadcast %slice3A_504 : vector<128x1xf32> to vector<128x512xf32>
    %add3A_507 = vector.broadcast %slice3A_505 : vector<1x512xf32> to vector<128x512xf32>
    %add3A_508 = arith.addf %add3A_506, %add3A_507 : vector<128x512xf32>
    %abs3A_509 = math.absf %add3A_508 : vector<128x512xf32>
    %get3A_510 = arith.constant 0 : index
    %get3A_511 = arith.constant 33 : index
    %get3A_512 = vector.load %arg12[%get3A_510, %get3A_511] : memref<1x64xf32, #tpu.memory_space<vmem>>, vector<1x1xf32>
    %mul3A_513 = vector.broadcast %get3A_512 : vector<1x1xf32> to vector<128x512xf32>
    %mul3A_514 = arith.mulf %abs3A_509, %mul3A_513 : vector<128x512xf32>
    %add3A_515 = arith.addf %add3A_503, %mul3A_514 : vector<128x512xf32>
    %slice3A_516 = vector.extract_strided_slice %add3A_81 {offsets = [0, 34], sizes = [128, 1], strides = [1, 1]} : vector<512x64xf32> to vector<128x1xf32>
    %slice3A_517 = vector.extract_strided_slice %transpose3A_85 {offsets = [34, 0], sizes = [1, 512], strides = [1, 1]} : vector<64x512xf32> to vector<1x512xf32>
    %add3A_518 = vector.broadcast %slice3A_516 : vector<128x1xf32> to vector<128x512xf32>
    %add3A_519 = vector.broadcast %slice3A_517 : vector<1x512xf32> to vector<128x512xf32>
    %add3A_520 = arith.addf %add3A_518, %add3A_519 : vector<128x512xf32>
    %abs3A_521 = math.absf %add3A_520 : vector<128x512xf32>
    %get3A_522 = arith.constant 0 : index
    %get3A_523 = arith.constant 34 : index
    %get3A_524 = vector.load %arg12[%get3A_522, %get3A_523] : memref<1x64xf32, #tpu.memory_space<vmem>>, vector<1x1xf32>
    %mul3A_525 = vector.broadcast %get3A_524 : vector<1x1xf32> to vector<128x512xf32>
    %mul3A_526 = arith.mulf %abs3A_521, %mul3A_525 : vector<128x512xf32>
    %add3A_527 = arith.addf %add3A_515, %mul3A_526 : vector<128x512xf32>
    %slice3A_528 = vector.extract_strided_slice %add3A_81 {offsets = [0, 35], sizes = [128, 1], strides = [1, 1]} : vector<512x64xf32> to vector<128x1xf32>
    %slice3A_529 = vector.extract_strided_slice %transpose3A_85 {offsets = [35, 0], sizes = [1, 512], strides = [1, 1]} : vector<64x512xf32> to vector<1x512xf32>
    %add3A_530 = vector.broadcast %slice3A_528 : vector<128x1xf32> to vector<128x512xf32>
    %add3A_531 = vector.broadcast %slice3A_529 : vector<1x512xf32> to vector<128x512xf32>
    %add3A_532 = arith.addf %add3A_530, %add3A_531 : vector<128x512xf32>
    %abs3A_533 = math.absf %add3A_532 : vector<128x512xf32>
    %get3A_534 = arith.constant 0 : index
    %get3A_535 = arith.constant 35 : index
    %get3A_536 = vector.load %arg12[%get3A_534, %get3A_535] : memref<1x64xf32, #tpu.memory_space<vmem>>, vector<1x1xf32>
    %mul3A_537 = vector.broadcast %get3A_536 : vector<1x1xf32> to vector<128x512xf32>
    %mul3A_538 = arith.mulf %abs3A_533, %mul3A_537 : vector<128x512xf32>
    %add3A_539 = arith.addf %add3A_527, %mul3A_538 : vector<128x512xf32>
    %slice3A_540 = vector.extract_strided_slice %add3A_81 {offsets = [0, 36], sizes = [128, 1], strides = [1, 1]} : vector<512x64xf32> to vector<128x1xf32>
    %slice3A_541 = vector.extract_strided_slice %transpose3A_85 {offsets = [36, 0], sizes = [1, 512], strides = [1, 1]} : vector<64x512xf32> to vector<1x512xf32>
    %add3A_542 = vector.broadcast %slice3A_540 : vector<128x1xf32> to vector<128x512xf32>
    %add3A_543 = vector.broadcast %slice3A_541 : vector<1x512xf32> to vector<128x512xf32>
    %add3A_544 = arith.addf %add3A_542, %add3A_543 : vector<128x512xf32>
    %abs3A_545 = math.absf %add3A_544 : vector<128x512xf32>
    %get3A_546 = arith.constant 0 : index
    %get3A_547 = arith.constant 36 : index
    %get3A_548 = vector.load %arg12[%get3A_546, %get3A_547] : memref<1x64xf32, #tpu.memory_space<vmem>>, vector<1x1xf32>
    %mul3A_549 = vector.broadcast %get3A_548 : vector<1x1xf32> to vector<128x512xf32>
    %mul3A_550 = arith.mulf %abs3A_545, %mul3A_549 : vector<128x512xf32>
    %add3A_551 = arith.addf %add3A_539, %mul3A_550 : vector<128x512xf32>
    %slice3A_552 = vector.extract_strided_slice %add3A_81 {offsets = [0, 37], sizes = [128, 1], strides = [1, 1]} : vector<512x64xf32> to vector<128x1xf32>
    %slice3A_553 = vector.extract_strided_slice %transpose3A_85 {offsets = [37, 0], sizes = [1, 512], strides = [1, 1]} : vector<64x512xf32> to vector<1x512xf32>
    %add3A_554 = vector.broadcast %slice3A_552 : vector<128x1xf32> to vector<128x512xf32>
    %add3A_555 = vector.broadcast %slice3A_553 : vector<1x512xf32> to vector<128x512xf32>
    %add3A_556 = arith.addf %add3A_554, %add3A_555 : vector<128x512xf32>
    %abs3A_557 = math.absf %add3A_556 : vector<128x512xf32>
    %get3A_558 = arith.constant 0 : index
    %get3A_559 = arith.constant 37 : index
    %get3A_560 = vector.load %arg12[%get3A_558, %get3A_559] : memref<1x64xf32, #tpu.memory_space<vmem>>, vector<1x1xf32>
    %mul3A_561 = vector.broadcast %get3A_560 : vector<1x1xf32> to vector<128x512xf32>
    %mul3A_562 = arith.mulf %abs3A_557, %mul3A_561 : vector<128x512xf32>
    %add3A_563 = arith.addf %add3A_551, %mul3A_562 : vector<128x512xf32>
    %slice3A_564 = vector.extract_strided_slice %add3A_81 {offsets = [0, 38], sizes = [128, 1], strides = [1, 1]} : vector<512x64xf32> to vector<128x1xf32>
    %slice3A_565 = vector.extract_strided_slice %transpose3A_85 {offsets = [38, 0], sizes = [1, 512], strides = [1, 1]} : vector<64x512xf32> to vector<1x512xf32>
    %add3A_566 = vector.broadcast %slice3A_564 : vector<128x1xf32> to vector<128x512xf32>
    %add3A_567 = vector.broadcast %slice3A_565 : vector<1x512xf32> to vector<128x512xf32>
    %add3A_568 = arith.addf %add3A_566, %add3A_567 : vector<128x512xf32>
    %abs3A_569 = math.absf %add3A_568 : vector<128x512xf32>
    %get3A_570 = arith.constant 0 : index
    %get3A_571 = arith.constant 38 : index
    %get3A_572 = vector.load %arg12[%get3A_570, %get3A_571] : memref<1x64xf32, #tpu.memory_space<vmem>>, vector<1x1xf32>
    %mul3A_573 = vector.broadcast %get3A_572 : vector<1x1xf32> to vector<128x512xf32>
    %mul3A_574 = arith.mulf %abs3A_569, %mul3A_573 : vector<128x512xf32>
    %add3A_575 = arith.addf %add3A_563, %mul3A_574 : vector<128x512xf32>
    %slice3A_576 = vector.extract_strided_slice %add3A_81 {offsets = [0, 39], sizes = [128, 1], strides = [1, 1]} : vector<512x64xf32> to vector<128x1xf32>
    %slice3A_577 = vector.extract_strided_slice %transpose3A_85 {offsets = [39, 0], sizes = [1, 512], strides = [1, 1]} : vector<64x512xf32> to vector<1x512xf32>
    %add3A_578 = vector.broadcast %slice3A_576 : vector<128x1xf32> to vector<128x512xf32>
    %add3A_579 = vector.broadcast %slice3A_577 : vector<1x512xf32> to vector<128x512xf32>
    %add3A_580 = arith.addf %add3A_578, %add3A_579 : vector<128x512xf32>
    %abs3A_581 = math.absf %add3A_580 : vector<128x512xf32>
    %get3A_582 = arith.constant 0 : index
    %get3A_583 = arith.constant 39 : index
    %get3A_584 = vector.load %arg12[%get3A_582, %get3A_583] : memref<1x64xf32, #tpu.memory_space<vmem>>, vector<1x1xf32>
    %mul3A_585 = vector.broadcast %get3A_584 : vector<1x1xf32> to vector<128x512xf32>
    %mul3A_586 = arith.mulf %abs3A_581, %mul3A_585 : vector<128x512xf32>
    %add3A_587 = arith.addf %add3A_575, %mul3A_586 : vector<128x512xf32>
    %slice3A_588 = vector.extract_strided_slice %add3A_81 {offsets = [0, 40], sizes = [128, 1], strides = [1, 1]} : vector<512x64xf32> to vector<128x1xf32>
    %slice3A_589 = vector.extract_strided_slice %transpose3A_85 {offsets = [40, 0], sizes = [1, 512], strides = [1, 1]} : vector<64x512xf32> to vector<1x512xf32>
    %add3A_590 = vector.broadcast %slice3A_588 : vector<128x1xf32> to vector<128x512xf32>
    %add3A_591 = vector.broadcast %slice3A_589 : vector<1x512xf32> to vector<128x512xf32>
    %add3A_592 = arith.addf %add3A_590, %add3A_591 : vector<128x512xf32>
    %abs3A_593 = math.absf %add3A_592 : vector<128x512xf32>
    %get3A_594 = arith.constant 0 : index
    %get3A_595 = arith.constant 40 : index
    %get3A_596 = vector.load %arg12[%get3A_594, %get3A_595] : memref<1x64xf32, #tpu.memory_space<vmem>>, vector<1x1xf32>
    %mul3A_597 = vector.broadcast %get3A_596 : vector<1x1xf32> to vector<128x512xf32>
    %mul3A_598 = arith.mulf %abs3A_593, %mul3A_597 : vector<128x512xf32>
    %add3A_599 = arith.addf %add3A_587, %mul3A_598 : vector<128x512xf32>
    %slice3A_600 = vector.extract_strided_slice %add3A_81 {offsets = [0, 41], sizes = [128, 1], strides = [1, 1]} : vector<512x64xf32> to vector<128x1xf32>
    %slice3A_601 = vector.extract_strided_slice %transpose3A_85 {offsets = [41, 0], sizes = [1, 512], strides = [1, 1]} : vector<64x512xf32> to vector<1x512xf32>
    %add3A_602 = vector.broadcast %slice3A_600 : vector<128x1xf32> to vector<128x512xf32>
    %add3A_603 = vector.broadcast %slice3A_601 : vector<1x512xf32> to vector<128x512xf32>
    %add3A_604 = arith.addf %add3A_602, %add3A_603 : vector<128x512xf32>
    %abs3A_605 = math.absf %add3A_604 : vector<128x512xf32>
    %get3A_606 = arith.constant 0 : index
    %get3A_607 = arith.constant 41 : index
    %get3A_608 = vector.load %arg12[%get3A_606, %get3A_607] : memref<1x64xf32, #tpu.memory_space<vmem>>, vector<1x1xf32>
    %mul3A_609 = vector.broadcast %get3A_608 : vector<1x1xf32> to vector<128x512xf32>
    %mul3A_610 = arith.mulf %abs3A_605, %mul3A_609 : vector<128x512xf32>
    %add3A_611 = arith.addf %add3A_599, %mul3A_610 : vector<128x512xf32>
    %slice3A_612 = vector.extract_strided_slice %add3A_81 {offsets = [0, 42], sizes = [128, 1], strides = [1, 1]} : vector<512x64xf32> to vector<128x1xf32>
    %slice3A_613 = vector.extract_strided_slice %transpose3A_85 {offsets = [42, 0], sizes = [1, 512], strides = [1, 1]} : vector<64x512xf32> to vector<1x512xf32>
    %add3A_614 = vector.broadcast %slice3A_612 : vector<128x1xf32> to vector<128x512xf32>
    %add3A_615 = vector.broadcast %slice3A_613 : vector<1x512xf32> to vector<128x512xf32>
    %add3A_616 = arith.addf %add3A_614, %add3A_615 : vector<128x512xf32>
    %abs3A_617 = math.absf %add3A_616 : vector<128x512xf32>
    %get3A_618 = arith.constant 0 : index
    %get3A_619 = arith.constant 42 : index
    %get3A_620 = vector.load %arg12[%get3A_618, %get3A_619] : memref<1x64xf32, #tpu.memory_space<vmem>>, vector<1x1xf32>
    %mul3A_621 = vector.broadcast %get3A_620 : vector<1x1xf32> to vector<128x512xf32>
    %mul3A_622 = arith.mulf %abs3A_617, %mul3A_621 : vector<128x512xf32>
    %add3A_623 = arith.addf %add3A_611, %mul3A_622 : vector<128x512xf32>
    %slice3A_624 = vector.extract_strided_slice %add3A_81 {offsets = [0, 43], sizes = [128, 1], strides = [1, 1]} : vector<512x64xf32> to vector<128x1xf32>
    %slice3A_625 = vector.extract_strided_slice %transpose3A_85 {offsets = [43, 0], sizes = [1, 512], strides = [1, 1]} : vector<64x512xf32> to vector<1x512xf32>
    %add3A_626 = vector.broadcast %slice3A_624 : vector<128x1xf32> to vector<128x512xf32>
    %add3A_627 = vector.broadcast %slice3A_625 : vector<1x512xf32> to vector<128x512xf32>
    %add3A_628 = arith.addf %add3A_626, %add3A_627 : vector<128x512xf32>
    %abs3A_629 = math.absf %add3A_628 : vector<128x512xf32>
    %get3A_630 = arith.constant 0 : index
    %get3A_631 = arith.constant 43 : index
    %get3A_632 = vector.load %arg12[%get3A_630, %get3A_631] : memref<1x64xf32, #tpu.memory_space<vmem>>, vector<1x1xf32>
    %mul3A_633 = vector.broadcast %get3A_632 : vector<1x1xf32> to vector<128x512xf32>
    %mul3A_634 = arith.mulf %abs3A_629, %mul3A_633 : vector<128x512xf32>
    %add3A_635 = arith.addf %add3A_623, %mul3A_634 : vector<128x512xf32>
    %slice3A_636 = vector.extract_strided_slice %add3A_81 {offsets = [0, 44], sizes = [128, 1], strides = [1, 1]} : vector<512x64xf32> to vector<128x1xf32>
    %slice3A_637 = vector.extract_strided_slice %transpose3A_85 {offsets = [44, 0], sizes = [1, 512], strides = [1, 1]} : vector<64x512xf32> to vector<1x512xf32>
    %add3A_638 = vector.broadcast %slice3A_636 : vector<128x1xf32> to vector<128x512xf32>
    %add3A_639 = vector.broadcast %slice3A_637 : vector<1x512xf32> to vector<128x512xf32>
    %add3A_640 = arith.addf %add3A_638, %add3A_639 : vector<128x512xf32>
    %abs3A_641 = math.absf %add3A_640 : vector<128x512xf32>
    %get3A_642 = arith.constant 0 : index
    %get3A_643 = arith.constant 44 : index
    %get3A_644 = vector.load %arg12[%get3A_642, %get3A_643] : memref<1x64xf32, #tpu.memory_space<vmem>>, vector<1x1xf32>
    %mul3A_645 = vector.broadcast %get3A_644 : vector<1x1xf32> to vector<128x512xf32>
    %mul3A_646 = arith.mulf %abs3A_641, %mul3A_645 : vector<128x512xf32>
    %add3A_647 = arith.addf %add3A_635, %mul3A_646 : vector<128x512xf32>
    %slice3A_648 = vector.extract_strided_slice %add3A_81 {offsets = [0, 45], sizes = [128, 1], strides = [1, 1]} : vector<512x64xf32> to vector<128x1xf32>
    %slice3A_649 = vector.extract_strided_slice %transpose3A_85 {offsets = [45, 0], sizes = [1, 512], strides = [1, 1]} : vector<64x512xf32> to vector<1x512xf32>
    %add3A_650 = vector.broadcast %slice3A_648 : vector<128x1xf32> to vector<128x512xf32>
    %add3A_651 = vector.broadcast %slice3A_649 : vector<1x512xf32> to vector<128x512xf32>
    %add3A_652 = arith.addf %add3A_650, %add3A_651 : vector<128x512xf32>
    %abs3A_653 = math.absf %add3A_652 : vector<128x512xf32>
    %get3A_654 = arith.constant 0 : index
    %get3A_655 = arith.constant 45 : index
    %get3A_656 = vector.load %arg12[%get3A_654, %get3A_655] : memref<1x64xf32, #tpu.memory_space<vmem>>, vector<1x1xf32>
    %mul3A_657 = vector.broadcast %get3A_656 : vector<1x1xf32> to vector<128x512xf32>
    %mul3A_658 = arith.mulf %abs3A_653, %mul3A_657 : vector<128x512xf32>
    %add3A_659 = arith.addf %add3A_647, %mul3A_658 : vector<128x512xf32>
    %slice3A_660 = vector.extract_strided_slice %add3A_81 {offsets = [0, 46], sizes = [128, 1], strides = [1, 1]} : vector<512x64xf32> to vector<128x1xf32>
    %slice3A_661 = vector.extract_strided_slice %transpose3A_85 {offsets = [46, 0], sizes = [1, 512], strides = [1, 1]} : vector<64x512xf32> to vector<1x512xf32>
    %add3A_662 = vector.broadcast %slice3A_660 : vector<128x1xf32> to vector<128x512xf32>
    %add3A_663 = vector.broadcast %slice3A_661 : vector<1x512xf32> to vector<128x512xf32>
    %add3A_664 = arith.addf %add3A_662, %add3A_663 : vector<128x512xf32>
    %abs3A_665 = math.absf %add3A_664 : vector<128x512xf32>
    %get3A_666 = arith.constant 0 : index
    %get3A_667 = arith.constant 46 : index
    %get3A_668 = vector.load %arg12[%get3A_666, %get3A_667] : memref<1x64xf32, #tpu.memory_space<vmem>>, vector<1x1xf32>
    %mul3A_669 = vector.broadcast %get3A_668 : vector<1x1xf32> to vector<128x512xf32>
    %mul3A_670 = arith.mulf %abs3A_665, %mul3A_669 : vector<128x512xf32>
    %add3A_671 = arith.addf %add3A_659, %mul3A_670 : vector<128x512xf32>
    %slice3A_672 = vector.extract_strided_slice %add3A_81 {offsets = [0, 47], sizes = [128, 1], strides = [1, 1]} : vector<512x64xf32> to vector<128x1xf32>
    %slice3A_673 = vector.extract_strided_slice %transpose3A_85 {offsets = [47, 0], sizes = [1, 512], strides = [1, 1]} : vector<64x512xf32> to vector<1x512xf32>
    %add3A_674 = vector.broadcast %slice3A_672 : vector<128x1xf32> to vector<128x512xf32>
    %add3A_675 = vector.broadcast %slice3A_673 : vector<1x512xf32> to vector<128x512xf32>
    %add3A_676 = arith.addf %add3A_674, %add3A_675 : vector<128x512xf32>
    %abs3A_677 = math.absf %add3A_676 : vector<128x512xf32>
    %get3A_678 = arith.constant 0 : index
    %get3A_679 = arith.constant 47 : index
    %get3A_680 = vector.load %arg12[%get3A_678, %get3A_679] : memref<1x64xf32, #tpu.memory_space<vmem>>, vector<1x1xf32>
    %mul3A_681 = vector.broadcast %get3A_680 : vector<1x1xf32> to vector<128x512xf32>
    %mul3A_682 = arith.mulf %abs3A_677, %mul3A_681 : vector<128x512xf32>
    %add3A_683 = arith.addf %add3A_671, %mul3A_682 : vector<128x512xf32>
    %slice3A_684 = vector.extract_strided_slice %add3A_81 {offsets = [0, 48], sizes = [128, 1], strides = [1, 1]} : vector<512x64xf32> to vector<128x1xf32>
    %slice3A_685 = vector.extract_strided_slice %transpose3A_85 {offsets = [48, 0], sizes = [1, 512], strides = [1, 1]} : vector<64x512xf32> to vector<1x512xf32>
    %add3A_686 = vector.broadcast %slice3A_684 : vector<128x1xf32> to vector<128x512xf32>
    %add3A_687 = vector.broadcast %slice3A_685 : vector<1x512xf32> to vector<128x512xf32>
    %add3A_688 = arith.addf %add3A_686, %add3A_687 : vector<128x512xf32>
    %abs3A_689 = math.absf %add3A_688 : vector<128x512xf32>
    %get3A_690 = arith.constant 0 : index
    %get3A_691 = arith.constant 48 : index
    %get3A_692 = vector.load %arg12[%get3A_690, %get3A_691] : memref<1x64xf32, #tpu.memory_space<vmem>>, vector<1x1xf32>
    %mul3A_693 = vector.broadcast %get3A_692 : vector<1x1xf32> to vector<128x512xf32>
    %mul3A_694 = arith.mulf %abs3A_689, %mul3A_693 : vector<128x512xf32>
    %add3A_695 = arith.addf %add3A_683, %mul3A_694 : vector<128x512xf32>
    %slice3A_696 = vector.extract_strided_slice %add3A_81 {offsets = [0, 49], sizes = [128, 1], strides = [1, 1]} : vector<512x64xf32> to vector<128x1xf32>
    %slice3A_697 = vector.extract_strided_slice %transpose3A_85 {offsets = [49, 0], sizes = [1, 512], strides = [1, 1]} : vector<64x512xf32> to vector<1x512xf32>
    %add3A_698 = vector.broadcast %slice3A_696 : vector<128x1xf32> to vector<128x512xf32>
    %add3A_699 = vector.broadcast %slice3A_697 : vector<1x512xf32> to vector<128x512xf32>
    %add3A_700 = arith.addf %add3A_698, %add3A_699 : vector<128x512xf32>
    %abs3A_701 = math.absf %add3A_700 : vector<128x512xf32>
    %get3A_702 = arith.constant 0 : index
    %get3A_703 = arith.constant 49 : index
    %get3A_704 = vector.load %arg12[%get3A_702, %get3A_703] : memref<1x64xf32, #tpu.memory_space<vmem>>, vector<1x1xf32>
    %mul3A_705 = vector.broadcast %get3A_704 : vector<1x1xf32> to vector<128x512xf32>
    %mul3A_706 = arith.mulf %abs3A_701, %mul3A_705 : vector<128x512xf32>
    %add3A_707 = arith.addf %add3A_695, %mul3A_706 : vector<128x512xf32>
    %slice3A_708 = vector.extract_strided_slice %add3A_81 {offsets = [0, 50], sizes = [128, 1], strides = [1, 1]} : vector<512x64xf32> to vector<128x1xf32>
    %slice3A_709 = vector.extract_strided_slice %transpose3A_85 {offsets = [50, 0], sizes = [1, 512], strides = [1, 1]} : vector<64x512xf32> to vector<1x512xf32>
    %add3A_710 = vector.broadcast %slice3A_708 : vector<128x1xf32> to vector<128x512xf32>
    %add3A_711 = vector.broadcast %slice3A_709 : vector<1x512xf32> to vector<128x512xf32>
    %add3A_712 = arith.addf %add3A_710, %add3A_711 : vector<128x512xf32>
    %abs3A_713 = math.absf %add3A_712 : vector<128x512xf32>
    %get3A_714 = arith.constant 0 : index
    %get3A_715 = arith.constant 50 : index
    %get3A_716 = vector.load %arg12[%get3A_714, %get3A_715] : memref<1x64xf32, #tpu.memory_space<vmem>>, vector<1x1xf32>
    %mul3A_717 = vector.broadcast %get3A_716 : vector<1x1xf32> to vector<128x512xf32>
    %mul3A_718 = arith.mulf %abs3A_713, %mul3A_717 : vector<128x512xf32>
    %add3A_719 = arith.addf %add3A_707, %mul3A_718 : vector<128x512xf32>
    %slice3A_720 = vector.extract_strided_slice %add3A_81 {offsets = [0, 51], sizes = [128, 1], strides = [1, 1]} : vector<512x64xf32> to vector<128x1xf32>
    %slice3A_721 = vector.extract_strided_slice %transpose3A_85 {offsets = [51, 0], sizes = [1, 512], strides = [1, 1]} : vector<64x512xf32> to vector<1x512xf32>
    %add3A_722 = vector.broadcast %slice3A_720 : vector<128x1xf32> to vector<128x512xf32>
    %add3A_723 = vector.broadcast %slice3A_721 : vector<1x512xf32> to vector<128x512xf32>
    %add3A_724 = arith.addf %add3A_722, %add3A_723 : vector<128x512xf32>
    %abs3A_725 = math.absf %add3A_724 : vector<128x512xf32>
    %get3A_726 = arith.constant 0 : index
    %get3A_727 = arith.constant 51 : index
    %get3A_728 = vector.load %arg12[%get3A_726, %get3A_727] : memref<1x64xf32, #tpu.memory_space<vmem>>, vector<1x1xf32>
    %mul3A_729 = vector.broadcast %get3A_728 : vector<1x1xf32> to vector<128x512xf32>
    %mul3A_730 = arith.mulf %abs3A_725, %mul3A_729 : vector<128x512xf32>
    %add3A_731 = arith.addf %add3A_719, %mul3A_730 : vector<128x512xf32>
    %slice3A_732 = vector.extract_strided_slice %add3A_81 {offsets = [0, 52], sizes = [128, 1], strides = [1, 1]} : vector<512x64xf32> to vector<128x1xf32>
    %slice3A_733 = vector.extract_strided_slice %transpose3A_85 {offsets = [52, 0], sizes = [1, 512], strides = [1, 1]} : vector<64x512xf32> to vector<1x512xf32>
    %add3A_734 = vector.broadcast %slice3A_732 : vector<128x1xf32> to vector<128x512xf32>
    %add3A_735 = vector.broadcast %slice3A_733 : vector<1x512xf32> to vector<128x512xf32>
    %add3A_736 = arith.addf %add3A_734, %add3A_735 : vector<128x512xf32>
    %abs3A_737 = math.absf %add3A_736 : vector<128x512xf32>
    %get3A_738 = arith.constant 0 : index
    %get3A_739 = arith.constant 52 : index
    %get3A_740 = vector.load %arg12[%get3A_738, %get3A_739] : memref<1x64xf32, #tpu.memory_space<vmem>>, vector<1x1xf32>
    %mul3A_741 = vector.broadcast %get3A_740 : vector<1x1xf32> to vector<128x512xf32>
    %mul3A_742 = arith.mulf %abs3A_737, %mul3A_741 : vector<128x512xf32>
    %add3A_743 = arith.addf %add3A_731, %mul3A_742 : vector<128x512xf32>
    %slice3A_744 = vector.extract_strided_slice %add3A_81 {offsets = [0, 53], sizes = [128, 1], strides = [1, 1]} : vector<512x64xf32> to vector<128x1xf32>
    %slice3A_745 = vector.extract_strided_slice %transpose3A_85 {offsets = [53, 0], sizes = [1, 512], strides = [1, 1]} : vector<64x512xf32> to vector<1x512xf32>
    %add3A_746 = vector.broadcast %slice3A_744 : vector<128x1xf32> to vector<128x512xf32>
    %add3A_747 = vector.broadcast %slice3A_745 : vector<1x512xf32> to vector<128x512xf32>
    %add3A_748 = arith.addf %add3A_746, %add3A_747 : vector<128x512xf32>
    %abs3A_749 = math.absf %add3A_748 : vector<128x512xf32>
    %get3A_750 = arith.constant 0 : index
    %get3A_751 = arith.constant 53 : index
    %get3A_752 = vector.load %arg12[%get3A_750, %get3A_751] : memref<1x64xf32, #tpu.memory_space<vmem>>, vector<1x1xf32>
    %mul3A_753 = vector.broadcast %get3A_752 : vector<1x1xf32> to vector<128x512xf32>
    %mul3A_754 = arith.mulf %abs3A_749, %mul3A_753 : vector<128x512xf32>
    %add3A_755 = arith.addf %add3A_743, %mul3A_754 : vector<128x512xf32>
    %slice3A_756 = vector.extract_strided_slice %add3A_81 {offsets = [0, 54], sizes = [128, 1], strides = [1, 1]} : vector<512x64xf32> to vector<128x1xf32>
    %slice3A_757 = vector.extract_strided_slice %transpose3A_85 {offsets = [54, 0], sizes = [1, 512], strides = [1, 1]} : vector<64x512xf32> to vector<1x512xf32>
    %add3A_758 = vector.broadcast %slice3A_756 : vector<128x1xf32> to vector<128x512xf32>
    %add3A_759 = vector.broadcast %slice3A_757 : vector<1x512xf32> to vector<128x512xf32>
    %add3A_760 = arith.addf %add3A_758, %add3A_759 : vector<128x512xf32>
    %abs3A_761 = math.absf %add3A_760 : vector<128x512xf32>
    %get3A_762 = arith.constant 0 : index
    %get3A_763 = arith.constant 54 : index
    %get3A_764 = vector.load %arg12[%get3A_762, %get3A_763] : memref<1x64xf32, #tpu.memory_space<vmem>>, vector<1x1xf32>
    %mul3A_765 = vector.broadcast %get3A_764 : vector<1x1xf32> to vector<128x512xf32>
    %mul3A_766 = arith.mulf %abs3A_761, %mul3A_765 : vector<128x512xf32>
    %add3A_767 = arith.addf %add3A_755, %mul3A_766 : vector<128x512xf32>
    %slice3A_768 = vector.extract_strided_slice %add3A_81 {offsets = [0, 55], sizes = [128, 1], strides = [1, 1]} : vector<512x64xf32> to vector<128x1xf32>
    %slice3A_769 = vector.extract_strided_slice %transpose3A_85 {offsets = [55, 0], sizes = [1, 512], strides = [1, 1]} : vector<64x512xf32> to vector<1x512xf32>
    %add3A_770 = vector.broadcast %slice3A_768 : vector<128x1xf32> to vector<128x512xf32>
    %add3A_771 = vector.broadcast %slice3A_769 : vector<1x512xf32> to vector<128x512xf32>
    %add3A_772 = arith.addf %add3A_770, %add3A_771 : vector<128x512xf32>
    %abs3A_773 = math.absf %add3A_772 : vector<128x512xf32>
    %get3A_774 = arith.constant 0 : index
    %get3A_775 = arith.constant 55 : index
    %get3A_776 = vector.load %arg12[%get3A_774, %get3A_775] : memref<1x64xf32, #tpu.memory_space<vmem>>, vector<1x1xf32>
    %mul3A_777 = vector.broadcast %get3A_776 : vector<1x1xf32> to vector<128x512xf32>
    %mul3A_778 = arith.mulf %abs3A_773, %mul3A_777 : vector<128x512xf32>
    %add3A_779 = arith.addf %add3A_767, %mul3A_778 : vector<128x512xf32>
    %slice3A_780 = vector.extract_strided_slice %add3A_81 {offsets = [0, 56], sizes = [128, 1], strides = [1, 1]} : vector<512x64xf32> to vector<128x1xf32>
    %slice3A_781 = vector.extract_strided_slice %transpose3A_85 {offsets = [56, 0], sizes = [1, 512], strides = [1, 1]} : vector<64x512xf32> to vector<1x512xf32>
    %add3A_782 = vector.broadcast %slice3A_780 : vector<128x1xf32> to vector<128x512xf32>
    %add3A_783 = vector.broadcast %slice3A_781 : vector<1x512xf32> to vector<128x512xf32>
    %add3A_784 = arith.addf %add3A_782, %add3A_783 : vector<128x512xf32>
    %abs3A_785 = math.absf %add3A_784 : vector<128x512xf32>
    %get3A_786 = arith.constant 0 : index
    %get3A_787 = arith.constant 56 : index
    %get3A_788 = vector.load %arg12[%get3A_786, %get3A_787] : memref<1x64xf32, #tpu.memory_space<vmem>>, vector<1x1xf32>
    %mul3A_789 = vector.broadcast %get3A_788 : vector<1x1xf32> to vector<128x512xf32>
    %mul3A_790 = arith.mulf %abs3A_785, %mul3A_789 : vector<128x512xf32>
    %add3A_791 = arith.addf %add3A_779, %mul3A_790 : vector<128x512xf32>
    %slice3A_792 = vector.extract_strided_slice %add3A_81 {offsets = [0, 57], sizes = [128, 1], strides = [1, 1]} : vector<512x64xf32> to vector<128x1xf32>
    %slice3A_793 = vector.extract_strided_slice %transpose3A_85 {offsets = [57, 0], sizes = [1, 512], strides = [1, 1]} : vector<64x512xf32> to vector<1x512xf32>
    %add3A_794 = vector.broadcast %slice3A_792 : vector<128x1xf32> to vector<128x512xf32>
    %add3A_795 = vector.broadcast %slice3A_793 : vector<1x512xf32> to vector<128x512xf32>
    %add3A_796 = arith.addf %add3A_794, %add3A_795 : vector<128x512xf32>
    %abs3A_797 = math.absf %add3A_796 : vector<128x512xf32>
    %get3A_798 = arith.constant 0 : index
    %get3A_799 = arith.constant 57 : index
    %get3A_800 = vector.load %arg12[%get3A_798, %get3A_799] : memref<1x64xf32, #tpu.memory_space<vmem>>, vector<1x1xf32>
    %mul3A_801 = vector.broadcast %get3A_800 : vector<1x1xf32> to vector<128x512xf32>
    %mul3A_802 = arith.mulf %abs3A_797, %mul3A_801 : vector<128x512xf32>
    %add3A_803 = arith.addf %add3A_791, %mul3A_802 : vector<128x512xf32>
    %slice3A_804 = vector.extract_strided_slice %add3A_81 {offsets = [0, 58], sizes = [128, 1], strides = [1, 1]} : vector<512x64xf32> to vector<128x1xf32>
    %slice3A_805 = vector.extract_strided_slice %transpose3A_85 {offsets = [58, 0], sizes = [1, 512], strides = [1, 1]} : vector<64x512xf32> to vector<1x512xf32>
    %add3A_806 = vector.broadcast %slice3A_804 : vector<128x1xf32> to vector<128x512xf32>
    %add3A_807 = vector.broadcast %slice3A_805 : vector<1x512xf32> to vector<128x512xf32>
    %add3A_808 = arith.addf %add3A_806, %add3A_807 : vector<128x512xf32>
    %abs3A_809 = math.absf %add3A_808 : vector<128x512xf32>
    %get3A_810 = arith.constant 0 : index
    %get3A_811 = arith.constant 58 : index
    %get3A_812 = vector.load %arg12[%get3A_810, %get3A_811] : memref<1x64xf32, #tpu.memory_space<vmem>>, vector<1x1xf32>
    %mul3A_813 = vector.broadcast %get3A_812 : vector<1x1xf32> to vector<128x512xf32>
    %mul3A_814 = arith.mulf %abs3A_809, %mul3A_813 : vector<128x512xf32>
    %add3A_815 = arith.addf %add3A_803, %mul3A_814 : vector<128x512xf32>
    %slice3A_816 = vector.extract_strided_slice %add3A_81 {offsets = [0, 59], sizes = [128, 1], strides = [1, 1]} : vector<512x64xf32> to vector<128x1xf32>
    %slice3A_817 = vector.extract_strided_slice %transpose3A_85 {offsets = [59, 0], sizes = [1, 512], strides = [1, 1]} : vector<64x512xf32> to vector<1x512xf32>
    %add3A_818 = vector.broadcast %slice3A_816 : vector<128x1xf32> to vector<128x512xf32>
    %add3A_819 = vector.broadcast %slice3A_817 : vector<1x512xf32> to vector<128x512xf32>
    %add3A_820 = arith.addf %add3A_818, %add3A_819 : vector<128x512xf32>
    %abs3A_821 = math.absf %add3A_820 : vector<128x512xf32>
    %get3A_822 = arith.constant 0 : index
    %get3A_823 = arith.constant 59 : index
    %get3A_824 = vector.load %arg12[%get3A_822, %get3A_823] : memref<1x64xf32, #tpu.memory_space<vmem>>, vector<1x1xf32>
    %mul3A_825 = vector.broadcast %get3A_824 : vector<1x1xf32> to vector<128x512xf32>
    %mul3A_826 = arith.mulf %abs3A_821, %mul3A_825 : vector<128x512xf32>
    %add3A_827 = arith.addf %add3A_815, %mul3A_826 : vector<128x512xf32>
    %slice3A_828 = vector.extract_strided_slice %add3A_81 {offsets = [0, 60], sizes = [128, 1], strides = [1, 1]} : vector<512x64xf32> to vector<128x1xf32>
    %slice3A_829 = vector.extract_strided_slice %transpose3A_85 {offsets = [60, 0], sizes = [1, 512], strides = [1, 1]} : vector<64x512xf32> to vector<1x512xf32>
    %add3A_830 = vector.broadcast %slice3A_828 : vector<128x1xf32> to vector<128x512xf32>
    %add3A_831 = vector.broadcast %slice3A_829 : vector<1x512xf32> to vector<128x512xf32>
    %add3A_832 = arith.addf %add3A_830, %add3A_831 : vector<128x512xf32>
    %abs3A_833 = math.absf %add3A_832 : vector<128x512xf32>
    %get3A_834 = arith.constant 0 : index
    %get3A_835 = arith.constant 60 : index
    %get3A_836 = vector.load %arg12[%get3A_834, %get3A_835] : memref<1x64xf32, #tpu.memory_space<vmem>>, vector<1x1xf32>
    %mul3A_837 = vector.broadcast %get3A_836 : vector<1x1xf32> to vector<128x512xf32>
    %mul3A_838 = arith.mulf %abs3A_833, %mul3A_837 : vector<128x512xf32>
    %add3A_839 = arith.addf %add3A_827, %mul3A_838 : vector<128x512xf32>
    %slice3A_840 = vector.extract_strided_slice %add3A_81 {offsets = [0, 61], sizes = [128, 1], strides = [1, 1]} : vector<512x64xf32> to vector<128x1xf32>
    %slice3A_841 = vector.extract_strided_slice %transpose3A_85 {offsets = [61, 0], sizes = [1, 512], strides = [1, 1]} : vector<64x512xf32> to vector<1x512xf32>
    %add3A_842 = vector.broadcast %slice3A_840 : vector<128x1xf32> to vector<128x512xf32>
    %add3A_843 = vector.broadcast %slice3A_841 : vector<1x512xf32> to vector<128x512xf32>
    %add3A_844 = arith.addf %add3A_842, %add3A_843 : vector<128x512xf32>
    %abs3A_845 = math.absf %add3A_844 : vector<128x512xf32>
    %get3A_846 = arith.constant 0 : index
    %get3A_847 = arith.constant 61 : index
    %get3A_848 = vector.load %arg12[%get3A_846, %get3A_847] : memref<1x64xf32, #tpu.memory_space<vmem>>, vector<1x1xf32>
    %mul3A_849 = vector.broadcast %get3A_848 : vector<1x1xf32> to vector<128x512xf32>
    %mul3A_850 = arith.mulf %abs3A_845, %mul3A_849 : vector<128x512xf32>
    %add3A_851 = arith.addf %add3A_839, %mul3A_850 : vector<128x512xf32>
    %slice3A_852 = vector.extract_strided_slice %add3A_81 {offsets = [0, 62], sizes = [128, 1], strides = [1, 1]} : vector<512x64xf32> to vector<128x1xf32>
    %slice3A_853 = vector.extract_strided_slice %transpose3A_85 {offsets = [62, 0], sizes = [1, 512], strides = [1, 1]} : vector<64x512xf32> to vector<1x512xf32>
    %add3A_854 = vector.broadcast %slice3A_852 : vector<128x1xf32> to vector<128x512xf32>
    %add3A_855 = vector.broadcast %slice3A_853 : vector<1x512xf32> to vector<128x512xf32>
    %add3A_856 = arith.addf %add3A_854, %add3A_855 : vector<128x512xf32>
    %abs3A_857 = math.absf %add3A_856 : vector<128x512xf32>
    %get3A_858 = arith.constant 0 : index
    %get3A_859 = arith.constant 62 : index
    %get3A_860 = vector.load %arg12[%get3A_858, %get3A_859] : memref<1x64xf32, #tpu.memory_space<vmem>>, vector<1x1xf32>
    %mul3A_861 = vector.broadcast %get3A_860 : vector<1x1xf32> to vector<128x512xf32>
    %mul3A_862 = arith.mulf %abs3A_857, %mul3A_861 : vector<128x512xf32>
    %add3A_863 = arith.addf %add3A_851, %mul3A_862 : vector<128x512xf32>
    %slice3A_864 = vector.extract_strided_slice %add3A_81 {offsets = [0, 63], sizes = [128, 1], strides = [1, 1]} : vector<512x64xf32> to vector<128x1xf32>
    %slice3A_865 = vector.extract_strided_slice %transpose3A_85 {offsets = [63, 0], sizes = [1, 512], strides = [1, 1]} : vector<64x512xf32> to vector<1x512xf32>
    %add3A_866 = vector.broadcast %slice3A_864 : vector<128x1xf32> to vector<128x512xf32>
    %add3A_867 = vector.broadcast %slice3A_865 : vector<1x512xf32> to vector<128x512xf32>
    %add3A_868 = arith.addf %add3A_866, %add3A_867 : vector<128x512xf32>
    %abs3A_869 = math.absf %add3A_868 : vector<128x512xf32>
    %get3A_870 = arith.constant 0 : index
    %get3A_871 = arith.constant 63 : index
    %get3A_872 = vector.load %arg12[%get3A_870, %get3A_871] : memref<1x64xf32, #tpu.memory_space<vmem>>, vector<1x1xf32>
    %mul3A_873 = vector.broadcast %get3A_872 : vector<1x1xf32> to vector<128x512xf32>
    %mul3A_874 = arith.mulf %abs3A_869, %mul3A_873 : vector<128x512xf32>
    %add3A_875 = arith.addf %add3A_863, %mul3A_874 : vector<128x512xf32>
    %mul3A_876 = arith.constant 5.000000e-01 : f32
    %mul3A_877 = vector.broadcast %mul3A_876 : f32 to vector<128x512xf32>
    %mul3A_878 = arith.mulf %add3A_875, %mul3A_877 : vector<128x512xf32>
    %logistic3A = arith.negf %mul3A_878 : vector<128x512xf32>
    %logistic3A_879 = math.exp %logistic3A : vector<128x512xf32>
    %logistic3A_880 = arith.constant 1.000000e+00 : f32
    %logistic3A_881 = vector.broadcast %logistic3A_880 : f32 to vector<128x512xf32>
    %logistic3A_882 = arith.addf %logistic3A_881, %logistic3A_879 : vector<128x512xf32>
    %logistic3A_883 = arith.divf %logistic3A_881, %logistic3A_882 : vector<128x512xf32>
    %slice3A_884 = vector.extract_strided_slice %logistic3A_883 {offsets = [0, 0], sizes = [128, 128], strides = [1, 1]} : vector<128x512xf32> to vector<128x128xf32>
    %jit3A = arith.constant 0.000000e+00 : f32
    %broadcast_in_dim3A_885 = vector.broadcast %jit3A : f32 to vector<128x128xf32>
    %select_n3A = arith.select %lt3A, %slice3A_884, %broadcast_in_dim3A_885 : vector<128x128xi1>, vector<128x128xf32>
    %transpose3A_886 = tpu.transpose %select_n3A, [1, 0] : vector<128x128xf32> -> vector<128x128xf32>
    %add3A_887 = arith.addf %select_n3A, %transpose3A_886 : vector<128x128xf32>
    %swap3A = arith.constant 0 : index
    %swap3A_888 = arith.constant 0 : index
    %swap3A_889 = arith.constant 0 : index
    %swap3A_890 = vector.load %arg14[%swap3A, %swap3A_888, %swap3A_889] : memref<1x512x512xf32, #tpu.memory_space<vmem>>, vector<1x128x128xf32>
    %swap3A_891 = vector.shape_cast %swap3A_890 : vector<1x128x128xf32> to vector<128x128xf32>
    %swap3A_892 = vector.shape_cast %add3A_887 : vector<128x128xf32> to vector<1x128x128xf32>
    tpu.vector_store %arg14[%swap3A, %swap3A_888, %swap3A_889], %swap3A_892 {strides = array<i32>} : memref<1x512x512xf32, #tpu.memory_space<vmem>>, vector<1x128x128xf32>,
    %slice3A_893 = vector.extract_strided_slice %logistic3A_883 {offsets = [0, 128], sizes = [128, 128], strides = [1, 1]} : vector<128x512xf32> to vector<128x128xf32>
    %swap3A_894 = arith.constant 0 : index
    %swap3A_895 = arith.constant 0 : index
    %swap3A_896 = arith.constant 128 : index
    %swap3A_897 = vector.load %arg14[%swap3A_894, %swap3A_895, %swap3A_896] : memref<1x512x512xf32, #tpu.memory_space<vmem>>, vector<1x128x128xf32>
    %swap3A_898 = vector.shape_cast %swap3A_897 : vector<1x128x128xf32> to vector<128x128xf32>
    %swap3A_899 = vector.shape_cast %slice3A_893 : vector<128x128xf32> to vector<1x128x128xf32>
    tpu.vector_store %arg14[%swap3A_894, %swap3A_895, %swap3A_896], %swap3A_899 {strides = array<i32>} : memref<1x512x512xf32, #tpu.memory_space<vmem>>, vector<1x128x128xf32>,
    %transpose3A_900 = tpu.transpose %slice3A_893, [1, 0] : vector<128x128xf32> -> vector<128x128xf32>
    %swap3A_901 = arith.constant 0 : index
    %swap3A_902 = arith.constant 128 : index
    %swap3A_903 = arith.constant 0 : index
    %swap3A_904 = vector.load %arg14[%swap3A_901, %swap3A_902, %swap3A_903] : memref<1x512x512xf32, #tpu.memory_space<vmem>>, vector<1x128x128xf32>
    %swap3A_905 = vector.shape_cast %swap3A_904 : vector<1x128x128xf32> to vector<128x128xf32>
    %swap3A_906 = vector.shape_cast %transpose3A_900 : vector<128x128xf32> to vector<1x128x128xf32>
    tpu.vector_store %arg14[%swap3A_901, %swap3A_902, %swap3A_903], %swap3A_906 {strides = array<i32>} : memref<1x512x512xf32, #tpu.memory_space<vmem>>, vector<1x128x128xf32>,
    %slice3A_907 = vector.extract_strided_slice %logistic3A_883 {offsets = [0, 256], sizes = [128, 128], strides = [1, 1]} : vector<128x512xf32> to vector<128x128xf32>
    %swap3A_908 = arith.constant 0 : index
    %swap3A_909 = arith.constant 0 : index
    %swap3A_910 = arith.constant 256 : index
    %swap3A_911 = vector.load %arg14[%swap3A_908, %swap3A_909, %swap3A_910] : memref<1x512x512xf32, #tpu.memory_space<vmem>>, vector<1x128x128xf32>
    %swap3A_912 = vector.shape_cast %swap3A_911 : vector<1x128x128xf32> to vector<128x128xf32>
    %swap3A_913 = vector.shape_cast %slice3A_907 : vector<128x128xf32> to vector<1x128x128xf32>
    tpu.vector_store %arg14[%swap3A_908, %swap3A_909, %swap3A_910], %swap3A_913 {strides = array<i32>} : memref<1x512x512xf32, #tpu.memory_space<vmem>>, vector<1x128x128xf32>,
    %transpose3A_914 = tpu.transpose %slice3A_907, [1, 0] : vector<128x128xf32> -> vector<128x128xf32>
    %swap3A_915 = arith.constant 0 : index
    %swap3A_916 = arith.constant 256 : index
    %swap3A_917 = arith.constant 0 : index
    %swap3A_918 = vector.load %arg14[%swap3A_915, %swap3A_916, %swap3A_917] : memref<1x512x512xf32, #tpu.memory_space<vmem>>, vector<1x128x128xf32>
    %swap3A_919 = vector.shape_cast %swap3A_918 : vector<1x128x128xf32> to vector<128x128xf32>
    %swap3A_920 = vector.shape_cast %transpose3A_914 : vector<128x128xf32> to vector<1x128x128xf32>
    tpu.vector_store %arg14[%swap3A_915, %swap3A_916, %swap3A_917], %swap3A_920 {strides = array<i32>} : memref<1x512x512xf32, #tpu.memory_space<vmem>>, vector<1x128x128xf32>,
    %slice3A_921 = vector.extract_strided_slice %logistic3A_883 {offsets = [0, 384], sizes = [128, 128], strides = [1, 1]} : vector<128x512xf32> to vector<128x128xf32>
    %swap3A_922 = arith.constant 0 : index
    %swap3A_923 = arith.constant 0 : index
    %swap3A_924 = arith.constant 384 : index
    %swap3A_925 = vector.load %arg14[%swap3A_922, %swap3A_923, %swap3A_924] : memref<1x512x512xf32, #tpu.memory_space<vmem>>, vector<1x128x128xf32>
    %swap3A_926 = vector.shape_cast %swap3A_925 : vector<1x128x128xf32> to vector<128x128xf32>
    %swap3A_927 = vector.shape_cast %slice3A_921 : vector<128x128xf32> to vector<1x128x128xf32>
    tpu.vector_store %arg14[%swap3A_922, %swap3A_923, %swap3A_924], %swap3A_927 {strides = array<i32>} : memref<1x512x512xf32, #tpu.memory_space<vmem>>, vector<1x128x128xf32>,
    %transpose3A_928 = tpu.transpose %slice3A_921, [1, 0] : vector<128x128xf32> -> vector<128x128xf32>
    %swap3A_929 = arith.constant 0 : index
    %swap3A_930 = arith.constant 384 : index
    %swap3A_931 = arith.constant 0 : index
    %swap3A_932 = vector.load %arg14[%swap3A_929, %swap3A_930, %swap3A_931] : memref<1x512x512xf32, #tpu.memory_space<vmem>>, vector<1x128x128xf32>
    %swap3A_933 = vector.shape_cast %swap3A_932 : vector<1x128x128xf32> to vector<128x128xf32>
    %swap3A_934 = vector.shape_cast %transpose3A_928 : vector<128x128xf32> to vector<1x128x128xf32>
    tpu.vector_store %arg14[%swap3A_929, %swap3A_930, %swap3A_931], %swap3A_934 {strides = array<i32>} : memref<1x512x512xf32, #tpu.memory_space<vmem>>, vector<1x128x128xf32>,
    %slice3A_935 = vector.extract_strided_slice %dot_general3A_91 {offsets = [128, 0], sizes = [128, 1], strides = [1, 1]} : vector<512x1xf32> to vector<128x1xf32>
    %slice3A_936 = vector.extract_strided_slice %transpose3A_94 {offsets = [0, 128], sizes = [1, 384], strides = [1, 1]} : vector<1x512xf32> to vector<1x384xf32>
    %add3A_937 = vector.broadcast %slice3A_935 : vector<128x1xf32> to vector<128x384xf32>
    %add3A_938 = vector.broadcast %slice3A_936 : vector<1x384xf32> to vector<128x384xf32>
    %add3A_939 = arith.addf %add3A_937, %add3A_938 : vector<128x384xf32>
    %add3A_940 = vector.broadcast %mul3A_100 : vector<1x1xf32> to vector<128x384xf32>
    %add3A_941 = arith.addf %add3A_939, %add3A_940 : vector<128x384xf32>
    %slice3A_942 = vector.extract_strided_slice %add3A_81 {offsets = [128, 0], sizes = [128, 1], strides = [1, 1]} : vector<512x64xf32> to vector<128x1xf32>
    %slice3A_943 = vector.extract_strided_slice %transpose3A_85 {offsets = [0, 128], sizes = [1, 384], strides = [1, 1]} : vector<64x512xf32> to vector<1x384xf32>
    %add3A_944 = vector.broadcast %slice3A_942 : vector<128x1xf32> to vector<128x384xf32>
    %add3A_945 = vector.broadcast %slice3A_943 : vector<1x384xf32> to vector<128x384xf32>
    %add3A_946 = arith.addf %add3A_944, %add3A_945 : vector<128x384xf32>
    %abs3A_947 = math.absf %add3A_946 : vector<128x384xf32>
    %get3A_948 = arith.constant 0 : index
    %get3A_949 = arith.constant 0 : index
    %get3A_950 = vector.load %arg12[%get3A_948, %get3A_949] : memref<1x64xf32, #tpu.memory_space<vmem>>, vector<1x1xf32>
    %mul3A_951 = vector.broadcast %get3A_950 : vector<1x1xf32> to vector<128x384xf32>
    %mul3A_952 = arith.mulf %abs3A_947, %mul3A_951 : vector<128x384xf32>
    %add3A_953 = arith.addf %add3A_941, %mul3A_952 : vector<128x384xf32>
    %slice3A_954 = vector.extract_strided_slice %add3A_81 {offsets = [128, 1], sizes = [128, 1], strides = [1, 1]} : vector<512x64xf32> to vector<128x1xf32>
    %slice3A_955 = vector.extract_strided_slice %transpose3A_85 {offsets = [1, 128], sizes = [1, 384], strides = [1, 1]} : vector<64x512xf32> to vector<1x384xf32>
    %add3A_956 = vector.broadcast %slice3A_954 : vector<128x1xf32> to vector<128x384xf32>
    %add3A_957 = vector.broadcast %slice3A_955 : vector<1x384xf32> to vector<128x384xf32>
    %add3A_958 = arith.addf %add3A_956, %add3A_957 : vector<128x384xf32>
    %abs3A_959 = math.absf %add3A_958 : vector<128x384xf32>
    %get3A_960 = arith.constant 0 : index
    %get3A_961 = arith.constant 1 : index
    %get3A_962 = vector.load %arg12[%get3A_960, %get3A_961] : memref<1x64xf32, #tpu.memory_space<vmem>>, vector<1x1xf32>
    %mul3A_963 = vector.broadcast %get3A_962 : vector<1x1xf32> to vector<128x384xf32>
    %mul3A_964 = arith.mulf %abs3A_959, %mul3A_963 : vector<128x384xf32>
    %add3A_965 = arith.addf %add3A_953, %mul3A_964 : vector<128x384xf32>
    %slice3A_966 = vector.extract_strided_slice %add3A_81 {offsets = [128, 2], sizes = [128, 1], strides = [1, 1]} : vector<512x64xf32> to vector<128x1xf32>
    %slice3A_967 = vector.extract_strided_slice %transpose3A_85 {offsets = [2, 128], sizes = [1, 384], strides = [1, 1]} : vector<64x512xf32> to vector<1x384xf32>
    %add3A_968 = vector.broadcast %slice3A_966 : vector<128x1xf32> to vector<128x384xf32>
    %add3A_969 = vector.broadcast %slice3A_967 : vector<1x384xf32> to vector<128x384xf32>
    %add3A_970 = arith.addf %add3A_968, %add3A_969 : vector<128x384xf32>
    %abs3A_971 = math.absf %add3A_970 : vector<128x384xf32>
    %get3A_972 = arith.constant 0 : index
    %get3A_973 = arith.constant 2 : index
    %get3A_974 = vector.load %arg12[%get3A_972, %get3A_973] : memref<1x64xf32, #tpu.memory_space<vmem>>, vector<1x1xf32>
    %mul3A_975 = vector.broadcast %get3A_974 : vector<1x1xf32> to vector<128x384xf32>
    %mul3A_976 = arith.mulf %abs3A_971, %mul3A_975 : vector<128x384xf32>
    %add3A_977 = arith.addf %add3A_965, %mul3A_976 : vector<128x384xf32>
    %slice3A_978 = vector.extract_strided_slice %add3A_81 {offsets = [128, 3], sizes = [128, 1], strides = [1, 1]} : vector<512x64xf32> to vector<128x1xf32>
    %slice3A_979 = vector.extract_strided_slice %transpose3A_85 {offsets = [3, 128], sizes = [1, 384], strides = [1, 1]} : vector<64x512xf32> to vector<1x384xf32>
    %add3A_980 = vector.broadcast %slice3A_978 : vector<128x1xf32> to vector<128x384xf32>
    %add3A_981 = vector.broadcast %slice3A_979 : vector<1x384xf32> to vector<128x384xf32>
    %add3A_982 = arith.addf %add3A_980, %add3A_981 : vector<128x384xf32>
    %abs3A_983 = math.absf %add3A_982 : vector<128x384xf32>
    %get3A_984 = arith.constant 0 : index
    %get3A_985 = arith.constant 3 : index
    %get3A_986 = vector.load %arg12[%get3A_984, %get3A_985] : memref<1x64xf32, #tpu.memory_space<vmem>>, vector<1x1xf32>
    %mul3A_987 = vector.broadcast %get3A_986 : vector<1x1xf32> to vector<128x384xf32>
    %mul3A_988 = arith.mulf %abs3A_983, %mul3A_987 : vector<128x384xf32>
    %add3A_989 = arith.addf %add3A_977, %mul3A_988 : vector<128x384xf32>
    %slice3A_990 = vector.extract_strided_slice %add3A_81 {offsets = [128, 4], sizes = [128, 1], strides = [1, 1]} : vector<512x64xf32> to vector<128x1xf32>
    %slice3A_991 = vector.extract_strided_slice %transpose3A_85 {offsets = [4, 128], sizes = [1, 384], strides = [1, 1]} : vector<64x512xf32> to vector<1x384xf32>
    %add3A_992 = vector.broadcast %slice3A_990 : vector<128x1xf32> to vector<128x384xf32>
    %add3A_993 = vector.broadcast %slice3A_991 : vector<1x384xf32> to vector<128x384xf32>
    %add3A_994 = arith.addf %add3A_992, %add3A_993 : vector<128x384xf32>
    %abs3A_995 = math.absf %add3A_994 : vector<128x384xf32>
    %get3A_996 = arith.constant 0 : index
    %get3A_997 = arith.constant 4 : index
    %get3A_998 = vector.load %arg12[%get3A_996, %get3A_997] : memref<1x64xf32, #tpu.memory_space<vmem>>, vector<1x1xf32>
    %mul3A_999 = vector.broadcast %get3A_998 : vector<1x1xf32> to vector<128x384xf32>
    %mul3A_1000 = arith.mulf %abs3A_995, %mul3A_999 : vector<128x384xf32>
    %add3A_1001 = arith.addf %add3A_989, %mul3A_1000 : vector<128x384xf32>
    %slice3A_1002 = vector.extract_strided_slice %add3A_81 {offsets = [128, 5], sizes = [128, 1], strides = [1, 1]} : vector<512x64xf32> to vector<128x1xf32>
    %slice3A_1003 = vector.extract_strided_slice %transpose3A_85 {offsets = [5, 128], sizes = [1, 384], strides = [1, 1]} : vector<64x512xf32> to vector<1x384xf32>
    %add3A_1004 = vector.broadcast %slice3A_1002 : vector<128x1xf32> to vector<128x384xf32>
    %add3A_1005 = vector.broadcast %slice3A_1003 : vector<1x384xf32> to vector<128x384xf32>
    %add3A_1006 = arith.addf %add3A_1004, %add3A_1005 : vector<128x384xf32>
    %abs3A_1007 = math.absf %add3A_1006 : vector<128x384xf32>
    %get3A_1008 = arith.constant 0 : index
    %get3A_1009 = arith.constant 5 : index
    %get3A_1010 = vector.load %arg12[%get3A_1008, %get3A_1009] : memref<1x64xf32, #tpu.memory_space<vmem>>, vector<1x1xf32>
    %mul3A_1011 = vector.broadcast %get3A_1010 : vector<1x1xf32> to vector<128x384xf32>
    %mul3A_1012 = arith.mulf %abs3A_1007, %mul3A_1011 : vector<128x384xf32>
    %add3A_1013 = arith.addf %add3A_1001, %mul3A_1012 : vector<128x384xf32>
    %slice3A_1014 = vector.extract_strided_slice %add3A_81 {offsets = [128, 6], sizes = [128, 1], strides = [1, 1]} : vector<512x64xf32> to vector<128x1xf32>
    %slice3A_1015 = vector.extract_strided_slice %transpose3A_85 {offsets = [6, 128], sizes = [1, 384], strides = [1, 1]} : vector<64x512xf32> to vector<1x384xf32>
    %add3A_1016 = vector.broadcast %slice3A_1014 : vector<128x1xf32> to vector<128x384xf32>
    %add3A_1017 = vector.broadcast %slice3A_1015 : vector<1x384xf32> to vector<128x384xf32>
    %add3A_1018 = arith.addf %add3A_1016, %add3A_1017 : vector<128x384xf32>
    %abs3A_1019 = math.absf %add3A_1018 : vector<128x384xf32>
    %get3A_1020 = arith.constant 0 : index
    %get3A_1021 = arith.constant 6 : index
    %get3A_1022 = vector.load %arg12[%get3A_1020, %get3A_1021] : memref<1x64xf32, #tpu.memory_space<vmem>>, vector<1x1xf32>
    %mul3A_1023 = vector.broadcast %get3A_1022 : vector<1x1xf32> to vector<128x384xf32>
    %mul3A_1024 = arith.mulf %abs3A_1019, %mul3A_1023 : vector<128x384xf32>
    %add3A_1025 = arith.addf %add3A_1013, %mul3A_1024 : vector<128x384xf32>
    %slice3A_1026 = vector.extract_strided_slice %add3A_81 {offsets = [128, 7], sizes = [128, 1], strides = [1, 1]} : vector<512x64xf32> to vector<128x1xf32>
    %slice3A_1027 = vector.extract_strided_slice %transpose3A_85 {offsets = [7, 128], sizes = [1, 384], strides = [1, 1]} : vector<64x512xf32> to vector<1x384xf32>
    %add3A_1028 = vector.broadcast %slice3A_1026 : vector<128x1xf32> to vector<128x384xf32>
    %add3A_1029 = vector.broadcast %slice3A_1027 : vector<1x384xf32> to vector<128x384xf32>
    %add3A_1030 = arith.addf %add3A_1028, %add3A_1029 : vector<128x384xf32>
    %abs3A_1031 = math.absf %add3A_1030 : vector<128x384xf32>
    %get3A_1032 = arith.constant 0 : index
    %get3A_1033 = arith.constant 7 : index
    %get3A_1034 = vector.load %arg12[%get3A_1032, %get3A_1033] : memref<1x64xf32, #tpu.memory_space<vmem>>, vector<1x1xf32>
    %mul3A_1035 = vector.broadcast %get3A_1034 : vector<1x1xf32> to vector<128x384xf32>
    %mul3A_1036 = arith.mulf %abs3A_1031, %mul3A_1035 : vector<128x384xf32>
    %add3A_1037 = arith.addf %add3A_1025, %mul3A_1036 : vector<128x384xf32>
    %slice3A_1038 = vector.extract_strided_slice %add3A_81 {offsets = [128, 8], sizes = [128, 1], strides = [1, 1]} : vector<512x64xf32> to vector<128x1xf32>
    %slice3A_1039 = vector.extract_strided_slice %transpose3A_85 {offsets = [8, 128], sizes = [1, 384], strides = [1, 1]} : vector<64x512xf32> to vector<1x384xf32>
    %add3A_1040 = vector.broadcast %slice3A_1038 : vector<128x1xf32> to vector<128x384xf32>
    %add3A_1041 = vector.broadcast %slice3A_1039 : vector<1x384xf32> to vector<128x384xf32>
    %add3A_1042 = arith.addf %add3A_1040, %add3A_1041 : vector<128x384xf32>
    %abs3A_1043 = math.absf %add3A_1042 : vector<128x384xf32>
    %get3A_1044 = arith.constant 0 : index
    %get3A_1045 = arith.constant 8 : index
    %get3A_1046 = vector.load %arg12[%get3A_1044, %get3A_1045] : memref<1x64xf32, #tpu.memory_space<vmem>>, vector<1x1xf32>
    %mul3A_1047 = vector.broadcast %get3A_1046 : vector<1x1xf32> to vector<128x384xf32>
    %mul3A_1048 = arith.mulf %abs3A_1043, %mul3A_1047 : vector<128x384xf32>
    %add3A_1049 = arith.addf %add3A_1037, %mul3A_1048 : vector<128x384xf32>
    %slice3A_1050 = vector.extract_strided_slice %add3A_81 {offsets = [128, 9], sizes = [128, 1], strides = [1, 1]} : vector<512x64xf32> to vector<128x1xf32>
    %slice3A_1051 = vector.extract_strided_slice %transpose3A_85 {offsets = [9, 128], sizes = [1, 384], strides = [1, 1]} : vector<64x512xf32> to vector<1x384xf32>
    %add3A_1052 = vector.broadcast %slice3A_1050 : vector<128x1xf32> to vector<128x384xf32>
    %add3A_1053 = vector.broadcast %slice3A_1051 : vector<1x384xf32> to vector<128x384xf32>
    %add3A_1054 = arith.addf %add3A_1052, %add3A_1053 : vector<128x384xf32>
    %abs3A_1055 = math.absf %add3A_1054 : vector<128x384xf32>
    %get3A_1056 = arith.constant 0 : index
    %get3A_1057 = arith.constant 9 : index
    %get3A_1058 = vector.load %arg12[%get3A_1056, %get3A_1057] : memref<1x64xf32, #tpu.memory_space<vmem>>, vector<1x1xf32>
    %mul3A_1059 = vector.broadcast %get3A_1058 : vector<1x1xf32> to vector<128x384xf32>
    %mul3A_1060 = arith.mulf %abs3A_1055, %mul3A_1059 : vector<128x384xf32>
    %add3A_1061 = arith.addf %add3A_1049, %mul3A_1060 : vector<128x384xf32>
    %slice3A_1062 = vector.extract_strided_slice %add3A_81 {offsets = [128, 10], sizes = [128, 1], strides = [1, 1]} : vector<512x64xf32> to vector<128x1xf32>
    %slice3A_1063 = vector.extract_strided_slice %transpose3A_85 {offsets = [10, 128], sizes = [1, 384], strides = [1, 1]} : vector<64x512xf32> to vector<1x384xf32>
    %add3A_1064 = vector.broadcast %slice3A_1062 : vector<128x1xf32> to vector<128x384xf32>
    %add3A_1065 = vector.broadcast %slice3A_1063 : vector<1x384xf32> to vector<128x384xf32>
    %add3A_1066 = arith.addf %add3A_1064, %add3A_1065 : vector<128x384xf32>
    %abs3A_1067 = math.absf %add3A_1066 : vector<128x384xf32>
    %get3A_1068 = arith.constant 0 : index
    %get3A_1069 = arith.constant 10 : index
    %get3A_1070 = vector.load %arg12[%get3A_1068, %get3A_1069] : memref<1x64xf32, #tpu.memory_space<vmem>>, vector<1x1xf32>
    %mul3A_1071 = vector.broadcast %get3A_1070 : vector<1x1xf32> to vector<128x384xf32>
    %mul3A_1072 = arith.mulf %abs3A_1067, %mul3A_1071 : vector<128x384xf32>
    %add3A_1073 = arith.addf %add3A_1061, %mul3A_1072 : vector<128x384xf32>
    %slice3A_1074 = vector.extract_strided_slice %add3A_81 {offsets = [128, 11], sizes = [128, 1], strides = [1, 1]} : vector<512x64xf32> to vector<128x1xf32>
    %slice3A_1075 = vector.extract_strided_slice %transpose3A_85 {offsets = [11, 128], sizes = [1, 384], strides = [1, 1]} : vector<64x512xf32> to vector<1x384xf32>
    %add3A_1076 = vector.broadcast %slice3A_1074 : vector<128x1xf32> to vector<128x384xf32>
    %add3A_1077 = vector.broadcast %slice3A_1075 : vector<1x384xf32> to vector<128x384xf32>
    %add3A_1078 = arith.addf %add3A_1076, %add3A_1077 : vector<128x384xf32>
    %abs3A_1079 = math.absf %add3A_1078 : vector<128x384xf32>
    %get3A_1080 = arith.constant 0 : index
    %get3A_1081 = arith.constant 11 : index
    %get3A_1082 = vector.load %arg12[%get3A_1080, %get3A_1081] : memref<1x64xf32, #tpu.memory_space<vmem>>, vector<1x1xf32>
    %mul3A_1083 = vector.broadcast %get3A_1082 : vector<1x1xf32> to vector<128x384xf32>
    %mul3A_1084 = arith.mulf %abs3A_1079, %mul3A_1083 : vector<128x384xf32>
    %add3A_1085 = arith.addf %add3A_1073, %mul3A_1084 : vector<128x384xf32>
    %slice3A_1086 = vector.extract_strided_slice %add3A_81 {offsets = [128, 12], sizes = [128, 1], strides = [1, 1]} : vector<512x64xf32> to vector<128x1xf32>
    %slice3A_1087 = vector.extract_strided_slice %transpose3A_85 {offsets = [12, 128], sizes = [1, 384], strides = [1, 1]} : vector<64x512xf32> to vector<1x384xf32>
    %add3A_1088 = vector.broadcast %slice3A_1086 : vector<128x1xf32> to vector<128x384xf32>
    %add3A_1089 = vector.broadcast %slice3A_1087 : vector<1x384xf32> to vector<128x384xf32>
    %add3A_1090 = arith.addf %add3A_1088, %add3A_1089 : vector<128x384xf32>
    %abs3A_1091 = math.absf %add3A_1090 : vector<128x384xf32>
    %get3A_1092 = arith.constant 0 : index
    %get3A_1093 = arith.constant 12 : index
    %get3A_1094 = vector.load %arg12[%get3A_1092, %get3A_1093] : memref<1x64xf32, #tpu.memory_space<vmem>>, vector<1x1xf32>
    %mul3A_1095 = vector.broadcast %get3A_1094 : vector<1x1xf32> to vector<128x384xf32>
    %mul3A_1096 = arith.mulf %abs3A_1091, %mul3A_1095 : vector<128x384xf32>
    %add3A_1097 = arith.addf %add3A_1085, %mul3A_1096 : vector<128x384xf32>
    %slice3A_1098 = vector.extract_strided_slice %add3A_81 {offsets = [128, 13], sizes = [128, 1], strides = [1, 1]} : vector<512x64xf32> to vector<128x1xf32>
    %slice3A_1099 = vector.extract_strided_slice %transpose3A_85 {offsets = [13, 128], sizes = [1, 384], strides = [1, 1]} : vector<64x512xf32> to vector<1x384xf32>
    %add3A_1100 = vector.broadcast %slice3A_1098 : vector<128x1xf32> to vector<128x384xf32>
    %add3A_1101 = vector.broadcast %slice3A_1099 : vector<1x384xf32> to vector<128x384xf32>
    %add3A_1102 = arith.addf %add3A_1100, %add3A_1101 : vector<128x384xf32>
    %abs3A_1103 = math.absf %add3A_1102 : vector<128x384xf32>
    %get3A_1104 = arith.constant 0 : index
    %get3A_1105 = arith.constant 13 : index
    %get3A_1106 = vector.load %arg12[%get3A_1104, %get3A_1105] : memref<1x64xf32, #tpu.memory_space<vmem>>, vector<1x1xf32>
    %mul3A_1107 = vector.broadcast %get3A_1106 : vector<1x1xf32> to vector<128x384xf32>
    %mul3A_1108 = arith.mulf %abs3A_1103, %mul3A_1107 : vector<128x384xf32>
    %add3A_1109 = arith.addf %add3A_1097, %mul3A_1108 : vector<128x384xf32>
    %slice3A_1110 = vector.extract_strided_slice %add3A_81 {offsets = [128, 14], sizes = [128, 1], strides = [1, 1]} : vector<512x64xf32> to vector<128x1xf32>
    %slice3A_1111 = vector.extract_strided_slice %transpose3A_85 {offsets = [14, 128], sizes = [1, 384], strides = [1, 1]} : vector<64x512xf32> to vector<1x384xf32>
    %add3A_1112 = vector.broadcast %slice3A_1110 : vector<128x1xf32> to vector<128x384xf32>
    %add3A_1113 = vector.broadcast %slice3A_1111 : vector<1x384xf32> to vector<128x384xf32>
    %add3A_1114 = arith.addf %add3A_1112, %add3A_1113 : vector<128x384xf32>
    %abs3A_1115 = math.absf %add3A_1114 : vector<128x384xf32>
    %get3A_1116 = arith.constant 0 : index
    %get3A_1117 = arith.constant 14 : index
    %get3A_1118 = vector.load %arg12[%get3A_1116, %get3A_1117] : memref<1x64xf32, #tpu.memory_space<vmem>>, vector<1x1xf32>
    %mul3A_1119 = vector.broadcast %get3A_1118 : vector<1x1xf32> to vector<128x384xf32>
    %mul3A_1120 = arith.mulf %abs3A_1115, %mul3A_1119 : vector<128x384xf32>
    %add3A_1121 = arith.addf %add3A_1109, %mul3A_1120 : vector<128x384xf32>
    %slice3A_1122 = vector.extract_strided_slice %add3A_81 {offsets = [128, 15], sizes = [128, 1], strides = [1, 1]} : vector<512x64xf32> to vector<128x1xf32>
    %slice3A_1123 = vector.extract_strided_slice %transpose3A_85 {offsets = [15, 128], sizes = [1, 384], strides = [1, 1]} : vector<64x512xf32> to vector<1x384xf32>
    %add3A_1124 = vector.broadcast %slice3A_1122 : vector<128x1xf32> to vector<128x384xf32>
    %add3A_1125 = vector.broadcast %slice3A_1123 : vector<1x384xf32> to vector<128x384xf32>
    %add3A_1126 = arith.addf %add3A_1124, %add3A_1125 : vector<128x384xf32>
    %abs3A_1127 = math.absf %add3A_1126 : vector<128x384xf32>
    %get3A_1128 = arith.constant 0 : index
    %get3A_1129 = arith.constant 15 : index
    %get3A_1130 = vector.load %arg12[%get3A_1128, %get3A_1129] : memref<1x64xf32, #tpu.memory_space<vmem>>, vector<1x1xf32>
    %mul3A_1131 = vector.broadcast %get3A_1130 : vector<1x1xf32> to vector<128x384xf32>
    %mul3A_1132 = arith.mulf %abs3A_1127, %mul3A_1131 : vector<128x384xf32>
    %add3A_1133 = arith.addf %add3A_1121, %mul3A_1132 : vector<128x384xf32>
    %slice3A_1134 = vector.extract_strided_slice %add3A_81 {offsets = [128, 16], sizes = [128, 1], strides = [1, 1]} : vector<512x64xf32> to vector<128x1xf32>
    %slice3A_1135 = vector.extract_strided_slice %transpose3A_85 {offsets = [16, 128], sizes = [1, 384], strides = [1, 1]} : vector<64x512xf32> to vector<1x384xf32>
    %add3A_1136 = vector.broadcast %slice3A_1134 : vector<128x1xf32> to vector<128x384xf32>
    %add3A_1137 = vector.broadcast %slice3A_1135 : vector<1x384xf32> to vector<128x384xf32>
    %add3A_1138 = arith.addf %add3A_1136, %add3A_1137 : vector<128x384xf32>
    %abs3A_1139 = math.absf %add3A_1138 : vector<128x384xf32>
    %get3A_1140 = arith.constant 0 : index
    %get3A_1141 = arith.constant 16 : index
    %get3A_1142 = vector.load %arg12[%get3A_1140, %get3A_1141] : memref<1x64xf32, #tpu.memory_space<vmem>>, vector<1x1xf32>
    %mul3A_1143 = vector.broadcast %get3A_1142 : vector<1x1xf32> to vector<128x384xf32>
    %mul3A_1144 = arith.mulf %abs3A_1139, %mul3A_1143 : vector<128x384xf32>
    %add3A_1145 = arith.addf %add3A_1133, %mul3A_1144 : vector<128x384xf32>
    %slice3A_1146 = vector.extract_strided_slice %add3A_81 {offsets = [128, 17], sizes = [128, 1], strides = [1, 1]} : vector<512x64xf32> to vector<128x1xf32>
    %slice3A_1147 = vector.extract_strided_slice %transpose3A_85 {offsets = [17, 128], sizes = [1, 384], strides = [1, 1]} : vector<64x512xf32> to vector<1x384xf32>
    %add3A_1148 = vector.broadcast %slice3A_1146 : vector<128x1xf32> to vector<128x384xf32>
    %add3A_1149 = vector.broadcast %slice3A_1147 : vector<1x384xf32> to vector<128x384xf32>
    %add3A_1150 = arith.addf %add3A_1148, %add3A_1149 : vector<128x384xf32>
    %abs3A_1151 = math.absf %add3A_1150 : vector<128x384xf32>
    %get3A_1152 = arith.constant 0 : index
    %get3A_1153 = arith.constant 17 : index
    %get3A_1154 = vector.load %arg12[%get3A_1152, %get3A_1153] : memref<1x64xf32, #tpu.memory_space<vmem>>, vector<1x1xf32>
    %mul3A_1155 = vector.broadcast %get3A_1154 : vector<1x1xf32> to vector<128x384xf32>
    %mul3A_1156 = arith.mulf %abs3A_1151, %mul3A_1155 : vector<128x384xf32>
    %add3A_1157 = arith.addf %add3A_1145, %mul3A_1156 : vector<128x384xf32>
    %slice3A_1158 = vector.extract_strided_slice %add3A_81 {offsets = [128, 18], sizes = [128, 1], strides = [1, 1]} : vector<512x64xf32> to vector<128x1xf32>
    %slice3A_1159 = vector.extract_strided_slice %transpose3A_85 {offsets = [18, 128], sizes = [1, 384], strides = [1, 1]} : vector<64x512xf32> to vector<1x384xf32>
    %add3A_1160 = vector.broadcast %slice3A_1158 : vector<128x1xf32> to vector<128x384xf32>
    %add3A_1161 = vector.broadcast %slice3A_1159 : vector<1x384xf32> to vector<128x384xf32>
    %add3A_1162 = arith.addf %add3A_1160, %add3A_1161 : vector<128x384xf32>
    %abs3A_1163 = math.absf %add3A_1162 : vector<128x384xf32>
    %get3A_1164 = arith.constant 0 : index
    %get3A_1165 = arith.constant 18 : index
    %get3A_1166 = vector.load %arg12[%get3A_1164, %get3A_1165] : memref<1x64xf32, #tpu.memory_space<vmem>>, vector<1x1xf32>
    %mul3A_1167 = vector.broadcast %get3A_1166 : vector<1x1xf32> to vector<128x384xf32>
    %mul3A_1168 = arith.mulf %abs3A_1163, %mul3A_1167 : vector<128x384xf32>
    %add3A_1169 = arith.addf %add3A_1157, %mul3A_1168 : vector<128x384xf32>
    %slice3A_1170 = vector.extract_strided_slice %add3A_81 {offsets = [128, 19], sizes = [128, 1], strides = [1, 1]} : vector<512x64xf32> to vector<128x1xf32>
    %slice3A_1171 = vector.extract_strided_slice %transpose3A_85 {offsets = [19, 128], sizes = [1, 384], strides = [1, 1]} : vector<64x512xf32> to vector<1x384xf32>
    %add3A_1172 = vector.broadcast %slice3A_1170 : vector<128x1xf32> to vector<128x384xf32>
    %add3A_1173 = vector.broadcast %slice3A_1171 : vector<1x384xf32> to vector<128x384xf32>
    %add3A_1174 = arith.addf %add3A_1172, %add3A_1173 : vector<128x384xf32>
    %abs3A_1175 = math.absf %add3A_1174 : vector<128x384xf32>
    %get3A_1176 = arith.constant 0 : index
    %get3A_1177 = arith.constant 19 : index
    %get3A_1178 = vector.load %arg12[%get3A_1176, %get3A_1177] : memref<1x64xf32, #tpu.memory_space<vmem>>, vector<1x1xf32>
    %mul3A_1179 = vector.broadcast %get3A_1178 : vector<1x1xf32> to vector<128x384xf32>
    %mul3A_1180 = arith.mulf %abs3A_1175, %mul3A_1179 : vector<128x384xf32>
    %add3A_1181 = arith.addf %add3A_1169, %mul3A_1180 : vector<128x384xf32>
    %slice3A_1182 = vector.extract_strided_slice %add3A_81 {offsets = [128, 20], sizes = [128, 1], strides = [1, 1]} : vector<512x64xf32> to vector<128x1xf32>
    %slice3A_1183 = vector.extract_strided_slice %transpose3A_85 {offsets = [20, 128], sizes = [1, 384], strides = [1, 1]} : vector<64x512xf32> to vector<1x384xf32>
    %add3A_1184 = vector.broadcast %slice3A_1182 : vector<128x1xf32> to vector<128x384xf32>
    %add3A_1185 = vector.broadcast %slice3A_1183 : vector<1x384xf32> to vector<128x384xf32>
    %add3A_1186 = arith.addf %add3A_1184, %add3A_1185 : vector<128x384xf32>
    %abs3A_1187 = math.absf %add3A_1186 : vector<128x384xf32>
    %get3A_1188 = arith.constant 0 : index
    %get3A_1189 = arith.constant 20 : index
    %get3A_1190 = vector.load %arg12[%get3A_1188, %get3A_1189] : memref<1x64xf32, #tpu.memory_space<vmem>>, vector<1x1xf32>
    %mul3A_1191 = vector.broadcast %get3A_1190 : vector<1x1xf32> to vector<128x384xf32>
    %mul3A_1192 = arith.mulf %abs3A_1187, %mul3A_1191 : vector<128x384xf32>
    %add3A_1193 = arith.addf %add3A_1181, %mul3A_1192 : vector<128x384xf32>
    %slice3A_1194 = vector.extract_strided_slice %add3A_81 {offsets = [128, 21], sizes = [128, 1], strides = [1, 1]} : vector<512x64xf32> to vector<128x1xf32>
    %slice3A_1195 = vector.extract_strided_slice %transpose3A_85 {offsets = [21, 128], sizes = [1, 384], strides = [1, 1]} : vector<64x512xf32> to vector<1x384xf32>
    %add3A_1196 = vector.broadcast %slice3A_1194 : vector<128x1xf32> to vector<128x384xf32>
    %add3A_1197 = vector.broadcast %slice3A_1195 : vector<1x384xf32> to vector<128x384xf32>
    %add3A_1198 = arith.addf %add3A_1196, %add3A_1197 : vector<128x384xf32>
    %abs3A_1199 = math.absf %add3A_1198 : vector<128x384xf32>
    %get3A_1200 = arith.constant 0 : index
    %get3A_1201 = arith.constant 21 : index
    %get3A_1202 = vector.load %arg12[%get3A_1200, %get3A_1201] : memref<1x64xf32, #tpu.memory_space<vmem>>, vector<1x1xf32>
    %mul3A_1203 = vector.broadcast %get3A_1202 : vector<1x1xf32> to vector<128x384xf32>
    %mul3A_1204 = arith.mulf %abs3A_1199, %mul3A_1203 : vector<128x384xf32>
    %add3A_1205 = arith.addf %add3A_1193, %mul3A_1204 : vector<128x384xf32>
    %slice3A_1206 = vector.extract_strided_slice %add3A_81 {offsets = [128, 22], sizes = [128, 1], strides = [1, 1]} : vector<512x64xf32> to vector<128x1xf32>
    %slice3A_1207 = vector.extract_strided_slice %transpose3A_85 {offsets = [22, 128], sizes = [1, 384], strides = [1, 1]} : vector<64x512xf32> to vector<1x384xf32>
    %add3A_1208 = vector.broadcast %slice3A_1206 : vector<128x1xf32> to vector<128x384xf32>
    %add3A_1209 = vector.broadcast %slice3A_1207 : vector<1x384xf32> to vector<128x384xf32>
    %add3A_1210 = arith.addf %add3A_1208, %add3A_1209 : vector<128x384xf32>
    %abs3A_1211 = math.absf %add3A_1210 : vector<128x384xf32>
    %get3A_1212 = arith.constant 0 : index
    %get3A_1213 = arith.constant 22 : index
    %get3A_1214 = vector.load %arg12[%get3A_1212, %get3A_1213] : memref<1x64xf32, #tpu.memory_space<vmem>>, vector<1x1xf32>
    %mul3A_1215 = vector.broadcast %get3A_1214 : vector<1x1xf32> to vector<128x384xf32>
    %mul3A_1216 = arith.mulf %abs3A_1211, %mul3A_1215 : vector<128x384xf32>
    %add3A_1217 = arith.addf %add3A_1205, %mul3A_1216 : vector<128x384xf32>
    %slice3A_1218 = vector.extract_strided_slice %add3A_81 {offsets = [128, 23], sizes = [128, 1], strides = [1, 1]} : vector<512x64xf32> to vector<128x1xf32>
    %slice3A_1219 = vector.extract_strided_slice %transpose3A_85 {offsets = [23, 128], sizes = [1, 384], strides = [1, 1]} : vector<64x512xf32> to vector<1x384xf32>
    %add3A_1220 = vector.broadcast %slice3A_1218 : vector<128x1xf32> to vector<128x384xf32>
    %add3A_1221 = vector.broadcast %slice3A_1219 : vector<1x384xf32> to vector<128x384xf32>
    %add3A_1222 = arith.addf %add3A_1220, %add3A_1221 : vector<128x384xf32>
    %abs3A_1223 = math.absf %add3A_1222 : vector<128x384xf32>
    %get3A_1224 = arith.constant 0 : index
    %get3A_1225 = arith.constant 23 : index
    %get3A_1226 = vector.load %arg12[%get3A_1224, %get3A_1225] : memref<1x64xf32, #tpu.memory_space<vmem>>, vector<1x1xf32>
    %mul3A_1227 = vector.broadcast %get3A_1226 : vector<1x1xf32> to vector<128x384xf32>
    %mul3A_1228 = arith.mulf %abs3A_1223, %mul3A_1227 : vector<128x384xf32>
    %add3A_1229 = arith.addf %add3A_1217, %mul3A_1228 : vector<128x384xf32>
    %slice3A_1230 = vector.extract_strided_slice %add3A_81 {offsets = [128, 24], sizes = [128, 1], strides = [1, 1]} : vector<512x64xf32> to vector<128x1xf32>
    %slice3A_1231 = vector.extract_strided_slice %transpose3A_85 {offsets = [24, 128], sizes = [1, 384], strides = [1, 1]} : vector<64x512xf32> to vector<1x384xf32>
    %add3A_1232 = vector.broadcast %slice3A_1230 : vector<128x1xf32> to vector<128x384xf32>
    %add3A_1233 = vector.broadcast %slice3A_1231 : vector<1x384xf32> to vector<128x384xf32>
    %add3A_1234 = arith.addf %add3A_1232, %add3A_1233 : vector<128x384xf32>
    %abs3A_1235 = math.absf %add3A_1234 : vector<128x384xf32>
    %get3A_1236 = arith.constant 0 : index
    %get3A_1237 = arith.constant 24 : index
    %get3A_1238 = vector.load %arg12[%get3A_1236, %get3A_1237] : memref<1x64xf32, #tpu.memory_space<vmem>>, vector<1x1xf32>
    %mul3A_1239 = vector.broadcast %get3A_1238 : vector<1x1xf32> to vector<128x384xf32>
    %mul3A_1240 = arith.mulf %abs3A_1235, %mul3A_1239 : vector<128x384xf32>
    %add3A_1241 = arith.addf %add3A_1229, %mul3A_1240 : vector<128x384xf32>
    %slice3A_1242 = vector.extract_strided_slice %add3A_81 {offsets = [128, 25], sizes = [128, 1], strides = [1, 1]} : vector<512x64xf32> to vector<128x1xf32>
    %slice3A_1243 = vector.extract_strided_slice %transpose3A_85 {offsets = [25, 128], sizes = [1, 384], strides = [1, 1]} : vector<64x512xf32> to vector<1x384xf32>
    %add3A_1244 = vector.broadcast %slice3A_1242 : vector<128x1xf32> to vector<128x384xf32>
    %add3A_1245 = vector.broadcast %slice3A_1243 : vector<1x384xf32> to vector<128x384xf32>
    %add3A_1246 = arith.addf %add3A_1244, %add3A_1245 : vector<128x384xf32>
    %abs3A_1247 = math.absf %add3A_1246 : vector<128x384xf32>
    %get3A_1248 = arith.constant 0 : index
    %get3A_1249 = arith.constant 25 : index
    %get3A_1250 = vector.load %arg12[%get3A_1248, %get3A_1249] : memref<1x64xf32, #tpu.memory_space<vmem>>, vector<1x1xf32>
    %mul3A_1251 = vector.broadcast %get3A_1250 : vector<1x1xf32> to vector<128x384xf32>
    %mul3A_1252 = arith.mulf %abs3A_1247, %mul3A_1251 : vector<128x384xf32>
    %add3A_1253 = arith.addf %add3A_1241, %mul3A_1252 : vector<128x384xf32>
    %slice3A_1254 = vector.extract_strided_slice %add3A_81 {offsets = [128, 26], sizes = [128, 1], strides = [1, 1]} : vector<512x64xf32> to vector<128x1xf32>
    %slice3A_1255 = vector.extract_strided_slice %transpose3A_85 {offsets = [26, 128], sizes = [1, 384], strides = [1, 1]} : vector<64x512xf32> to vector<1x384xf32>
    %add3A_1256 = vector.broadcast %slice3A_1254 : vector<128x1xf32> to vector<128x384xf32>
    %add3A_1257 = vector.broadcast %slice3A_1255 : vector<1x384xf32> to vector<128x384xf32>
    %add3A_1258 = arith.addf %add3A_1256, %add3A_1257 : vector<128x384xf32>
    %abs3A_1259 = math.absf %add3A_1258 : vector<128x384xf32>
    %get3A_1260 = arith.constant 0 : index
    %get3A_1261 = arith.constant 26 : index
    %get3A_1262 = vector.load %arg12[%get3A_1260, %get3A_1261] : memref<1x64xf32, #tpu.memory_space<vmem>>, vector<1x1xf32>
    %mul3A_1263 = vector.broadcast %get3A_1262 : vector<1x1xf32> to vector<128x384xf32>
    %mul3A_1264 = arith.mulf %abs3A_1259, %mul3A_1263 : vector<128x384xf32>
    %add3A_1265 = arith.addf %add3A_1253, %mul3A_1264 : vector<128x384xf32>
    %slice3A_1266 = vector.extract_strided_slice %add3A_81 {offsets = [128, 27], sizes = [128, 1], strides = [1, 1]} : vector<512x64xf32> to vector<128x1xf32>
    %slice3A_1267 = vector.extract_strided_slice %transpose3A_85 {offsets = [27, 128], sizes = [1, 384], strides = [1, 1]} : vector<64x512xf32> to vector<1x384xf32>
    %add3A_1268 = vector.broadcast %slice3A_1266 : vector<128x1xf32> to vector<128x384xf32>
    %add3A_1269 = vector.broadcast %slice3A_1267 : vector<1x384xf32> to vector<128x384xf32>
    %add3A_1270 = arith.addf %add3A_1268, %add3A_1269 : vector<128x384xf32>
    %abs3A_1271 = math.absf %add3A_1270 : vector<128x384xf32>
    %get3A_1272 = arith.constant 0 : index
    %get3A_1273 = arith.constant 27 : index
    %get3A_1274 = vector.load %arg12[%get3A_1272, %get3A_1273] : memref<1x64xf32, #tpu.memory_space<vmem>>, vector<1x1xf32>
    %mul3A_1275 = vector.broadcast %get3A_1274 : vector<1x1xf32> to vector<128x384xf32>
    %mul3A_1276 = arith.mulf %abs3A_1271, %mul3A_1275 : vector<128x384xf32>
    %add3A_1277 = arith.addf %add3A_1265, %mul3A_1276 : vector<128x384xf32>
    %slice3A_1278 = vector.extract_strided_slice %add3A_81 {offsets = [128, 28], sizes = [128, 1], strides = [1, 1]} : vector<512x64xf32> to vector<128x1xf32>
    %slice3A_1279 = vector.extract_strided_slice %transpose3A_85 {offsets = [28, 128], sizes = [1, 384], strides = [1, 1]} : vector<64x512xf32> to vector<1x384xf32>
    %add3A_1280 = vector.broadcast %slice3A_1278 : vector<128x1xf32> to vector<128x384xf32>
    %add3A_1281 = vector.broadcast %slice3A_1279 : vector<1x384xf32> to vector<128x384xf32>
    %add3A_1282 = arith.addf %add3A_1280, %add3A_1281 : vector<128x384xf32>
    %abs3A_1283 = math.absf %add3A_1282 : vector<128x384xf32>
    %get3A_1284 = arith.constant 0 : index
    %get3A_1285 = arith.constant 28 : index
    %get3A_1286 = vector.load %arg12[%get3A_1284, %get3A_1285] : memref<1x64xf32, #tpu.memory_space<vmem>>, vector<1x1xf32>
    %mul3A_1287 = vector.broadcast %get3A_1286 : vector<1x1xf32> to vector<128x384xf32>
    %mul3A_1288 = arith.mulf %abs3A_1283, %mul3A_1287 : vector<128x384xf32>
    %add3A_1289 = arith.addf %add3A_1277, %mul3A_1288 : vector<128x384xf32>
    %slice3A_1290 = vector.extract_strided_slice %add3A_81 {offsets = [128, 29], sizes = [128, 1], strides = [1, 1]} : vector<512x64xf32> to vector<128x1xf32>
    %slice3A_1291 = vector.extract_strided_slice %transpose3A_85 {offsets = [29, 128], sizes = [1, 384], strides = [1, 1]} : vector<64x512xf32> to vector<1x384xf32>
    %add3A_1292 = vector.broadcast %slice3A_1290 : vector<128x1xf32> to vector<128x384xf32>
    %add3A_1293 = vector.broadcast %slice3A_1291 : vector<1x384xf32> to vector<128x384xf32>
    %add3A_1294 = arith.addf %add3A_1292, %add3A_1293 : vector<128x384xf32>
    %abs3A_1295 = math.absf %add3A_1294 : vector<128x384xf32>
    %get3A_1296 = arith.constant 0 : index
    %get3A_1297 = arith.constant 29 : index
    %get3A_1298 = vector.load %arg12[%get3A_1296, %get3A_1297] : memref<1x64xf32, #tpu.memory_space<vmem>>, vector<1x1xf32>
    %mul3A_1299 = vector.broadcast %get3A_1298 : vector<1x1xf32> to vector<128x384xf32>
    %mul3A_1300 = arith.mulf %abs3A_1295, %mul3A_1299 : vector<128x384xf32>
    %add3A_1301 = arith.addf %add3A_1289, %mul3A_1300 : vector<128x384xf32>
    %slice3A_1302 = vector.extract_strided_slice %add3A_81 {offsets = [128, 30], sizes = [128, 1], strides = [1, 1]} : vector<512x64xf32> to vector<128x1xf32>
    %slice3A_1303 = vector.extract_strided_slice %transpose3A_85 {offsets = [30, 128], sizes = [1, 384], strides = [1, 1]} : vector<64x512xf32> to vector<1x384xf32>
    %add3A_1304 = vector.broadcast %slice3A_1302 : vector<128x1xf32> to vector<128x384xf32>
    %add3A_1305 = vector.broadcast %slice3A_1303 : vector<1x384xf32> to vector<128x384xf32>
    %add3A_1306 = arith.addf %add3A_1304, %add3A_1305 : vector<128x384xf32>
    %abs3A_1307 = math.absf %add3A_1306 : vector<128x384xf32>
    %get3A_1308 = arith.constant 0 : index
    %get3A_1309 = arith.constant 30 : index
    %get3A_1310 = vector.load %arg12[%get3A_1308, %get3A_1309] : memref<1x64xf32, #tpu.memory_space<vmem>>, vector<1x1xf32>
    %mul3A_1311 = vector.broadcast %get3A_1310 : vector<1x1xf32> to vector<128x384xf32>
    %mul3A_1312 = arith.mulf %abs3A_1307, %mul3A_1311 : vector<128x384xf32>
    %add3A_1313 = arith.addf %add3A_1301, %mul3A_1312 : vector<128x384xf32>
    %slice3A_1314 = vector.extract_strided_slice %add3A_81 {offsets = [128, 31], sizes = [128, 1], strides = [1, 1]} : vector<512x64xf32> to vector<128x1xf32>
    %slice3A_1315 = vector.extract_strided_slice %transpose3A_85 {offsets = [31, 128], sizes = [1, 384], strides = [1, 1]} : vector<64x512xf32> to vector<1x384xf32>
    %add3A_1316 = vector.broadcast %slice3A_1314 : vector<128x1xf32> to vector<128x384xf32>
    %add3A_1317 = vector.broadcast %slice3A_1315 : vector<1x384xf32> to vector<128x384xf32>
    %add3A_1318 = arith.addf %add3A_1316, %add3A_1317 : vector<128x384xf32>
    %abs3A_1319 = math.absf %add3A_1318 : vector<128x384xf32>
    %get3A_1320 = arith.constant 0 : index
    %get3A_1321 = arith.constant 31 : index
    %get3A_1322 = vector.load %arg12[%get3A_1320, %get3A_1321] : memref<1x64xf32, #tpu.memory_space<vmem>>, vector<1x1xf32>
    %mul3A_1323 = vector.broadcast %get3A_1322 : vector<1x1xf32> to vector<128x384xf32>
    %mul3A_1324 = arith.mulf %abs3A_1319, %mul3A_1323 : vector<128x384xf32>
    %add3A_1325 = arith.addf %add3A_1313, %mul3A_1324 : vector<128x384xf32>
    %slice3A_1326 = vector.extract_strided_slice %add3A_81 {offsets = [128, 32], sizes = [128, 1], strides = [1, 1]} : vector<512x64xf32> to vector<128x1xf32>
    %slice3A_1327 = vector.extract_strided_slice %transpose3A_85 {offsets = [32, 128], sizes = [1, 384], strides = [1, 1]} : vector<64x512xf32> to vector<1x384xf32>
    %add3A_1328 = vector.broadcast %slice3A_1326 : vector<128x1xf32> to vector<128x384xf32>
    %add3A_1329 = vector.broadcast %slice3A_1327 : vector<1x384xf32> to vector<128x384xf32>
    %add3A_1330 = arith.addf %add3A_1328, %add3A_1329 : vector<128x384xf32>
    %abs3A_1331 = math.absf %add3A_1330 : vector<128x384xf32>
    %get3A_1332 = arith.constant 0 : index
    %get3A_1333 = arith.constant 32 : index
    %get3A_1334 = vector.load %arg12[%get3A_1332, %get3A_1333] : memref<1x64xf32, #tpu.memory_space<vmem>>, vector<1x1xf32>
    %mul3A_1335 = vector.broadcast %get3A_1334 : vector<1x1xf32> to vector<128x384xf32>
    %mul3A_1336 = arith.mulf %abs3A_1331, %mul3A_1335 : vector<128x384xf32>
    %add3A_1337 = arith.addf %add3A_1325, %mul3A_1336 : vector<128x384xf32>
    %slice3A_1338 = vector.extract_strided_slice %add3A_81 {offsets = [128, 33], sizes = [128, 1], strides = [1, 1]} : vector<512x64xf32> to vector<128x1xf32>
    %slice3A_1339 = vector.extract_strided_slice %transpose3A_85 {offsets = [33, 128], sizes = [1, 384], strides = [1, 1]} : vector<64x512xf32> to vector<1x384xf32>
    %add3A_1340 = vector.broadcast %slice3A_1338 : vector<128x1xf32> to vector<128x384xf32>
    %add3A_1341 = vector.broadcast %slice3A_1339 : vector<1x384xf32> to vector<128x384xf32>
    %add3A_1342 = arith.addf %add3A_1340, %add3A_1341 : vector<128x384xf32>
    %abs3A_1343 = math.absf %add3A_1342 : vector<128x384xf32>
    %get3A_1344 = arith.constant 0 : index
    %get3A_1345 = arith.constant 33 : index
    %get3A_1346 = vector.load %arg12[%get3A_1344, %get3A_1345] : memref<1x64xf32, #tpu.memory_space<vmem>>, vector<1x1xf32>
    %mul3A_1347 = vector.broadcast %get3A_1346 : vector<1x1xf32> to vector<128x384xf32>
    %mul3A_1348 = arith.mulf %abs3A_1343, %mul3A_1347 : vector<128x384xf32>
    %add3A_1349 = arith.addf %add3A_1337, %mul3A_1348 : vector<128x384xf32>
    %slice3A_1350 = vector.extract_strided_slice %add3A_81 {offsets = [128, 34], sizes = [128, 1], strides = [1, 1]} : vector<512x64xf32> to vector<128x1xf32>
    %slice3A_1351 = vector.extract_strided_slice %transpose3A_85 {offsets = [34, 128], sizes = [1, 384], strides = [1, 1]} : vector<64x512xf32> to vector<1x384xf32>
    %add3A_1352 = vector.broadcast %slice3A_1350 : vector<128x1xf32> to vector<128x384xf32>
    %add3A_1353 = vector.broadcast %slice3A_1351 : vector<1x384xf32> to vector<128x384xf32>
    %add3A_1354 = arith.addf %add3A_1352, %add3A_1353 : vector<128x384xf32>
    %abs3A_1355 = math.absf %add3A_1354 : vector<128x384xf32>
    %get3A_1356 = arith.constant 0 : index
    %get3A_1357 = arith.constant 34 : index
    %get3A_1358 = vector.load %arg12[%get3A_1356, %get3A_1357] : memref<1x64xf32, #tpu.memory_space<vmem>>, vector<1x1xf32>
    %mul3A_1359 = vector.broadcast %get3A_1358 : vector<1x1xf32> to vector<128x384xf32>
    %mul3A_1360 = arith.mulf %abs3A_1355, %mul3A_1359 : vector<128x384xf32>
    %add3A_1361 = arith.addf %add3A_1349, %mul3A_1360 : vector<128x384xf32>
    %slice3A_1362 = vector.extract_strided_slice %add3A_81 {offsets = [128, 35], sizes = [128, 1], strides = [1, 1]} : vector<512x64xf32> to vector<128x1xf32>
    %slice3A_1363 = vector.extract_strided_slice %transpose3A_85 {offsets = [35, 128], sizes = [1, 384], strides = [1, 1]} : vector<64x512xf32> to vector<1x384xf32>
    %add3A_1364 = vector.broadcast %slice3A_1362 : vector<128x1xf32> to vector<128x384xf32>
    %add3A_1365 = vector.broadcast %slice3A_1363 : vector<1x384xf32> to vector<128x384xf32>
    %add3A_1366 = arith.addf %add3A_1364, %add3A_1365 : vector<128x384xf32>
    %abs3A_1367 = math.absf %add3A_1366 : vector<128x384xf32>
    %get3A_1368 = arith.constant 0 : index
    %get3A_1369 = arith.constant 35 : index
    %get3A_1370 = vector.load %arg12[%get3A_1368, %get3A_1369] : memref<1x64xf32, #tpu.memory_space<vmem>>, vector<1x1xf32>
    %mul3A_1371 = vector.broadcast %get3A_1370 : vector<1x1xf32> to vector<128x384xf32>
    %mul3A_1372 = arith.mulf %abs3A_1367, %mul3A_1371 : vector<128x384xf32>
    %add3A_1373 = arith.addf %add3A_1361, %mul3A_1372 : vector<128x384xf32>
    %slice3A_1374 = vector.extract_strided_slice %add3A_81 {offsets = [128, 36], sizes = [128, 1], strides = [1, 1]} : vector<512x64xf32> to vector<128x1xf32>
    %slice3A_1375 = vector.extract_strided_slice %transpose3A_85 {offsets = [36, 128], sizes = [1, 384], strides = [1, 1]} : vector<64x512xf32> to vector<1x384xf32>
    %add3A_1376 = vector.broadcast %slice3A_1374 : vector<128x1xf32> to vector<128x384xf32>
    %add3A_1377 = vector.broadcast %slice3A_1375 : vector<1x384xf32> to vector<128x384xf32>
    %add3A_1378 = arith.addf %add3A_1376, %add3A_1377 : vector<128x384xf32>
    %abs3A_1379 = math.absf %add3A_1378 : vector<128x384xf32>
    %get3A_1380 = arith.constant 0 : index
    %get3A_1381 = arith.constant 36 : index
    %get3A_1382 = vector.load %arg12[%get3A_1380, %get3A_1381] : memref<1x64xf32, #tpu.memory_space<vmem>>, vector<1x1xf32>
    %mul3A_1383 = vector.broadcast %get3A_1382 : vector<1x1xf32> to vector<128x384xf32>
    %mul3A_1384 = arith.mulf %abs3A_1379, %mul3A_1383 : vector<128x384xf32>
    %add3A_1385 = arith.addf %add3A_1373, %mul3A_1384 : vector<128x384xf32>
    %slice3A_1386 = vector.extract_strided_slice %add3A_81 {offsets = [128, 37], sizes = [128, 1], strides = [1, 1]} : vector<512x64xf32> to vector<128x1xf32>
    %slice3A_1387 = vector.extract_strided_slice %transpose3A_85 {offsets = [37, 128], sizes = [1, 384], strides = [1, 1]} : vector<64x512xf32> to vector<1x384xf32>
    %add3A_1388 = vector.broadcast %slice3A_1386 : vector<128x1xf32> to vector<128x384xf32>
    %add3A_1389 = vector.broadcast %slice3A_1387 : vector<1x384xf32> to vector<128x384xf32>
    %add3A_1390 = arith.addf %add3A_1388, %add3A_1389 : vector<128x384xf32>
    %abs3A_1391 = math.absf %add3A_1390 : vector<128x384xf32>
    %get3A_1392 = arith.constant 0 : index
    %get3A_1393 = arith.constant 37 : index
    %get3A_1394 = vector.load %arg12[%get3A_1392, %get3A_1393] : memref<1x64xf32, #tpu.memory_space<vmem>>, vector<1x1xf32>
    %mul3A_1395 = vector.broadcast %get3A_1394 : vector<1x1xf32> to vector<128x384xf32>
    %mul3A_1396 = arith.mulf %abs3A_1391, %mul3A_1395 : vector<128x384xf32>
    %add3A_1397 = arith.addf %add3A_1385, %mul3A_1396 : vector<128x384xf32>
    %slice3A_1398 = vector.extract_strided_slice %add3A_81 {offsets = [128, 38], sizes = [128, 1], strides = [1, 1]} : vector<512x64xf32> to vector<128x1xf32>
    %slice3A_1399 = vector.extract_strided_slice %transpose3A_85 {offsets = [38, 128], sizes = [1, 384], strides = [1, 1]} : vector<64x512xf32> to vector<1x384xf32>
    %add3A_1400 = vector.broadcast %slice3A_1398 : vector<128x1xf32> to vector<128x384xf32>
    %add3A_1401 = vector.broadcast %slice3A_1399 : vector<1x384xf32> to vector<128x384xf32>
    %add3A_1402 = arith.addf %add3A_1400, %add3A_1401 : vector<128x384xf32>
    %abs3A_1403 = math.absf %add3A_1402 : vector<128x384xf32>
    %get3A_1404 = arith.constant 0 : index
    %get3A_1405 = arith.constant 38 : index
    %get3A_1406 = vector.load %arg12[%get3A_1404, %get3A_1405] : memref<1x64xf32, #tpu.memory_space<vmem>>, vector<1x1xf32>
    %mul3A_1407 = vector.broadcast %get3A_1406 : vector<1x1xf32> to vector<128x384xf32>
    %mul3A_1408 = arith.mulf %abs3A_1403, %mul3A_1407 : vector<128x384xf32>
    %add3A_1409 = arith.addf %add3A_1397, %mul3A_1408 : vector<128x384xf32>
    %slice3A_1410 = vector.extract_strided_slice %add3A_81 {offsets = [128, 39], sizes = [128, 1], strides = [1, 1]} : vector<512x64xf32> to vector<128x1xf32>
    %slice3A_1411 = vector.extract_strided_slice %transpose3A_85 {offsets = [39, 128], sizes = [1, 384], strides = [1, 1]} : vector<64x512xf32> to vector<1x384xf32>
    %add3A_1412 = vector.broadcast %slice3A_1410 : vector<128x1xf32> to vector<128x384xf32>
    %add3A_1413 = vector.broadcast %slice3A_1411 : vector<1x384xf32> to vector<128x384xf32>
    %add3A_1414 = arith.addf %add3A_1412, %add3A_1413 : vector<128x384xf32>
    %abs3A_1415 = math.absf %add3A_1414 : vector<128x384xf32>
    %get3A_1416 = arith.constant 0 : index
    %get3A_1417 = arith.constant 39 : index
    %get3A_1418 = vector.load %arg12[%get3A_1416, %get3A_1417] : memref<1x64xf32, #tpu.memory_space<vmem>>, vector<1x1xf32>
    %mul3A_1419 = vector.broadcast %get3A_1418 : vector<1x1xf32> to vector<128x384xf32>
    %mul3A_1420 = arith.mulf %abs3A_1415, %mul3A_1419 : vector<128x384xf32>
    %add3A_1421 = arith.addf %add3A_1409, %mul3A_1420 : vector<128x384xf32>
    %slice3A_1422 = vector.extract_strided_slice %add3A_81 {offsets = [128, 40], sizes = [128, 1], strides = [1, 1]} : vector<512x64xf32> to vector<128x1xf32>
    %slice3A_1423 = vector.extract_strided_slice %transpose3A_85 {offsets = [40, 128], sizes = [1, 384], strides = [1, 1]} : vector<64x512xf32> to vector<1x384xf32>
    %add3A_1424 = vector.broadcast %slice3A_1422 : vector<128x1xf32> to vector<128x384xf32>
    %add3A_1425 = vector.broadcast %slice3A_1423 : vector<1x384xf32> to vector<128x384xf32>
    %add3A_1426 = arith.addf %add3A_1424, %add3A_1425 : vector<128x384xf32>
    %abs3A_1427 = math.absf %add3A_1426 : vector<128x384xf32>
    %get3A_1428 = arith.constant 0 : index
    %get3A_1429 = arith.constant 40 : index
    %get3A_1430 = vector.load %arg12[%get3A_1428, %get3A_1429] : memref<1x64xf32, #tpu.memory_space<vmem>>, vector<1x1xf32>
    %mul3A_1431 = vector.broadcast %get3A_1430 : vector<1x1xf32> to vector<128x384xf32>
    %mul3A_1432 = arith.mulf %abs3A_1427, %mul3A_1431 : vector<128x384xf32>
    %add3A_1433 = arith.addf %add3A_1421, %mul3A_1432 : vector<128x384xf32>
    %slice3A_1434 = vector.extract_strided_slice %add3A_81 {offsets = [128, 41], sizes = [128, 1], strides = [1, 1]} : vector<512x64xf32> to vector<128x1xf32>
    %slice3A_1435 = vector.extract_strided_slice %transpose3A_85 {offsets = [41, 128], sizes = [1, 384], strides = [1, 1]} : vector<64x512xf32> to vector<1x384xf32>
    %add3A_1436 = vector.broadcast %slice3A_1434 : vector<128x1xf32> to vector<128x384xf32>
    %add3A_1437 = vector.broadcast %slice3A_1435 : vector<1x384xf32> to vector<128x384xf32>
    %add3A_1438 = arith.addf %add3A_1436, %add3A_1437 : vector<128x384xf32>
    %abs3A_1439 = math.absf %add3A_1438 : vector<128x384xf32>
    %get3A_1440 = arith.constant 0 : index
    %get3A_1441 = arith.constant 41 : index
    %get3A_1442 = vector.load %arg12[%get3A_1440, %get3A_1441] : memref<1x64xf32, #tpu.memory_space<vmem>>, vector<1x1xf32>
    %mul3A_1443 = vector.broadcast %get3A_1442 : vector<1x1xf32> to vector<128x384xf32>
    %mul3A_1444 = arith.mulf %abs3A_1439, %mul3A_1443 : vector<128x384xf32>
    %add3A_1445 = arith.addf %add3A_1433, %mul3A_1444 : vector<128x384xf32>
    %slice3A_1446 = vector.extract_strided_slice %add3A_81 {offsets = [128, 42], sizes = [128, 1], strides = [1, 1]} : vector<512x64xf32> to vector<128x1xf32>
    %slice3A_1447 = vector.extract_strided_slice %transpose3A_85 {offsets = [42, 128], sizes = [1, 384], strides = [1, 1]} : vector<64x512xf32> to vector<1x384xf32>
    %add3A_1448 = vector.broadcast %slice3A_1446 : vector<128x1xf32> to vector<128x384xf32>
    %add3A_1449 = vector.broadcast %slice3A_1447 : vector<1x384xf32> to vector<128x384xf32>
    %add3A_1450 = arith.addf %add3A_1448, %add3A_1449 : vector<128x384xf32>
    %abs3A_1451 = math.absf %add3A_1450 : vector<128x384xf32>
    %get3A_1452 = arith.constant 0 : index
    %get3A_1453 = arith.constant 42 : index
    %get3A_1454 = vector.load %arg12[%get3A_1452, %get3A_1453] : memref<1x64xf32, #tpu.memory_space<vmem>>, vector<1x1xf32>
    %mul3A_1455 = vector.broadcast %get3A_1454 : vector<1x1xf32> to vector<128x384xf32>
    %mul3A_1456 = arith.mulf %abs3A_1451, %mul3A_1455 : vector<128x384xf32>
    %add3A_1457 = arith.addf %add3A_1445, %mul3A_1456 : vector<128x384xf32>
    %slice3A_1458 = vector.extract_strided_slice %add3A_81 {offsets = [128, 43], sizes = [128, 1], strides = [1, 1]} : vector<512x64xf32> to vector<128x1xf32>
    %slice3A_1459 = vector.extract_strided_slice %transpose3A_85 {offsets = [43, 128], sizes = [1, 384], strides = [1, 1]} : vector<64x512xf32> to vector<1x384xf32>
    %add3A_1460 = vector.broadcast %slice3A_1458 : vector<128x1xf32> to vector<128x384xf32>
    %add3A_1461 = vector.broadcast %slice3A_1459 : vector<1x384xf32> to vector<128x384xf32>
    %add3A_1462 = arith.addf %add3A_1460, %add3A_1461 : vector<128x384xf32>
    %abs3A_1463 = math.absf %add3A_1462 : vector<128x384xf32>
    %get3A_1464 = arith.constant 0 : index
    %get3A_1465 = arith.constant 43 : index
    %get3A_1466 = vector.load %arg12[%get3A_1464, %get3A_1465] : memref<1x64xf32, #tpu.memory_space<vmem>>, vector<1x1xf32>
    %mul3A_1467 = vector.broadcast %get3A_1466 : vector<1x1xf32> to vector<128x384xf32>
    %mul3A_1468 = arith.mulf %abs3A_1463, %mul3A_1467 : vector<128x384xf32>
    %add3A_1469 = arith.addf %add3A_1457, %mul3A_1468 : vector<128x384xf32>
    %slice3A_1470 = vector.extract_strided_slice %add3A_81 {offsets = [128, 44], sizes = [128, 1], strides = [1, 1]} : vector<512x64xf32> to vector<128x1xf32>
    %slice3A_1471 = vector.extract_strided_slice %transpose3A_85 {offsets = [44, 128], sizes = [1, 384], strides = [1, 1]} : vector<64x512xf32> to vector<1x384xf32>
    %add3A_1472 = vector.broadcast %slice3A_1470 : vector<128x1xf32> to vector<128x384xf32>
    %add3A_1473 = vector.broadcast %slice3A_1471 : vector<1x384xf32> to vector<128x384xf32>
    %add3A_1474 = arith.addf %add3A_1472, %add3A_1473 : vector<128x384xf32>
    %abs3A_1475 = math.absf %add3A_1474 : vector<128x384xf32>
    %get3A_1476 = arith.constant 0 : index
    %get3A_1477 = arith.constant 44 : index
    %get3A_1478 = vector.load %arg12[%get3A_1476, %get3A_1477] : memref<1x64xf32, #tpu.memory_space<vmem>>, vector<1x1xf32>
    %mul3A_1479 = vector.broadcast %get3A_1478 : vector<1x1xf32> to vector<128x384xf32>
    %mul3A_1480 = arith.mulf %abs3A_1475, %mul3A_1479 : vector<128x384xf32>
    %add3A_1481 = arith.addf %add3A_1469, %mul3A_1480 : vector<128x384xf32>
    %slice3A_1482 = vector.extract_strided_slice %add3A_81 {offsets = [128, 45], sizes = [128, 1], strides = [1, 1]} : vector<512x64xf32> to vector<128x1xf32>
    %slice3A_1483 = vector.extract_strided_slice %transpose3A_85 {offsets = [45, 128], sizes = [1, 384], strides = [1, 1]} : vector<64x512xf32> to vector<1x384xf32>
    %add3A_1484 = vector.broadcast %slice3A_1482 : vector<128x1xf32> to vector<128x384xf32>
    %add3A_1485 = vector.broadcast %slice3A_1483 : vector<1x384xf32> to vector<128x384xf32>
    %add3A_1486 = arith.addf %add3A_1484, %add3A_1485 : vector<128x384xf32>
    %abs3A_1487 = math.absf %add3A_1486 : vector<128x384xf32>
    %get3A_1488 = arith.constant 0 : index
    %get3A_1489 = arith.constant 45 : index
    %get3A_1490 = vector.load %arg12[%get3A_1488, %get3A_1489] : memref<1x64xf32, #tpu.memory_space<vmem>>, vector<1x1xf32>
    %mul3A_1491 = vector.broadcast %get3A_1490 : vector<1x1xf32> to vector<128x384xf32>
    %mul3A_1492 = arith.mulf %abs3A_1487, %mul3A_1491 : vector<128x384xf32>
    %add3A_1493 = arith.addf %add3A_1481, %mul3A_1492 : vector<128x384xf32>
    %slice3A_1494 = vector.extract_strided_slice %add3A_81 {offsets = [128, 46], sizes = [128, 1], strides = [1, 1]} : vector<512x64xf32> to vector<128x1xf32>
    %slice3A_1495 = vector.extract_strided_slice %transpose3A_85 {offsets = [46, 128], sizes = [1, 384], strides = [1, 1]} : vector<64x512xf32> to vector<1x384xf32>
    %add3A_1496 = vector.broadcast %slice3A_1494 : vector<128x1xf32> to vector<128x384xf32>
    %add3A_1497 = vector.broadcast %slice3A_1495 : vector<1x384xf32> to vector<128x384xf32>
    %add3A_1498 = arith.addf %add3A_1496, %add3A_1497 : vector<128x384xf32>
    %abs3A_1499 = math.absf %add3A_1498 : vector<128x384xf32>
    %get3A_1500 = arith.constant 0 : index
    %get3A_1501 = arith.constant 46 : index
    %get3A_1502 = vector.load %arg12[%get3A_1500, %get3A_1501] : memref<1x64xf32, #tpu.memory_space<vmem>>, vector<1x1xf32>
    %mul3A_1503 = vector.broadcast %get3A_1502 : vector<1x1xf32> to vector<128x384xf32>
    %mul3A_1504 = arith.mulf %abs3A_1499, %mul3A_1503 : vector<128x384xf32>
    %add3A_1505 = arith.addf %add3A_1493, %mul3A_1504 : vector<128x384xf32>
    %slice3A_1506 = vector.extract_strided_slice %add3A_81 {offsets = [128, 47], sizes = [128, 1], strides = [1, 1]} : vector<512x64xf32> to vector<128x1xf32>
    %slice3A_1507 = vector.extract_strided_slice %transpose3A_85 {offsets = [47, 128], sizes = [1, 384], strides = [1, 1]} : vector<64x512xf32> to vector<1x384xf32>
    %add3A_1508 = vector.broadcast %slice3A_1506 : vector<128x1xf32> to vector<128x384xf32>
    %add3A_1509 = vector.broadcast %slice3A_1507 : vector<1x384xf32> to vector<128x384xf32>
    %add3A_1510 = arith.addf %add3A_1508, %add3A_1509 : vector<128x384xf32>
    %abs3A_1511 = math.absf %add3A_1510 : vector<128x384xf32>
    %get3A_1512 = arith.constant 0 : index
    %get3A_1513 = arith.constant 47 : index
    %get3A_1514 = vector.load %arg12[%get3A_1512, %get3A_1513] : memref<1x64xf32, #tpu.memory_space<vmem>>, vector<1x1xf32>
    %mul3A_1515 = vector.broadcast %get3A_1514 : vector<1x1xf32> to vector<128x384xf32>
    %mul3A_1516 = arith.mulf %abs3A_1511, %mul3A_1515 : vector<128x384xf32>
    %add3A_1517 = arith.addf %add3A_1505, %mul3A_1516 : vector<128x384xf32>
    %slice3A_1518 = vector.extract_strided_slice %add3A_81 {offsets = [128, 48], sizes = [128, 1], strides = [1, 1]} : vector<512x64xf32> to vector<128x1xf32>
    %slice3A_1519 = vector.extract_strided_slice %transpose3A_85 {offsets = [48, 128], sizes = [1, 384], strides = [1, 1]} : vector<64x512xf32> to vector<1x384xf32>
    %add3A_1520 = vector.broadcast %slice3A_1518 : vector<128x1xf32> to vector<128x384xf32>
    %add3A_1521 = vector.broadcast %slice3A_1519 : vector<1x384xf32> to vector<128x384xf32>
    %add3A_1522 = arith.addf %add3A_1520, %add3A_1521 : vector<128x384xf32>
    %abs3A_1523 = math.absf %add3A_1522 : vector<128x384xf32>
    %get3A_1524 = arith.constant 0 : index
    %get3A_1525 = arith.constant 48 : index
    %get3A_1526 = vector.load %arg12[%get3A_1524, %get3A_1525] : memref<1x64xf32, #tpu.memory_space<vmem>>, vector<1x1xf32>
    %mul3A_1527 = vector.broadcast %get3A_1526 : vector<1x1xf32> to vector<128x384xf32>
    %mul3A_1528 = arith.mulf %abs3A_1523, %mul3A_1527 : vector<128x384xf32>
    %add3A_1529 = arith.addf %add3A_1517, %mul3A_1528 : vector<128x384xf32>
    %slice3A_1530 = vector.extract_strided_slice %add3A_81 {offsets = [128, 49], sizes = [128, 1], strides = [1, 1]} : vector<512x64xf32> to vector<128x1xf32>
    %slice3A_1531 = vector.extract_strided_slice %transpose3A_85 {offsets = [49, 128], sizes = [1, 384], strides = [1, 1]} : vector<64x512xf32> to vector<1x384xf32>
    %add3A_1532 = vector.broadcast %slice3A_1530 : vector<128x1xf32> to vector<128x384xf32>
    %add3A_1533 = vector.broadcast %slice3A_1531 : vector<1x384xf32> to vector<128x384xf32>
    %add3A_1534 = arith.addf %add3A_1532, %add3A_1533 : vector<128x384xf32>
    %abs3A_1535 = math.absf %add3A_1534 : vector<128x384xf32>
    %get3A_1536 = arith.constant 0 : index
    %get3A_1537 = arith.constant 49 : index
    %get3A_1538 = vector.load %arg12[%get3A_1536, %get3A_1537] : memref<1x64xf32, #tpu.memory_space<vmem>>, vector<1x1xf32>
    %mul3A_1539 = vector.broadcast %get3A_1538 : vector<1x1xf32> to vector<128x384xf32>
    %mul3A_1540 = arith.mulf %abs3A_1535, %mul3A_1539 : vector<128x384xf32>
    %add3A_1541 = arith.addf %add3A_1529, %mul3A_1540 : vector<128x384xf32>
    %slice3A_1542 = vector.extract_strided_slice %add3A_81 {offsets = [128, 50], sizes = [128, 1], strides = [1, 1]} : vector<512x64xf32> to vector<128x1xf32>
    %slice3A_1543 = vector.extract_strided_slice %transpose3A_85 {offsets = [50, 128], sizes = [1, 384], strides = [1, 1]} : vector<64x512xf32> to vector<1x384xf32>
    %add3A_1544 = vector.broadcast %slice3A_1542 : vector<128x1xf32> to vector<128x384xf32>
    %add3A_1545 = vector.broadcast %slice3A_1543 : vector<1x384xf32> to vector<128x384xf32>
    %add3A_1546 = arith.addf %add3A_1544, %add3A_1545 : vector<128x384xf32>
    %abs3A_1547 = math.absf %add3A_1546 : vector<128x384xf32>
    %get3A_1548 = arith.constant 0 : index
    %get3A_1549 = arith.constant 50 : index
    %get3A_1550 = vector.load %arg12[%get3A_1548, %get3A_1549] : memref<1x64xf32, #tpu.memory_space<vmem>>, vector<1x1xf32>
    %mul3A_1551 = vector.broadcast %get3A_1550 : vector<1x1xf32> to vector<128x384xf32>
    %mul3A_1552 = arith.mulf %abs3A_1547, %mul3A_1551 : vector<128x384xf32>
    %add3A_1553 = arith.addf %add3A_1541, %mul3A_1552 : vector<128x384xf32>
    %slice3A_1554 = vector.extract_strided_slice %add3A_81 {offsets = [128, 51], sizes = [128, 1], strides = [1, 1]} : vector<512x64xf32> to vector<128x1xf32>
    %slice3A_1555 = vector.extract_strided_slice %transpose3A_85 {offsets = [51, 128], sizes = [1, 384], strides = [1, 1]} : vector<64x512xf32> to vector<1x384xf32>
    %add3A_1556 = vector.broadcast %slice3A_1554 : vector<128x1xf32> to vector<128x384xf32>
    %add3A_1557 = vector.broadcast %slice3A_1555 : vector<1x384xf32> to vector<128x384xf32>
    %add3A_1558 = arith.addf %add3A_1556, %add3A_1557 : vector<128x384xf32>
    %abs3A_1559 = math.absf %add3A_1558 : vector<128x384xf32>
    %get3A_1560 = arith.constant 0 : index
    %get3A_1561 = arith.constant 51 : index
    %get3A_1562 = vector.load %arg12[%get3A_1560, %get3A_1561] : memref<1x64xf32, #tpu.memory_space<vmem>>, vector<1x1xf32>
    %mul3A_1563 = vector.broadcast %get3A_1562 : vector<1x1xf32> to vector<128x384xf32>
    %mul3A_1564 = arith.mulf %abs3A_1559, %mul3A_1563 : vector<128x384xf32>
    %add3A_1565 = arith.addf %add3A_1553, %mul3A_1564 : vector<128x384xf32>
    %slice3A_1566 = vector.extract_strided_slice %add3A_81 {offsets = [128, 52], sizes = [128, 1], strides = [1, 1]} : vector<512x64xf32> to vector<128x1xf32>
    %slice3A_1567 = vector.extract_strided_slice %transpose3A_85 {offsets = [52, 128], sizes = [1, 384], strides = [1, 1]} : vector<64x512xf32> to vector<1x384xf32>
    %add3A_1568 = vector.broadcast %slice3A_1566 : vector<128x1xf32> to vector<128x384xf32>
    %add3A_1569 = vector.broadcast %slice3A_1567 : vector<1x384xf32> to vector<128x384xf32>
    %add3A_1570 = arith.addf %add3A_1568, %add3A_1569 : vector<128x384xf32>
    %abs3A_1571 = math.absf %add3A_1570 : vector<128x384xf32>
    %get3A_1572 = arith.constant 0 : index
    %get3A_1573 = arith.constant 52 : index
    %get3A_1574 = vector.load %arg12[%get3A_1572, %get3A_1573] : memref<1x64xf32, #tpu.memory_space<vmem>>, vector<1x1xf32>
    %mul3A_1575 = vector.broadcast %get3A_1574 : vector<1x1xf32> to vector<128x384xf32>
    %mul3A_1576 = arith.mulf %abs3A_1571, %mul3A_1575 : vector<128x384xf32>
    %add3A_1577 = arith.addf %add3A_1565, %mul3A_1576 : vector<128x384xf32>
    %slice3A_1578 = vector.extract_strided_slice %add3A_81 {offsets = [128, 53], sizes = [128, 1], strides = [1, 1]} : vector<512x64xf32> to vector<128x1xf32>
    %slice3A_1579 = vector.extract_strided_slice %transpose3A_85 {offsets = [53, 128], sizes = [1, 384], strides = [1, 1]} : vector<64x512xf32> to vector<1x384xf32>
    %add3A_1580 = vector.broadcast %slice3A_1578 : vector<128x1xf32> to vector<128x384xf32>
    %add3A_1581 = vector.broadcast %slice3A_1579 : vector<1x384xf32> to vector<128x384xf32>
    %add3A_1582 = arith.addf %add3A_1580, %add3A_1581 : vector<128x384xf32>
    %abs3A_1583 = math.absf %add3A_1582 : vector<128x384xf32>
    %get3A_1584 = arith.constant 0 : index
    %get3A_1585 = arith.constant 53 : index
    %get3A_1586 = vector.load %arg12[%get3A_1584, %get3A_1585] : memref<1x64xf32, #tpu.memory_space<vmem>>, vector<1x1xf32>
    %mul3A_1587 = vector.broadcast %get3A_1586 : vector<1x1xf32> to vector<128x384xf32>
    %mul3A_1588 = arith.mulf %abs3A_1583, %mul3A_1587 : vector<128x384xf32>
    %add3A_1589 = arith.addf %add3A_1577, %mul3A_1588 : vector<128x384xf32>
    %slice3A_1590 = vector.extract_strided_slice %add3A_81 {offsets = [128, 54], sizes = [128, 1], strides = [1, 1]} : vector<512x64xf32> to vector<128x1xf32>
    %slice3A_1591 = vector.extract_strided_slice %transpose3A_85 {offsets = [54, 128], sizes = [1, 384], strides = [1, 1]} : vector<64x512xf32> to vector<1x384xf32>
    %add3A_1592 = vector.broadcast %slice3A_1590 : vector<128x1xf32> to vector<128x384xf32>
    %add3A_1593 = vector.broadcast %slice3A_1591 : vector<1x384xf32> to vector<128x384xf32>
    %add3A_1594 = arith.addf %add3A_1592, %add3A_1593 : vector<128x384xf32>
    %abs3A_1595 = math.absf %add3A_1594 : vector<128x384xf32>
    %get3A_1596 = arith.constant 0 : index
    %get3A_1597 = arith.constant 54 : index
    %get3A_1598 = vector.load %arg12[%get3A_1596, %get3A_1597] : memref<1x64xf32, #tpu.memory_space<vmem>>, vector<1x1xf32>
    %mul3A_1599 = vector.broadcast %get3A_1598 : vector<1x1xf32> to vector<128x384xf32>
    %mul3A_1600 = arith.mulf %abs3A_1595, %mul3A_1599 : vector<128x384xf32>
    %add3A_1601 = arith.addf %add3A_1589, %mul3A_1600 : vector<128x384xf32>
    %slice3A_1602 = vector.extract_strided_slice %add3A_81 {offsets = [128, 55], sizes = [128, 1], strides = [1, 1]} : vector<512x64xf32> to vector<128x1xf32>
    %slice3A_1603 = vector.extract_strided_slice %transpose3A_85 {offsets = [55, 128], sizes = [1, 384], strides = [1, 1]} : vector<64x512xf32> to vector<1x384xf32>
    %add3A_1604 = vector.broadcast %slice3A_1602 : vector<128x1xf32> to vector<128x384xf32>
    %add3A_1605 = vector.broadcast %slice3A_1603 : vector<1x384xf32> to vector<128x384xf32>
    %add3A_1606 = arith.addf %add3A_1604, %add3A_1605 : vector<128x384xf32>
    %abs3A_1607 = math.absf %add3A_1606 : vector<128x384xf32>
    %get3A_1608 = arith.constant 0 : index
    %get3A_1609 = arith.constant 55 : index
    %get3A_1610 = vector.load %arg12[%get3A_1608, %get3A_1609] : memref<1x64xf32, #tpu.memory_space<vmem>>, vector<1x1xf32>
    %mul3A_1611 = vector.broadcast %get3A_1610 : vector<1x1xf32> to vector<128x384xf32>
    %mul3A_1612 = arith.mulf %abs3A_1607, %mul3A_1611 : vector<128x384xf32>
    %add3A_1613 = arith.addf %add3A_1601, %mul3A_1612 : vector<128x384xf32>
    %slice3A_1614 = vector.extract_strided_slice %add3A_81 {offsets = [128, 56], sizes = [128, 1], strides = [1, 1]} : vector<512x64xf32> to vector<128x1xf32>
    %slice3A_1615 = vector.extract_strided_slice %transpose3A_85 {offsets = [56, 128], sizes = [1, 384], strides = [1, 1]} : vector<64x512xf32> to vector<1x384xf32>
    %add3A_1616 = vector.broadcast %slice3A_1614 : vector<128x1xf32> to vector<128x384xf32>
    %add3A_1617 = vector.broadcast %slice3A_1615 : vector<1x384xf32> to vector<128x384xf32>
    %add3A_1618 = arith.addf %add3A_1616, %add3A_1617 : vector<128x384xf32>
    %abs3A_1619 = math.absf %add3A_1618 : vector<128x384xf32>
    %get3A_1620 = arith.constant 0 : index
    %get3A_1621 = arith.constant 56 : index
    %get3A_1622 = vector.load %arg12[%get3A_1620, %get3A_1621] : memref<1x64xf32, #tpu.memory_space<vmem>>, vector<1x1xf32>
    %mul3A_1623 = vector.broadcast %get3A_1622 : vector<1x1xf32> to vector<128x384xf32>
    %mul3A_1624 = arith.mulf %abs3A_1619, %mul3A_1623 : vector<128x384xf32>
    %add3A_1625 = arith.addf %add3A_1613, %mul3A_1624 : vector<128x384xf32>
    %slice3A_1626 = vector.extract_strided_slice %add3A_81 {offsets = [128, 57], sizes = [128, 1], strides = [1, 1]} : vector<512x64xf32> to vector<128x1xf32>
    %slice3A_1627 = vector.extract_strided_slice %transpose3A_85 {offsets = [57, 128], sizes = [1, 384], strides = [1, 1]} : vector<64x512xf32> to vector<1x384xf32>
    %add3A_1628 = vector.broadcast %slice3A_1626 : vector<128x1xf32> to vector<128x384xf32>
    %add3A_1629 = vector.broadcast %slice3A_1627 : vector<1x384xf32> to vector<128x384xf32>
    %add3A_1630 = arith.addf %add3A_1628, %add3A_1629 : vector<128x384xf32>
    %abs3A_1631 = math.absf %add3A_1630 : vector<128x384xf32>
    %get3A_1632 = arith.constant 0 : index
    %get3A_1633 = arith.constant 57 : index
    %get3A_1634 = vector.load %arg12[%get3A_1632, %get3A_1633] : memref<1x64xf32, #tpu.memory_space<vmem>>, vector<1x1xf32>
    %mul3A_1635 = vector.broadcast %get3A_1634 : vector<1x1xf32> to vector<128x384xf32>
    %mul3A_1636 = arith.mulf %abs3A_1631, %mul3A_1635 : vector<128x384xf32>
    %add3A_1637 = arith.addf %add3A_1625, %mul3A_1636 : vector<128x384xf32>
    %slice3A_1638 = vector.extract_strided_slice %add3A_81 {offsets = [128, 58], sizes = [128, 1], strides = [1, 1]} : vector<512x64xf32> to vector<128x1xf32>
    %slice3A_1639 = vector.extract_strided_slice %transpose3A_85 {offsets = [58, 128], sizes = [1, 384], strides = [1, 1]} : vector<64x512xf32> to vector<1x384xf32>
    %add3A_1640 = vector.broadcast %slice3A_1638 : vector<128x1xf32> to vector<128x384xf32>
    %add3A_1641 = vector.broadcast %slice3A_1639 : vector<1x384xf32> to vector<128x384xf32>
    %add3A_1642 = arith.addf %add3A_1640, %add3A_1641 : vector<128x384xf32>
    %abs3A_1643 = math.absf %add3A_1642 : vector<128x384xf32>
    %get3A_1644 = arith.constant 0 : index
    %get3A_1645 = arith.constant 58 : index
    %get3A_1646 = vector.load %arg12[%get3A_1644, %get3A_1645] : memref<1x64xf32, #tpu.memory_space<vmem>>, vector<1x1xf32>
    %mul3A_1647 = vector.broadcast %get3A_1646 : vector<1x1xf32> to vector<128x384xf32>
    %mul3A_1648 = arith.mulf %abs3A_1643, %mul3A_1647 : vector<128x384xf32>
    %add3A_1649 = arith.addf %add3A_1637, %mul3A_1648 : vector<128x384xf32>
    %slice3A_1650 = vector.extract_strided_slice %add3A_81 {offsets = [128, 59], sizes = [128, 1], strides = [1, 1]} : vector<512x64xf32> to vector<128x1xf32>
    %slice3A_1651 = vector.extract_strided_slice %transpose3A_85 {offsets = [59, 128], sizes = [1, 384], strides = [1, 1]} : vector<64x512xf32> to vector<1x384xf32>
    %add3A_1652 = vector.broadcast %slice3A_1650 : vector<128x1xf32> to vector<128x384xf32>
    %add3A_1653 = vector.broadcast %slice3A_1651 : vector<1x384xf32> to vector<128x384xf32>
    %add3A_1654 = arith.addf %add3A_1652, %add3A_1653 : vector<128x384xf32>
    %abs3A_1655 = math.absf %add3A_1654 : vector<128x384xf32>
    %get3A_1656 = arith.constant 0 : index
    %get3A_1657 = arith.constant 59 : index
    %get3A_1658 = vector.load %arg12[%get3A_1656, %get3A_1657] : memref<1x64xf32, #tpu.memory_space<vmem>>, vector<1x1xf32>
    %mul3A_1659 = vector.broadcast %get3A_1658 : vector<1x1xf32> to vector<128x384xf32>
    %mul3A_1660 = arith.mulf %abs3A_1655, %mul3A_1659 : vector<128x384xf32>
    %add3A_1661 = arith.addf %add3A_1649, %mul3A_1660 : vector<128x384xf32>
    %slice3A_1662 = vector.extract_strided_slice %add3A_81 {offsets = [128, 60], sizes = [128, 1], strides = [1, 1]} : vector<512x64xf32> to vector<128x1xf32>
    %slice3A_1663 = vector.extract_strided_slice %transpose3A_85 {offsets = [60, 128], sizes = [1, 384], strides = [1, 1]} : vector<64x512xf32> to vector<1x384xf32>
    %add3A_1664 = vector.broadcast %slice3A_1662 : vector<128x1xf32> to vector<128x384xf32>
    %add3A_1665 = vector.broadcast %slice3A_1663 : vector<1x384xf32> to vector<128x384xf32>
    %add3A_1666 = arith.addf %add3A_1664, %add3A_1665 : vector<128x384xf32>
    %abs3A_1667 = math.absf %add3A_1666 : vector<128x384xf32>
    %get3A_1668 = arith.constant 0 : index
    %get3A_1669 = arith.constant 60 : index
    %get3A_1670 = vector.load %arg12[%get3A_1668, %get3A_1669] : memref<1x64xf32, #tpu.memory_space<vmem>>, vector<1x1xf32>
    %mul3A_1671 = vector.broadcast %get3A_1670 : vector<1x1xf32> to vector<128x384xf32>
    %mul3A_1672 = arith.mulf %abs3A_1667, %mul3A_1671 : vector<128x384xf32>
    %add3A_1673 = arith.addf %add3A_1661, %mul3A_1672 : vector<128x384xf32>
    %slice3A_1674 = vector.extract_strided_slice %add3A_81 {offsets = [128, 61], sizes = [128, 1], strides = [1, 1]} : vector<512x64xf32> to vector<128x1xf32>
    %slice3A_1675 = vector.extract_strided_slice %transpose3A_85 {offsets = [61, 128], sizes = [1, 384], strides = [1, 1]} : vector<64x512xf32> to vector<1x384xf32>
    %add3A_1676 = vector.broadcast %slice3A_1674 : vector<128x1xf32> to vector<128x384xf32>
    %add3A_1677 = vector.broadcast %slice3A_1675 : vector<1x384xf32> to vector<128x384xf32>
    %add3A_1678 = arith.addf %add3A_1676, %add3A_1677 : vector<128x384xf32>
    %abs3A_1679 = math.absf %add3A_1678 : vector<128x384xf32>
    %get3A_1680 = arith.constant 0 : index
    %get3A_1681 = arith.constant 61 : index
    %get3A_1682 = vector.load %arg12[%get3A_1680, %get3A_1681] : memref<1x64xf32, #tpu.memory_space<vmem>>, vector<1x1xf32>
    %mul3A_1683 = vector.broadcast %get3A_1682 : vector<1x1xf32> to vector<128x384xf32>
    %mul3A_1684 = arith.mulf %abs3A_1679, %mul3A_1683 : vector<128x384xf32>
    %add3A_1685 = arith.addf %add3A_1673, %mul3A_1684 : vector<128x384xf32>
    %slice3A_1686 = vector.extract_strided_slice %add3A_81 {offsets = [128, 62], sizes = [128, 1], strides = [1, 1]} : vector<512x64xf32> to vector<128x1xf32>
    %slice3A_1687 = vector.extract_strided_slice %transpose3A_85 {offsets = [62, 128], sizes = [1, 384], strides = [1, 1]} : vector<64x512xf32> to vector<1x384xf32>
    %add3A_1688 = vector.broadcast %slice3A_1686 : vector<128x1xf32> to vector<128x384xf32>
    %add3A_1689 = vector.broadcast %slice3A_1687 : vector<1x384xf32> to vector<128x384xf32>
    %add3A_1690 = arith.addf %add3A_1688, %add3A_1689 : vector<128x384xf32>
    %abs3A_1691 = math.absf %add3A_1690 : vector<128x384xf32>
    %get3A_1692 = arith.constant 0 : index
    %get3A_1693 = arith.constant 62 : index
    %get3A_1694 = vector.load %arg12[%get3A_1692, %get3A_1693] : memref<1x64xf32, #tpu.memory_space<vmem>>, vector<1x1xf32>
    %mul3A_1695 = vector.broadcast %get3A_1694 : vector<1x1xf32> to vector<128x384xf32>
    %mul3A_1696 = arith.mulf %abs3A_1691, %mul3A_1695 : vector<128x384xf32>
    %add3A_1697 = arith.addf %add3A_1685, %mul3A_1696 : vector<128x384xf32>
    %slice3A_1698 = vector.extract_strided_slice %add3A_81 {offsets = [128, 63], sizes = [128, 1], strides = [1, 1]} : vector<512x64xf32> to vector<128x1xf32>
    %slice3A_1699 = vector.extract_strided_slice %transpose3A_85 {offsets = [63, 128], sizes = [1, 384], strides = [1, 1]} : vector<64x512xf32> to vector<1x384xf32>
    %add3A_1700 = vector.broadcast %slice3A_1698 : vector<128x1xf32> to vector<128x384xf32>
    %add3A_1701 = vector.broadcast %slice3A_1699 : vector<1x384xf32> to vector<128x384xf32>
    %add3A_1702 = arith.addf %add3A_1700, %add3A_1701 : vector<128x384xf32>
    %abs3A_1703 = math.absf %add3A_1702 : vector<128x384xf32>
    %get3A_1704 = arith.constant 0 : index
    %get3A_1705 = arith.constant 63 : index
    %get3A_1706 = vector.load %arg12[%get3A_1704, %get3A_1705] : memref<1x64xf32, #tpu.memory_space<vmem>>, vector<1x1xf32>
    %mul3A_1707 = vector.broadcast %get3A_1706 : vector<1x1xf32> to vector<128x384xf32>
    %mul3A_1708 = arith.mulf %abs3A_1703, %mul3A_1707 : vector<128x384xf32>
    %add3A_1709 = arith.addf %add3A_1697, %mul3A_1708 : vector<128x384xf32>
    %mul3A_1710 = arith.constant 5.000000e-01 : f32
    %mul3A_1711 = vector.broadcast %mul3A_1710 : f32 to vector<128x384xf32>
    %mul3A_1712 = arith.mulf %add3A_1709, %mul3A_1711 : vector<128x384xf32>
    %logistic3A_1713 = arith.negf %mul3A_1712 : vector<128x384xf32>
    %logistic3A_1714 = math.exp %logistic3A_1713 : vector<128x384xf32>
    %logistic3A_1715 = arith.constant 1.000000e+00 : f32
    %logistic3A_1716 = vector.broadcast %logistic3A_1715 : f32 to vector<128x384xf32>
    %logistic3A_1717 = arith.addf %logistic3A_1716, %logistic3A_1714 : vector<128x384xf32>
    %logistic3A_1718 = arith.divf %logistic3A_1716, %logistic3A_1717 : vector<128x384xf32>
    %slice3A_1719 = vector.extract_strided_slice %logistic3A_1718 {offsets = [0, 0], sizes = [128, 128], strides = [1, 1]} : vector<128x384xf32> to vector<128x128xf32>
    %jit3A_1720 = arith.constant 0.000000e+00 : f32
    %broadcast_in_dim3A_1721 = vector.broadcast %jit3A_1720 : f32 to vector<128x128xf32>
    %select_n3A_1722 = arith.select %lt3A, %slice3A_1719, %broadcast_in_dim3A_1721 : vector<128x128xi1>, vector<128x128xf32>
    %transpose3A_1723 = tpu.transpose %select_n3A_1722, [1, 0] : vector<128x128xf32> -> vector<128x128xf32>
    %add3A_1724 = arith.addf %select_n3A_1722, %transpose3A_1723 : vector<128x128xf32>
    %swap3A_1725 = arith.constant 0 : index
    %swap3A_1726 = arith.constant 128 : index
    %swap3A_1727 = arith.constant 128 : index
    %swap3A_1728 = vector.load %arg14[%swap3A_1725, %swap3A_1726, %swap3A_1727] : memref<1x512x512xf32, #tpu.memory_space<vmem>>, vector<1x128x128xf32>
    %swap3A_1729 = vector.shape_cast %swap3A_1728 : vector<1x128x128xf32> to vector<128x128xf32>
    %swap3A_1730 = vector.shape_cast %add3A_1724 : vector<128x128xf32> to vector<1x128x128xf32>
    tpu.vector_store %arg14[%swap3A_1725, %swap3A_1726, %swap3A_1727], %swap3A_1730 {strides = array<i32>} : memref<1x512x512xf32, #tpu.memory_space<vmem>>, vector<1x128x128xf32>,
    %slice3A_1731 = vector.extract_strided_slice %logistic3A_1718 {offsets = [0, 128], sizes = [128, 128], strides = [1, 1]} : vector<128x384xf32> to vector<128x128xf32>
    %swap3A_1732 = arith.constant 0 : index
    %swap3A_1733 = arith.constant 128 : index
    %swap3A_1734 = arith.constant 256 : index
    %swap3A_1735 = vector.load %arg14[%swap3A_1732, %swap3A_1733, %swap3A_1734] : memref<1x512x512xf32, #tpu.memory_space<vmem>>, vector<1x128x128xf32>
    %swap3A_1736 = vector.shape_cast %swap3A_1735 : vector<1x128x128xf32> to vector<128x128xf32>
    %swap3A_1737 = vector.shape_cast %slice3A_1731 : vector<128x128xf32> to vector<1x128x128xf32>
    tpu.vector_store %arg14[%swap3A_1732, %swap3A_1733, %swap3A_1734], %swap3A_1737 {strides = array<i32>} : memref<1x512x512xf32, #tpu.memory_space<vmem>>, vector<1x128x128xf32>,
    %transpose3A_1738 = tpu.transpose %slice3A_1731, [1, 0] : vector<128x128xf32> -> vector<128x128xf32>
    %swap3A_1739 = arith.constant 0 : index
    %swap3A_1740 = arith.constant 256 : index
    %swap3A_1741 = arith.constant 128 : index
    %swap3A_1742 = vector.load %arg14[%swap3A_1739, %swap3A_1740, %swap3A_1741] : memref<1x512x512xf32, #tpu.memory_space<vmem>>, vector<1x128x128xf32>
    %swap3A_1743 = vector.shape_cast %swap3A_1742 : vector<1x128x128xf32> to vector<128x128xf32>
    %swap3A_1744 = vector.shape_cast %transpose3A_1738 : vector<128x128xf32> to vector<1x128x128xf32>
    tpu.vector_store %arg14[%swap3A_1739, %swap3A_1740, %swap3A_1741], %swap3A_1744 {strides = array<i32>} : memref<1x512x512xf32, #tpu.memory_space<vmem>>, vector<1x128x128xf32>,
    %slice3A_1745 = vector.extract_strided_slice %logistic3A_1718 {offsets = [0, 256], sizes = [128, 128], strides = [1, 1]} : vector<128x384xf32> to vector<128x128xf32>
    %swap3A_1746 = arith.constant 0 : index
    %swap3A_1747 = arith.constant 128 : index
    %swap3A_1748 = arith.constant 384 : index
    %swap3A_1749 = vector.load %arg14[%swap3A_1746, %swap3A_1747, %swap3A_1748] : memref<1x512x512xf32, #tpu.memory_space<vmem>>, vector<1x128x128xf32>
    %swap3A_1750 = vector.shape_cast %swap3A_1749 : vector<1x128x128xf32> to vector<128x128xf32>
    %swap3A_1751 = vector.shape_cast %slice3A_1745 : vector<128x128xf32> to vector<1x128x128xf32>
    tpu.vector_store %arg14[%swap3A_1746, %swap3A_1747, %swap3A_1748], %swap3A_1751 {strides = array<i32>} : memref<1x512x512xf32, #tpu.memory_space<vmem>>, vector<1x128x128xf32>,
    %transpose3A_1752 = tpu.transpose %slice3A_1745, [1, 0] : vector<128x128xf32> -> vector<128x128xf32>
    %swap3A_1753 = arith.constant 0 : index
    %swap3A_1754 = arith.constant 384 : index
    %swap3A_1755 = arith.constant 128 : index
    %swap3A_1756 = vector.load %arg14[%swap3A_1753, %swap3A_1754, %swap3A_1755] : memref<1x512x512xf32, #tpu.memory_space<vmem>>, vector<1x128x128xf32>
    %swap3A_1757 = vector.shape_cast %swap3A_1756 : vector<1x128x128xf32> to vector<128x128xf32>
    %swap3A_1758 = vector.shape_cast %transpose3A_1752 : vector<128x128xf32> to vector<1x128x128xf32>
    tpu.vector_store %arg14[%swap3A_1753, %swap3A_1754, %swap3A_1755], %swap3A_1758 {strides = array<i32>} : memref<1x512x512xf32, #tpu.memory_space<vmem>>, vector<1x128x128xf32>,
    %slice3A_1759 = vector.extract_strided_slice %dot_general3A_91 {offsets = [256, 0], sizes = [128, 1], strides = [1, 1]} : vector<512x1xf32> to vector<128x1xf32>
    %slice3A_1760 = vector.extract_strided_slice %transpose3A_94 {offsets = [0, 256], sizes = [1, 256], strides = [1, 1]} : vector<1x512xf32> to vector<1x256xf32>
    %add3A_1761 = vector.broadcast %slice3A_1759 : vector<128x1xf32> to vector<128x256xf32>
    %add3A_1762 = vector.broadcast %slice3A_1760 : vector<1x256xf32> to vector<128x256xf32>
    %add3A_1763 = arith.addf %add3A_1761, %add3A_1762 : vector<128x256xf32>
    %add3A_1764 = vector.broadcast %mul3A_100 : vector<1x1xf32> to vector<128x256xf32>
    %add3A_1765 = arith.addf %add3A_1763, %add3A_1764 : vector<128x256xf32>
    %slice3A_1766 = vector.extract_strided_slice %add3A_81 {offsets = [256, 0], sizes = [128, 1], strides = [1, 1]} : vector<512x64xf32> to vector<128x1xf32>
    %slice3A_1767 = vector.extract_strided_slice %transpose3A_85 {offsets = [0, 256], sizes = [1, 256], strides = [1, 1]} : vector<64x512xf32> to vector<1x256xf32>
    %add3A_1768 = vector.broadcast %slice3A_1766 : vector<128x1xf32> to vector<128x256xf32>
    %add3A_1769 = vector.broadcast %slice3A_1767 : vector<1x256xf32> to vector<128x256xf32>
    %add3A_1770 = arith.addf %add3A_1768, %add3A_1769 : vector<128x256xf32>
    %abs3A_1771 = math.absf %add3A_1770 : vector<128x256xf32>
    %get3A_1772 = arith.constant 0 : index
    %get3A_1773 = arith.constant 0 : index
    %get3A_1774 = vector.load %arg12[%get3A_1772, %get3A_1773] : memref<1x64xf32, #tpu.memory_space<vmem>>, vector<1x1xf32>
    %mul3A_1775 = vector.broadcast %get3A_1774 : vector<1x1xf32> to vector<128x256xf32>
    %mul3A_1776 = arith.mulf %abs3A_1771, %mul3A_1775 : vector<128x256xf32>
    %add3A_1777 = arith.addf %add3A_1765, %mul3A_1776 : vector<128x256xf32>
    %slice3A_1778 = vector.extract_strided_slice %add3A_81 {offsets = [256, 1], sizes = [128, 1], strides = [1, 1]} : vector<512x64xf32> to vector<128x1xf32>
    %slice3A_1779 = vector.extract_strided_slice %transpose3A_85 {offsets = [1, 256], sizes = [1, 256], strides = [1, 1]} : vector<64x512xf32> to vector<1x256xf32>
    %add3A_1780 = vector.broadcast %slice3A_1778 : vector<128x1xf32> to vector<128x256xf32>
    %add3A_1781 = vector.broadcast %slice3A_1779 : vector<1x256xf32> to vector<128x256xf32>
    %add3A_1782 = arith.addf %add3A_1780, %add3A_1781 : vector<128x256xf32>
    %abs3A_1783 = math.absf %add3A_1782 : vector<128x256xf32>
    %get3A_1784 = arith.constant 0 : index
    %get3A_1785 = arith.constant 1 : index
    %get3A_1786 = vector.load %arg12[%get3A_1784, %get3A_1785] : memref<1x64xf32, #tpu.memory_space<vmem>>, vector<1x1xf32>
    %mul3A_1787 = vector.broadcast %get3A_1786 : vector<1x1xf32> to vector<128x256xf32>
    %mul3A_1788 = arith.mulf %abs3A_1783, %mul3A_1787 : vector<128x256xf32>
    %add3A_1789 = arith.addf %add3A_1777, %mul3A_1788 : vector<128x256xf32>
    %slice3A_1790 = vector.extract_strided_slice %add3A_81 {offsets = [256, 2], sizes = [128, 1], strides = [1, 1]} : vector<512x64xf32> to vector<128x1xf32>
    %slice3A_1791 = vector.extract_strided_slice %transpose3A_85 {offsets = [2, 256], sizes = [1, 256], strides = [1, 1]} : vector<64x512xf32> to vector<1x256xf32>
    %add3A_1792 = vector.broadcast %slice3A_1790 : vector<128x1xf32> to vector<128x256xf32>
    %add3A_1793 = vector.broadcast %slice3A_1791 : vector<1x256xf32> to vector<128x256xf32>
    %add3A_1794 = arith.addf %add3A_1792, %add3A_1793 : vector<128x256xf32>
    %abs3A_1795 = math.absf %add3A_1794 : vector<128x256xf32>
    %get3A_1796 = arith.constant 0 : index
    %get3A_1797 = arith.constant 2 : index
    %get3A_1798 = vector.load %arg12[%get3A_1796, %get3A_1797] : memref<1x64xf32, #tpu.memory_space<vmem>>, vector<1x1xf32>
    %mul3A_1799 = vector.broadcast %get3A_1798 : vector<1x1xf32> to vector<128x256xf32>
    %mul3A_1800 = arith.mulf %abs3A_1795, %mul3A_1799 : vector<128x256xf32>
    %add3A_1801 = arith.addf %add3A_1789, %mul3A_1800 : vector<128x256xf32>
    %slice3A_1802 = vector.extract_strided_slice %add3A_81 {offsets = [256, 3], sizes = [128, 1], strides = [1, 1]} : vector<512x64xf32> to vector<128x1xf32>
    %slice3A_1803 = vector.extract_strided_slice %transpose3A_85 {offsets = [3, 256], sizes = [1, 256], strides = [1, 1]} : vector<64x512xf32> to vector<1x256xf32>
    %add3A_1804 = vector.broadcast %slice3A_1802 : vector<128x1xf32> to vector<128x256xf32>
    %add3A_1805 = vector.broadcast %slice3A_1803 : vector<1x256xf32> to vector<128x256xf32>
    %add3A_1806 = arith.addf %add3A_1804, %add3A_1805 : vector<128x256xf32>
    %abs3A_1807 = math.absf %add3A_1806 : vector<128x256xf32>
    %get3A_1808 = arith.constant 0 : index
    %get3A_1809 = arith.constant 3 : index
    %get3A_1810 = vector.load %arg12[%get3A_1808, %get3A_1809] : memref<1x64xf32, #tpu.memory_space<vmem>>, vector<1x1xf32>
    %mul3A_1811 = vector.broadcast %get3A_1810 : vector<1x1xf32> to vector<128x256xf32>
    %mul3A_1812 = arith.mulf %abs3A_1807, %mul3A_1811 : vector<128x256xf32>
    %add3A_1813 = arith.addf %add3A_1801, %mul3A_1812 : vector<128x256xf32>
    %slice3A_1814 = vector.extract_strided_slice %add3A_81 {offsets = [256, 4], sizes = [128, 1], strides = [1, 1]} : vector<512x64xf32> to vector<128x1xf32>
    %slice3A_1815 = vector.extract_strided_slice %transpose3A_85 {offsets = [4, 256], sizes = [1, 256], strides = [1, 1]} : vector<64x512xf32> to vector<1x256xf32>
    %add3A_1816 = vector.broadcast %slice3A_1814 : vector<128x1xf32> to vector<128x256xf32>
    %add3A_1817 = vector.broadcast %slice3A_1815 : vector<1x256xf32> to vector<128x256xf32>
    %add3A_1818 = arith.addf %add3A_1816, %add3A_1817 : vector<128x256xf32>
    %abs3A_1819 = math.absf %add3A_1818 : vector<128x256xf32>
    %get3A_1820 = arith.constant 0 : index
    %get3A_1821 = arith.constant 4 : index
    %get3A_1822 = vector.load %arg12[%get3A_1820, %get3A_1821] : memref<1x64xf32, #tpu.memory_space<vmem>>, vector<1x1xf32>
    %mul3A_1823 = vector.broadcast %get3A_1822 : vector<1x1xf32> to vector<128x256xf32>
    %mul3A_1824 = arith.mulf %abs3A_1819, %mul3A_1823 : vector<128x256xf32>
    %add3A_1825 = arith.addf %add3A_1813, %mul3A_1824 : vector<128x256xf32>
    %slice3A_1826 = vector.extract_strided_slice %add3A_81 {offsets = [256, 5], sizes = [128, 1], strides = [1, 1]} : vector<512x64xf32> to vector<128x1xf32>
    %slice3A_1827 = vector.extract_strided_slice %transpose3A_85 {offsets = [5, 256], sizes = [1, 256], strides = [1, 1]} : vector<64x512xf32> to vector<1x256xf32>
    %add3A_1828 = vector.broadcast %slice3A_1826 : vector<128x1xf32> to vector<128x256xf32>
    %add3A_1829 = vector.broadcast %slice3A_1827 : vector<1x256xf32> to vector<128x256xf32>
    %add3A_1830 = arith.addf %add3A_1828, %add3A_1829 : vector<128x256xf32>
    %abs3A_1831 = math.absf %add3A_1830 : vector<128x256xf32>
    %get3A_1832 = arith.constant 0 : index
    %get3A_1833 = arith.constant 5 : index
    %get3A_1834 = vector.load %arg12[%get3A_1832, %get3A_1833] : memref<1x64xf32, #tpu.memory_space<vmem>>, vector<1x1xf32>
    %mul3A_1835 = vector.broadcast %get3A_1834 : vector<1x1xf32> to vector<128x256xf32>
    %mul3A_1836 = arith.mulf %abs3A_1831, %mul3A_1835 : vector<128x256xf32>
    %add3A_1837 = arith.addf %add3A_1825, %mul3A_1836 : vector<128x256xf32>
    %slice3A_1838 = vector.extract_strided_slice %add3A_81 {offsets = [256, 6], sizes = [128, 1], strides = [1, 1]} : vector<512x64xf32> to vector<128x1xf32>
    %slice3A_1839 = vector.extract_strided_slice %transpose3A_85 {offsets = [6, 256], sizes = [1, 256], strides = [1, 1]} : vector<64x512xf32> to vector<1x256xf32>
    %add3A_1840 = vector.broadcast %slice3A_1838 : vector<128x1xf32> to vector<128x256xf32>
    %add3A_1841 = vector.broadcast %slice3A_1839 : vector<1x256xf32> to vector<128x256xf32>
    %add3A_1842 = arith.addf %add3A_1840, %add3A_1841 : vector<128x256xf32>
    %abs3A_1843 = math.absf %add3A_1842 : vector<128x256xf32>
    %get3A_1844 = arith.constant 0 : index
    %get3A_1845 = arith.constant 6 : index
    %get3A_1846 = vector.load %arg12[%get3A_1844, %get3A_1845] : memref<1x64xf32, #tpu.memory_space<vmem>>, vector<1x1xf32>
    %mul3A_1847 = vector.broadcast %get3A_1846 : vector<1x1xf32> to vector<128x256xf32>
    %mul3A_1848 = arith.mulf %abs3A_1843, %mul3A_1847 : vector<128x256xf32>
    %add3A_1849 = arith.addf %add3A_1837, %mul3A_1848 : vector<128x256xf32>
    %slice3A_1850 = vector.extract_strided_slice %add3A_81 {offsets = [256, 7], sizes = [128, 1], strides = [1, 1]} : vector<512x64xf32> to vector<128x1xf32>
    %slice3A_1851 = vector.extract_strided_slice %transpose3A_85 {offsets = [7, 256], sizes = [1, 256], strides = [1, 1]} : vector<64x512xf32> to vector<1x256xf32>
    %add3A_1852 = vector.broadcast %slice3A_1850 : vector<128x1xf32> to vector<128x256xf32>
    %add3A_1853 = vector.broadcast %slice3A_1851 : vector<1x256xf32> to vector<128x256xf32>
    %add3A_1854 = arith.addf %add3A_1852, %add3A_1853 : vector<128x256xf32>
    %abs3A_1855 = math.absf %add3A_1854 : vector<128x256xf32>
    %get3A_1856 = arith.constant 0 : index
    %get3A_1857 = arith.constant 7 : index
    %get3A_1858 = vector.load %arg12[%get3A_1856, %get3A_1857] : memref<1x64xf32, #tpu.memory_space<vmem>>, vector<1x1xf32>
    %mul3A_1859 = vector.broadcast %get3A_1858 : vector<1x1xf32> to vector<128x256xf32>
    %mul3A_1860 = arith.mulf %abs3A_1855, %mul3A_1859 : vector<128x256xf32>
    %add3A_1861 = arith.addf %add3A_1849, %mul3A_1860 : vector<128x256xf32>
    %slice3A_1862 = vector.extract_strided_slice %add3A_81 {offsets = [256, 8], sizes = [128, 1], strides = [1, 1]} : vector<512x64xf32> to vector<128x1xf32>
    %slice3A_1863 = vector.extract_strided_slice %transpose3A_85 {offsets = [8, 256], sizes = [1, 256], strides = [1, 1]} : vector<64x512xf32> to vector<1x256xf32>
    %add3A_1864 = vector.broadcast %slice3A_1862 : vector<128x1xf32> to vector<128x256xf32>
    %add3A_1865 = vector.broadcast %slice3A_1863 : vector<1x256xf32> to vector<128x256xf32>
    %add3A_1866 = arith.addf %add3A_1864, %add3A_1865 : vector<128x256xf32>
    %abs3A_1867 = math.absf %add3A_1866 : vector<128x256xf32>
    %get3A_1868 = arith.constant 0 : index
    %get3A_1869 = arith.constant 8 : index
    %get3A_1870 = vector.load %arg12[%get3A_1868, %get3A_1869] : memref<1x64xf32, #tpu.memory_space<vmem>>, vector<1x1xf32>
    %mul3A_1871 = vector.broadcast %get3A_1870 : vector<1x1xf32> to vector<128x256xf32>
    %mul3A_1872 = arith.mulf %abs3A_1867, %mul3A_1871 : vector<128x256xf32>
    %add3A_1873 = arith.addf %add3A_1861, %mul3A_1872 : vector<128x256xf32>
    %slice3A_1874 = vector.extract_strided_slice %add3A_81 {offsets = [256, 9], sizes = [128, 1], strides = [1, 1]} : vector<512x64xf32> to vector<128x1xf32>
    %slice3A_1875 = vector.extract_strided_slice %transpose3A_85 {offsets = [9, 256], sizes = [1, 256], strides = [1, 1]} : vector<64x512xf32> to vector<1x256xf32>
    %add3A_1876 = vector.broadcast %slice3A_1874 : vector<128x1xf32> to vector<128x256xf32>
    %add3A_1877 = vector.broadcast %slice3A_1875 : vector<1x256xf32> to vector<128x256xf32>
    %add3A_1878 = arith.addf %add3A_1876, %add3A_1877 : vector<128x256xf32>
    %abs3A_1879 = math.absf %add3A_1878 : vector<128x256xf32>
    %get3A_1880 = arith.constant 0 : index
    %get3A_1881 = arith.constant 9 : index
    %get3A_1882 = vector.load %arg12[%get3A_1880, %get3A_1881] : memref<1x64xf32, #tpu.memory_space<vmem>>, vector<1x1xf32>
    %mul3A_1883 = vector.broadcast %get3A_1882 : vector<1x1xf32> to vector<128x256xf32>
    %mul3A_1884 = arith.mulf %abs3A_1879, %mul3A_1883 : vector<128x256xf32>
    %add3A_1885 = arith.addf %add3A_1873, %mul3A_1884 : vector<128x256xf32>
    %slice3A_1886 = vector.extract_strided_slice %add3A_81 {offsets = [256, 10], sizes = [128, 1], strides = [1, 1]} : vector<512x64xf32> to vector<128x1xf32>
    %slice3A_1887 = vector.extract_strided_slice %transpose3A_85 {offsets = [10, 256], sizes = [1, 256], strides = [1, 1]} : vector<64x512xf32> to vector<1x256xf32>
    %add3A_1888 = vector.broadcast %slice3A_1886 : vector<128x1xf32> to vector<128x256xf32>
    %add3A_1889 = vector.broadcast %slice3A_1887 : vector<1x256xf32> to vector<128x256xf32>
    %add3A_1890 = arith.addf %add3A_1888, %add3A_1889 : vector<128x256xf32>
    %abs3A_1891 = math.absf %add3A_1890 : vector<128x256xf32>
    %get3A_1892 = arith.constant 0 : index
    %get3A_1893 = arith.constant 10 : index
    %get3A_1894 = vector.load %arg12[%get3A_1892, %get3A_1893] : memref<1x64xf32, #tpu.memory_space<vmem>>, vector<1x1xf32>
    %mul3A_1895 = vector.broadcast %get3A_1894 : vector<1x1xf32> to vector<128x256xf32>
    %mul3A_1896 = arith.mulf %abs3A_1891, %mul3A_1895 : vector<128x256xf32>
    %add3A_1897 = arith.addf %add3A_1885, %mul3A_1896 : vector<128x256xf32>
    %slice3A_1898 = vector.extract_strided_slice %add3A_81 {offsets = [256, 11], sizes = [128, 1], strides = [1, 1]} : vector<512x64xf32> to vector<128x1xf32>
    %slice3A_1899 = vector.extract_strided_slice %transpose3A_85 {offsets = [11, 256], sizes = [1, 256], strides = [1, 1]} : vector<64x512xf32> to vector<1x256xf32>
    %add3A_1900 = vector.broadcast %slice3A_1898 : vector<128x1xf32> to vector<128x256xf32>
    %add3A_1901 = vector.broadcast %slice3A_1899 : vector<1x256xf32> to vector<128x256xf32>
    %add3A_1902 = arith.addf %add3A_1900, %add3A_1901 : vector<128x256xf32>
    %abs3A_1903 = math.absf %add3A_1902 : vector<128x256xf32>
    %get3A_1904 = arith.constant 0 : index
    %get3A_1905 = arith.constant 11 : index
    %get3A_1906 = vector.load %arg12[%get3A_1904, %get3A_1905] : memref<1x64xf32, #tpu.memory_space<vmem>>, vector<1x1xf32>
    %mul3A_1907 = vector.broadcast %get3A_1906 : vector<1x1xf32> to vector<128x256xf32>
    %mul3A_1908 = arith.mulf %abs3A_1903, %mul3A_1907 : vector<128x256xf32>
    %add3A_1909 = arith.addf %add3A_1897, %mul3A_1908 : vector<128x256xf32>
    %slice3A_1910 = vector.extract_strided_slice %add3A_81 {offsets = [256, 12], sizes = [128, 1], strides = [1, 1]} : vector<512x64xf32> to vector<128x1xf32>
    %slice3A_1911 = vector.extract_strided_slice %transpose3A_85 {offsets = [12, 256], sizes = [1, 256], strides = [1, 1]} : vector<64x512xf32> to vector<1x256xf32>
    %add3A_1912 = vector.broadcast %slice3A_1910 : vector<128x1xf32> to vector<128x256xf32>
    %add3A_1913 = vector.broadcast %slice3A_1911 : vector<1x256xf32> to vector<128x256xf32>
    %add3A_1914 = arith.addf %add3A_1912, %add3A_1913 : vector<128x256xf32>
    %abs3A_1915 = math.absf %add3A_1914 : vector<128x256xf32>
    %get3A_1916 = arith.constant 0 : index
    %get3A_1917 = arith.constant 12 : index
    %get3A_1918 = vector.load %arg12[%get3A_1916, %get3A_1917] : memref<1x64xf32, #tpu.memory_space<vmem>>, vector<1x1xf32>
    %mul3A_1919 = vector.broadcast %get3A_1918 : vector<1x1xf32> to vector<128x256xf32>
    %mul3A_1920 = arith.mulf %abs3A_1915, %mul3A_1919 : vector<128x256xf32>
    %add3A_1921 = arith.addf %add3A_1909, %mul3A_1920 : vector<128x256xf32>
    %slice3A_1922 = vector.extract_strided_slice %add3A_81 {offsets = [256, 13], sizes = [128, 1], strides = [1, 1]} : vector<512x64xf32> to vector<128x1xf32>
    %slice3A_1923 = vector.extract_strided_slice %transpose3A_85 {offsets = [13, 256], sizes = [1, 256], strides = [1, 1]} : vector<64x512xf32> to vector<1x256xf32>
    %add3A_1924 = vector.broadcast %slice3A_1922 : vector<128x1xf32> to vector<128x256xf32>
    %add3A_1925 = vector.broadcast %slice3A_1923 : vector<1x256xf32> to vector<128x256xf32>
    %add3A_1926 = arith.addf %add3A_1924, %add3A_1925 : vector<128x256xf32>
    %abs3A_1927 = math.absf %add3A_1926 : vector<128x256xf32>
    %get3A_1928 = arith.constant 0 : index
    %get3A_1929 = arith.constant 13 : index
    %get3A_1930 = vector.load %arg12[%get3A_1928, %get3A_1929] : memref<1x64xf32, #tpu.memory_space<vmem>>, vector<1x1xf32>
    %mul3A_1931 = vector.broadcast %get3A_1930 : vector<1x1xf32> to vector<128x256xf32>
    %mul3A_1932 = arith.mulf %abs3A_1927, %mul3A_1931 : vector<128x256xf32>
    %add3A_1933 = arith.addf %add3A_1921, %mul3A_1932 : vector<128x256xf32>
    %slice3A_1934 = vector.extract_strided_slice %add3A_81 {offsets = [256, 14], sizes = [128, 1], strides = [1, 1]} : vector<512x64xf32> to vector<128x1xf32>
    %slice3A_1935 = vector.extract_strided_slice %transpose3A_85 {offsets = [14, 256], sizes = [1, 256], strides = [1, 1]} : vector<64x512xf32> to vector<1x256xf32>
    %add3A_1936 = vector.broadcast %slice3A_1934 : vector<128x1xf32> to vector<128x256xf32>
    %add3A_1937 = vector.broadcast %slice3A_1935 : vector<1x256xf32> to vector<128x256xf32>
    %add3A_1938 = arith.addf %add3A_1936, %add3A_1937 : vector<128x256xf32>
    %abs3A_1939 = math.absf %add3A_1938 : vector<128x256xf32>
    %get3A_1940 = arith.constant 0 : index
    %get3A_1941 = arith.constant 14 : index
    %get3A_1942 = vector.load %arg12[%get3A_1940, %get3A_1941] : memref<1x64xf32, #tpu.memory_space<vmem>>, vector<1x1xf32>
    %mul3A_1943 = vector.broadcast %get3A_1942 : vector<1x1xf32> to vector<128x256xf32>
    %mul3A_1944 = arith.mulf %abs3A_1939, %mul3A_1943 : vector<128x256xf32>
    %add3A_1945 = arith.addf %add3A_1933, %mul3A_1944 : vector<128x256xf32>
    %slice3A_1946 = vector.extract_strided_slice %add3A_81 {offsets = [256, 15], sizes = [128, 1], strides = [1, 1]} : vector<512x64xf32> to vector<128x1xf32>
    %slice3A_1947 = vector.extract_strided_slice %transpose3A_85 {offsets = [15, 256], sizes = [1, 256], strides = [1, 1]} : vector<64x512xf32> to vector<1x256xf32>
    %add3A_1948 = vector.broadcast %slice3A_1946 : vector<128x1xf32> to vector<128x256xf32>
    %add3A_1949 = vector.broadcast %slice3A_1947 : vector<1x256xf32> to vector<128x256xf32>
    %add3A_1950 = arith.addf %add3A_1948, %add3A_1949 : vector<128x256xf32>
    %abs3A_1951 = math.absf %add3A_1950 : vector<128x256xf32>
    %get3A_1952 = arith.constant 0 : index
    %get3A_1953 = arith.constant 15 : index
    %get3A_1954 = vector.load %arg12[%get3A_1952, %get3A_1953] : memref<1x64xf32, #tpu.memory_space<vmem>>, vector<1x1xf32>
    %mul3A_1955 = vector.broadcast %get3A_1954 : vector<1x1xf32> to vector<128x256xf32>
    %mul3A_1956 = arith.mulf %abs3A_1951, %mul3A_1955 : vector<128x256xf32>
    %add3A_1957 = arith.addf %add3A_1945, %mul3A_1956 : vector<128x256xf32>
    %slice3A_1958 = vector.extract_strided_slice %add3A_81 {offsets = [256, 16], sizes = [128, 1], strides = [1, 1]} : vector<512x64xf32> to vector<128x1xf32>
    %slice3A_1959 = vector.extract_strided_slice %transpose3A_85 {offsets = [16, 256], sizes = [1, 256], strides = [1, 1]} : vector<64x512xf32> to vector<1x256xf32>
    %add3A_1960 = vector.broadcast %slice3A_1958 : vector<128x1xf32> to vector<128x256xf32>
    %add3A_1961 = vector.broadcast %slice3A_1959 : vector<1x256xf32> to vector<128x256xf32>
    %add3A_1962 = arith.addf %add3A_1960, %add3A_1961 : vector<128x256xf32>
    %abs3A_1963 = math.absf %add3A_1962 : vector<128x256xf32>
    %get3A_1964 = arith.constant 0 : index
    %get3A_1965 = arith.constant 16 : index
    %get3A_1966 = vector.load %arg12[%get3A_1964, %get3A_1965] : memref<1x64xf32, #tpu.memory_space<vmem>>, vector<1x1xf32>
    %mul3A_1967 = vector.broadcast %get3A_1966 : vector<1x1xf32> to vector<128x256xf32>
    %mul3A_1968 = arith.mulf %abs3A_1963, %mul3A_1967 : vector<128x256xf32>
    %add3A_1969 = arith.addf %add3A_1957, %mul3A_1968 : vector<128x256xf32>
    %slice3A_1970 = vector.extract_strided_slice %add3A_81 {offsets = [256, 17], sizes = [128, 1], strides = [1, 1]} : vector<512x64xf32> to vector<128x1xf32>
    %slice3A_1971 = vector.extract_strided_slice %transpose3A_85 {offsets = [17, 256], sizes = [1, 256], strides = [1, 1]} : vector<64x512xf32> to vector<1x256xf32>
    %add3A_1972 = vector.broadcast %slice3A_1970 : vector<128x1xf32> to vector<128x256xf32>
    %add3A_1973 = vector.broadcast %slice3A_1971 : vector<1x256xf32> to vector<128x256xf32>
    %add3A_1974 = arith.addf %add3A_1972, %add3A_1973 : vector<128x256xf32>
    %abs3A_1975 = math.absf %add3A_1974 : vector<128x256xf32>
    %get3A_1976 = arith.constant 0 : index
    %get3A_1977 = arith.constant 17 : index
    %get3A_1978 = vector.load %arg12[%get3A_1976, %get3A_1977] : memref<1x64xf32, #tpu.memory_space<vmem>>, vector<1x1xf32>
    %mul3A_1979 = vector.broadcast %get3A_1978 : vector<1x1xf32> to vector<128x256xf32>
    %mul3A_1980 = arith.mulf %abs3A_1975, %mul3A_1979 : vector<128x256xf32>
    %add3A_1981 = arith.addf %add3A_1969, %mul3A_1980 : vector<128x256xf32>
    %slice3A_1982 = vector.extract_strided_slice %add3A_81 {offsets = [256, 18], sizes = [128, 1], strides = [1, 1]} : vector<512x64xf32> to vector<128x1xf32>
    %slice3A_1983 = vector.extract_strided_slice %transpose3A_85 {offsets = [18, 256], sizes = [1, 256], strides = [1, 1]} : vector<64x512xf32> to vector<1x256xf32>
    %add3A_1984 = vector.broadcast %slice3A_1982 : vector<128x1xf32> to vector<128x256xf32>
    %add3A_1985 = vector.broadcast %slice3A_1983 : vector<1x256xf32> to vector<128x256xf32>
    %add3A_1986 = arith.addf %add3A_1984, %add3A_1985 : vector<128x256xf32>
    %abs3A_1987 = math.absf %add3A_1986 : vector<128x256xf32>
    %get3A_1988 = arith.constant 0 : index
    %get3A_1989 = arith.constant 18 : index
    %get3A_1990 = vector.load %arg12[%get3A_1988, %get3A_1989] : memref<1x64xf32, #tpu.memory_space<vmem>>, vector<1x1xf32>
    %mul3A_1991 = vector.broadcast %get3A_1990 : vector<1x1xf32> to vector<128x256xf32>
    %mul3A_1992 = arith.mulf %abs3A_1987, %mul3A_1991 : vector<128x256xf32>
    %add3A_1993 = arith.addf %add3A_1981, %mul3A_1992 : vector<128x256xf32>
    %slice3A_1994 = vector.extract_strided_slice %add3A_81 {offsets = [256, 19], sizes = [128, 1], strides = [1, 1]} : vector<512x64xf32> to vector<128x1xf32>
    %slice3A_1995 = vector.extract_strided_slice %transpose3A_85 {offsets = [19, 256], sizes = [1, 256], strides = [1, 1]} : vector<64x512xf32> to vector<1x256xf32>
    %add3A_1996 = vector.broadcast %slice3A_1994 : vector<128x1xf32> to vector<128x256xf32>
    %add3A_1997 = vector.broadcast %slice3A_1995 : vector<1x256xf32> to vector<128x256xf32>
    %add3A_1998 = arith.addf %add3A_1996, %add3A_1997 : vector<128x256xf32>
    %abs3A_1999 = math.absf %add3A_1998 : vector<128x256xf32>
    %get3A_2000 = arith.constant 0 : index
    %get3A_2001 = arith.constant 19 : index
    %get3A_2002 = vector.load %arg12[%get3A_2000, %get3A_2001] : memref<1x64xf32, #tpu.memory_space<vmem>>, vector<1x1xf32>
    %mul3A_2003 = vector.broadcast %get3A_2002 : vector<1x1xf32> to vector<128x256xf32>
    %mul3A_2004 = arith.mulf %abs3A_1999, %mul3A_2003 : vector<128x256xf32>
    %add3A_2005 = arith.addf %add3A_1993, %mul3A_2004 : vector<128x256xf32>
    %slice3A_2006 = vector.extract_strided_slice %add3A_81 {offsets = [256, 20], sizes = [128, 1], strides = [1, 1]} : vector<512x64xf32> to vector<128x1xf32>
    %slice3A_2007 = vector.extract_strided_slice %transpose3A_85 {offsets = [20, 256], sizes = [1, 256], strides = [1, 1]} : vector<64x512xf32> to vector<1x256xf32>
    %add3A_2008 = vector.broadcast %slice3A_2006 : vector<128x1xf32> to vector<128x256xf32>
    %add3A_2009 = vector.broadcast %slice3A_2007 : vector<1x256xf32> to vector<128x256xf32>
    %add3A_2010 = arith.addf %add3A_2008, %add3A_2009 : vector<128x256xf32>
    %abs3A_2011 = math.absf %add3A_2010 : vector<128x256xf32>
    %get3A_2012 = arith.constant 0 : index
    %get3A_2013 = arith.constant 20 : index
    %get3A_2014 = vector.load %arg12[%get3A_2012, %get3A_2013] : memref<1x64xf32, #tpu.memory_space<vmem>>, vector<1x1xf32>
    %mul3A_2015 = vector.broadcast %get3A_2014 : vector<1x1xf32> to vector<128x256xf32>
    %mul3A_2016 = arith.mulf %abs3A_2011, %mul3A_2015 : vector<128x256xf32>
    %add3A_2017 = arith.addf %add3A_2005, %mul3A_2016 : vector<128x256xf32>
    %slice3A_2018 = vector.extract_strided_slice %add3A_81 {offsets = [256, 21], sizes = [128, 1], strides = [1, 1]} : vector<512x64xf32> to vector<128x1xf32>
    %slice3A_2019 = vector.extract_strided_slice %transpose3A_85 {offsets = [21, 256], sizes = [1, 256], strides = [1, 1]} : vector<64x512xf32> to vector<1x256xf32>
    %add3A_2020 = vector.broadcast %slice3A_2018 : vector<128x1xf32> to vector<128x256xf32>
    %add3A_2021 = vector.broadcast %slice3A_2019 : vector<1x256xf32> to vector<128x256xf32>
    %add3A_2022 = arith.addf %add3A_2020, %add3A_2021 : vector<128x256xf32>
    %abs3A_2023 = math.absf %add3A_2022 : vector<128x256xf32>
    %get3A_2024 = arith.constant 0 : index
    %get3A_2025 = arith.constant 21 : index
    %get3A_2026 = vector.load %arg12[%get3A_2024, %get3A_2025] : memref<1x64xf32, #tpu.memory_space<vmem>>, vector<1x1xf32>
    %mul3A_2027 = vector.broadcast %get3A_2026 : vector<1x1xf32> to vector<128x256xf32>
    %mul3A_2028 = arith.mulf %abs3A_2023, %mul3A_2027 : vector<128x256xf32>
    %add3A_2029 = arith.addf %add3A_2017, %mul3A_2028 : vector<128x256xf32>
    %slice3A_2030 = vector.extract_strided_slice %add3A_81 {offsets = [256, 22], sizes = [128, 1], strides = [1, 1]} : vector<512x64xf32> to vector<128x1xf32>
    %slice3A_2031 = vector.extract_strided_slice %transpose3A_85 {offsets = [22, 256], sizes = [1, 256], strides = [1, 1]} : vector<64x512xf32> to vector<1x256xf32>
    %add3A_2032 = vector.broadcast %slice3A_2030 : vector<128x1xf32> to vector<128x256xf32>
    %add3A_2033 = vector.broadcast %slice3A_2031 : vector<1x256xf32> to vector<128x256xf32>
    %add3A_2034 = arith.addf %add3A_2032, %add3A_2033 : vector<128x256xf32>
    %abs3A_2035 = math.absf %add3A_2034 : vector<128x256xf32>
    %get3A_2036 = arith.constant 0 : index
    %get3A_2037 = arith.constant 22 : index
    %get3A_2038 = vector.load %arg12[%get3A_2036, %get3A_2037] : memref<1x64xf32, #tpu.memory_space<vmem>>, vector<1x1xf32>
    %mul3A_2039 = vector.broadcast %get3A_2038 : vector<1x1xf32> to vector<128x256xf32>
    %mul3A_2040 = arith.mulf %abs3A_2035, %mul3A_2039 : vector<128x256xf32>
    %add3A_2041 = arith.addf %add3A_2029, %mul3A_2040 : vector<128x256xf32>
    %slice3A_2042 = vector.extract_strided_slice %add3A_81 {offsets = [256, 23], sizes = [128, 1], strides = [1, 1]} : vector<512x64xf32> to vector<128x1xf32>
    %slice3A_2043 = vector.extract_strided_slice %transpose3A_85 {offsets = [23, 256], sizes = [1, 256], strides = [1, 1]} : vector<64x512xf32> to vector<1x256xf32>
    %add3A_2044 = vector.broadcast %slice3A_2042 : vector<128x1xf32> to vector<128x256xf32>
    %add3A_2045 = vector.broadcast %slice3A_2043 : vector<1x256xf32> to vector<128x256xf32>
    %add3A_2046 = arith.addf %add3A_2044, %add3A_2045 : vector<128x256xf32>
    %abs3A_2047 = math.absf %add3A_2046 : vector<128x256xf32>
    %get3A_2048 = arith.constant 0 : index
    %get3A_2049 = arith.constant 23 : index
    %get3A_2050 = vector.load %arg12[%get3A_2048, %get3A_2049] : memref<1x64xf32, #tpu.memory_space<vmem>>, vector<1x1xf32>
    %mul3A_2051 = vector.broadcast %get3A_2050 : vector<1x1xf32> to vector<128x256xf32>
    %mul3A_2052 = arith.mulf %abs3A_2047, %mul3A_2051 : vector<128x256xf32>
    %add3A_2053 = arith.addf %add3A_2041, %mul3A_2052 : vector<128x256xf32>
    %slice3A_2054 = vector.extract_strided_slice %add3A_81 {offsets = [256, 24], sizes = [128, 1], strides = [1, 1]} : vector<512x64xf32> to vector<128x1xf32>
    %slice3A_2055 = vector.extract_strided_slice %transpose3A_85 {offsets = [24, 256], sizes = [1, 256], strides = [1, 1]} : vector<64x512xf32> to vector<1x256xf32>
    %add3A_2056 = vector.broadcast %slice3A_2054 : vector<128x1xf32> to vector<128x256xf32>
    %add3A_2057 = vector.broadcast %slice3A_2055 : vector<1x256xf32> to vector<128x256xf32>
    %add3A_2058 = arith.addf %add3A_2056, %add3A_2057 : vector<128x256xf32>
    %abs3A_2059 = math.absf %add3A_2058 : vector<128x256xf32>
    %get3A_2060 = arith.constant 0 : index
    %get3A_2061 = arith.constant 24 : index
    %get3A_2062 = vector.load %arg12[%get3A_2060, %get3A_2061] : memref<1x64xf32, #tpu.memory_space<vmem>>, vector<1x1xf32>
    %mul3A_2063 = vector.broadcast %get3A_2062 : vector<1x1xf32> to vector<128x256xf32>
    %mul3A_2064 = arith.mulf %abs3A_2059, %mul3A_2063 : vector<128x256xf32>
    %add3A_2065 = arith.addf %add3A_2053, %mul3A_2064 : vector<128x256xf32>
    %slice3A_2066 = vector.extract_strided_slice %add3A_81 {offsets = [256, 25], sizes = [128, 1], strides = [1, 1]} : vector<512x64xf32> to vector<128x1xf32>
    %slice3A_2067 = vector.extract_strided_slice %transpose3A_85 {offsets = [25, 256], sizes = [1, 256], strides = [1, 1]} : vector<64x512xf32> to vector<1x256xf32>
    %add3A_2068 = vector.broadcast %slice3A_2066 : vector<128x1xf32> to vector<128x256xf32>
    %add3A_2069 = vector.broadcast %slice3A_2067 : vector<1x256xf32> to vector<128x256xf32>
    %add3A_2070 = arith.addf %add3A_2068, %add3A_2069 : vector<128x256xf32>
    %abs3A_2071 = math.absf %add3A_2070 : vector<128x256xf32>
    %get3A_2072 = arith.constant 0 : index
    %get3A_2073 = arith.constant 25 : index
    %get3A_2074 = vector.load %arg12[%get3A_2072, %get3A_2073] : memref<1x64xf32, #tpu.memory_space<vmem>>, vector<1x1xf32>
    %mul3A_2075 = vector.broadcast %get3A_2074 : vector<1x1xf32> to vector<128x256xf32>
    %mul3A_2076 = arith.mulf %abs3A_2071, %mul3A_2075 : vector<128x256xf32>
    %add3A_2077 = arith.addf %add3A_2065, %mul3A_2076 : vector<128x256xf32>
    %slice3A_2078 = vector.extract_strided_slice %add3A_81 {offsets = [256, 26], sizes = [128, 1], strides = [1, 1]} : vector<512x64xf32> to vector<128x1xf32>
    %slice3A_2079 = vector.extract_strided_slice %transpose3A_85 {offsets = [26, 256], sizes = [1, 256], strides = [1, 1]} : vector<64x512xf32> to vector<1x256xf32>
    %add3A_2080 = vector.broadcast %slice3A_2078 : vector<128x1xf32> to vector<128x256xf32>
    %add3A_2081 = vector.broadcast %slice3A_2079 : vector<1x256xf32> to vector<128x256xf32>
    %add3A_2082 = arith.addf %add3A_2080, %add3A_2081 : vector<128x256xf32>
    %abs3A_2083 = math.absf %add3A_2082 : vector<128x256xf32>
    %get3A_2084 = arith.constant 0 : index
    %get3A_2085 = arith.constant 26 : index
    %get3A_2086 = vector.load %arg12[%get3A_2084, %get3A_2085] : memref<1x64xf32, #tpu.memory_space<vmem>>, vector<1x1xf32>
    %mul3A_2087 = vector.broadcast %get3A_2086 : vector<1x1xf32> to vector<128x256xf32>
    %mul3A_2088 = arith.mulf %abs3A_2083, %mul3A_2087 : vector<128x256xf32>
    %add3A_2089 = arith.addf %add3A_2077, %mul3A_2088 : vector<128x256xf32>
    %slice3A_2090 = vector.extract_strided_slice %add3A_81 {offsets = [256, 27], sizes = [128, 1], strides = [1, 1]} : vector<512x64xf32> to vector<128x1xf32>
    %slice3A_2091 = vector.extract_strided_slice %transpose3A_85 {offsets = [27, 256], sizes = [1, 256], strides = [1, 1]} : vector<64x512xf32> to vector<1x256xf32>
    %add3A_2092 = vector.broadcast %slice3A_2090 : vector<128x1xf32> to vector<128x256xf32>
    %add3A_2093 = vector.broadcast %slice3A_2091 : vector<1x256xf32> to vector<128x256xf32>
    %add3A_2094 = arith.addf %add3A_2092, %add3A_2093 : vector<128x256xf32>
    %abs3A_2095 = math.absf %add3A_2094 : vector<128x256xf32>
    %get3A_2096 = arith.constant 0 : index
    %get3A_2097 = arith.constant 27 : index
    %get3A_2098 = vector.load %arg12[%get3A_2096, %get3A_2097] : memref<1x64xf32, #tpu.memory_space<vmem>>, vector<1x1xf32>
    %mul3A_2099 = vector.broadcast %get3A_2098 : vector<1x1xf32> to vector<128x256xf32>
    %mul3A_2100 = arith.mulf %abs3A_2095, %mul3A_2099 : vector<128x256xf32>
    %add3A_2101 = arith.addf %add3A_2089, %mul3A_2100 : vector<128x256xf32>
    %slice3A_2102 = vector.extract_strided_slice %add3A_81 {offsets = [256, 28], sizes = [128, 1], strides = [1, 1]} : vector<512x64xf32> to vector<128x1xf32>
    %slice3A_2103 = vector.extract_strided_slice %transpose3A_85 {offsets = [28, 256], sizes = [1, 256], strides = [1, 1]} : vector<64x512xf32> to vector<1x256xf32>
    %add3A_2104 = vector.broadcast %slice3A_2102 : vector<128x1xf32> to vector<128x256xf32>
    %add3A_2105 = vector.broadcast %slice3A_2103 : vector<1x256xf32> to vector<128x256xf32>
    %add3A_2106 = arith.addf %add3A_2104, %add3A_2105 : vector<128x256xf32>
    %abs3A_2107 = math.absf %add3A_2106 : vector<128x256xf32>
    %get3A_2108 = arith.constant 0 : index
    %get3A_2109 = arith.constant 28 : index
    %get3A_2110 = vector.load %arg12[%get3A_2108, %get3A_2109] : memref<1x64xf32, #tpu.memory_space<vmem>>, vector<1x1xf32>
    %mul3A_2111 = vector.broadcast %get3A_2110 : vector<1x1xf32> to vector<128x256xf32>
    %mul3A_2112 = arith.mulf %abs3A_2107, %mul3A_2111 : vector<128x256xf32>
    %add3A_2113 = arith.addf %add3A_2101, %mul3A_2112 : vector<128x256xf32>
    %slice3A_2114 = vector.extract_strided_slice %add3A_81 {offsets = [256, 29], sizes = [128, 1], strides = [1, 1]} : vector<512x64xf32> to vector<128x1xf32>
    %slice3A_2115 = vector.extract_strided_slice %transpose3A_85 {offsets = [29, 256], sizes = [1, 256], strides = [1, 1]} : vector<64x512xf32> to vector<1x256xf32>
    %add3A_2116 = vector.broadcast %slice3A_2114 : vector<128x1xf32> to vector<128x256xf32>
    %add3A_2117 = vector.broadcast %slice3A_2115 : vector<1x256xf32> to vector<128x256xf32>
    %add3A_2118 = arith.addf %add3A_2116, %add3A_2117 : vector<128x256xf32>
    %abs3A_2119 = math.absf %add3A_2118 : vector<128x256xf32>
    %get3A_2120 = arith.constant 0 : index
    %get3A_2121 = arith.constant 29 : index
    %get3A_2122 = vector.load %arg12[%get3A_2120, %get3A_2121] : memref<1x64xf32, #tpu.memory_space<vmem>>, vector<1x1xf32>
    %mul3A_2123 = vector.broadcast %get3A_2122 : vector<1x1xf32> to vector<128x256xf32>
    %mul3A_2124 = arith.mulf %abs3A_2119, %mul3A_2123 : vector<128x256xf32>
    %add3A_2125 = arith.addf %add3A_2113, %mul3A_2124 : vector<128x256xf32>
    %slice3A_2126 = vector.extract_strided_slice %add3A_81 {offsets = [256, 30], sizes = [128, 1], strides = [1, 1]} : vector<512x64xf32> to vector<128x1xf32>
    %slice3A_2127 = vector.extract_strided_slice %transpose3A_85 {offsets = [30, 256], sizes = [1, 256], strides = [1, 1]} : vector<64x512xf32> to vector<1x256xf32>
    %add3A_2128 = vector.broadcast %slice3A_2126 : vector<128x1xf32> to vector<128x256xf32>
    %add3A_2129 = vector.broadcast %slice3A_2127 : vector<1x256xf32> to vector<128x256xf32>
    %add3A_2130 = arith.addf %add3A_2128, %add3A_2129 : vector<128x256xf32>
    %abs3A_2131 = math.absf %add3A_2130 : vector<128x256xf32>
    %get3A_2132 = arith.constant 0 : index
    %get3A_2133 = arith.constant 30 : index
    %get3A_2134 = vector.load %arg12[%get3A_2132, %get3A_2133] : memref<1x64xf32, #tpu.memory_space<vmem>>, vector<1x1xf32>
    %mul3A_2135 = vector.broadcast %get3A_2134 : vector<1x1xf32> to vector<128x256xf32>
    %mul3A_2136 = arith.mulf %abs3A_2131, %mul3A_2135 : vector<128x256xf32>
    %add3A_2137 = arith.addf %add3A_2125, %mul3A_2136 : vector<128x256xf32>
    %slice3A_2138 = vector.extract_strided_slice %add3A_81 {offsets = [256, 31], sizes = [128, 1], strides = [1, 1]} : vector<512x64xf32> to vector<128x1xf32>
    %slice3A_2139 = vector.extract_strided_slice %transpose3A_85 {offsets = [31, 256], sizes = [1, 256], strides = [1, 1]} : vector<64x512xf32> to vector<1x256xf32>
    %add3A_2140 = vector.broadcast %slice3A_2138 : vector<128x1xf32> to vector<128x256xf32>
    %add3A_2141 = vector.broadcast %slice3A_2139 : vector<1x256xf32> to vector<128x256xf32>
    %add3A_2142 = arith.addf %add3A_2140, %add3A_2141 : vector<128x256xf32>
    %abs3A_2143 = math.absf %add3A_2142 : vector<128x256xf32>
    %get3A_2144 = arith.constant 0 : index
    %get3A_2145 = arith.constant 31 : index
    %get3A_2146 = vector.load %arg12[%get3A_2144, %get3A_2145] : memref<1x64xf32, #tpu.memory_space<vmem>>, vector<1x1xf32>
    %mul3A_2147 = vector.broadcast %get3A_2146 : vector<1x1xf32> to vector<128x256xf32>
    %mul3A_2148 = arith.mulf %abs3A_2143, %mul3A_2147 : vector<128x256xf32>
    %add3A_2149 = arith.addf %add3A_2137, %mul3A_2148 : vector<128x256xf32>
    %slice3A_2150 = vector.extract_strided_slice %add3A_81 {offsets = [256, 32], sizes = [128, 1], strides = [1, 1]} : vector<512x64xf32> to vector<128x1xf32>
    %slice3A_2151 = vector.extract_strided_slice %transpose3A_85 {offsets = [32, 256], sizes = [1, 256], strides = [1, 1]} : vector<64x512xf32> to vector<1x256xf32>
    %add3A_2152 = vector.broadcast %slice3A_2150 : vector<128x1xf32> to vector<128x256xf32>
    %add3A_2153 = vector.broadcast %slice3A_2151 : vector<1x256xf32> to vector<128x256xf32>
    %add3A_2154 = arith.addf %add3A_2152, %add3A_2153 : vector<128x256xf32>
    %abs3A_2155 = math.absf %add3A_2154 : vector<128x256xf32>
    %get3A_2156 = arith.constant 0 : index
    %get3A_2157 = arith.constant 32 : index
    %get3A_2158 = vector.load %arg12[%get3A_2156, %get3A_2157] : memref<1x64xf32, #tpu.memory_space<vmem>>, vector<1x1xf32>
    %mul3A_2159 = vector.broadcast %get3A_2158 : vector<1x1xf32> to vector<128x256xf32>
    %mul3A_2160 = arith.mulf %abs3A_2155, %mul3A_2159 : vector<128x256xf32>
    %add3A_2161 = arith.addf %add3A_2149, %mul3A_2160 : vector<128x256xf32>
    %slice3A_2162 = vector.extract_strided_slice %add3A_81 {offsets = [256, 33], sizes = [128, 1], strides = [1, 1]} : vector<512x64xf32> to vector<128x1xf32>
    %slice3A_2163 = vector.extract_strided_slice %transpose3A_85 {offsets = [33, 256], sizes = [1, 256], strides = [1, 1]} : vector<64x512xf32> to vector<1x256xf32>
    %add3A_2164 = vector.broadcast %slice3A_2162 : vector<128x1xf32> to vector<128x256xf32>
    %add3A_2165 = vector.broadcast %slice3A_2163 : vector<1x256xf32> to vector<128x256xf32>
    %add3A_2166 = arith.addf %add3A_2164, %add3A_2165 : vector<128x256xf32>
    %abs3A_2167 = math.absf %add3A_2166 : vector<128x256xf32>
    %get3A_2168 = arith.constant 0 : index
    %get3A_2169 = arith.constant 33 : index
    %get3A_2170 = vector.load %arg12[%get3A_2168, %get3A_2169] : memref<1x64xf32, #tpu.memory_space<vmem>>, vector<1x1xf32>
    %mul3A_2171 = vector.broadcast %get3A_2170 : vector<1x1xf32> to vector<128x256xf32>
    %mul3A_2172 = arith.mulf %abs3A_2167, %mul3A_2171 : vector<128x256xf32>
    %add3A_2173 = arith.addf %add3A_2161, %mul3A_2172 : vector<128x256xf32>
    %slice3A_2174 = vector.extract_strided_slice %add3A_81 {offsets = [256, 34], sizes = [128, 1], strides = [1, 1]} : vector<512x64xf32> to vector<128x1xf32>
    %slice3A_2175 = vector.extract_strided_slice %transpose3A_85 {offsets = [34, 256], sizes = [1, 256], strides = [1, 1]} : vector<64x512xf32> to vector<1x256xf32>
    %add3A_2176 = vector.broadcast %slice3A_2174 : vector<128x1xf32> to vector<128x256xf32>
    %add3A_2177 = vector.broadcast %slice3A_2175 : vector<1x256xf32> to vector<128x256xf32>
    %add3A_2178 = arith.addf %add3A_2176, %add3A_2177 : vector<128x256xf32>
    %abs3A_2179 = math.absf %add3A_2178 : vector<128x256xf32>
    %get3A_2180 = arith.constant 0 : index
    %get3A_2181 = arith.constant 34 : index
    %get3A_2182 = vector.load %arg12[%get3A_2180, %get3A_2181] : memref<1x64xf32, #tpu.memory_space<vmem>>, vector<1x1xf32>
    %mul3A_2183 = vector.broadcast %get3A_2182 : vector<1x1xf32> to vector<128x256xf32>
    %mul3A_2184 = arith.mulf %abs3A_2179, %mul3A_2183 : vector<128x256xf32>
    %add3A_2185 = arith.addf %add3A_2173, %mul3A_2184 : vector<128x256xf32>
    %slice3A_2186 = vector.extract_strided_slice %add3A_81 {offsets = [256, 35], sizes = [128, 1], strides = [1, 1]} : vector<512x64xf32> to vector<128x1xf32>
    %slice3A_2187 = vector.extract_strided_slice %transpose3A_85 {offsets = [35, 256], sizes = [1, 256], strides = [1, 1]} : vector<64x512xf32> to vector<1x256xf32>
    %add3A_2188 = vector.broadcast %slice3A_2186 : vector<128x1xf32> to vector<128x256xf32>
    %add3A_2189 = vector.broadcast %slice3A_2187 : vector<1x256xf32> to vector<128x256xf32>
    %add3A_2190 = arith.addf %add3A_2188, %add3A_2189 : vector<128x256xf32>
    %abs3A_2191 = math.absf %add3A_2190 : vector<128x256xf32>
    %get3A_2192 = arith.constant 0 : index
    %get3A_2193 = arith.constant 35 : index
    %get3A_2194 = vector.load %arg12[%get3A_2192, %get3A_2193] : memref<1x64xf32, #tpu.memory_space<vmem>>, vector<1x1xf32>
    %mul3A_2195 = vector.broadcast %get3A_2194 : vector<1x1xf32> to vector<128x256xf32>
    %mul3A_2196 = arith.mulf %abs3A_2191, %mul3A_2195 : vector<128x256xf32>
    %add3A_2197 = arith.addf %add3A_2185, %mul3A_2196 : vector<128x256xf32>
    %slice3A_2198 = vector.extract_strided_slice %add3A_81 {offsets = [256, 36], sizes = [128, 1], strides = [1, 1]} : vector<512x64xf32> to vector<128x1xf32>
    %slice3A_2199 = vector.extract_strided_slice %transpose3A_85 {offsets = [36, 256], sizes = [1, 256], strides = [1, 1]} : vector<64x512xf32> to vector<1x256xf32>
    %add3A_2200 = vector.broadcast %slice3A_2198 : vector<128x1xf32> to vector<128x256xf32>
    %add3A_2201 = vector.broadcast %slice3A_2199 : vector<1x256xf32> to vector<128x256xf32>
    %add3A_2202 = arith.addf %add3A_2200, %add3A_2201 : vector<128x256xf32>
    %abs3A_2203 = math.absf %add3A_2202 : vector<128x256xf32>
    %get3A_2204 = arith.constant 0 : index
    %get3A_2205 = arith.constant 36 : index
    %get3A_2206 = vector.load %arg12[%get3A_2204, %get3A_2205] : memref<1x64xf32, #tpu.memory_space<vmem>>, vector<1x1xf32>
    %mul3A_2207 = vector.broadcast %get3A_2206 : vector<1x1xf32> to vector<128x256xf32>
    %mul3A_2208 = arith.mulf %abs3A_2203, %mul3A_2207 : vector<128x256xf32>
    %add3A_2209 = arith.addf %add3A_2197, %mul3A_2208 : vector<128x256xf32>
    %slice3A_2210 = vector.extract_strided_slice %add3A_81 {offsets = [256, 37], sizes = [128, 1], strides = [1, 1]} : vector<512x64xf32> to vector<128x1xf32>
    %slice3A_2211 = vector.extract_strided_slice %transpose3A_85 {offsets = [37, 256], sizes = [1, 256], strides = [1, 1]} : vector<64x512xf32> to vector<1x256xf32>
    %add3A_2212 = vector.broadcast %slice3A_2210 : vector<128x1xf32> to vector<128x256xf32>
    %add3A_2213 = vector.broadcast %slice3A_2211 : vector<1x256xf32> to vector<128x256xf32>
    %add3A_2214 = arith.addf %add3A_2212, %add3A_2213 : vector<128x256xf32>
    %abs3A_2215 = math.absf %add3A_2214 : vector<128x256xf32>
    %get3A_2216 = arith.constant 0 : index
    %get3A_2217 = arith.constant 37 : index
    %get3A_2218 = vector.load %arg12[%get3A_2216, %get3A_2217] : memref<1x64xf32, #tpu.memory_space<vmem>>, vector<1x1xf32>
    %mul3A_2219 = vector.broadcast %get3A_2218 : vector<1x1xf32> to vector<128x256xf32>
    %mul3A_2220 = arith.mulf %abs3A_2215, %mul3A_2219 : vector<128x256xf32>
    %add3A_2221 = arith.addf %add3A_2209, %mul3A_2220 : vector<128x256xf32>
    %slice3A_2222 = vector.extract_strided_slice %add3A_81 {offsets = [256, 38], sizes = [128, 1], strides = [1, 1]} : vector<512x64xf32> to vector<128x1xf32>
    %slice3A_2223 = vector.extract_strided_slice %transpose3A_85 {offsets = [38, 256], sizes = [1, 256], strides = [1, 1]} : vector<64x512xf32> to vector<1x256xf32>
    %add3A_2224 = vector.broadcast %slice3A_2222 : vector<128x1xf32> to vector<128x256xf32>
    %add3A_2225 = vector.broadcast %slice3A_2223 : vector<1x256xf32> to vector<128x256xf32>
    %add3A_2226 = arith.addf %add3A_2224, %add3A_2225 : vector<128x256xf32>
    %abs3A_2227 = math.absf %add3A_2226 : vector<128x256xf32>
    %get3A_2228 = arith.constant 0 : index
    %get3A_2229 = arith.constant 38 : index
    %get3A_2230 = vector.load %arg12[%get3A_2228, %get3A_2229] : memref<1x64xf32, #tpu.memory_space<vmem>>, vector<1x1xf32>
    %mul3A_2231 = vector.broadcast %get3A_2230 : vector<1x1xf32> to vector<128x256xf32>
    %mul3A_2232 = arith.mulf %abs3A_2227, %mul3A_2231 : vector<128x256xf32>
    %add3A_2233 = arith.addf %add3A_2221, %mul3A_2232 : vector<128x256xf32>
    %slice3A_2234 = vector.extract_strided_slice %add3A_81 {offsets = [256, 39], sizes = [128, 1], strides = [1, 1]} : vector<512x64xf32> to vector<128x1xf32>
    %slice3A_2235 = vector.extract_strided_slice %transpose3A_85 {offsets = [39, 256], sizes = [1, 256], strides = [1, 1]} : vector<64x512xf32> to vector<1x256xf32>
    %add3A_2236 = vector.broadcast %slice3A_2234 : vector<128x1xf32> to vector<128x256xf32>
    %add3A_2237 = vector.broadcast %slice3A_2235 : vector<1x256xf32> to vector<128x256xf32>
    %add3A_2238 = arith.addf %add3A_2236, %add3A_2237 : vector<128x256xf32>
    %abs3A_2239 = math.absf %add3A_2238 : vector<128x256xf32>
    %get3A_2240 = arith.constant 0 : index
    %get3A_2241 = arith.constant 39 : index
    %get3A_2242 = vector.load %arg12[%get3A_2240, %get3A_2241] : memref<1x64xf32, #tpu.memory_space<vmem>>, vector<1x1xf32>
    %mul3A_2243 = vector.broadcast %get3A_2242 : vector<1x1xf32> to vector<128x256xf32>
    %mul3A_2244 = arith.mulf %abs3A_2239, %mul3A_2243 : vector<128x256xf32>
    %add3A_2245 = arith.addf %add3A_2233, %mul3A_2244 : vector<128x256xf32>
    %slice3A_2246 = vector.extract_strided_slice %add3A_81 {offsets = [256, 40], sizes = [128, 1], strides = [1, 1]} : vector<512x64xf32> to vector<128x1xf32>
    %slice3A_2247 = vector.extract_strided_slice %transpose3A_85 {offsets = [40, 256], sizes = [1, 256], strides = [1, 1]} : vector<64x512xf32> to vector<1x256xf32>
    %add3A_2248 = vector.broadcast %slice3A_2246 : vector<128x1xf32> to vector<128x256xf32>
    %add3A_2249 = vector.broadcast %slice3A_2247 : vector<1x256xf32> to vector<128x256xf32>
    %add3A_2250 = arith.addf %add3A_2248, %add3A_2249 : vector<128x256xf32>
    %abs3A_2251 = math.absf %add3A_2250 : vector<128x256xf32>
    %get3A_2252 = arith.constant 0 : index
    %get3A_2253 = arith.constant 40 : index
    %get3A_2254 = vector.load %arg12[%get3A_2252, %get3A_2253] : memref<1x64xf32, #tpu.memory_space<vmem>>, vector<1x1xf32>
    %mul3A_2255 = vector.broadcast %get3A_2254 : vector<1x1xf32> to vector<128x256xf32>
    %mul3A_2256 = arith.mulf %abs3A_2251, %mul3A_2255 : vector<128x256xf32>
    %add3A_2257 = arith.addf %add3A_2245, %mul3A_2256 : vector<128x256xf32>
    %slice3A_2258 = vector.extract_strided_slice %add3A_81 {offsets = [256, 41], sizes = [128, 1], strides = [1, 1]} : vector<512x64xf32> to vector<128x1xf32>
    %slice3A_2259 = vector.extract_strided_slice %transpose3A_85 {offsets = [41, 256], sizes = [1, 256], strides = [1, 1]} : vector<64x512xf32> to vector<1x256xf32>
    %add3A_2260 = vector.broadcast %slice3A_2258 : vector<128x1xf32> to vector<128x256xf32>
    %add3A_2261 = vector.broadcast %slice3A_2259 : vector<1x256xf32> to vector<128x256xf32>
    %add3A_2262 = arith.addf %add3A_2260, %add3A_2261 : vector<128x256xf32>
    %abs3A_2263 = math.absf %add3A_2262 : vector<128x256xf32>
    %get3A_2264 = arith.constant 0 : index
    %get3A_2265 = arith.constant 41 : index
    %get3A_2266 = vector.load %arg12[%get3A_2264, %get3A_2265] : memref<1x64xf32, #tpu.memory_space<vmem>>, vector<1x1xf32>
    %mul3A_2267 = vector.broadcast %get3A_2266 : vector<1x1xf32> to vector<128x256xf32>
    %mul3A_2268 = arith.mulf %abs3A_2263, %mul3A_2267 : vector<128x256xf32>
    %add3A_2269 = arith.addf %add3A_2257, %mul3A_2268 : vector<128x256xf32>
    %slice3A_2270 = vector.extract_strided_slice %add3A_81 {offsets = [256, 42], sizes = [128, 1], strides = [1, 1]} : vector<512x64xf32> to vector<128x1xf32>
    %slice3A_2271 = vector.extract_strided_slice %transpose3A_85 {offsets = [42, 256], sizes = [1, 256], strides = [1, 1]} : vector<64x512xf32> to vector<1x256xf32>
    %add3A_2272 = vector.broadcast %slice3A_2270 : vector<128x1xf32> to vector<128x256xf32>
    %add3A_2273 = vector.broadcast %slice3A_2271 : vector<1x256xf32> to vector<128x256xf32>
    %add3A_2274 = arith.addf %add3A_2272, %add3A_2273 : vector<128x256xf32>
    %abs3A_2275 = math.absf %add3A_2274 : vector<128x256xf32>
    %get3A_2276 = arith.constant 0 : index
    %get3A_2277 = arith.constant 42 : index
    %get3A_2278 = vector.load %arg12[%get3A_2276, %get3A_2277] : memref<1x64xf32, #tpu.memory_space<vmem>>, vector<1x1xf32>
    %mul3A_2279 = vector.broadcast %get3A_2278 : vector<1x1xf32> to vector<128x256xf32>
    %mul3A_2280 = arith.mulf %abs3A_2275, %mul3A_2279 : vector<128x256xf32>
    %add3A_2281 = arith.addf %add3A_2269, %mul3A_2280 : vector<128x256xf32>
    %slice3A_2282 = vector.extract_strided_slice %add3A_81 {offsets = [256, 43], sizes = [128, 1], strides = [1, 1]} : vector<512x64xf32> to vector<128x1xf32>
    %slice3A_2283 = vector.extract_strided_slice %transpose3A_85 {offsets = [43, 256], sizes = [1, 256], strides = [1, 1]} : vector<64x512xf32> to vector<1x256xf32>
    %add3A_2284 = vector.broadcast %slice3A_2282 : vector<128x1xf32> to vector<128x256xf32>
    %add3A_2285 = vector.broadcast %slice3A_2283 : vector<1x256xf32> to vector<128x256xf32>
    %add3A_2286 = arith.addf %add3A_2284, %add3A_2285 : vector<128x256xf32>
    %abs3A_2287 = math.absf %add3A_2286 : vector<128x256xf32>
    %get3A_2288 = arith.constant 0 : index
    %get3A_2289 = arith.constant 43 : index
    %get3A_2290 = vector.load %arg12[%get3A_2288, %get3A_2289] : memref<1x64xf32, #tpu.memory_space<vmem>>, vector<1x1xf32>
    %mul3A_2291 = vector.broadcast %get3A_2290 : vector<1x1xf32> to vector<128x256xf32>
    %mul3A_2292 = arith.mulf %abs3A_2287, %mul3A_2291 : vector<128x256xf32>
    %add3A_2293 = arith.addf %add3A_2281, %mul3A_2292 : vector<128x256xf32>
    %slice3A_2294 = vector.extract_strided_slice %add3A_81 {offsets = [256, 44], sizes = [128, 1], strides = [1, 1]} : vector<512x64xf32> to vector<128x1xf32>
    %slice3A_2295 = vector.extract_strided_slice %transpose3A_85 {offsets = [44, 256], sizes = [1, 256], strides = [1, 1]} : vector<64x512xf32> to vector<1x256xf32>
    %add3A_2296 = vector.broadcast %slice3A_2294 : vector<128x1xf32> to vector<128x256xf32>
    %add3A_2297 = vector.broadcast %slice3A_2295 : vector<1x256xf32> to vector<128x256xf32>
    %add3A_2298 = arith.addf %add3A_2296, %add3A_2297 : vector<128x256xf32>
    %abs3A_2299 = math.absf %add3A_2298 : vector<128x256xf32>
    %get3A_2300 = arith.constant 0 : index
    %get3A_2301 = arith.constant 44 : index
    %get3A_2302 = vector.load %arg12[%get3A_2300, %get3A_2301] : memref<1x64xf32, #tpu.memory_space<vmem>>, vector<1x1xf32>
    %mul3A_2303 = vector.broadcast %get3A_2302 : vector<1x1xf32> to vector<128x256xf32>
    %mul3A_2304 = arith.mulf %abs3A_2299, %mul3A_2303 : vector<128x256xf32>
    %add3A_2305 = arith.addf %add3A_2293, %mul3A_2304 : vector<128x256xf32>
    %slice3A_2306 = vector.extract_strided_slice %add3A_81 {offsets = [256, 45], sizes = [128, 1], strides = [1, 1]} : vector<512x64xf32> to vector<128x1xf32>
    %slice3A_2307 = vector.extract_strided_slice %transpose3A_85 {offsets = [45, 256], sizes = [1, 256], strides = [1, 1]} : vector<64x512xf32> to vector<1x256xf32>
    %add3A_2308 = vector.broadcast %slice3A_2306 : vector<128x1xf32> to vector<128x256xf32>
    %add3A_2309 = vector.broadcast %slice3A_2307 : vector<1x256xf32> to vector<128x256xf32>
    %add3A_2310 = arith.addf %add3A_2308, %add3A_2309 : vector<128x256xf32>
    %abs3A_2311 = math.absf %add3A_2310 : vector<128x256xf32>
    %get3A_2312 = arith.constant 0 : index
    %get3A_2313 = arith.constant 45 : index
    %get3A_2314 = vector.load %arg12[%get3A_2312, %get3A_2313] : memref<1x64xf32, #tpu.memory_space<vmem>>, vector<1x1xf32>
    %mul3A_2315 = vector.broadcast %get3A_2314 : vector<1x1xf32> to vector<128x256xf32>
    %mul3A_2316 = arith.mulf %abs3A_2311, %mul3A_2315 : vector<128x256xf32>
    %add3A_2317 = arith.addf %add3A_2305, %mul3A_2316 : vector<128x256xf32>
    %slice3A_2318 = vector.extract_strided_slice %add3A_81 {offsets = [256, 46], sizes = [128, 1], strides = [1, 1]} : vector<512x64xf32> to vector<128x1xf32>
    %slice3A_2319 = vector.extract_strided_slice %transpose3A_85 {offsets = [46, 256], sizes = [1, 256], strides = [1, 1]} : vector<64x512xf32> to vector<1x256xf32>
    %add3A_2320 = vector.broadcast %slice3A_2318 : vector<128x1xf32> to vector<128x256xf32>
    %add3A_2321 = vector.broadcast %slice3A_2319 : vector<1x256xf32> to vector<128x256xf32>
    %add3A_2322 = arith.addf %add3A_2320, %add3A_2321 : vector<128x256xf32>
    %abs3A_2323 = math.absf %add3A_2322 : vector<128x256xf32>
    %get3A_2324 = arith.constant 0 : index
    %get3A_2325 = arith.constant 46 : index
    %get3A_2326 = vector.load %arg12[%get3A_2324, %get3A_2325] : memref<1x64xf32, #tpu.memory_space<vmem>>, vector<1x1xf32>
    %mul3A_2327 = vector.broadcast %get3A_2326 : vector<1x1xf32> to vector<128x256xf32>
    %mul3A_2328 = arith.mulf %abs3A_2323, %mul3A_2327 : vector<128x256xf32>
    %add3A_2329 = arith.addf %add3A_2317, %mul3A_2328 : vector<128x256xf32>
    %slice3A_2330 = vector.extract_strided_slice %add3A_81 {offsets = [256, 47], sizes = [128, 1], strides = [1, 1]} : vector<512x64xf32> to vector<128x1xf32>
    %slice3A_2331 = vector.extract_strided_slice %transpose3A_85 {offsets = [47, 256], sizes = [1, 256], strides = [1, 1]} : vector<64x512xf32> to vector<1x256xf32>
    %add3A_2332 = vector.broadcast %slice3A_2330 : vector<128x1xf32> to vector<128x256xf32>
    %add3A_2333 = vector.broadcast %slice3A_2331 : vector<1x256xf32> to vector<128x256xf32>
    %add3A_2334 = arith.addf %add3A_2332, %add3A_2333 : vector<128x256xf32>
    %abs3A_2335 = math.absf %add3A_2334 : vector<128x256xf32>
    %get3A_2336 = arith.constant 0 : index
    %get3A_2337 = arith.constant 47 : index
    %get3A_2338 = vector.load %arg12[%get3A_2336, %get3A_2337] : memref<1x64xf32, #tpu.memory_space<vmem>>, vector<1x1xf32>
    %mul3A_2339 = vector.broadcast %get3A_2338 : vector<1x1xf32> to vector<128x256xf32>
    %mul3A_2340 = arith.mulf %abs3A_2335, %mul3A_2339 : vector<128x256xf32>
    %add3A_2341 = arith.addf %add3A_2329, %mul3A_2340 : vector<128x256xf32>
    %slice3A_2342 = vector.extract_strided_slice %add3A_81 {offsets = [256, 48], sizes = [128, 1], strides = [1, 1]} : vector<512x64xf32> to vector<128x1xf32>
    %slice3A_2343 = vector.extract_strided_slice %transpose3A_85 {offsets = [48, 256], sizes = [1, 256], strides = [1, 1]} : vector<64x512xf32> to vector<1x256xf32>
    %add3A_2344 = vector.broadcast %slice3A_2342 : vector<128x1xf32> to vector<128x256xf32>
    %add3A_2345 = vector.broadcast %slice3A_2343 : vector<1x256xf32> to vector<128x256xf32>
    %add3A_2346 = arith.addf %add3A_2344, %add3A_2345 : vector<128x256xf32>
    %abs3A_2347 = math.absf %add3A_2346 : vector<128x256xf32>
    %get3A_2348 = arith.constant 0 : index
    %get3A_2349 = arith.constant 48 : index
    %get3A_2350 = vector.load %arg12[%get3A_2348, %get3A_2349] : memref<1x64xf32, #tpu.memory_space<vmem>>, vector<1x1xf32>
    %mul3A_2351 = vector.broadcast %get3A_2350 : vector<1x1xf32> to vector<128x256xf32>
    %mul3A_2352 = arith.mulf %abs3A_2347, %mul3A_2351 : vector<128x256xf32>
    %add3A_2353 = arith.addf %add3A_2341, %mul3A_2352 : vector<128x256xf32>
    %slice3A_2354 = vector.extract_strided_slice %add3A_81 {offsets = [256, 49], sizes = [128, 1], strides = [1, 1]} : vector<512x64xf32> to vector<128x1xf32>
    %slice3A_2355 = vector.extract_strided_slice %transpose3A_85 {offsets = [49, 256], sizes = [1, 256], strides = [1, 1]} : vector<64x512xf32> to vector<1x256xf32>
    %add3A_2356 = vector.broadcast %slice3A_2354 : vector<128x1xf32> to vector<128x256xf32>
    %add3A_2357 = vector.broadcast %slice3A_2355 : vector<1x256xf32> to vector<128x256xf32>
    %add3A_2358 = arith.addf %add3A_2356, %add3A_2357 : vector<128x256xf32>
    %abs3A_2359 = math.absf %add3A_2358 : vector<128x256xf32>
    %get3A_2360 = arith.constant 0 : index
    %get3A_2361 = arith.constant 49 : index
    %get3A_2362 = vector.load %arg12[%get3A_2360, %get3A_2361] : memref<1x64xf32, #tpu.memory_space<vmem>>, vector<1x1xf32>
    %mul3A_2363 = vector.broadcast %get3A_2362 : vector<1x1xf32> to vector<128x256xf32>
    %mul3A_2364 = arith.mulf %abs3A_2359, %mul3A_2363 : vector<128x256xf32>
    %add3A_2365 = arith.addf %add3A_2353, %mul3A_2364 : vector<128x256xf32>
    %slice3A_2366 = vector.extract_strided_slice %add3A_81 {offsets = [256, 50], sizes = [128, 1], strides = [1, 1]} : vector<512x64xf32> to vector<128x1xf32>
    %slice3A_2367 = vector.extract_strided_slice %transpose3A_85 {offsets = [50, 256], sizes = [1, 256], strides = [1, 1]} : vector<64x512xf32> to vector<1x256xf32>
    %add3A_2368 = vector.broadcast %slice3A_2366 : vector<128x1xf32> to vector<128x256xf32>
    %add3A_2369 = vector.broadcast %slice3A_2367 : vector<1x256xf32> to vector<128x256xf32>
    %add3A_2370 = arith.addf %add3A_2368, %add3A_2369 : vector<128x256xf32>
    %abs3A_2371 = math.absf %add3A_2370 : vector<128x256xf32>
    %get3A_2372 = arith.constant 0 : index
    %get3A_2373 = arith.constant 50 : index
    %get3A_2374 = vector.load %arg12[%get3A_2372, %get3A_2373] : memref<1x64xf32, #tpu.memory_space<vmem>>, vector<1x1xf32>
    %mul3A_2375 = vector.broadcast %get3A_2374 : vector<1x1xf32> to vector<128x256xf32>
    %mul3A_2376 = arith.mulf %abs3A_2371, %mul3A_2375 : vector<128x256xf32>
    %add3A_2377 = arith.addf %add3A_2365, %mul3A_2376 : vector<128x256xf32>
    %slice3A_2378 = vector.extract_strided_slice %add3A_81 {offsets = [256, 51], sizes = [128, 1], strides = [1, 1]} : vector<512x64xf32> to vector<128x1xf32>
    %slice3A_2379 = vector.extract_strided_slice %transpose3A_85 {offsets = [51, 256], sizes = [1, 256], strides = [1, 1]} : vector<64x512xf32> to vector<1x256xf32>
    %add3A_2380 = vector.broadcast %slice3A_2378 : vector<128x1xf32> to vector<128x256xf32>
    %add3A_2381 = vector.broadcast %slice3A_2379 : vector<1x256xf32> to vector<128x256xf32>
    %add3A_2382 = arith.addf %add3A_2380, %add3A_2381 : vector<128x256xf32>
    %abs3A_2383 = math.absf %add3A_2382 : vector<128x256xf32>
    %get3A_2384 = arith.constant 0 : index
    %get3A_2385 = arith.constant 51 : index
    %get3A_2386 = vector.load %arg12[%get3A_2384, %get3A_2385] : memref<1x64xf32, #tpu.memory_space<vmem>>, vector<1x1xf32>
    %mul3A_2387 = vector.broadcast %get3A_2386 : vector<1x1xf32> to vector<128x256xf32>
    %mul3A_2388 = arith.mulf %abs3A_2383, %mul3A_2387 : vector<128x256xf32>
    %add3A_2389 = arith.addf %add3A_2377, %mul3A_2388 : vector<128x256xf32>
    %slice3A_2390 = vector.extract_strided_slice %add3A_81 {offsets = [256, 52], sizes = [128, 1], strides = [1, 1]} : vector<512x64xf32> to vector<128x1xf32>
    %slice3A_2391 = vector.extract_strided_slice %transpose3A_85 {offsets = [52, 256], sizes = [1, 256], strides = [1, 1]} : vector<64x512xf32> to vector<1x256xf32>
    %add3A_2392 = vector.broadcast %slice3A_2390 : vector<128x1xf32> to vector<128x256xf32>
    %add3A_2393 = vector.broadcast %slice3A_2391 : vector<1x256xf32> to vector<128x256xf32>
    %add3A_2394 = arith.addf %add3A_2392, %add3A_2393 : vector<128x256xf32>
    %abs3A_2395 = math.absf %add3A_2394 : vector<128x256xf32>
    %get3A_2396 = arith.constant 0 : index
    %get3A_2397 = arith.constant 52 : index
    %get3A_2398 = vector.load %arg12[%get3A_2396, %get3A_2397] : memref<1x64xf32, #tpu.memory_space<vmem>>, vector<1x1xf32>
    %mul3A_2399 = vector.broadcast %get3A_2398 : vector<1x1xf32> to vector<128x256xf32>
    %mul3A_2400 = arith.mulf %abs3A_2395, %mul3A_2399 : vector<128x256xf32>
    %add3A_2401 = arith.addf %add3A_2389, %mul3A_2400 : vector<128x256xf32>
    %slice3A_2402 = vector.extract_strided_slice %add3A_81 {offsets = [256, 53], sizes = [128, 1], strides = [1, 1]} : vector<512x64xf32> to vector<128x1xf32>
    %slice3A_2403 = vector.extract_strided_slice %transpose3A_85 {offsets = [53, 256], sizes = [1, 256], strides = [1, 1]} : vector<64x512xf32> to vector<1x256xf32>
    %add3A_2404 = vector.broadcast %slice3A_2402 : vector<128x1xf32> to vector<128x256xf32>
    %add3A_2405 = vector.broadcast %slice3A_2403 : vector<1x256xf32> to vector<128x256xf32>
    %add3A_2406 = arith.addf %add3A_2404, %add3A_2405 : vector<128x256xf32>
    %abs3A_2407 = math.absf %add3A_2406 : vector<128x256xf32>
    %get3A_2408 = arith.constant 0 : index
    %get3A_2409 = arith.constant 53 : index
    %get3A_2410 = vector.load %arg12[%get3A_2408, %get3A_2409] : memref<1x64xf32, #tpu.memory_space<vmem>>, vector<1x1xf32>
    %mul3A_2411 = vector.broadcast %get3A_2410 : vector<1x1xf32> to vector<128x256xf32>
    %mul3A_2412 = arith.mulf %abs3A_2407, %mul3A_2411 : vector<128x256xf32>
    %add3A_2413 = arith.addf %add3A_2401, %mul3A_2412 : vector<128x256xf32>
    %slice3A_2414 = vector.extract_strided_slice %add3A_81 {offsets = [256, 54], sizes = [128, 1], strides = [1, 1]} : vector<512x64xf32> to vector<128x1xf32>
    %slice3A_2415 = vector.extract_strided_slice %transpose3A_85 {offsets = [54, 256], sizes = [1, 256], strides = [1, 1]} : vector<64x512xf32> to vector<1x256xf32>
    %add3A_2416 = vector.broadcast %slice3A_2414 : vector<128x1xf32> to vector<128x256xf32>
    %add3A_2417 = vector.broadcast %slice3A_2415 : vector<1x256xf32> to vector<128x256xf32>
    %add3A_2418 = arith.addf %add3A_2416, %add3A_2417 : vector<128x256xf32>
    %abs3A_2419 = math.absf %add3A_2418 : vector<128x256xf32>
    %get3A_2420 = arith.constant 0 : index
    %get3A_2421 = arith.constant 54 : index
    %get3A_2422 = vector.load %arg12[%get3A_2420, %get3A_2421] : memref<1x64xf32, #tpu.memory_space<vmem>>, vector<1x1xf32>
    %mul3A_2423 = vector.broadcast %get3A_2422 : vector<1x1xf32> to vector<128x256xf32>
    %mul3A_2424 = arith.mulf %abs3A_2419, %mul3A_2423 : vector<128x256xf32>
    %add3A_2425 = arith.addf %add3A_2413, %mul3A_2424 : vector<128x256xf32>
    %slice3A_2426 = vector.extract_strided_slice %add3A_81 {offsets = [256, 55], sizes = [128, 1], strides = [1, 1]} : vector<512x64xf32> to vector<128x1xf32>
    %slice3A_2427 = vector.extract_strided_slice %transpose3A_85 {offsets = [55, 256], sizes = [1, 256], strides = [1, 1]} : vector<64x512xf32> to vector<1x256xf32>
    %add3A_2428 = vector.broadcast %slice3A_2426 : vector<128x1xf32> to vector<128x256xf32>
    %add3A_2429 = vector.broadcast %slice3A_2427 : vector<1x256xf32> to vector<128x256xf32>
    %add3A_2430 = arith.addf %add3A_2428, %add3A_2429 : vector<128x256xf32>
    %abs3A_2431 = math.absf %add3A_2430 : vector<128x256xf32>
    %get3A_2432 = arith.constant 0 : index
    %get3A_2433 = arith.constant 55 : index
    %get3A_2434 = vector.load %arg12[%get3A_2432, %get3A_2433] : memref<1x64xf32, #tpu.memory_space<vmem>>, vector<1x1xf32>
    %mul3A_2435 = vector.broadcast %get3A_2434 : vector<1x1xf32> to vector<128x256xf32>
    %mul3A_2436 = arith.mulf %abs3A_2431, %mul3A_2435 : vector<128x256xf32>
    %add3A_2437 = arith.addf %add3A_2425, %mul3A_2436 : vector<128x256xf32>
    %slice3A_2438 = vector.extract_strided_slice %add3A_81 {offsets = [256, 56], sizes = [128, 1], strides = [1, 1]} : vector<512x64xf32> to vector<128x1xf32>
    %slice3A_2439 = vector.extract_strided_slice %transpose3A_85 {offsets = [56, 256], sizes = [1, 256], strides = [1, 1]} : vector<64x512xf32> to vector<1x256xf32>
    %add3A_2440 = vector.broadcast %slice3A_2438 : vector<128x1xf32> to vector<128x256xf32>
    %add3A_2441 = vector.broadcast %slice3A_2439 : vector<1x256xf32> to vector<128x256xf32>
    %add3A_2442 = arith.addf %add3A_2440, %add3A_2441 : vector<128x256xf32>
    %abs3A_2443 = math.absf %add3A_2442 : vector<128x256xf32>
    %get3A_2444 = arith.constant 0 : index
    %get3A_2445 = arith.constant 56 : index
    %get3A_2446 = vector.load %arg12[%get3A_2444, %get3A_2445] : memref<1x64xf32, #tpu.memory_space<vmem>>, vector<1x1xf32>
    %mul3A_2447 = vector.broadcast %get3A_2446 : vector<1x1xf32> to vector<128x256xf32>
    %mul3A_2448 = arith.mulf %abs3A_2443, %mul3A_2447 : vector<128x256xf32>
    %add3A_2449 = arith.addf %add3A_2437, %mul3A_2448 : vector<128x256xf32>
    %slice3A_2450 = vector.extract_strided_slice %add3A_81 {offsets = [256, 57], sizes = [128, 1], strides = [1, 1]} : vector<512x64xf32> to vector<128x1xf32>
    %slice3A_2451 = vector.extract_strided_slice %transpose3A_85 {offsets = [57, 256], sizes = [1, 256], strides = [1, 1]} : vector<64x512xf32> to vector<1x256xf32>
    %add3A_2452 = vector.broadcast %slice3A_2450 : vector<128x1xf32> to vector<128x256xf32>
    %add3A_2453 = vector.broadcast %slice3A_2451 : vector<1x256xf32> to vector<128x256xf32>
    %add3A_2454 = arith.addf %add3A_2452, %add3A_2453 : vector<128x256xf32>
    %abs3A_2455 = math.absf %add3A_2454 : vector<128x256xf32>
    %get3A_2456 = arith.constant 0 : index
    %get3A_2457 = arith.constant 57 : index
    %get3A_2458 = vector.load %arg12[%get3A_2456, %get3A_2457] : memref<1x64xf32, #tpu.memory_space<vmem>>, vector<1x1xf32>
    %mul3A_2459 = vector.broadcast %get3A_2458 : vector<1x1xf32> to vector<128x256xf32>
    %mul3A_2460 = arith.mulf %abs3A_2455, %mul3A_2459 : vector<128x256xf32>
    %add3A_2461 = arith.addf %add3A_2449, %mul3A_2460 : vector<128x256xf32>
    %slice3A_2462 = vector.extract_strided_slice %add3A_81 {offsets = [256, 58], sizes = [128, 1], strides = [1, 1]} : vector<512x64xf32> to vector<128x1xf32>
    %slice3A_2463 = vector.extract_strided_slice %transpose3A_85 {offsets = [58, 256], sizes = [1, 256], strides = [1, 1]} : vector<64x512xf32> to vector<1x256xf32>
    %add3A_2464 = vector.broadcast %slice3A_2462 : vector<128x1xf32> to vector<128x256xf32>
    %add3A_2465 = vector.broadcast %slice3A_2463 : vector<1x256xf32> to vector<128x256xf32>
    %add3A_2466 = arith.addf %add3A_2464, %add3A_2465 : vector<128x256xf32>
    %abs3A_2467 = math.absf %add3A_2466 : vector<128x256xf32>
    %get3A_2468 = arith.constant 0 : index
    %get3A_2469 = arith.constant 58 : index
    %get3A_2470 = vector.load %arg12[%get3A_2468, %get3A_2469] : memref<1x64xf32, #tpu.memory_space<vmem>>, vector<1x1xf32>
    %mul3A_2471 = vector.broadcast %get3A_2470 : vector<1x1xf32> to vector<128x256xf32>
    %mul3A_2472 = arith.mulf %abs3A_2467, %mul3A_2471 : vector<128x256xf32>
    %add3A_2473 = arith.addf %add3A_2461, %mul3A_2472 : vector<128x256xf32>
    %slice3A_2474 = vector.extract_strided_slice %add3A_81 {offsets = [256, 59], sizes = [128, 1], strides = [1, 1]} : vector<512x64xf32> to vector<128x1xf32>
    %slice3A_2475 = vector.extract_strided_slice %transpose3A_85 {offsets = [59, 256], sizes = [1, 256], strides = [1, 1]} : vector<64x512xf32> to vector<1x256xf32>
    %add3A_2476 = vector.broadcast %slice3A_2474 : vector<128x1xf32> to vector<128x256xf32>
    %add3A_2477 = vector.broadcast %slice3A_2475 : vector<1x256xf32> to vector<128x256xf32>
    %add3A_2478 = arith.addf %add3A_2476, %add3A_2477 : vector<128x256xf32>
    %abs3A_2479 = math.absf %add3A_2478 : vector<128x256xf32>
    %get3A_2480 = arith.constant 0 : index
    %get3A_2481 = arith.constant 59 : index
    %get3A_2482 = vector.load %arg12[%get3A_2480, %get3A_2481] : memref<1x64xf32, #tpu.memory_space<vmem>>, vector<1x1xf32>
    %mul3A_2483 = vector.broadcast %get3A_2482 : vector<1x1xf32> to vector<128x256xf32>
    %mul3A_2484 = arith.mulf %abs3A_2479, %mul3A_2483 : vector<128x256xf32>
    %add3A_2485 = arith.addf %add3A_2473, %mul3A_2484 : vector<128x256xf32>
    %slice3A_2486 = vector.extract_strided_slice %add3A_81 {offsets = [256, 60], sizes = [128, 1], strides = [1, 1]} : vector<512x64xf32> to vector<128x1xf32>
    %slice3A_2487 = vector.extract_strided_slice %transpose3A_85 {offsets = [60, 256], sizes = [1, 256], strides = [1, 1]} : vector<64x512xf32> to vector<1x256xf32>
    %add3A_2488 = vector.broadcast %slice3A_2486 : vector<128x1xf32> to vector<128x256xf32>
    %add3A_2489 = vector.broadcast %slice3A_2487 : vector<1x256xf32> to vector<128x256xf32>
    %add3A_2490 = arith.addf %add3A_2488, %add3A_2489 : vector<128x256xf32>
    %abs3A_2491 = math.absf %add3A_2490 : vector<128x256xf32>
    %get3A_2492 = arith.constant 0 : index
    %get3A_2493 = arith.constant 60 : index
    %get3A_2494 = vector.load %arg12[%get3A_2492, %get3A_2493] : memref<1x64xf32, #tpu.memory_space<vmem>>, vector<1x1xf32>
    %mul3A_2495 = vector.broadcast %get3A_2494 : vector<1x1xf32> to vector<128x256xf32>
    %mul3A_2496 = arith.mulf %abs3A_2491, %mul3A_2495 : vector<128x256xf32>
    %add3A_2497 = arith.addf %add3A_2485, %mul3A_2496 : vector<128x256xf32>
    %slice3A_2498 = vector.extract_strided_slice %add3A_81 {offsets = [256, 61], sizes = [128, 1], strides = [1, 1]} : vector<512x64xf32> to vector<128x1xf32>
    %slice3A_2499 = vector.extract_strided_slice %transpose3A_85 {offsets = [61, 256], sizes = [1, 256], strides = [1, 1]} : vector<64x512xf32> to vector<1x256xf32>
    %add3A_2500 = vector.broadcast %slice3A_2498 : vector<128x1xf32> to vector<128x256xf32>
    %add3A_2501 = vector.broadcast %slice3A_2499 : vector<1x256xf32> to vector<128x256xf32>
    %add3A_2502 = arith.addf %add3A_2500, %add3A_2501 : vector<128x256xf32>
    %abs3A_2503 = math.absf %add3A_2502 : vector<128x256xf32>
    %get3A_2504 = arith.constant 0 : index
    %get3A_2505 = arith.constant 61 : index
    %get3A_2506 = vector.load %arg12[%get3A_2504, %get3A_2505] : memref<1x64xf32, #tpu.memory_space<vmem>>, vector<1x1xf32>
    %mul3A_2507 = vector.broadcast %get3A_2506 : vector<1x1xf32> to vector<128x256xf32>
    %mul3A_2508 = arith.mulf %abs3A_2503, %mul3A_2507 : vector<128x256xf32>
    %add3A_2509 = arith.addf %add3A_2497, %mul3A_2508 : vector<128x256xf32>
    %slice3A_2510 = vector.extract_strided_slice %add3A_81 {offsets = [256, 62], sizes = [128, 1], strides = [1, 1]} : vector<512x64xf32> to vector<128x1xf32>
    %slice3A_2511 = vector.extract_strided_slice %transpose3A_85 {offsets = [62, 256], sizes = [1, 256], strides = [1, 1]} : vector<64x512xf32> to vector<1x256xf32>
    %add3A_2512 = vector.broadcast %slice3A_2510 : vector<128x1xf32> to vector<128x256xf32>
    %add3A_2513 = vector.broadcast %slice3A_2511 : vector<1x256xf32> to vector<128x256xf32>
    %add3A_2514 = arith.addf %add3A_2512, %add3A_2513 : vector<128x256xf32>
    %abs3A_2515 = math.absf %add3A_2514 : vector<128x256xf32>
    %get3A_2516 = arith.constant 0 : index
    %get3A_2517 = arith.constant 62 : index
    %get3A_2518 = vector.load %arg12[%get3A_2516, %get3A_2517] : memref<1x64xf32, #tpu.memory_space<vmem>>, vector<1x1xf32>
    %mul3A_2519 = vector.broadcast %get3A_2518 : vector<1x1xf32> to vector<128x256xf32>
    %mul3A_2520 = arith.mulf %abs3A_2515, %mul3A_2519 : vector<128x256xf32>
    %add3A_2521 = arith.addf %add3A_2509, %mul3A_2520 : vector<128x256xf32>
    %slice3A_2522 = vector.extract_strided_slice %add3A_81 {offsets = [256, 63], sizes = [128, 1], strides = [1, 1]} : vector<512x64xf32> to vector<128x1xf32>
    %slice3A_2523 = vector.extract_strided_slice %transpose3A_85 {offsets = [63, 256], sizes = [1, 256], strides = [1, 1]} : vector<64x512xf32> to vector<1x256xf32>
    %add3A_2524 = vector.broadcast %slice3A_2522 : vector<128x1xf32> to vector<128x256xf32>
    %add3A_2525 = vector.broadcast %slice3A_2523 : vector<1x256xf32> to vector<128x256xf32>
    %add3A_2526 = arith.addf %add3A_2524, %add3A_2525 : vector<128x256xf32>
    %abs3A_2527 = math.absf %add3A_2526 : vector<128x256xf32>
    %get3A_2528 = arith.constant 0 : index
    %get3A_2529 = arith.constant 63 : index
    %get3A_2530 = vector.load %arg12[%get3A_2528, %get3A_2529] : memref<1x64xf32, #tpu.memory_space<vmem>>, vector<1x1xf32>
    %mul3A_2531 = vector.broadcast %get3A_2530 : vector<1x1xf32> to vector<128x256xf32>
    %mul3A_2532 = arith.mulf %abs3A_2527, %mul3A_2531 : vector<128x256xf32>
    %add3A_2533 = arith.addf %add3A_2521, %mul3A_2532 : vector<128x256xf32>
    %mul3A_2534 = arith.constant 5.000000e-01 : f32
    %mul3A_2535 = vector.broadcast %mul3A_2534 : f32 to vector<128x256xf32>
    %mul3A_2536 = arith.mulf %add3A_2533, %mul3A_2535 : vector<128x256xf32>
    %logistic3A_2537 = arith.negf %mul3A_2536 : vector<128x256xf32>
    %logistic3A_2538 = math.exp %logistic3A_2537 : vector<128x256xf32>
    %logistic3A_2539 = arith.constant 1.000000e+00 : f32
    %logistic3A_2540 = vector.broadcast %logistic3A_2539 : f32 to vector<128x256xf32>
    %logistic3A_2541 = arith.addf %logistic3A_2540, %logistic3A_2538 : vector<128x256xf32>
    %logistic3A_2542 = arith.divf %logistic3A_2540, %logistic3A_2541 : vector<128x256xf32>
    %slice3A_2543 = vector.extract_strided_slice %logistic3A_2542 {offsets = [0, 0], sizes = [128, 128], strides = [1, 1]} : vector<128x256xf32> to vector<128x128xf32>
    %jit3A_2544 = arith.constant 0.000000e+00 : f32
    %broadcast_in_dim3A_2545 = vector.broadcast %jit3A_2544 : f32 to vector<128x128xf32>
    %select_n3A_2546 = arith.select %lt3A, %slice3A_2543, %broadcast_in_dim3A_2545 : vector<128x128xi1>, vector<128x128xf32>
    %transpose3A_2547 = tpu.transpose %select_n3A_2546, [1, 0] : vector<128x128xf32> -> vector<128x128xf32>
    %add3A_2548 = arith.addf %select_n3A_2546, %transpose3A_2547 : vector<128x128xf32>
    %swap3A_2549 = arith.constant 0 : index
    %swap3A_2550 = arith.constant 256 : index
    %swap3A_2551 = arith.constant 256 : index
    %swap3A_2552 = vector.load %arg14[%swap3A_2549, %swap3A_2550, %swap3A_2551] : memref<1x512x512xf32, #tpu.memory_space<vmem>>, vector<1x128x128xf32>
    %swap3A_2553 = vector.shape_cast %swap3A_2552 : vector<1x128x128xf32> to vector<128x128xf32>
    %swap3A_2554 = vector.shape_cast %add3A_2548 : vector<128x128xf32> to vector<1x128x128xf32>
    tpu.vector_store %arg14[%swap3A_2549, %swap3A_2550, %swap3A_2551], %swap3A_2554 {strides = array<i32>} : memref<1x512x512xf32, #tpu.memory_space<vmem>>, vector<1x128x128xf32>,
    %slice3A_2555 = vector.extract_strided_slice %logistic3A_2542 {offsets = [0, 128], sizes = [128, 128], strides = [1, 1]} : vector<128x256xf32> to vector<128x128xf32>
    %swap3A_2556 = arith.constant 0 : index
    %swap3A_2557 = arith.constant 256 : index
    %swap3A_2558 = arith.constant 384 : index
    %swap3A_2559 = vector.load %arg14[%swap3A_2556, %swap3A_2557, %swap3A_2558] : memref<1x512x512xf32, #tpu.memory_space<vmem>>, vector<1x128x128xf32>
    %swap3A_2560 = vector.shape_cast %swap3A_2559 : vector<1x128x128xf32> to vector<128x128xf32>
    %swap3A_2561 = vector.shape_cast %slice3A_2555 : vector<128x128xf32> to vector<1x128x128xf32>
    tpu.vector_store %arg14[%swap3A_2556, %swap3A_2557, %swap3A_2558], %swap3A_2561 {strides = array<i32>} : memref<1x512x512xf32, #tpu.memory_space<vmem>>, vector<1x128x128xf32>,
    %transpose3A_2562 = tpu.transpose %slice3A_2555, [1, 0] : vector<128x128xf32> -> vector<128x128xf32>
    %swap3A_2563 = arith.constant 0 : index
    %swap3A_2564 = arith.constant 384 : index
    %swap3A_2565 = arith.constant 256 : index
    %swap3A_2566 = vector.load %arg14[%swap3A_2563, %swap3A_2564, %swap3A_2565] : memref<1x512x512xf32, #tpu.memory_space<vmem>>, vector<1x128x128xf32>
    %swap3A_2567 = vector.shape_cast %swap3A_2566 : vector<1x128x128xf32> to vector<128x128xf32>
    %swap3A_2568 = vector.shape_cast %transpose3A_2562 : vector<128x128xf32> to vector<1x128x128xf32>
    tpu.vector_store %arg14[%swap3A_2563, %swap3A_2564, %swap3A_2565], %swap3A_2568 {strides = array<i32>} : memref<1x512x512xf32, #tpu.memory_space<vmem>>, vector<1x128x128xf32>,
    %slice3A_2569 = vector.extract_strided_slice %dot_general3A_91 {offsets = [384, 0], sizes = [128, 1], strides = [1, 1]} : vector<512x1xf32> to vector<128x1xf32>
    %slice3A_2570 = vector.extract_strided_slice %transpose3A_94 {offsets = [0, 384], sizes = [1, 128], strides = [1, 1]} : vector<1x512xf32> to vector<1x128xf32>
    %add3A_2571 = vector.broadcast %slice3A_2569 : vector<128x1xf32> to vector<128x128xf32>
    %add3A_2572 = vector.broadcast %slice3A_2570 : vector<1x128xf32> to vector<128x128xf32>
    %add3A_2573 = arith.addf %add3A_2571, %add3A_2572 : vector<128x128xf32>
    %add3A_2574 = vector.broadcast %mul3A_100 : vector<1x1xf32> to vector<128x128xf32>
    %add3A_2575 = arith.addf %add3A_2573, %add3A_2574 : vector<128x128xf32>
    %slice3A_2576 = vector.extract_strided_slice %add3A_81 {offsets = [384, 0], sizes = [128, 1], strides = [1, 1]} : vector<512x64xf32> to vector<128x1xf32>
    %slice3A_2577 = vector.extract_strided_slice %transpose3A_85 {offsets = [0, 384], sizes = [1, 128], strides = [1, 1]} : vector<64x512xf32> to vector<1x128xf32>
    %add3A_2578 = vector.broadcast %slice3A_2576 : vector<128x1xf32> to vector<128x128xf32>
    %add3A_2579 = vector.broadcast %slice3A_2577 : vector<1x128xf32> to vector<128x128xf32>
    %add3A_2580 = arith.addf %add3A_2578, %add3A_2579 : vector<128x128xf32>
    %abs3A_2581 = math.absf %add3A_2580 : vector<128x128xf32>
    %get3A_2582 = arith.constant 0 : index
    %get3A_2583 = arith.constant 0 : index
    %get3A_2584 = vector.load %arg12[%get3A_2582, %get3A_2583] : memref<1x64xf32, #tpu.memory_space<vmem>>, vector<1x1xf32>
    %mul3A_2585 = vector.broadcast %get3A_2584 : vector<1x1xf32> to vector<128x128xf32>
    %mul3A_2586 = arith.mulf %abs3A_2581, %mul3A_2585 : vector<128x128xf32>
    %add3A_2587 = arith.addf %add3A_2575, %mul3A_2586 : vector<128x128xf32>
    %slice3A_2588 = vector.extract_strided_slice %add3A_81 {offsets = [384, 1], sizes = [128, 1], strides = [1, 1]} : vector<512x64xf32> to vector<128x1xf32>
    %slice3A_2589 = vector.extract_strided_slice %transpose3A_85 {offsets = [1, 384], sizes = [1, 128], strides = [1, 1]} : vector<64x512xf32> to vector<1x128xf32>
    %add3A_2590 = vector.broadcast %slice3A_2588 : vector<128x1xf32> to vector<128x128xf32>
    %add3A_2591 = vector.broadcast %slice3A_2589 : vector<1x128xf32> to vector<128x128xf32>
    %add3A_2592 = arith.addf %add3A_2590, %add3A_2591 : vector<128x128xf32>
    %abs3A_2593 = math.absf %add3A_2592 : vector<128x128xf32>
    %get3A_2594 = arith.constant 0 : index
    %get3A_2595 = arith.constant 1 : index
    %get3A_2596 = vector.load %arg12[%get3A_2594, %get3A_2595] : memref<1x64xf32, #tpu.memory_space<vmem>>, vector<1x1xf32>
    %mul3A_2597 = vector.broadcast %get3A_2596 : vector<1x1xf32> to vector<128x128xf32>
    %mul3A_2598 = arith.mulf %abs3A_2593, %mul3A_2597 : vector<128x128xf32>
    %add3A_2599 = arith.addf %add3A_2587, %mul3A_2598 : vector<128x128xf32>
    %slice3A_2600 = vector.extract_strided_slice %add3A_81 {offsets = [384, 2], sizes = [128, 1], strides = [1, 1]} : vector<512x64xf32> to vector<128x1xf32>
    %slice3A_2601 = vector.extract_strided_slice %transpose3A_85 {offsets = [2, 384], sizes = [1, 128], strides = [1, 1]} : vector<64x512xf32> to vector<1x128xf32>
    %add3A_2602 = vector.broadcast %slice3A_2600 : vector<128x1xf32> to vector<128x128xf32>
    %add3A_2603 = vector.broadcast %slice3A_2601 : vector<1x128xf32> to vector<128x128xf32>
    %add3A_2604 = arith.addf %add3A_2602, %add3A_2603 : vector<128x128xf32>
    %abs3A_2605 = math.absf %add3A_2604 : vector<128x128xf32>
    %get3A_2606 = arith.constant 0 : index
    %get3A_2607 = arith.constant 2 : index
    %get3A_2608 = vector.load %arg12[%get3A_2606, %get3A_2607] : memref<1x64xf32, #tpu.memory_space<vmem>>, vector<1x1xf32>
    %mul3A_2609 = vector.broadcast %get3A_2608 : vector<1x1xf32> to vector<128x128xf32>
    %mul3A_2610 = arith.mulf %abs3A_2605, %mul3A_2609 : vector<128x128xf32>
    %add3A_2611 = arith.addf %add3A_2599, %mul3A_2610 : vector<128x128xf32>
    %slice3A_2612 = vector.extract_strided_slice %add3A_81 {offsets = [384, 3], sizes = [128, 1], strides = [1, 1]} : vector<512x64xf32> to vector<128x1xf32>
    %slice3A_2613 = vector.extract_strided_slice %transpose3A_85 {offsets = [3, 384], sizes = [1, 128], strides = [1, 1]} : vector<64x512xf32> to vector<1x128xf32>
    %add3A_2614 = vector.broadcast %slice3A_2612 : vector<128x1xf32> to vector<128x128xf32>
    %add3A_2615 = vector.broadcast %slice3A_2613 : vector<1x128xf32> to vector<128x128xf32>
    %add3A_2616 = arith.addf %add3A_2614, %add3A_2615 : vector<128x128xf32>
    %abs3A_2617 = math.absf %add3A_2616 : vector<128x128xf32>
    %get3A_2618 = arith.constant 0 : index
    %get3A_2619 = arith.constant 3 : index
    %get3A_2620 = vector.load %arg12[%get3A_2618, %get3A_2619] : memref<1x64xf32, #tpu.memory_space<vmem>>, vector<1x1xf32>
    %mul3A_2621 = vector.broadcast %get3A_2620 : vector<1x1xf32> to vector<128x128xf32>
    %mul3A_2622 = arith.mulf %abs3A_2617, %mul3A_2621 : vector<128x128xf32>
    %add3A_2623 = arith.addf %add3A_2611, %mul3A_2622 : vector<128x128xf32>
    %slice3A_2624 = vector.extract_strided_slice %add3A_81 {offsets = [384, 4], sizes = [128, 1], strides = [1, 1]} : vector<512x64xf32> to vector<128x1xf32>
    %slice3A_2625 = vector.extract_strided_slice %transpose3A_85 {offsets = [4, 384], sizes = [1, 128], strides = [1, 1]} : vector<64x512xf32> to vector<1x128xf32>
    %add3A_2626 = vector.broadcast %slice3A_2624 : vector<128x1xf32> to vector<128x128xf32>
    %add3A_2627 = vector.broadcast %slice3A_2625 : vector<1x128xf32> to vector<128x128xf32>
    %add3A_2628 = arith.addf %add3A_2626, %add3A_2627 : vector<128x128xf32>
    %abs3A_2629 = math.absf %add3A_2628 : vector<128x128xf32>
    %get3A_2630 = arith.constant 0 : index
    %get3A_2631 = arith.constant 4 : index
    %get3A_2632 = vector.load %arg12[%get3A_2630, %get3A_2631] : memref<1x64xf32, #tpu.memory_space<vmem>>, vector<1x1xf32>
    %mul3A_2633 = vector.broadcast %get3A_2632 : vector<1x1xf32> to vector<128x128xf32>
    %mul3A_2634 = arith.mulf %abs3A_2629, %mul3A_2633 : vector<128x128xf32>
    %add3A_2635 = arith.addf %add3A_2623, %mul3A_2634 : vector<128x128xf32>
    %slice3A_2636 = vector.extract_strided_slice %add3A_81 {offsets = [384, 5], sizes = [128, 1], strides = [1, 1]} : vector<512x64xf32> to vector<128x1xf32>
    %slice3A_2637 = vector.extract_strided_slice %transpose3A_85 {offsets = [5, 384], sizes = [1, 128], strides = [1, 1]} : vector<64x512xf32> to vector<1x128xf32>
    %add3A_2638 = vector.broadcast %slice3A_2636 : vector<128x1xf32> to vector<128x128xf32>
    %add3A_2639 = vector.broadcast %slice3A_2637 : vector<1x128xf32> to vector<128x128xf32>
    %add3A_2640 = arith.addf %add3A_2638, %add3A_2639 : vector<128x128xf32>
    %abs3A_2641 = math.absf %add3A_2640 : vector<128x128xf32>
    %get3A_2642 = arith.constant 0 : index
    %get3A_2643 = arith.constant 5 : index
    %get3A_2644 = vector.load %arg12[%get3A_2642, %get3A_2643] : memref<1x64xf32, #tpu.memory_space<vmem>>, vector<1x1xf32>
    %mul3A_2645 = vector.broadcast %get3A_2644 : vector<1x1xf32> to vector<128x128xf32>
    %mul3A_2646 = arith.mulf %abs3A_2641, %mul3A_2645 : vector<128x128xf32>
    %add3A_2647 = arith.addf %add3A_2635, %mul3A_2646 : vector<128x128xf32>
    %slice3A_2648 = vector.extract_strided_slice %add3A_81 {offsets = [384, 6], sizes = [128, 1], strides = [1, 1]} : vector<512x64xf32> to vector<128x1xf32>
    %slice3A_2649 = vector.extract_strided_slice %transpose3A_85 {offsets = [6, 384], sizes = [1, 128], strides = [1, 1]} : vector<64x512xf32> to vector<1x128xf32>
    %add3A_2650 = vector.broadcast %slice3A_2648 : vector<128x1xf32> to vector<128x128xf32>
    %add3A_2651 = vector.broadcast %slice3A_2649 : vector<1x128xf32> to vector<128x128xf32>
    %add3A_2652 = arith.addf %add3A_2650, %add3A_2651 : vector<128x128xf32>
    %abs3A_2653 = math.absf %add3A_2652 : vector<128x128xf32>
    %get3A_2654 = arith.constant 0 : index
    %get3A_2655 = arith.constant 6 : index
    %get3A_2656 = vector.load %arg12[%get3A_2654, %get3A_2655] : memref<1x64xf32, #tpu.memory_space<vmem>>, vector<1x1xf32>
    %mul3A_2657 = vector.broadcast %get3A_2656 : vector<1x1xf32> to vector<128x128xf32>
    %mul3A_2658 = arith.mulf %abs3A_2653, %mul3A_2657 : vector<128x128xf32>
    %add3A_2659 = arith.addf %add3A_2647, %mul3A_2658 : vector<128x128xf32>
    %slice3A_2660 = vector.extract_strided_slice %add3A_81 {offsets = [384, 7], sizes = [128, 1], strides = [1, 1]} : vector<512x64xf32> to vector<128x1xf32>
    %slice3A_2661 = vector.extract_strided_slice %transpose3A_85 {offsets = [7, 384], sizes = [1, 128], strides = [1, 1]} : vector<64x512xf32> to vector<1x128xf32>
    %add3A_2662 = vector.broadcast %slice3A_2660 : vector<128x1xf32> to vector<128x128xf32>
    %add3A_2663 = vector.broadcast %slice3A_2661 : vector<1x128xf32> to vector<128x128xf32>
    %add3A_2664 = arith.addf %add3A_2662, %add3A_2663 : vector<128x128xf32>
    %abs3A_2665 = math.absf %add3A_2664 : vector<128x128xf32>
    %get3A_2666 = arith.constant 0 : index
    %get3A_2667 = arith.constant 7 : index
    %get3A_2668 = vector.load %arg12[%get3A_2666, %get3A_2667] : memref<1x64xf32, #tpu.memory_space<vmem>>, vector<1x1xf32>
    %mul3A_2669 = vector.broadcast %get3A_2668 : vector<1x1xf32> to vector<128x128xf32>
    %mul3A_2670 = arith.mulf %abs3A_2665, %mul3A_2669 : vector<128x128xf32>
    %add3A_2671 = arith.addf %add3A_2659, %mul3A_2670 : vector<128x128xf32>
    %slice3A_2672 = vector.extract_strided_slice %add3A_81 {offsets = [384, 8], sizes = [128, 1], strides = [1, 1]} : vector<512x64xf32> to vector<128x1xf32>
    %slice3A_2673 = vector.extract_strided_slice %transpose3A_85 {offsets = [8, 384], sizes = [1, 128], strides = [1, 1]} : vector<64x512xf32> to vector<1x128xf32>
    %add3A_2674 = vector.broadcast %slice3A_2672 : vector<128x1xf32> to vector<128x128xf32>
    %add3A_2675 = vector.broadcast %slice3A_2673 : vector<1x128xf32> to vector<128x128xf32>
    %add3A_2676 = arith.addf %add3A_2674, %add3A_2675 : vector<128x128xf32>
    %abs3A_2677 = math.absf %add3A_2676 : vector<128x128xf32>
    %get3A_2678 = arith.constant 0 : index
    %get3A_2679 = arith.constant 8 : index
    %get3A_2680 = vector.load %arg12[%get3A_2678, %get3A_2679] : memref<1x64xf32, #tpu.memory_space<vmem>>, vector<1x1xf32>
    %mul3A_2681 = vector.broadcast %get3A_2680 : vector<1x1xf32> to vector<128x128xf32>
    %mul3A_2682 = arith.mulf %abs3A_2677, %mul3A_2681 : vector<128x128xf32>
    %add3A_2683 = arith.addf %add3A_2671, %mul3A_2682 : vector<128x128xf32>
    %slice3A_2684 = vector.extract_strided_slice %add3A_81 {offsets = [384, 9], sizes = [128, 1], strides = [1, 1]} : vector<512x64xf32> to vector<128x1xf32>
    %slice3A_2685 = vector.extract_strided_slice %transpose3A_85 {offsets = [9, 384], sizes = [1, 128], strides = [1, 1]} : vector<64x512xf32> to vector<1x128xf32>
    %add3A_2686 = vector.broadcast %slice3A_2684 : vector<128x1xf32> to vector<128x128xf32>
    %add3A_2687 = vector.broadcast %slice3A_2685 : vector<1x128xf32> to vector<128x128xf32>
    %add3A_2688 = arith.addf %add3A_2686, %add3A_2687 : vector<128x128xf32>
    %abs3A_2689 = math.absf %add3A_2688 : vector<128x128xf32>
    %get3A_2690 = arith.constant 0 : index
    %get3A_2691 = arith.constant 9 : index
    %get3A_2692 = vector.load %arg12[%get3A_2690, %get3A_2691] : memref<1x64xf32, #tpu.memory_space<vmem>>, vector<1x1xf32>
    %mul3A_2693 = vector.broadcast %get3A_2692 : vector<1x1xf32> to vector<128x128xf32>
    %mul3A_2694 = arith.mulf %abs3A_2689, %mul3A_2693 : vector<128x128xf32>
    %add3A_2695 = arith.addf %add3A_2683, %mul3A_2694 : vector<128x128xf32>
    %slice3A_2696 = vector.extract_strided_slice %add3A_81 {offsets = [384, 10], sizes = [128, 1], strides = [1, 1]} : vector<512x64xf32> to vector<128x1xf32>
    %slice3A_2697 = vector.extract_strided_slice %transpose3A_85 {offsets = [10, 384], sizes = [1, 128], strides = [1, 1]} : vector<64x512xf32> to vector<1x128xf32>
    %add3A_2698 = vector.broadcast %slice3A_2696 : vector<128x1xf32> to vector<128x128xf32>
    %add3A_2699 = vector.broadcast %slice3A_2697 : vector<1x128xf32> to vector<128x128xf32>
    %add3A_2700 = arith.addf %add3A_2698, %add3A_2699 : vector<128x128xf32>
    %abs3A_2701 = math.absf %add3A_2700 : vector<128x128xf32>
    %get3A_2702 = arith.constant 0 : index
    %get3A_2703 = arith.constant 10 : index
    %get3A_2704 = vector.load %arg12[%get3A_2702, %get3A_2703] : memref<1x64xf32, #tpu.memory_space<vmem>>, vector<1x1xf32>
    %mul3A_2705 = vector.broadcast %get3A_2704 : vector<1x1xf32> to vector<128x128xf32>
    %mul3A_2706 = arith.mulf %abs3A_2701, %mul3A_2705 : vector<128x128xf32>
    %add3A_2707 = arith.addf %add3A_2695, %mul3A_2706 : vector<128x128xf32>
    %slice3A_2708 = vector.extract_strided_slice %add3A_81 {offsets = [384, 11], sizes = [128, 1], strides = [1, 1]} : vector<512x64xf32> to vector<128x1xf32>
    %slice3A_2709 = vector.extract_strided_slice %transpose3A_85 {offsets = [11, 384], sizes = [1, 128], strides = [1, 1]} : vector<64x512xf32> to vector<1x128xf32>
    %add3A_2710 = vector.broadcast %slice3A_2708 : vector<128x1xf32> to vector<128x128xf32>
    %add3A_2711 = vector.broadcast %slice3A_2709 : vector<1x128xf32> to vector<128x128xf32>
    %add3A_2712 = arith.addf %add3A_2710, %add3A_2711 : vector<128x128xf32>
    %abs3A_2713 = math.absf %add3A_2712 : vector<128x128xf32>
    %get3A_2714 = arith.constant 0 : index
    %get3A_2715 = arith.constant 11 : index
    %get3A_2716 = vector.load %arg12[%get3A_2714, %get3A_2715] : memref<1x64xf32, #tpu.memory_space<vmem>>, vector<1x1xf32>
    %mul3A_2717 = vector.broadcast %get3A_2716 : vector<1x1xf32> to vector<128x128xf32>
    %mul3A_2718 = arith.mulf %abs3A_2713, %mul3A_2717 : vector<128x128xf32>
    %add3A_2719 = arith.addf %add3A_2707, %mul3A_2718 : vector<128x128xf32>
    %slice3A_2720 = vector.extract_strided_slice %add3A_81 {offsets = [384, 12], sizes = [128, 1], strides = [1, 1]} : vector<512x64xf32> to vector<128x1xf32>
    %slice3A_2721 = vector.extract_strided_slice %transpose3A_85 {offsets = [12, 384], sizes = [1, 128], strides = [1, 1]} : vector<64x512xf32> to vector<1x128xf32>
    %add3A_2722 = vector.broadcast %slice3A_2720 : vector<128x1xf32> to vector<128x128xf32>
    %add3A_2723 = vector.broadcast %slice3A_2721 : vector<1x128xf32> to vector<128x128xf32>
    %add3A_2724 = arith.addf %add3A_2722, %add3A_2723 : vector<128x128xf32>
    %abs3A_2725 = math.absf %add3A_2724 : vector<128x128xf32>
    %get3A_2726 = arith.constant 0 : index
    %get3A_2727 = arith.constant 12 : index
    %get3A_2728 = vector.load %arg12[%get3A_2726, %get3A_2727] : memref<1x64xf32, #tpu.memory_space<vmem>>, vector<1x1xf32>
    %mul3A_2729 = vector.broadcast %get3A_2728 : vector<1x1xf32> to vector<128x128xf32>
    %mul3A_2730 = arith.mulf %abs3A_2725, %mul3A_2729 : vector<128x128xf32>
    %add3A_2731 = arith.addf %add3A_2719, %mul3A_2730 : vector<128x128xf32>
    %slice3A_2732 = vector.extract_strided_slice %add3A_81 {offsets = [384, 13], sizes = [128, 1], strides = [1, 1]} : vector<512x64xf32> to vector<128x1xf32>
    %slice3A_2733 = vector.extract_strided_slice %transpose3A_85 {offsets = [13, 384], sizes = [1, 128], strides = [1, 1]} : vector<64x512xf32> to vector<1x128xf32>
    %add3A_2734 = vector.broadcast %slice3A_2732 : vector<128x1xf32> to vector<128x128xf32>
    %add3A_2735 = vector.broadcast %slice3A_2733 : vector<1x128xf32> to vector<128x128xf32>
    %add3A_2736 = arith.addf %add3A_2734, %add3A_2735 : vector<128x128xf32>
    %abs3A_2737 = math.absf %add3A_2736 : vector<128x128xf32>
    %get3A_2738 = arith.constant 0 : index
    %get3A_2739 = arith.constant 13 : index
    %get3A_2740 = vector.load %arg12[%get3A_2738, %get3A_2739] : memref<1x64xf32, #tpu.memory_space<vmem>>, vector<1x1xf32>
    %mul3A_2741 = vector.broadcast %get3A_2740 : vector<1x1xf32> to vector<128x128xf32>
    %mul3A_2742 = arith.mulf %abs3A_2737, %mul3A_2741 : vector<128x128xf32>
    %add3A_2743 = arith.addf %add3A_2731, %mul3A_2742 : vector<128x128xf32>
    %slice3A_2744 = vector.extract_strided_slice %add3A_81 {offsets = [384, 14], sizes = [128, 1], strides = [1, 1]} : vector<512x64xf32> to vector<128x1xf32>
    %slice3A_2745 = vector.extract_strided_slice %transpose3A_85 {offsets = [14, 384], sizes = [1, 128], strides = [1, 1]} : vector<64x512xf32> to vector<1x128xf32>
    %add3A_2746 = vector.broadcast %slice3A_2744 : vector<128x1xf32> to vector<128x128xf32>
    %add3A_2747 = vector.broadcast %slice3A_2745 : vector<1x128xf32> to vector<128x128xf32>
    %add3A_2748 = arith.addf %add3A_2746, %add3A_2747 : vector<128x128xf32>
    %abs3A_2749 = math.absf %add3A_2748 : vector<128x128xf32>
    %get3A_2750 = arith.constant 0 : index
    %get3A_2751 = arith.constant 14 : index
    %get3A_2752 = vector.load %arg12[%get3A_2750, %get3A_2751] : memref<1x64xf32, #tpu.memory_space<vmem>>, vector<1x1xf32>
    %mul3A_2753 = vector.broadcast %get3A_2752 : vector<1x1xf32> to vector<128x128xf32>
    %mul3A_2754 = arith.mulf %abs3A_2749, %mul3A_2753 : vector<128x128xf32>
    %add3A_2755 = arith.addf %add3A_2743, %mul3A_2754 : vector<128x128xf32>
    %slice3A_2756 = vector.extract_strided_slice %add3A_81 {offsets = [384, 15], sizes = [128, 1], strides = [1, 1]} : vector<512x64xf32> to vector<128x1xf32>
    %slice3A_2757 = vector.extract_strided_slice %transpose3A_85 {offsets = [15, 384], sizes = [1, 128], strides = [1, 1]} : vector<64x512xf32> to vector<1x128xf32>
    %add3A_2758 = vector.broadcast %slice3A_2756 : vector<128x1xf32> to vector<128x128xf32>
    %add3A_2759 = vector.broadcast %slice3A_2757 : vector<1x128xf32> to vector<128x128xf32>
    %add3A_2760 = arith.addf %add3A_2758, %add3A_2759 : vector<128x128xf32>
    %abs3A_2761 = math.absf %add3A_2760 : vector<128x128xf32>
    %get3A_2762 = arith.constant 0 : index
    %get3A_2763 = arith.constant 15 : index
    %get3A_2764 = vector.load %arg12[%get3A_2762, %get3A_2763] : memref<1x64xf32, #tpu.memory_space<vmem>>, vector<1x1xf32>
    %mul3A_2765 = vector.broadcast %get3A_2764 : vector<1x1xf32> to vector<128x128xf32>
    %mul3A_2766 = arith.mulf %abs3A_2761, %mul3A_2765 : vector<128x128xf32>
    %add3A_2767 = arith.addf %add3A_2755, %mul3A_2766 : vector<128x128xf32>
    %slice3A_2768 = vector.extract_strided_slice %add3A_81 {offsets = [384, 16], sizes = [128, 1], strides = [1, 1]} : vector<512x64xf32> to vector<128x1xf32>
    %slice3A_2769 = vector.extract_strided_slice %transpose3A_85 {offsets = [16, 384], sizes = [1, 128], strides = [1, 1]} : vector<64x512xf32> to vector<1x128xf32>
    %add3A_2770 = vector.broadcast %slice3A_2768 : vector<128x1xf32> to vector<128x128xf32>
    %add3A_2771 = vector.broadcast %slice3A_2769 : vector<1x128xf32> to vector<128x128xf32>
    %add3A_2772 = arith.addf %add3A_2770, %add3A_2771 : vector<128x128xf32>
    %abs3A_2773 = math.absf %add3A_2772 : vector<128x128xf32>
    %get3A_2774 = arith.constant 0 : index
    %get3A_2775 = arith.constant 16 : index
    %get3A_2776 = vector.load %arg12[%get3A_2774, %get3A_2775] : memref<1x64xf32, #tpu.memory_space<vmem>>, vector<1x1xf32>
    %mul3A_2777 = vector.broadcast %get3A_2776 : vector<1x1xf32> to vector<128x128xf32>
    %mul3A_2778 = arith.mulf %abs3A_2773, %mul3A_2777 : vector<128x128xf32>
    %add3A_2779 = arith.addf %add3A_2767, %mul3A_2778 : vector<128x128xf32>
    %slice3A_2780 = vector.extract_strided_slice %add3A_81 {offsets = [384, 17], sizes = [128, 1], strides = [1, 1]} : vector<512x64xf32> to vector<128x1xf32>
    %slice3A_2781 = vector.extract_strided_slice %transpose3A_85 {offsets = [17, 384], sizes = [1, 128], strides = [1, 1]} : vector<64x512xf32> to vector<1x128xf32>
    %add3A_2782 = vector.broadcast %slice3A_2780 : vector<128x1xf32> to vector<128x128xf32>
    %add3A_2783 = vector.broadcast %slice3A_2781 : vector<1x128xf32> to vector<128x128xf32>
    %add3A_2784 = arith.addf %add3A_2782, %add3A_2783 : vector<128x128xf32>
    %abs3A_2785 = math.absf %add3A_2784 : vector<128x128xf32>
    %get3A_2786 = arith.constant 0 : index
    %get3A_2787 = arith.constant 17 : index
    %get3A_2788 = vector.load %arg12[%get3A_2786, %get3A_2787] : memref<1x64xf32, #tpu.memory_space<vmem>>, vector<1x1xf32>
    %mul3A_2789 = vector.broadcast %get3A_2788 : vector<1x1xf32> to vector<128x128xf32>
    %mul3A_2790 = arith.mulf %abs3A_2785, %mul3A_2789 : vector<128x128xf32>
    %add3A_2791 = arith.addf %add3A_2779, %mul3A_2790 : vector<128x128xf32>
    %slice3A_2792 = vector.extract_strided_slice %add3A_81 {offsets = [384, 18], sizes = [128, 1], strides = [1, 1]} : vector<512x64xf32> to vector<128x1xf32>
    %slice3A_2793 = vector.extract_strided_slice %transpose3A_85 {offsets = [18, 384], sizes = [1, 128], strides = [1, 1]} : vector<64x512xf32> to vector<1x128xf32>
    %add3A_2794 = vector.broadcast %slice3A_2792 : vector<128x1xf32> to vector<128x128xf32>
    %add3A_2795 = vector.broadcast %slice3A_2793 : vector<1x128xf32> to vector<128x128xf32>
    %add3A_2796 = arith.addf %add3A_2794, %add3A_2795 : vector<128x128xf32>
    %abs3A_2797 = math.absf %add3A_2796 : vector<128x128xf32>
    %get3A_2798 = arith.constant 0 : index
    %get3A_2799 = arith.constant 18 : index
    %get3A_2800 = vector.load %arg12[%get3A_2798, %get3A_2799] : memref<1x64xf32, #tpu.memory_space<vmem>>, vector<1x1xf32>
    %mul3A_2801 = vector.broadcast %get3A_2800 : vector<1x1xf32> to vector<128x128xf32>
    %mul3A_2802 = arith.mulf %abs3A_2797, %mul3A_2801 : vector<128x128xf32>
    %add3A_2803 = arith.addf %add3A_2791, %mul3A_2802 : vector<128x128xf32>
    %slice3A_2804 = vector.extract_strided_slice %add3A_81 {offsets = [384, 19], sizes = [128, 1], strides = [1, 1]} : vector<512x64xf32> to vector<128x1xf32>
    %slice3A_2805 = vector.extract_strided_slice %transpose3A_85 {offsets = [19, 384], sizes = [1, 128], strides = [1, 1]} : vector<64x512xf32> to vector<1x128xf32>
    %add3A_2806 = vector.broadcast %slice3A_2804 : vector<128x1xf32> to vector<128x128xf32>
    %add3A_2807 = vector.broadcast %slice3A_2805 : vector<1x128xf32> to vector<128x128xf32>
    %add3A_2808 = arith.addf %add3A_2806, %add3A_2807 : vector<128x128xf32>
    %abs3A_2809 = math.absf %add3A_2808 : vector<128x128xf32>
    %get3A_2810 = arith.constant 0 : index
    %get3A_2811 = arith.constant 19 : index
    %get3A_2812 = vector.load %arg12[%get3A_2810, %get3A_2811] : memref<1x64xf32, #tpu.memory_space<vmem>>, vector<1x1xf32>
    %mul3A_2813 = vector.broadcast %get3A_2812 : vector<1x1xf32> to vector<128x128xf32>
    %mul3A_2814 = arith.mulf %abs3A_2809, %mul3A_2813 : vector<128x128xf32>
    %add3A_2815 = arith.addf %add3A_2803, %mul3A_2814 : vector<128x128xf32>
    %slice3A_2816 = vector.extract_strided_slice %add3A_81 {offsets = [384, 20], sizes = [128, 1], strides = [1, 1]} : vector<512x64xf32> to vector<128x1xf32>
    %slice3A_2817 = vector.extract_strided_slice %transpose3A_85 {offsets = [20, 384], sizes = [1, 128], strides = [1, 1]} : vector<64x512xf32> to vector<1x128xf32>
    %add3A_2818 = vector.broadcast %slice3A_2816 : vector<128x1xf32> to vector<128x128xf32>
    %add3A_2819 = vector.broadcast %slice3A_2817 : vector<1x128xf32> to vector<128x128xf32>
    %add3A_2820 = arith.addf %add3A_2818, %add3A_2819 : vector<128x128xf32>
    %abs3A_2821 = math.absf %add3A_2820 : vector<128x128xf32>
    %get3A_2822 = arith.constant 0 : index
    %get3A_2823 = arith.constant 20 : index
    %get3A_2824 = vector.load %arg12[%get3A_2822, %get3A_2823] : memref<1x64xf32, #tpu.memory_space<vmem>>, vector<1x1xf32>
    %mul3A_2825 = vector.broadcast %get3A_2824 : vector<1x1xf32> to vector<128x128xf32>
    %mul3A_2826 = arith.mulf %abs3A_2821, %mul3A_2825 : vector<128x128xf32>
    %add3A_2827 = arith.addf %add3A_2815, %mul3A_2826 : vector<128x128xf32>
    %slice3A_2828 = vector.extract_strided_slice %add3A_81 {offsets = [384, 21], sizes = [128, 1], strides = [1, 1]} : vector<512x64xf32> to vector<128x1xf32>
    %slice3A_2829 = vector.extract_strided_slice %transpose3A_85 {offsets = [21, 384], sizes = [1, 128], strides = [1, 1]} : vector<64x512xf32> to vector<1x128xf32>
    %add3A_2830 = vector.broadcast %slice3A_2828 : vector<128x1xf32> to vector<128x128xf32>
    %add3A_2831 = vector.broadcast %slice3A_2829 : vector<1x128xf32> to vector<128x128xf32>
    %add3A_2832 = arith.addf %add3A_2830, %add3A_2831 : vector<128x128xf32>
    %abs3A_2833 = math.absf %add3A_2832 : vector<128x128xf32>
    %get3A_2834 = arith.constant 0 : index
    %get3A_2835 = arith.constant 21 : index
    %get3A_2836 = vector.load %arg12[%get3A_2834, %get3A_2835] : memref<1x64xf32, #tpu.memory_space<vmem>>, vector<1x1xf32>
    %mul3A_2837 = vector.broadcast %get3A_2836 : vector<1x1xf32> to vector<128x128xf32>
    %mul3A_2838 = arith.mulf %abs3A_2833, %mul3A_2837 : vector<128x128xf32>
    %add3A_2839 = arith.addf %add3A_2827, %mul3A_2838 : vector<128x128xf32>
    %slice3A_2840 = vector.extract_strided_slice %add3A_81 {offsets = [384, 22], sizes = [128, 1], strides = [1, 1]} : vector<512x64xf32> to vector<128x1xf32>
    %slice3A_2841 = vector.extract_strided_slice %transpose3A_85 {offsets = [22, 384], sizes = [1, 128], strides = [1, 1]} : vector<64x512xf32> to vector<1x128xf32>
    %add3A_2842 = vector.broadcast %slice3A_2840 : vector<128x1xf32> to vector<128x128xf32>
    %add3A_2843 = vector.broadcast %slice3A_2841 : vector<1x128xf32> to vector<128x128xf32>
    %add3A_2844 = arith.addf %add3A_2842, %add3A_2843 : vector<128x128xf32>
    %abs3A_2845 = math.absf %add3A_2844 : vector<128x128xf32>
    %get3A_2846 = arith.constant 0 : index
    %get3A_2847 = arith.constant 22 : index
    %get3A_2848 = vector.load %arg12[%get3A_2846, %get3A_2847] : memref<1x64xf32, #tpu.memory_space<vmem>>, vector<1x1xf32>
    %mul3A_2849 = vector.broadcast %get3A_2848 : vector<1x1xf32> to vector<128x128xf32>
    %mul3A_2850 = arith.mulf %abs3A_2845, %mul3A_2849 : vector<128x128xf32>
    %add3A_2851 = arith.addf %add3A_2839, %mul3A_2850 : vector<128x128xf32>
    %slice3A_2852 = vector.extract_strided_slice %add3A_81 {offsets = [384, 23], sizes = [128, 1], strides = [1, 1]} : vector<512x64xf32> to vector<128x1xf32>
    %slice3A_2853 = vector.extract_strided_slice %transpose3A_85 {offsets = [23, 384], sizes = [1, 128], strides = [1, 1]} : vector<64x512xf32> to vector<1x128xf32>
    %add3A_2854 = vector.broadcast %slice3A_2852 : vector<128x1xf32> to vector<128x128xf32>
    %add3A_2855 = vector.broadcast %slice3A_2853 : vector<1x128xf32> to vector<128x128xf32>
    %add3A_2856 = arith.addf %add3A_2854, %add3A_2855 : vector<128x128xf32>
    %abs3A_2857 = math.absf %add3A_2856 : vector<128x128xf32>
    %get3A_2858 = arith.constant 0 : index
    %get3A_2859 = arith.constant 23 : index
    %get3A_2860 = vector.load %arg12[%get3A_2858, %get3A_2859] : memref<1x64xf32, #tpu.memory_space<vmem>>, vector<1x1xf32>
    %mul3A_2861 = vector.broadcast %get3A_2860 : vector<1x1xf32> to vector<128x128xf32>
    %mul3A_2862 = arith.mulf %abs3A_2857, %mul3A_2861 : vector<128x128xf32>
    %add3A_2863 = arith.addf %add3A_2851, %mul3A_2862 : vector<128x128xf32>
    %slice3A_2864 = vector.extract_strided_slice %add3A_81 {offsets = [384, 24], sizes = [128, 1], strides = [1, 1]} : vector<512x64xf32> to vector<128x1xf32>
    %slice3A_2865 = vector.extract_strided_slice %transpose3A_85 {offsets = [24, 384], sizes = [1, 128], strides = [1, 1]} : vector<64x512xf32> to vector<1x128xf32>
    %add3A_2866 = vector.broadcast %slice3A_2864 : vector<128x1xf32> to vector<128x128xf32>
    %add3A_2867 = vector.broadcast %slice3A_2865 : vector<1x128xf32> to vector<128x128xf32>
    %add3A_2868 = arith.addf %add3A_2866, %add3A_2867 : vector<128x128xf32>
    %abs3A_2869 = math.absf %add3A_2868 : vector<128x128xf32>
    %get3A_2870 = arith.constant 0 : index
    %get3A_2871 = arith.constant 24 : index
    %get3A_2872 = vector.load %arg12[%get3A_2870, %get3A_2871] : memref<1x64xf32, #tpu.memory_space<vmem>>, vector<1x1xf32>
    %mul3A_2873 = vector.broadcast %get3A_2872 : vector<1x1xf32> to vector<128x128xf32>
    %mul3A_2874 = arith.mulf %abs3A_2869, %mul3A_2873 : vector<128x128xf32>
    %add3A_2875 = arith.addf %add3A_2863, %mul3A_2874 : vector<128x128xf32>
    %slice3A_2876 = vector.extract_strided_slice %add3A_81 {offsets = [384, 25], sizes = [128, 1], strides = [1, 1]} : vector<512x64xf32> to vector<128x1xf32>
    %slice3A_2877 = vector.extract_strided_slice %transpose3A_85 {offsets = [25, 384], sizes = [1, 128], strides = [1, 1]} : vector<64x512xf32> to vector<1x128xf32>
    %add3A_2878 = vector.broadcast %slice3A_2876 : vector<128x1xf32> to vector<128x128xf32>
    %add3A_2879 = vector.broadcast %slice3A_2877 : vector<1x128xf32> to vector<128x128xf32>
    %add3A_2880 = arith.addf %add3A_2878, %add3A_2879 : vector<128x128xf32>
    %abs3A_2881 = math.absf %add3A_2880 : vector<128x128xf32>
    %get3A_2882 = arith.constant 0 : index
    %get3A_2883 = arith.constant 25 : index
    %get3A_2884 = vector.load %arg12[%get3A_2882, %get3A_2883] : memref<1x64xf32, #tpu.memory_space<vmem>>, vector<1x1xf32>
    %mul3A_2885 = vector.broadcast %get3A_2884 : vector<1x1xf32> to vector<128x128xf32>
    %mul3A_2886 = arith.mulf %abs3A_2881, %mul3A_2885 : vector<128x128xf32>
    %add3A_2887 = arith.addf %add3A_2875, %mul3A_2886 : vector<128x128xf32>
    %slice3A_2888 = vector.extract_strided_slice %add3A_81 {offsets = [384, 26], sizes = [128, 1], strides = [1, 1]} : vector<512x64xf32> to vector<128x1xf32>
    %slice3A_2889 = vector.extract_strided_slice %transpose3A_85 {offsets = [26, 384], sizes = [1, 128], strides = [1, 1]} : vector<64x512xf32> to vector<1x128xf32>
    %add3A_2890 = vector.broadcast %slice3A_2888 : vector<128x1xf32> to vector<128x128xf32>
    %add3A_2891 = vector.broadcast %slice3A_2889 : vector<1x128xf32> to vector<128x128xf32>
    %add3A_2892 = arith.addf %add3A_2890, %add3A_2891 : vector<128x128xf32>
    %abs3A_2893 = math.absf %add3A_2892 : vector<128x128xf32>
    %get3A_2894 = arith.constant 0 : index
    %get3A_2895 = arith.constant 26 : index
    %get3A_2896 = vector.load %arg12[%get3A_2894, %get3A_2895] : memref<1x64xf32, #tpu.memory_space<vmem>>, vector<1x1xf32>
    %mul3A_2897 = vector.broadcast %get3A_2896 : vector<1x1xf32> to vector<128x128xf32>
    %mul3A_2898 = arith.mulf %abs3A_2893, %mul3A_2897 : vector<128x128xf32>
    %add3A_2899 = arith.addf %add3A_2887, %mul3A_2898 : vector<128x128xf32>
    %slice3A_2900 = vector.extract_strided_slice %add3A_81 {offsets = [384, 27], sizes = [128, 1], strides = [1, 1]} : vector<512x64xf32> to vector<128x1xf32>
    %slice3A_2901 = vector.extract_strided_slice %transpose3A_85 {offsets = [27, 384], sizes = [1, 128], strides = [1, 1]} : vector<64x512xf32> to vector<1x128xf32>
    %add3A_2902 = vector.broadcast %slice3A_2900 : vector<128x1xf32> to vector<128x128xf32>
    %add3A_2903 = vector.broadcast %slice3A_2901 : vector<1x128xf32> to vector<128x128xf32>
    %add3A_2904 = arith.addf %add3A_2902, %add3A_2903 : vector<128x128xf32>
    %abs3A_2905 = math.absf %add3A_2904 : vector<128x128xf32>
    %get3A_2906 = arith.constant 0 : index
    %get3A_2907 = arith.constant 27 : index
    %get3A_2908 = vector.load %arg12[%get3A_2906, %get3A_2907] : memref<1x64xf32, #tpu.memory_space<vmem>>, vector<1x1xf32>
    %mul3A_2909 = vector.broadcast %get3A_2908 : vector<1x1xf32> to vector<128x128xf32>
    %mul3A_2910 = arith.mulf %abs3A_2905, %mul3A_2909 : vector<128x128xf32>
    %add3A_2911 = arith.addf %add3A_2899, %mul3A_2910 : vector<128x128xf32>
    %slice3A_2912 = vector.extract_strided_slice %add3A_81 {offsets = [384, 28], sizes = [128, 1], strides = [1, 1]} : vector<512x64xf32> to vector<128x1xf32>
    %slice3A_2913 = vector.extract_strided_slice %transpose3A_85 {offsets = [28, 384], sizes = [1, 128], strides = [1, 1]} : vector<64x512xf32> to vector<1x128xf32>
    %add3A_2914 = vector.broadcast %slice3A_2912 : vector<128x1xf32> to vector<128x128xf32>
    %add3A_2915 = vector.broadcast %slice3A_2913 : vector<1x128xf32> to vector<128x128xf32>
    %add3A_2916 = arith.addf %add3A_2914, %add3A_2915 : vector<128x128xf32>
    %abs3A_2917 = math.absf %add3A_2916 : vector<128x128xf32>
    %get3A_2918 = arith.constant 0 : index
    %get3A_2919 = arith.constant 28 : index
    %get3A_2920 = vector.load %arg12[%get3A_2918, %get3A_2919] : memref<1x64xf32, #tpu.memory_space<vmem>>, vector<1x1xf32>
    %mul3A_2921 = vector.broadcast %get3A_2920 : vector<1x1xf32> to vector<128x128xf32>
    %mul3A_2922 = arith.mulf %abs3A_2917, %mul3A_2921 : vector<128x128xf32>
    %add3A_2923 = arith.addf %add3A_2911, %mul3A_2922 : vector<128x128xf32>
    %slice3A_2924 = vector.extract_strided_slice %add3A_81 {offsets = [384, 29], sizes = [128, 1], strides = [1, 1]} : vector<512x64xf32> to vector<128x1xf32>
    %slice3A_2925 = vector.extract_strided_slice %transpose3A_85 {offsets = [29, 384], sizes = [1, 128], strides = [1, 1]} : vector<64x512xf32> to vector<1x128xf32>
    %add3A_2926 = vector.broadcast %slice3A_2924 : vector<128x1xf32> to vector<128x128xf32>
    %add3A_2927 = vector.broadcast %slice3A_2925 : vector<1x128xf32> to vector<128x128xf32>
    %add3A_2928 = arith.addf %add3A_2926, %add3A_2927 : vector<128x128xf32>
    %abs3A_2929 = math.absf %add3A_2928 : vector<128x128xf32>
    %get3A_2930 = arith.constant 0 : index
    %get3A_2931 = arith.constant 29 : index
    %get3A_2932 = vector.load %arg12[%get3A_2930, %get3A_2931] : memref<1x64xf32, #tpu.memory_space<vmem>>, vector<1x1xf32>
    %mul3A_2933 = vector.broadcast %get3A_2932 : vector<1x1xf32> to vector<128x128xf32>
    %mul3A_2934 = arith.mulf %abs3A_2929, %mul3A_2933 : vector<128x128xf32>
    %add3A_2935 = arith.addf %add3A_2923, %mul3A_2934 : vector<128x128xf32>
    %slice3A_2936 = vector.extract_strided_slice %add3A_81 {offsets = [384, 30], sizes = [128, 1], strides = [1, 1]} : vector<512x64xf32> to vector<128x1xf32>
    %slice3A_2937 = vector.extract_strided_slice %transpose3A_85 {offsets = [30, 384], sizes = [1, 128], strides = [1, 1]} : vector<64x512xf32> to vector<1x128xf32>
    %add3A_2938 = vector.broadcast %slice3A_2936 : vector<128x1xf32> to vector<128x128xf32>
    %add3A_2939 = vector.broadcast %slice3A_2937 : vector<1x128xf32> to vector<128x128xf32>
    %add3A_2940 = arith.addf %add3A_2938, %add3A_2939 : vector<128x128xf32>
    %abs3A_2941 = math.absf %add3A_2940 : vector<128x128xf32>
    %get3A_2942 = arith.constant 0 : index
    %get3A_2943 = arith.constant 30 : index
    %get3A_2944 = vector.load %arg12[%get3A_2942, %get3A_2943] : memref<1x64xf32, #tpu.memory_space<vmem>>, vector<1x1xf32>
    %mul3A_2945 = vector.broadcast %get3A_2944 : vector<1x1xf32> to vector<128x128xf32>
    %mul3A_2946 = arith.mulf %abs3A_2941, %mul3A_2945 : vector<128x128xf32>
    %add3A_2947 = arith.addf %add3A_2935, %mul3A_2946 : vector<128x128xf32>
    %slice3A_2948 = vector.extract_strided_slice %add3A_81 {offsets = [384, 31], sizes = [128, 1], strides = [1, 1]} : vector<512x64xf32> to vector<128x1xf32>
    %slice3A_2949 = vector.extract_strided_slice %transpose3A_85 {offsets = [31, 384], sizes = [1, 128], strides = [1, 1]} : vector<64x512xf32> to vector<1x128xf32>
    %add3A_2950 = vector.broadcast %slice3A_2948 : vector<128x1xf32> to vector<128x128xf32>
    %add3A_2951 = vector.broadcast %slice3A_2949 : vector<1x128xf32> to vector<128x128xf32>
    %add3A_2952 = arith.addf %add3A_2950, %add3A_2951 : vector<128x128xf32>
    %abs3A_2953 = math.absf %add3A_2952 : vector<128x128xf32>
    %get3A_2954 = arith.constant 0 : index
    %get3A_2955 = arith.constant 31 : index
    %get3A_2956 = vector.load %arg12[%get3A_2954, %get3A_2955] : memref<1x64xf32, #tpu.memory_space<vmem>>, vector<1x1xf32>
    %mul3A_2957 = vector.broadcast %get3A_2956 : vector<1x1xf32> to vector<128x128xf32>
    %mul3A_2958 = arith.mulf %abs3A_2953, %mul3A_2957 : vector<128x128xf32>
    %add3A_2959 = arith.addf %add3A_2947, %mul3A_2958 : vector<128x128xf32>
    %slice3A_2960 = vector.extract_strided_slice %add3A_81 {offsets = [384, 32], sizes = [128, 1], strides = [1, 1]} : vector<512x64xf32> to vector<128x1xf32>
    %slice3A_2961 = vector.extract_strided_slice %transpose3A_85 {offsets = [32, 384], sizes = [1, 128], strides = [1, 1]} : vector<64x512xf32> to vector<1x128xf32>
    %add3A_2962 = vector.broadcast %slice3A_2960 : vector<128x1xf32> to vector<128x128xf32>
    %add3A_2963 = vector.broadcast %slice3A_2961 : vector<1x128xf32> to vector<128x128xf32>
    %add3A_2964 = arith.addf %add3A_2962, %add3A_2963 : vector<128x128xf32>
    %abs3A_2965 = math.absf %add3A_2964 : vector<128x128xf32>
    %get3A_2966 = arith.constant 0 : index
    %get3A_2967 = arith.constant 32 : index
    %get3A_2968 = vector.load %arg12[%get3A_2966, %get3A_2967] : memref<1x64xf32, #tpu.memory_space<vmem>>, vector<1x1xf32>
    %mul3A_2969 = vector.broadcast %get3A_2968 : vector<1x1xf32> to vector<128x128xf32>
    %mul3A_2970 = arith.mulf %abs3A_2965, %mul3A_2969 : vector<128x128xf32>
    %add3A_2971 = arith.addf %add3A_2959, %mul3A_2970 : vector<128x128xf32>
    %slice3A_2972 = vector.extract_strided_slice %add3A_81 {offsets = [384, 33], sizes = [128, 1], strides = [1, 1]} : vector<512x64xf32> to vector<128x1xf32>
    %slice3A_2973 = vector.extract_strided_slice %transpose3A_85 {offsets = [33, 384], sizes = [1, 128], strides = [1, 1]} : vector<64x512xf32> to vector<1x128xf32>
    %add3A_2974 = vector.broadcast %slice3A_2972 : vector<128x1xf32> to vector<128x128xf32>
    %add3A_2975 = vector.broadcast %slice3A_2973 : vector<1x128xf32> to vector<128x128xf32>
    %add3A_2976 = arith.addf %add3A_2974, %add3A_2975 : vector<128x128xf32>
    %abs3A_2977 = math.absf %add3A_2976 : vector<128x128xf32>
    %get3A_2978 = arith.constant 0 : index
    %get3A_2979 = arith.constant 33 : index
    %get3A_2980 = vector.load %arg12[%get3A_2978, %get3A_2979] : memref<1x64xf32, #tpu.memory_space<vmem>>, vector<1x1xf32>
    %mul3A_2981 = vector.broadcast %get3A_2980 : vector<1x1xf32> to vector<128x128xf32>
    %mul3A_2982 = arith.mulf %abs3A_2977, %mul3A_2981 : vector<128x128xf32>
    %add3A_2983 = arith.addf %add3A_2971, %mul3A_2982 : vector<128x128xf32>
    %slice3A_2984 = vector.extract_strided_slice %add3A_81 {offsets = [384, 34], sizes = [128, 1], strides = [1, 1]} : vector<512x64xf32> to vector<128x1xf32>
    %slice3A_2985 = vector.extract_strided_slice %transpose3A_85 {offsets = [34, 384], sizes = [1, 128], strides = [1, 1]} : vector<64x512xf32> to vector<1x128xf32>
    %add3A_2986 = vector.broadcast %slice3A_2984 : vector<128x1xf32> to vector<128x128xf32>
    %add3A_2987 = vector.broadcast %slice3A_2985 : vector<1x128xf32> to vector<128x128xf32>
    %add3A_2988 = arith.addf %add3A_2986, %add3A_2987 : vector<128x128xf32>
    %abs3A_2989 = math.absf %add3A_2988 : vector<128x128xf32>
    %get3A_2990 = arith.constant 0 : index
    %get3A_2991 = arith.constant 34 : index
    %get3A_2992 = vector.load %arg12[%get3A_2990, %get3A_2991] : memref<1x64xf32, #tpu.memory_space<vmem>>, vector<1x1xf32>
    %mul3A_2993 = vector.broadcast %get3A_2992 : vector<1x1xf32> to vector<128x128xf32>
    %mul3A_2994 = arith.mulf %abs3A_2989, %mul3A_2993 : vector<128x128xf32>
    %add3A_2995 = arith.addf %add3A_2983, %mul3A_2994 : vector<128x128xf32>
    %slice3A_2996 = vector.extract_strided_slice %add3A_81 {offsets = [384, 35], sizes = [128, 1], strides = [1, 1]} : vector<512x64xf32> to vector<128x1xf32>
    %slice3A_2997 = vector.extract_strided_slice %transpose3A_85 {offsets = [35, 384], sizes = [1, 128], strides = [1, 1]} : vector<64x512xf32> to vector<1x128xf32>
    %add3A_2998 = vector.broadcast %slice3A_2996 : vector<128x1xf32> to vector<128x128xf32>
    %add3A_2999 = vector.broadcast %slice3A_2997 : vector<1x128xf32> to vector<128x128xf32>
    %add3A_3000 = arith.addf %add3A_2998, %add3A_2999 : vector<128x128xf32>
    %abs3A_3001 = math.absf %add3A_3000 : vector<128x128xf32>
    %get3A_3002 = arith.constant 0 : index
    %get3A_3003 = arith.constant 35 : index
    %get3A_3004 = vector.load %arg12[%get3A_3002, %get3A_3003] : memref<1x64xf32, #tpu.memory_space<vmem>>, vector<1x1xf32>
    %mul3A_3005 = vector.broadcast %get3A_3004 : vector<1x1xf32> to vector<128x128xf32>
    %mul3A_3006 = arith.mulf %abs3A_3001, %mul3A_3005 : vector<128x128xf32>
    %add3A_3007 = arith.addf %add3A_2995, %mul3A_3006 : vector<128x128xf32>
    %slice3A_3008 = vector.extract_strided_slice %add3A_81 {offsets = [384, 36], sizes = [128, 1], strides = [1, 1]} : vector<512x64xf32> to vector<128x1xf32>
    %slice3A_3009 = vector.extract_strided_slice %transpose3A_85 {offsets = [36, 384], sizes = [1, 128], strides = [1, 1]} : vector<64x512xf32> to vector<1x128xf32>
    %add3A_3010 = vector.broadcast %slice3A_3008 : vector<128x1xf32> to vector<128x128xf32>
    %add3A_3011 = vector.broadcast %slice3A_3009 : vector<1x128xf32> to vector<128x128xf32>
    %add3A_3012 = arith.addf %add3A_3010, %add3A_3011 : vector<128x128xf32>
    %abs3A_3013 = math.absf %add3A_3012 : vector<128x128xf32>
    %get3A_3014 = arith.constant 0 : index
    %get3A_3015 = arith.constant 36 : index
    %get3A_3016 = vector.load %arg12[%get3A_3014, %get3A_3015] : memref<1x64xf32, #tpu.memory_space<vmem>>, vector<1x1xf32>
    %mul3A_3017 = vector.broadcast %get3A_3016 : vector<1x1xf32> to vector<128x128xf32>
    %mul3A_3018 = arith.mulf %abs3A_3013, %mul3A_3017 : vector<128x128xf32>
    %add3A_3019 = arith.addf %add3A_3007, %mul3A_3018 : vector<128x128xf32>
    %slice3A_3020 = vector.extract_strided_slice %add3A_81 {offsets = [384, 37], sizes = [128, 1], strides = [1, 1]} : vector<512x64xf32> to vector<128x1xf32>
    %slice3A_3021 = vector.extract_strided_slice %transpose3A_85 {offsets = [37, 384], sizes = [1, 128], strides = [1, 1]} : vector<64x512xf32> to vector<1x128xf32>
    %add3A_3022 = vector.broadcast %slice3A_3020 : vector<128x1xf32> to vector<128x128xf32>
    %add3A_3023 = vector.broadcast %slice3A_3021 : vector<1x128xf32> to vector<128x128xf32>
    %add3A_3024 = arith.addf %add3A_3022, %add3A_3023 : vector<128x128xf32>
    %abs3A_3025 = math.absf %add3A_3024 : vector<128x128xf32>
    %get3A_3026 = arith.constant 0 : index
    %get3A_3027 = arith.constant 37 : index
    %get3A_3028 = vector.load %arg12[%get3A_3026, %get3A_3027] : memref<1x64xf32, #tpu.memory_space<vmem>>, vector<1x1xf32>
    %mul3A_3029 = vector.broadcast %get3A_3028 : vector<1x1xf32> to vector<128x128xf32>
    %mul3A_3030 = arith.mulf %abs3A_3025, %mul3A_3029 : vector<128x128xf32>
    %add3A_3031 = arith.addf %add3A_3019, %mul3A_3030 : vector<128x128xf32>
    %slice3A_3032 = vector.extract_strided_slice %add3A_81 {offsets = [384, 38], sizes = [128, 1], strides = [1, 1]} : vector<512x64xf32> to vector<128x1xf32>
    %slice3A_3033 = vector.extract_strided_slice %transpose3A_85 {offsets = [38, 384], sizes = [1, 128], strides = [1, 1]} : vector<64x512xf32> to vector<1x128xf32>
    %add3A_3034 = vector.broadcast %slice3A_3032 : vector<128x1xf32> to vector<128x128xf32>
    %add3A_3035 = vector.broadcast %slice3A_3033 : vector<1x128xf32> to vector<128x128xf32>
    %add3A_3036 = arith.addf %add3A_3034, %add3A_3035 : vector<128x128xf32>
    %abs3A_3037 = math.absf %add3A_3036 : vector<128x128xf32>
    %get3A_3038 = arith.constant 0 : index
    %get3A_3039 = arith.constant 38 : index
    %get3A_3040 = vector.load %arg12[%get3A_3038, %get3A_3039] : memref<1x64xf32, #tpu.memory_space<vmem>>, vector<1x1xf32>
    %mul3A_3041 = vector.broadcast %get3A_3040 : vector<1x1xf32> to vector<128x128xf32>
    %mul3A_3042 = arith.mulf %abs3A_3037, %mul3A_3041 : vector<128x128xf32>
    %add3A_3043 = arith.addf %add3A_3031, %mul3A_3042 : vector<128x128xf32>
    %slice3A_3044 = vector.extract_strided_slice %add3A_81 {offsets = [384, 39], sizes = [128, 1], strides = [1, 1]} : vector<512x64xf32> to vector<128x1xf32>
    %slice3A_3045 = vector.extract_strided_slice %transpose3A_85 {offsets = [39, 384], sizes = [1, 128], strides = [1, 1]} : vector<64x512xf32> to vector<1x128xf32>
    %add3A_3046 = vector.broadcast %slice3A_3044 : vector<128x1xf32> to vector<128x128xf32>
    %add3A_3047 = vector.broadcast %slice3A_3045 : vector<1x128xf32> to vector<128x128xf32>
    %add3A_3048 = arith.addf %add3A_3046, %add3A_3047 : vector<128x128xf32>
    %abs3A_3049 = math.absf %add3A_3048 : vector<128x128xf32>
    %get3A_3050 = arith.constant 0 : index
    %get3A_3051 = arith.constant 39 : index
    %get3A_3052 = vector.load %arg12[%get3A_3050, %get3A_3051] : memref<1x64xf32, #tpu.memory_space<vmem>>, vector<1x1xf32>
    %mul3A_3053 = vector.broadcast %get3A_3052 : vector<1x1xf32> to vector<128x128xf32>
    %mul3A_3054 = arith.mulf %abs3A_3049, %mul3A_3053 : vector<128x128xf32>
    %add3A_3055 = arith.addf %add3A_3043, %mul3A_3054 : vector<128x128xf32>
    %slice3A_3056 = vector.extract_strided_slice %add3A_81 {offsets = [384, 40], sizes = [128, 1], strides = [1, 1]} : vector<512x64xf32> to vector<128x1xf32>
    %slice3A_3057 = vector.extract_strided_slice %transpose3A_85 {offsets = [40, 384], sizes = [1, 128], strides = [1, 1]} : vector<64x512xf32> to vector<1x128xf32>
    %add3A_3058 = vector.broadcast %slice3A_3056 : vector<128x1xf32> to vector<128x128xf32>
    %add3A_3059 = vector.broadcast %slice3A_3057 : vector<1x128xf32> to vector<128x128xf32>
    %add3A_3060 = arith.addf %add3A_3058, %add3A_3059 : vector<128x128xf32>
    %abs3A_3061 = math.absf %add3A_3060 : vector<128x128xf32>
    %get3A_3062 = arith.constant 0 : index
    %get3A_3063 = arith.constant 40 : index
    %get3A_3064 = vector.load %arg12[%get3A_3062, %get3A_3063] : memref<1x64xf32, #tpu.memory_space<vmem>>, vector<1x1xf32>
    %mul3A_3065 = vector.broadcast %get3A_3064 : vector<1x1xf32> to vector<128x128xf32>
    %mul3A_3066 = arith.mulf %abs3A_3061, %mul3A_3065 : vector<128x128xf32>
    %add3A_3067 = arith.addf %add3A_3055, %mul3A_3066 : vector<128x128xf32>
    %slice3A_3068 = vector.extract_strided_slice %add3A_81 {offsets = [384, 41], sizes = [128, 1], strides = [1, 1]} : vector<512x64xf32> to vector<128x1xf32>
    %slice3A_3069 = vector.extract_strided_slice %transpose3A_85 {offsets = [41, 384], sizes = [1, 128], strides = [1, 1]} : vector<64x512xf32> to vector<1x128xf32>
    %add3A_3070 = vector.broadcast %slice3A_3068 : vector<128x1xf32> to vector<128x128xf32>
    %add3A_3071 = vector.broadcast %slice3A_3069 : vector<1x128xf32> to vector<128x128xf32>
    %add3A_3072 = arith.addf %add3A_3070, %add3A_3071 : vector<128x128xf32>
    %abs3A_3073 = math.absf %add3A_3072 : vector<128x128xf32>
    %get3A_3074 = arith.constant 0 : index
    %get3A_3075 = arith.constant 41 : index
    %get3A_3076 = vector.load %arg12[%get3A_3074, %get3A_3075] : memref<1x64xf32, #tpu.memory_space<vmem>>, vector<1x1xf32>
    %mul3A_3077 = vector.broadcast %get3A_3076 : vector<1x1xf32> to vector<128x128xf32>
    %mul3A_3078 = arith.mulf %abs3A_3073, %mul3A_3077 : vector<128x128xf32>
    %add3A_3079 = arith.addf %add3A_3067, %mul3A_3078 : vector<128x128xf32>
    %slice3A_3080 = vector.extract_strided_slice %add3A_81 {offsets = [384, 42], sizes = [128, 1], strides = [1, 1]} : vector<512x64xf32> to vector<128x1xf32>
    %slice3A_3081 = vector.extract_strided_slice %transpose3A_85 {offsets = [42, 384], sizes = [1, 128], strides = [1, 1]} : vector<64x512xf32> to vector<1x128xf32>
    %add3A_3082 = vector.broadcast %slice3A_3080 : vector<128x1xf32> to vector<128x128xf32>
    %add3A_3083 = vector.broadcast %slice3A_3081 : vector<1x128xf32> to vector<128x128xf32>
    %add3A_3084 = arith.addf %add3A_3082, %add3A_3083 : vector<128x128xf32>
    %abs3A_3085 = math.absf %add3A_3084 : vector<128x128xf32>
    %get3A_3086 = arith.constant 0 : index
    %get3A_3087 = arith.constant 42 : index
    %get3A_3088 = vector.load %arg12[%get3A_3086, %get3A_3087] : memref<1x64xf32, #tpu.memory_space<vmem>>, vector<1x1xf32>
    %mul3A_3089 = vector.broadcast %get3A_3088 : vector<1x1xf32> to vector<128x128xf32>
    %mul3A_3090 = arith.mulf %abs3A_3085, %mul3A_3089 : vector<128x128xf32>
    %add3A_3091 = arith.addf %add3A_3079, %mul3A_3090 : vector<128x128xf32>
    %slice3A_3092 = vector.extract_strided_slice %add3A_81 {offsets = [384, 43], sizes = [128, 1], strides = [1, 1]} : vector<512x64xf32> to vector<128x1xf32>
    %slice3A_3093 = vector.extract_strided_slice %transpose3A_85 {offsets = [43, 384], sizes = [1, 128], strides = [1, 1]} : vector<64x512xf32> to vector<1x128xf32>
    %add3A_3094 = vector.broadcast %slice3A_3092 : vector<128x1xf32> to vector<128x128xf32>
    %add3A_3095 = vector.broadcast %slice3A_3093 : vector<1x128xf32> to vector<128x128xf32>
    %add3A_3096 = arith.addf %add3A_3094, %add3A_3095 : vector<128x128xf32>
    %abs3A_3097 = math.absf %add3A_3096 : vector<128x128xf32>
    %get3A_3098 = arith.constant 0 : index
    %get3A_3099 = arith.constant 43 : index
    %get3A_3100 = vector.load %arg12[%get3A_3098, %get3A_3099] : memref<1x64xf32, #tpu.memory_space<vmem>>, vector<1x1xf32>
    %mul3A_3101 = vector.broadcast %get3A_3100 : vector<1x1xf32> to vector<128x128xf32>
    %mul3A_3102 = arith.mulf %abs3A_3097, %mul3A_3101 : vector<128x128xf32>
    %add3A_3103 = arith.addf %add3A_3091, %mul3A_3102 : vector<128x128xf32>
    %slice3A_3104 = vector.extract_strided_slice %add3A_81 {offsets = [384, 44], sizes = [128, 1], strides = [1, 1]} : vector<512x64xf32> to vector<128x1xf32>
    %slice3A_3105 = vector.extract_strided_slice %transpose3A_85 {offsets = [44, 384], sizes = [1, 128], strides = [1, 1]} : vector<64x512xf32> to vector<1x128xf32>
    %add3A_3106 = vector.broadcast %slice3A_3104 : vector<128x1xf32> to vector<128x128xf32>
    %add3A_3107 = vector.broadcast %slice3A_3105 : vector<1x128xf32> to vector<128x128xf32>
    %add3A_3108 = arith.addf %add3A_3106, %add3A_3107 : vector<128x128xf32>
    %abs3A_3109 = math.absf %add3A_3108 : vector<128x128xf32>
    %get3A_3110 = arith.constant 0 : index
    %get3A_3111 = arith.constant 44 : index
    %get3A_3112 = vector.load %arg12[%get3A_3110, %get3A_3111] : memref<1x64xf32, #tpu.memory_space<vmem>>, vector<1x1xf32>
    %mul3A_3113 = vector.broadcast %get3A_3112 : vector<1x1xf32> to vector<128x128xf32>
    %mul3A_3114 = arith.mulf %abs3A_3109, %mul3A_3113 : vector<128x128xf32>
    %add3A_3115 = arith.addf %add3A_3103, %mul3A_3114 : vector<128x128xf32>
    %slice3A_3116 = vector.extract_strided_slice %add3A_81 {offsets = [384, 45], sizes = [128, 1], strides = [1, 1]} : vector<512x64xf32> to vector<128x1xf32>
    %slice3A_3117 = vector.extract_strided_slice %transpose3A_85 {offsets = [45, 384], sizes = [1, 128], strides = [1, 1]} : vector<64x512xf32> to vector<1x128xf32>
    %add3A_3118 = vector.broadcast %slice3A_3116 : vector<128x1xf32> to vector<128x128xf32>
    %add3A_3119 = vector.broadcast %slice3A_3117 : vector<1x128xf32> to vector<128x128xf32>
    %add3A_3120 = arith.addf %add3A_3118, %add3A_3119 : vector<128x128xf32>
    %abs3A_3121 = math.absf %add3A_3120 : vector<128x128xf32>
    %get3A_3122 = arith.constant 0 : index
    %get3A_3123 = arith.constant 45 : index
    %get3A_3124 = vector.load %arg12[%get3A_3122, %get3A_3123] : memref<1x64xf32, #tpu.memory_space<vmem>>, vector<1x1xf32>
    %mul3A_3125 = vector.broadcast %get3A_3124 : vector<1x1xf32> to vector<128x128xf32>
    %mul3A_3126 = arith.mulf %abs3A_3121, %mul3A_3125 : vector<128x128xf32>
    %add3A_3127 = arith.addf %add3A_3115, %mul3A_3126 : vector<128x128xf32>
    %slice3A_3128 = vector.extract_strided_slice %add3A_81 {offsets = [384, 46], sizes = [128, 1], strides = [1, 1]} : vector<512x64xf32> to vector<128x1xf32>
    %slice3A_3129 = vector.extract_strided_slice %transpose3A_85 {offsets = [46, 384], sizes = [1, 128], strides = [1, 1]} : vector<64x512xf32> to vector<1x128xf32>
    %add3A_3130 = vector.broadcast %slice3A_3128 : vector<128x1xf32> to vector<128x128xf32>
    %add3A_3131 = vector.broadcast %slice3A_3129 : vector<1x128xf32> to vector<128x128xf32>
    %add3A_3132 = arith.addf %add3A_3130, %add3A_3131 : vector<128x128xf32>
    %abs3A_3133 = math.absf %add3A_3132 : vector<128x128xf32>
    %get3A_3134 = arith.constant 0 : index
    %get3A_3135 = arith.constant 46 : index
    %get3A_3136 = vector.load %arg12[%get3A_3134, %get3A_3135] : memref<1x64xf32, #tpu.memory_space<vmem>>, vector<1x1xf32>
    %mul3A_3137 = vector.broadcast %get3A_3136 : vector<1x1xf32> to vector<128x128xf32>
    %mul3A_3138 = arith.mulf %abs3A_3133, %mul3A_3137 : vector<128x128xf32>
    %add3A_3139 = arith.addf %add3A_3127, %mul3A_3138 : vector<128x128xf32>
    %slice3A_3140 = vector.extract_strided_slice %add3A_81 {offsets = [384, 47], sizes = [128, 1], strides = [1, 1]} : vector<512x64xf32> to vector<128x1xf32>
    %slice3A_3141 = vector.extract_strided_slice %transpose3A_85 {offsets = [47, 384], sizes = [1, 128], strides = [1, 1]} : vector<64x512xf32> to vector<1x128xf32>
    %add3A_3142 = vector.broadcast %slice3A_3140 : vector<128x1xf32> to vector<128x128xf32>
    %add3A_3143 = vector.broadcast %slice3A_3141 : vector<1x128xf32> to vector<128x128xf32>
    %add3A_3144 = arith.addf %add3A_3142, %add3A_3143 : vector<128x128xf32>
    %abs3A_3145 = math.absf %add3A_3144 : vector<128x128xf32>
    %get3A_3146 = arith.constant 0 : index
    %get3A_3147 = arith.constant 47 : index
    %get3A_3148 = vector.load %arg12[%get3A_3146, %get3A_3147] : memref<1x64xf32, #tpu.memory_space<vmem>>, vector<1x1xf32>
    %mul3A_3149 = vector.broadcast %get3A_3148 : vector<1x1xf32> to vector<128x128xf32>
    %mul3A_3150 = arith.mulf %abs3A_3145, %mul3A_3149 : vector<128x128xf32>
    %add3A_3151 = arith.addf %add3A_3139, %mul3A_3150 : vector<128x128xf32>
    %slice3A_3152 = vector.extract_strided_slice %add3A_81 {offsets = [384, 48], sizes = [128, 1], strides = [1, 1]} : vector<512x64xf32> to vector<128x1xf32>
    %slice3A_3153 = vector.extract_strided_slice %transpose3A_85 {offsets = [48, 384], sizes = [1, 128], strides = [1, 1]} : vector<64x512xf32> to vector<1x128xf32>
    %add3A_3154 = vector.broadcast %slice3A_3152 : vector<128x1xf32> to vector<128x128xf32>
    %add3A_3155 = vector.broadcast %slice3A_3153 : vector<1x128xf32> to vector<128x128xf32>
    %add3A_3156 = arith.addf %add3A_3154, %add3A_3155 : vector<128x128xf32>
    %abs3A_3157 = math.absf %add3A_3156 : vector<128x128xf32>
    %get3A_3158 = arith.constant 0 : index
    %get3A_3159 = arith.constant 48 : index
    %get3A_3160 = vector.load %arg12[%get3A_3158, %get3A_3159] : memref<1x64xf32, #tpu.memory_space<vmem>>, vector<1x1xf32>
    %mul3A_3161 = vector.broadcast %get3A_3160 : vector<1x1xf32> to vector<128x128xf32>
    %mul3A_3162 = arith.mulf %abs3A_3157, %mul3A_3161 : vector<128x128xf32>
    %add3A_3163 = arith.addf %add3A_3151, %mul3A_3162 : vector<128x128xf32>
    %slice3A_3164 = vector.extract_strided_slice %add3A_81 {offsets = [384, 49], sizes = [128, 1], strides = [1, 1]} : vector<512x64xf32> to vector<128x1xf32>
    %slice3A_3165 = vector.extract_strided_slice %transpose3A_85 {offsets = [49, 384], sizes = [1, 128], strides = [1, 1]} : vector<64x512xf32> to vector<1x128xf32>
    %add3A_3166 = vector.broadcast %slice3A_3164 : vector<128x1xf32> to vector<128x128xf32>
    %add3A_3167 = vector.broadcast %slice3A_3165 : vector<1x128xf32> to vector<128x128xf32>
    %add3A_3168 = arith.addf %add3A_3166, %add3A_3167 : vector<128x128xf32>
    %abs3A_3169 = math.absf %add3A_3168 : vector<128x128xf32>
    %get3A_3170 = arith.constant 0 : index
    %get3A_3171 = arith.constant 49 : index
    %get3A_3172 = vector.load %arg12[%get3A_3170, %get3A_3171] : memref<1x64xf32, #tpu.memory_space<vmem>>, vector<1x1xf32>
    %mul3A_3173 = vector.broadcast %get3A_3172 : vector<1x1xf32> to vector<128x128xf32>
    %mul3A_3174 = arith.mulf %abs3A_3169, %mul3A_3173 : vector<128x128xf32>
    %add3A_3175 = arith.addf %add3A_3163, %mul3A_3174 : vector<128x128xf32>
    %slice3A_3176 = vector.extract_strided_slice %add3A_81 {offsets = [384, 50], sizes = [128, 1], strides = [1, 1]} : vector<512x64xf32> to vector<128x1xf32>
    %slice3A_3177 = vector.extract_strided_slice %transpose3A_85 {offsets = [50, 384], sizes = [1, 128], strides = [1, 1]} : vector<64x512xf32> to vector<1x128xf32>
    %add3A_3178 = vector.broadcast %slice3A_3176 : vector<128x1xf32> to vector<128x128xf32>
    %add3A_3179 = vector.broadcast %slice3A_3177 : vector<1x128xf32> to vector<128x128xf32>
    %add3A_3180 = arith.addf %add3A_3178, %add3A_3179 : vector<128x128xf32>
    %abs3A_3181 = math.absf %add3A_3180 : vector<128x128xf32>
    %get3A_3182 = arith.constant 0 : index
    %get3A_3183 = arith.constant 50 : index
    %get3A_3184 = vector.load %arg12[%get3A_3182, %get3A_3183] : memref<1x64xf32, #tpu.memory_space<vmem>>, vector<1x1xf32>
    %mul3A_3185 = vector.broadcast %get3A_3184 : vector<1x1xf32> to vector<128x128xf32>
    %mul3A_3186 = arith.mulf %abs3A_3181, %mul3A_3185 : vector<128x128xf32>
    %add3A_3187 = arith.addf %add3A_3175, %mul3A_3186 : vector<128x128xf32>
    %slice3A_3188 = vector.extract_strided_slice %add3A_81 {offsets = [384, 51], sizes = [128, 1], strides = [1, 1]} : vector<512x64xf32> to vector<128x1xf32>
    %slice3A_3189 = vector.extract_strided_slice %transpose3A_85 {offsets = [51, 384], sizes = [1, 128], strides = [1, 1]} : vector<64x512xf32> to vector<1x128xf32>
    %add3A_3190 = vector.broadcast %slice3A_3188 : vector<128x1xf32> to vector<128x128xf32>
    %add3A_3191 = vector.broadcast %slice3A_3189 : vector<1x128xf32> to vector<128x128xf32>
    %add3A_3192 = arith.addf %add3A_3190, %add3A_3191 : vector<128x128xf32>
    %abs3A_3193 = math.absf %add3A_3192 : vector<128x128xf32>
    %get3A_3194 = arith.constant 0 : index
    %get3A_3195 = arith.constant 51 : index
    %get3A_3196 = vector.load %arg12[%get3A_3194, %get3A_3195] : memref<1x64xf32, #tpu.memory_space<vmem>>, vector<1x1xf32>
    %mul3A_3197 = vector.broadcast %get3A_3196 : vector<1x1xf32> to vector<128x128xf32>
    %mul3A_3198 = arith.mulf %abs3A_3193, %mul3A_3197 : vector<128x128xf32>
    %add3A_3199 = arith.addf %add3A_3187, %mul3A_3198 : vector<128x128xf32>
    %slice3A_3200 = vector.extract_strided_slice %add3A_81 {offsets = [384, 52], sizes = [128, 1], strides = [1, 1]} : vector<512x64xf32> to vector<128x1xf32>
    %slice3A_3201 = vector.extract_strided_slice %transpose3A_85 {offsets = [52, 384], sizes = [1, 128], strides = [1, 1]} : vector<64x512xf32> to vector<1x128xf32>
    %add3A_3202 = vector.broadcast %slice3A_3200 : vector<128x1xf32> to vector<128x128xf32>
    %add3A_3203 = vector.broadcast %slice3A_3201 : vector<1x128xf32> to vector<128x128xf32>
    %add3A_3204 = arith.addf %add3A_3202, %add3A_3203 : vector<128x128xf32>
    %abs3A_3205 = math.absf %add3A_3204 : vector<128x128xf32>
    %get3A_3206 = arith.constant 0 : index
    %get3A_3207 = arith.constant 52 : index
    %get3A_3208 = vector.load %arg12[%get3A_3206, %get3A_3207] : memref<1x64xf32, #tpu.memory_space<vmem>>, vector<1x1xf32>
    %mul3A_3209 = vector.broadcast %get3A_3208 : vector<1x1xf32> to vector<128x128xf32>
    %mul3A_3210 = arith.mulf %abs3A_3205, %mul3A_3209 : vector<128x128xf32>
    %add3A_3211 = arith.addf %add3A_3199, %mul3A_3210 : vector<128x128xf32>
    %slice3A_3212 = vector.extract_strided_slice %add3A_81 {offsets = [384, 53], sizes = [128, 1], strides = [1, 1]} : vector<512x64xf32> to vector<128x1xf32>
    %slice3A_3213 = vector.extract_strided_slice %transpose3A_85 {offsets = [53, 384], sizes = [1, 128], strides = [1, 1]} : vector<64x512xf32> to vector<1x128xf32>
    %add3A_3214 = vector.broadcast %slice3A_3212 : vector<128x1xf32> to vector<128x128xf32>
    %add3A_3215 = vector.broadcast %slice3A_3213 : vector<1x128xf32> to vector<128x128xf32>
    %add3A_3216 = arith.addf %add3A_3214, %add3A_3215 : vector<128x128xf32>
    %abs3A_3217 = math.absf %add3A_3216 : vector<128x128xf32>
    %get3A_3218 = arith.constant 0 : index
    %get3A_3219 = arith.constant 53 : index
    %get3A_3220 = vector.load %arg12[%get3A_3218, %get3A_3219] : memref<1x64xf32, #tpu.memory_space<vmem>>, vector<1x1xf32>
    %mul3A_3221 = vector.broadcast %get3A_3220 : vector<1x1xf32> to vector<128x128xf32>
    %mul3A_3222 = arith.mulf %abs3A_3217, %mul3A_3221 : vector<128x128xf32>
    %add3A_3223 = arith.addf %add3A_3211, %mul3A_3222 : vector<128x128xf32>
    %slice3A_3224 = vector.extract_strided_slice %add3A_81 {offsets = [384, 54], sizes = [128, 1], strides = [1, 1]} : vector<512x64xf32> to vector<128x1xf32>
    %slice3A_3225 = vector.extract_strided_slice %transpose3A_85 {offsets = [54, 384], sizes = [1, 128], strides = [1, 1]} : vector<64x512xf32> to vector<1x128xf32>
    %add3A_3226 = vector.broadcast %slice3A_3224 : vector<128x1xf32> to vector<128x128xf32>
    %add3A_3227 = vector.broadcast %slice3A_3225 : vector<1x128xf32> to vector<128x128xf32>
    %add3A_3228 = arith.addf %add3A_3226, %add3A_3227 : vector<128x128xf32>
    %abs3A_3229 = math.absf %add3A_3228 : vector<128x128xf32>
    %get3A_3230 = arith.constant 0 : index
    %get3A_3231 = arith.constant 54 : index
    %get3A_3232 = vector.load %arg12[%get3A_3230, %get3A_3231] : memref<1x64xf32, #tpu.memory_space<vmem>>, vector<1x1xf32>
    %mul3A_3233 = vector.broadcast %get3A_3232 : vector<1x1xf32> to vector<128x128xf32>
    %mul3A_3234 = arith.mulf %abs3A_3229, %mul3A_3233 : vector<128x128xf32>
    %add3A_3235 = arith.addf %add3A_3223, %mul3A_3234 : vector<128x128xf32>
    %slice3A_3236 = vector.extract_strided_slice %add3A_81 {offsets = [384, 55], sizes = [128, 1], strides = [1, 1]} : vector<512x64xf32> to vector<128x1xf32>
    %slice3A_3237 = vector.extract_strided_slice %transpose3A_85 {offsets = [55, 384], sizes = [1, 128], strides = [1, 1]} : vector<64x512xf32> to vector<1x128xf32>
    %add3A_3238 = vector.broadcast %slice3A_3236 : vector<128x1xf32> to vector<128x128xf32>
    %add3A_3239 = vector.broadcast %slice3A_3237 : vector<1x128xf32> to vector<128x128xf32>
    %add3A_3240 = arith.addf %add3A_3238, %add3A_3239 : vector<128x128xf32>
    %abs3A_3241 = math.absf %add3A_3240 : vector<128x128xf32>
    %get3A_3242 = arith.constant 0 : index
    %get3A_3243 = arith.constant 55 : index
    %get3A_3244 = vector.load %arg12[%get3A_3242, %get3A_3243] : memref<1x64xf32, #tpu.memory_space<vmem>>, vector<1x1xf32>
    %mul3A_3245 = vector.broadcast %get3A_3244 : vector<1x1xf32> to vector<128x128xf32>
    %mul3A_3246 = arith.mulf %abs3A_3241, %mul3A_3245 : vector<128x128xf32>
    %add3A_3247 = arith.addf %add3A_3235, %mul3A_3246 : vector<128x128xf32>
    %slice3A_3248 = vector.extract_strided_slice %add3A_81 {offsets = [384, 56], sizes = [128, 1], strides = [1, 1]} : vector<512x64xf32> to vector<128x1xf32>
    %slice3A_3249 = vector.extract_strided_slice %transpose3A_85 {offsets = [56, 384], sizes = [1, 128], strides = [1, 1]} : vector<64x512xf32> to vector<1x128xf32>
    %add3A_3250 = vector.broadcast %slice3A_3248 : vector<128x1xf32> to vector<128x128xf32>
    %add3A_3251 = vector.broadcast %slice3A_3249 : vector<1x128xf32> to vector<128x128xf32>
    %add3A_3252 = arith.addf %add3A_3250, %add3A_3251 : vector<128x128xf32>
    %abs3A_3253 = math.absf %add3A_3252 : vector<128x128xf32>
    %get3A_3254 = arith.constant 0 : index
    %get3A_3255 = arith.constant 56 : index
    %get3A_3256 = vector.load %arg12[%get3A_3254, %get3A_3255] : memref<1x64xf32, #tpu.memory_space<vmem>>, vector<1x1xf32>
    %mul3A_3257 = vector.broadcast %get3A_3256 : vector<1x1xf32> to vector<128x128xf32>
    %mul3A_3258 = arith.mulf %abs3A_3253, %mul3A_3257 : vector<128x128xf32>
    %add3A_3259 = arith.addf %add3A_3247, %mul3A_3258 : vector<128x128xf32>
    %slice3A_3260 = vector.extract_strided_slice %add3A_81 {offsets = [384, 57], sizes = [128, 1], strides = [1, 1]} : vector<512x64xf32> to vector<128x1xf32>
    %slice3A_3261 = vector.extract_strided_slice %transpose3A_85 {offsets = [57, 384], sizes = [1, 128], strides = [1, 1]} : vector<64x512xf32> to vector<1x128xf32>
    %add3A_3262 = vector.broadcast %slice3A_3260 : vector<128x1xf32> to vector<128x128xf32>
    %add3A_3263 = vector.broadcast %slice3A_3261 : vector<1x128xf32> to vector<128x128xf32>
    %add3A_3264 = arith.addf %add3A_3262, %add3A_3263 : vector<128x128xf32>
    %abs3A_3265 = math.absf %add3A_3264 : vector<128x128xf32>
    %get3A_3266 = arith.constant 0 : index
    %get3A_3267 = arith.constant 57 : index
    %get3A_3268 = vector.load %arg12[%get3A_3266, %get3A_3267] : memref<1x64xf32, #tpu.memory_space<vmem>>, vector<1x1xf32>
    %mul3A_3269 = vector.broadcast %get3A_3268 : vector<1x1xf32> to vector<128x128xf32>
    %mul3A_3270 = arith.mulf %abs3A_3265, %mul3A_3269 : vector<128x128xf32>
    %add3A_3271 = arith.addf %add3A_3259, %mul3A_3270 : vector<128x128xf32>
    %slice3A_3272 = vector.extract_strided_slice %add3A_81 {offsets = [384, 58], sizes = [128, 1], strides = [1, 1]} : vector<512x64xf32> to vector<128x1xf32>
    %slice3A_3273 = vector.extract_strided_slice %transpose3A_85 {offsets = [58, 384], sizes = [1, 128], strides = [1, 1]} : vector<64x512xf32> to vector<1x128xf32>
    %add3A_3274 = vector.broadcast %slice3A_3272 : vector<128x1xf32> to vector<128x128xf32>
    %add3A_3275 = vector.broadcast %slice3A_3273 : vector<1x128xf32> to vector<128x128xf32>
    %add3A_3276 = arith.addf %add3A_3274, %add3A_3275 : vector<128x128xf32>
    %abs3A_3277 = math.absf %add3A_3276 : vector<128x128xf32>
    %get3A_3278 = arith.constant 0 : index
    %get3A_3279 = arith.constant 58 : index
    %get3A_3280 = vector.load %arg12[%get3A_3278, %get3A_3279] : memref<1x64xf32, #tpu.memory_space<vmem>>, vector<1x1xf32>
    %mul3A_3281 = vector.broadcast %get3A_3280 : vector<1x1xf32> to vector<128x128xf32>
    %mul3A_3282 = arith.mulf %abs3A_3277, %mul3A_3281 : vector<128x128xf32>
    %add3A_3283 = arith.addf %add3A_3271, %mul3A_3282 : vector<128x128xf32>
    %slice3A_3284 = vector.extract_strided_slice %add3A_81 {offsets = [384, 59], sizes = [128, 1], strides = [1, 1]} : vector<512x64xf32> to vector<128x1xf32>
    %slice3A_3285 = vector.extract_strided_slice %transpose3A_85 {offsets = [59, 384], sizes = [1, 128], strides = [1, 1]} : vector<64x512xf32> to vector<1x128xf32>
    %add3A_3286 = vector.broadcast %slice3A_3284 : vector<128x1xf32> to vector<128x128xf32>
    %add3A_3287 = vector.broadcast %slice3A_3285 : vector<1x128xf32> to vector<128x128xf32>
    %add3A_3288 = arith.addf %add3A_3286, %add3A_3287 : vector<128x128xf32>
    %abs3A_3289 = math.absf %add3A_3288 : vector<128x128xf32>
    %get3A_3290 = arith.constant 0 : index
    %get3A_3291 = arith.constant 59 : index
    %get3A_3292 = vector.load %arg12[%get3A_3290, %get3A_3291] : memref<1x64xf32, #tpu.memory_space<vmem>>, vector<1x1xf32>
    %mul3A_3293 = vector.broadcast %get3A_3292 : vector<1x1xf32> to vector<128x128xf32>
    %mul3A_3294 = arith.mulf %abs3A_3289, %mul3A_3293 : vector<128x128xf32>
    %add3A_3295 = arith.addf %add3A_3283, %mul3A_3294 : vector<128x128xf32>
    %slice3A_3296 = vector.extract_strided_slice %add3A_81 {offsets = [384, 60], sizes = [128, 1], strides = [1, 1]} : vector<512x64xf32> to vector<128x1xf32>
    %slice3A_3297 = vector.extract_strided_slice %transpose3A_85 {offsets = [60, 384], sizes = [1, 128], strides = [1, 1]} : vector<64x512xf32> to vector<1x128xf32>
    %add3A_3298 = vector.broadcast %slice3A_3296 : vector<128x1xf32> to vector<128x128xf32>
    %add3A_3299 = vector.broadcast %slice3A_3297 : vector<1x128xf32> to vector<128x128xf32>
    %add3A_3300 = arith.addf %add3A_3298, %add3A_3299 : vector<128x128xf32>
    %abs3A_3301 = math.absf %add3A_3300 : vector<128x128xf32>
    %get3A_3302 = arith.constant 0 : index
    %get3A_3303 = arith.constant 60 : index
    %get3A_3304 = vector.load %arg12[%get3A_3302, %get3A_3303] : memref<1x64xf32, #tpu.memory_space<vmem>>, vector<1x1xf32>
    %mul3A_3305 = vector.broadcast %get3A_3304 : vector<1x1xf32> to vector<128x128xf32>
    %mul3A_3306 = arith.mulf %abs3A_3301, %mul3A_3305 : vector<128x128xf32>
    %add3A_3307 = arith.addf %add3A_3295, %mul3A_3306 : vector<128x128xf32>
    %slice3A_3308 = vector.extract_strided_slice %add3A_81 {offsets = [384, 61], sizes = [128, 1], strides = [1, 1]} : vector<512x64xf32> to vector<128x1xf32>
    %slice3A_3309 = vector.extract_strided_slice %transpose3A_85 {offsets = [61, 384], sizes = [1, 128], strides = [1, 1]} : vector<64x512xf32> to vector<1x128xf32>
    %add3A_3310 = vector.broadcast %slice3A_3308 : vector<128x1xf32> to vector<128x128xf32>
    %add3A_3311 = vector.broadcast %slice3A_3309 : vector<1x128xf32> to vector<128x128xf32>
    %add3A_3312 = arith.addf %add3A_3310, %add3A_3311 : vector<128x128xf32>
    %abs3A_3313 = math.absf %add3A_3312 : vector<128x128xf32>
    %get3A_3314 = arith.constant 0 : index
    %get3A_3315 = arith.constant 61 : index
    %get3A_3316 = vector.load %arg12[%get3A_3314, %get3A_3315] : memref<1x64xf32, #tpu.memory_space<vmem>>, vector<1x1xf32>
    %mul3A_3317 = vector.broadcast %get3A_3316 : vector<1x1xf32> to vector<128x128xf32>
    %mul3A_3318 = arith.mulf %abs3A_3313, %mul3A_3317 : vector<128x128xf32>
    %add3A_3319 = arith.addf %add3A_3307, %mul3A_3318 : vector<128x128xf32>
    %slice3A_3320 = vector.extract_strided_slice %add3A_81 {offsets = [384, 62], sizes = [128, 1], strides = [1, 1]} : vector<512x64xf32> to vector<128x1xf32>
    %slice3A_3321 = vector.extract_strided_slice %transpose3A_85 {offsets = [62, 384], sizes = [1, 128], strides = [1, 1]} : vector<64x512xf32> to vector<1x128xf32>
    %add3A_3322 = vector.broadcast %slice3A_3320 : vector<128x1xf32> to vector<128x128xf32>
    %add3A_3323 = vector.broadcast %slice3A_3321 : vector<1x128xf32> to vector<128x128xf32>
    %add3A_3324 = arith.addf %add3A_3322, %add3A_3323 : vector<128x128xf32>
    %abs3A_3325 = math.absf %add3A_3324 : vector<128x128xf32>
    %get3A_3326 = arith.constant 0 : index
    %get3A_3327 = arith.constant 62 : index
    %get3A_3328 = vector.load %arg12[%get3A_3326, %get3A_3327] : memref<1x64xf32, #tpu.memory_space<vmem>>, vector<1x1xf32>
    %mul3A_3329 = vector.broadcast %get3A_3328 : vector<1x1xf32> to vector<128x128xf32>
    %mul3A_3330 = arith.mulf %abs3A_3325, %mul3A_3329 : vector<128x128xf32>
    %add3A_3331 = arith.addf %add3A_3319, %mul3A_3330 : vector<128x128xf32>
    %slice3A_3332 = vector.extract_strided_slice %add3A_81 {offsets = [384, 63], sizes = [128, 1], strides = [1, 1]} : vector<512x64xf32> to vector<128x1xf32>
    %slice3A_3333 = vector.extract_strided_slice %transpose3A_85 {offsets = [63, 384], sizes = [1, 128], strides = [1, 1]} : vector<64x512xf32> to vector<1x128xf32>
    %add3A_3334 = vector.broadcast %slice3A_3332 : vector<128x1xf32> to vector<128x128xf32>
    %add3A_3335 = vector.broadcast %slice3A_3333 : vector<1x128xf32> to vector<128x128xf32>
    %add3A_3336 = arith.addf %add3A_3334, %add3A_3335 : vector<128x128xf32>
    %abs3A_3337 = math.absf %add3A_3336 : vector<128x128xf32>
    %get3A_3338 = arith.constant 0 : index
    %get3A_3339 = arith.constant 63 : index
    %get3A_3340 = vector.load %arg12[%get3A_3338, %get3A_3339] : memref<1x64xf32, #tpu.memory_space<vmem>>, vector<1x1xf32>
    %mul3A_3341 = vector.broadcast %get3A_3340 : vector<1x1xf32> to vector<128x128xf32>
    %mul3A_3342 = arith.mulf %abs3A_3337, %mul3A_3341 : vector<128x128xf32>
    %add3A_3343 = arith.addf %add3A_3331, %mul3A_3342 : vector<128x128xf32>
    %mul3A_3344 = arith.constant 5.000000e-01 : f32
    %mul3A_3345 = vector.broadcast %mul3A_3344 : f32 to vector<128x128xf32>
    %mul3A_3346 = arith.mulf %add3A_3343, %mul3A_3345 : vector<128x128xf32>
    %logistic3A_3347 = arith.negf %mul3A_3346 : vector<128x128xf32>
    %logistic3A_3348 = math.exp %logistic3A_3347 : vector<128x128xf32>
    %logistic3A_3349 = arith.constant 1.000000e+00 : f32
    %logistic3A_3350 = vector.broadcast %logistic3A_3349 : f32 to vector<128x128xf32>
    %logistic3A_3351 = arith.addf %logistic3A_3350, %logistic3A_3348 : vector<128x128xf32>
    %logistic3A_3352 = arith.divf %logistic3A_3350, %logistic3A_3351 : vector<128x128xf32>
    %jit3A_3353 = arith.constant 0.000000e+00 : f32
    %broadcast_in_dim3A_3354 = vector.broadcast %jit3A_3353 : f32 to vector<128x128xf32>
    %select_n3A_3355 = arith.select %lt3A, %logistic3A_3352, %broadcast_in_dim3A_3354 : vector<128x128xi1>, vector<128x128xf32>
    %transpose3A_3356 = tpu.transpose %select_n3A_3355, [1, 0] : vector<128x128xf32> -> vector<128x128xf32>
    %add3A_3357 = arith.addf %select_n3A_3355, %transpose3A_3356 : vector<128x128xf32>
    %swap3A_3358 = arith.constant 0 : index
    %swap3A_3359 = arith.constant 384 : index
    %swap3A_3360 = arith.constant 384 : index
    %swap3A_3361 = vector.load %arg14[%swap3A_3358, %swap3A_3359, %swap3A_3360] : memref<1x512x512xf32, #tpu.memory_space<vmem>>, vector<1x128x128xf32>
    %swap3A_3362 = vector.shape_cast %swap3A_3361 : vector<1x128x128xf32> to vector<128x128xf32>
    %swap3A_3363 = vector.shape_cast %add3A_3357 : vector<128x128xf32> to vector<1x128x128xf32>
    tpu.vector_store %arg14[%swap3A_3358, %swap3A_3359, %swap3A_3360], %swap3A_3363 {strides = array<i32>} : memref<1x512x512xf32, #tpu.memory_space<vmem>>, vector<1x128x128xf32>,
    return
  }
  func.func @transform_0(%arg0: i32) -> (i32, i32, i32) {
    %c0_i32 = arith.constant 0 : i32
    %c0_i32_0 = arith.constant 0 : i32
    %c0_i32_1 = arith.constant 0 : i32
    return %arg0, %c0_i32, %c0_i32_0 : i32, i32, i32
  }
  func.func @transform_1(%arg0: i32) -> (i32, i32, i32) {
    %c0_i32 = arith.constant 0 : i32
    %c0_i32_0 = arith.constant 0 : i32
    %c0_i32_1 = arith.constant 0 : i32
    return %arg0, %c0_i32, %c0_i32_0 : i32, i32, i32
  }
  func.func @transform_2(%arg0: i32) -> (i32, i32, i32) {
    %c0_i32 = arith.constant 0 : i32
    %c0_i32_0 = arith.constant 0 : i32
    %c0_i32_1 = arith.constant 0 : i32
    return %arg0, %c0_i32, %c0_i32_0 : i32, i32, i32
  }
  func.func @transform_3(%arg0: i32) -> (i32, i32) {
    %c0_i32 = arith.constant 0 : i32
    %c0_i32_0 = arith.constant 0 : i32
    %c0_i32_1 = arith.constant 0 : i32
    return %c0_i32, %c0_i32_0 : i32, i32
  }
  func.func @transform_4(%arg0: i32) -> (i32, i32) {
    %c0_i32 = arith.constant 0 : i32
    %c0_i32_0 = arith.constant 0 : i32
    %c0_i32_1 = arith.constant 0 : i32
    return %c0_i32, %c0_i32_0 : i32, i32
  }
  func.func @transform_5(%arg0: i32) -> (i32, i32) {
    %c0_i32 = arith.constant 0 : i32
    %c0_i32_0 = arith.constant 0 : i32
    %c0_i32_1 = arith.constant 0 : i32
    return %c0_i32, %c0_i32_0 : i32, i32
  }
  func.func @transform_6(%arg0: i32) -> (i32, i32) {
    %c0_i32 = arith.constant 0 : i32
    %c0_i32_0 = arith.constant 0 : i32
    %c0_i32_1 = arith.constant 0 : i32
    return %c0_i32, %c0_i32_0 : i32, i32
  }
  func.func @transform_7(%arg0: i32) -> (i32, i32) {
    %c0_i32 = arith.constant 0 : i32
    %c0_i32_0 = arith.constant 0 : i32
    %c0_i32_1 = arith.constant 0 : i32
    return %c0_i32, %c0_i32_0 : i32, i32
  }
  func.func @transform_8(%arg0: i32) -> (i32, i32) {
    %c0_i32 = arith.constant 0 : i32
    %c0_i32_0 = arith.constant 0 : i32
    %c0_i32_1 = arith.constant 0 : i32
    return %c0_i32, %c0_i32_0 : i32, i32
  }
  func.func @transform_9(%arg0: i32) -> (i32, i32) {
    %c0_i32 = arith.constant 0 : i32
    %c0_i32_0 = arith.constant 0 : i32
    %c0_i32_1 = arith.constant 0 : i32
    return %c0_i32, %c0_i32_0 : i32, i32
  }
  func.func @transform_10(%arg0: i32) -> (i32, i32) {
    %c0_i32 = arith.constant 0 : i32
    %c0_i32_0 = arith.constant 0 : i32
    %c0_i32_1 = arith.constant 0 : i32
    return %c0_i32, %c0_i32_0 : i32, i32
  }
  func.func @transform_11(%arg0: i32) -> (i32, i32) {
    %c0_i32 = arith.constant 0 : i32
    %c0_i32_0 = arith.constant 0 : i32
    %c0_i32_1 = arith.constant 0 : i32
    return %c0_i32, %c0_i32_0 : i32, i32
  }
  func.func @transform_12(%arg0: i32) -> (i32, i32) {
    %c0_i32 = arith.constant 0 : i32
    %c0_i32_0 = arith.constant 0 : i32
    %c0_i32_1 = arith.constant 0 : i32
    return %c0_i32, %c0_i32_0 : i32, i32
  }
  func.func @transform_13(%arg0: i32) -> (i32, i32, i32) {
    %c0_i32 = arith.constant 0 : i32
    %c0_i32_0 = arith.constant 0 : i32
    %c0_i32_1 = arith.constant 0 : i32
    return %arg0, %c0_i32, %c0_i32_0 : i32, i32, i32
  }
}

</mosaic_0001>

<sc_bundles>
// kernel: kernel.5.cloned.1.call-start
scs
__scs_entry_jumppad:
0x0: {  	(pc) =	sbr.rel $0x88, $3  }
0x1: {  	(tag) =	ssettag $0x0;
	lr =	simm.s32 $0x1  }
0x2: {  	[smem:$0x3F96] =	sst lr;
	_ =	strace $0xD0000000  }
0x3: {  	_ = 	snop  }
0x4: {  	_ = 	snop  }
0x5: {  	_ = 	snop  }
0x6: {  	_ = 	snop  }
0x7: {  	_ = 	snop  }
__scs_overlays_trampoline_lowered:
0x8: {  	[smem:$0x3FA5] =	sst s0  }
0x9: {  	[smem:$0x3FA6] =	sst s1  }
0xa: {  	[smem:$0x3FA7] =	sst s2  }
0xb: {  	[smem:$0x3FA8] =	sst s3  }
0xc: {  	[smem:$0x3FA9] =	sst s4  }
0xd: {  	[smem:$0x3FAA] =	sst s5  }
0xe: {  	[smem:$0x3FAB] =	sst s6  }
0xf: {  	[smem:$0x3FAC] =	sst s7  }
0x10: {  	[smem:$0x3FAD] =	sst s8  }
0x11: {  	[smem:$0x3FAE] =	sst s9;
	s0 =	simm.s32 @!p0 $0x0  }
0x12: {  	s1 =	sld [smem:$0x3F94];
	s0 =	simm.s32 @p0 $0x1  }
0x13: {  	[smem:$0x3FAF] =	sst s0;
	s0 =	simm.s32 @!p1 $0x0  }
0x14: {  	s2 =	sld [smem:$0x3F93];
	s0 =	simm.s32 @p1 $0x1  }
0x15: {  	[smem:$0x3FB0] =	sst s0;
	s0 =	simm.s32 @!p2 $0x0  }
0x16: {  	s3 =	sld [smem:$0x3FDB];
	s0 =	simm.s32 @p2 $0x1  }
0x17: {  	s4 =	simm.s32 $0x1BF5;
	[smem:$0x3FB2] =	sst s0  }
0x18: {  	s0 =	sld [smem:$0x3F95];
	_ =	swait.ge [sflag:s4], $0x0  }
0x19: {  	s7 =	sld [smem:$0x3F96]  }
0x1a: {  	s8 =	sadd.s32 $0xFFFFE003, lr  }
0x1b: {  	s9 =	sadd.s32 $0xFFFFFEF7, lr;
	s5 =	simm.s32 $0xFFFFFFFF;
	p2 =	slt.u32 s8, $0xFFFFF086  }
0x1c: {  	p1 =	slt.u32 s9, $0xF7A;
	s5 =	simm.s32 @!p2 $0x0  }
0x1d: {  	s5 =	simm.s32 @p1 $0x1;
	p0 =	seq.s32 s7, s2  }
0x1e: {  	s7 =	smul.u32 @!p0 $0xF7A, s2;
	p2 =	seq.s32 @!p0 s5, $0x0  }
0x1f: {  	s9 =	smul.u32 $0xF7A, s1;
	s8 =	simm.s32 @!p0 $0x1BF5;
	p2 =	por !p2, p0  }
0x20: {  	[sflag:s8] =	ssyncset.s32 @!p0 $0xFFFFF086;
	s6 =	sadd.s32 @!p0 s3, s7;
	s7 =	simm.s32 @!p0 $0x108  }
0x21: {  	s3 =	sadd.s32 s3, s9;
	s6 =	sadd.s32 @!p0 $0x88, s6;
	s7 =	simm.s32 @p2 $0x1082  }
0x22: {  	[simem:s7], [sflag:s8] =	dma.local @!p0 [hbm:s6], $0xF7A  }
0x23: {  	s9 =	sor.u32 $0xD0000000, s2;
	s6 =	simm.s32 $0x108;
	_ =	swait.ge @!p0 [sflag:s8], $0x0  }
0x24: {  	s3 =	sadd.s32 $0x88, s3;
	s6 =	simm.s32 @!p1 $0x1082;
	[sflag:s4] =	ssyncset.s32 $0xFFFFF086  }
0x25: {  	[simem:s6], [sflag:s4] =	dma.local [hbm:s3], $0xF7A  }
0x26: {  	[smem:$0x3F96] =	sst s1;
	(tag) =	ssettag s2;
	_ =	strace s9  }
0x27: {  	s1 =	sld [smem:$0x3FA6]  }
0x28: {  	s2 =	sld [smem:$0x3FA7]  }
0x29: {  	s4 =	sld [smem:$0x3FA9]  }
0x2a: {  	p0 =	seq.s32 s5, $0x0;
	s5 =	sld [smem:$0x3FAA]  }
0x2b: {  	s6 =	sld [smem:$0x3FAB]  }
0x2c: {  	s7 =	sld [smem:$0x3FAC]  }
0x2d: {  	s3 =	simm.s32 $0x108;
	s8 =	sld [smem:$0x3FAD]  }
0x2e: {  	s3 =	simm.s32 @!p0 $0x1082;
	s9 =	sld [smem:$0x3FAE]  }
0x2f: {  	lr =	sadd.s32 s0, s3;
	s0 =	sld [smem:$0x3FA5]  }
0x30: {  	s3 =	sld [smem:$0x3FA8]  }
0x31: {  	[smem:$0x3FB1] =	sst s10  }
0x32: {  	s10 =	sld [smem:$0x3FAF];
	_ =	sdelay $0x3  }
0x33: {  	p0 =	seq.s32 s10, $0x1;
	s10 =	sld [smem:$0x3FB1];
	_ =	sdelay $0x3  }
0x34: {  	[smem:$0x3FB1] =	sst s10  }
0x35: {  	s10 =	sld [smem:$0x3FB0];
	_ =	sdelay $0x3  }
0x36: {  	p1 =	seq.s32 s10, $0x1;
	s10 =	sld [smem:$0x3FB1];
	_ =	sdelay $0x3  }
0x37: {  	[smem:$0x3FB1] =	sst s10  }
0x38: {  	s10 =	sld [smem:$0x3FB2]  }
0x39: {  	_ = 	snop;
	(pc) =	sbr.ind lr, $3  }
0x3a: {  	_ = 	snop  }
0x3b: {  	_ = 	snop  }
0x3c: {  	p2 =	seq.s32 s10, $0x1;
	s10 =	sld [smem:$0x3FB1]  }
0x3d: {  	_ =	shalt  }
0x3e: {  	_ =	shalt  }
0x3f: {  	_ =	shalt  }
0x40: {  	_ =	shalt  }
0x41: {  	_ =	shalt  }
0x42: {  	_ =	shalt  }
0x43: {  	_ =	shalt  }
0x44: {  	_ =	shalt  }
0x45: {  	_ =	shalt  }
0x46: {  	_ =	shalt  }
0x47: {  	_ =	shalt  }
0x48: {  	_ =	shalt  }
0x49: {  	_ =	shalt  }
0x4a: {  	_ =	shalt  }
0x4b: {  	_ =	shalt  }
0x4c: {  	_ =	shalt  }
0x4d: {  	_ =	shalt  }
0x4e: {  	_ =	shalt  }
0x4f: {  	_ =	shalt  }
0x50: {  	_ =	shalt  }
0x51: {  	_ =	shalt  }
0x52: {  	_ =	shalt  }
0x53: {  	_ =	shalt  }
0x54: {  	_ =	shalt  }
0x55: {  	_ =	shalt  }
0x56: {  	_ =	shalt  }
0x57: {  	_ =	shalt  }
0x58: {  	_ =	shalt  }
0x59: {  	_ =	shalt  }
0x5a: {  	_ =	shalt  }
0x5b: {  	_ =	shalt  }
0x5c: {  	_ =	shalt  }
0x5d: {  	_ =	shalt  }
0x5e: {  	_ =	shalt  }
0x5f: {  	_ =	shalt  }
0x60: {  	_ =	shalt  }
0x61: {  	_ =	shalt  }
0x62: {  	_ =	shalt  }
0x63: {  	_ =	shalt  }
0x64: {  	_ =	shalt  }
0x65: {  	_ =	shalt  }
0x66: {  	_ =	shalt  }
0x67: {  	_ =	shalt  }
0x68: {  	_ =	shalt  }
0x69: {  	_ =	shalt  }
0x6a: {  	_ =	shalt  }
0x6b: {  	_ =	shalt  }
0x6c: {  	_ =	shalt  }
0x6d: {  	_ =	shalt  }
0x6e: {  	_ =	shalt  }
0x6f: {  	_ =	shalt  }
0x70: {  	_ =	shalt  }
0x71: {  	_ =	shalt  }
0x72: {  	_ =	shalt  }
0x73: {  	_ =	shalt  }
0x74: {  	_ =	shalt  }
0x75: {  	_ =	shalt  }
0x76: {  	_ =	shalt  }
0x77: {  	_ =	shalt  }
0x78: {  	_ =	shalt  }
0x79: {  	_ =	shalt  }
0x7a: {  	_ =	shalt  }
0x7b: {  	_ =	shalt  }
0x7c: {  	_ =	shalt  }
0x7d: {  	_ =	shalt  }
0x7e: {  	_ =	shalt  }
0x7f: {  	_ =	shalt  }
0x80: {  	_ =	shalt  }
0x81: {  	_ =	shalt  }
0x82: {  	_ =	shalt  }
0x83: {  	_ =	shalt  }
0x84: {  	_ =	shalt  }
0x85: {  	_ =	shalt  }
0x86: {  	_ =	shalt  }
0x87: {  	_ =	shalt  }
.Lfunc_end0:
.L_simem_size_0:
called_computation_lowered:
.L_overlay_start_0:
0x88: {  	s2 =	sld [smem:$0x3FD9]  }
0x89: {  	s3 =	sld [smem:$0x3FFE];
	_ =	sdelay $0x1  }
0x8a: {  	s1 =	srdreg.scid  }
0x8b: {  	s0 =	sand.u32 $0x1, s1  }
0x8c: {  	s17 =	sshll.u32 s0, $0xA;
	s2 =	sadd.s32 s3, s2  }
0x8d: {  	s2 =	sadd.s32 s2, s17  }
0x8e: {  	[smem:$0x3FBD] =	sst s2  }
0x8f: {  	_ = 	snop  }
0x90: {  	s2 =	sld [smem:$0x3FD0];
	(tm) =	ssettm $0x1  }
0x91: {  	s18 =	sld [smem:$0x3FFB];
	_ =	sdelay $0x3  }
0x92: {  	_ =	strace s18  }
0x93: {  	s3 =	sld [smem:$0x3FFC];
	_ =	sdelay $0x3  }
0x94: {  	_ =	strace s3  }
0x95: {  	s3 =	sld [smem:$0x3FFD];
	_ =	sdelay $0x3  }
0x96: {  	_ =	strace s3  }
0x97: {  	_ =	strace $0x8FFFFFFF  }
0x98: {  	s19 =	sld [smem:$0x3FDB];
	_ =	sdelay $0x1  }
0x99: {  	s4 =	simm.s32 $_scs_section_size  }
0x9a: {  	s5 =	simm.s32 $_size__tile_overlayer_lowered;
	s6 =	simm.s32 $_tile_overlayer_lowered  }
0x9b: {  	s22 =	simm.s32 $0x1BFF;
	s21 =	sshll.u32 s6, $0x1;
	s3 =	sadd.s32 s4, s19  }
0x9c: {  	s7 =	simm.s32 $0x0;
	s20 =	sshll.u32 s5, $0x1;
	s5 =	sadd.s32 s21, s3  }
0x9d: {  	[timem:s7], [sflag:s22] =	dma.local [hbm:s5], s20  }
0x9e: {  	_ =	swait.ge [sflag:s22], s20  }
0x9f: {  	s4 =	ssub.s32 $0x0, s20;
	[sflag:s22] =	ssyncset.done $0x0  }
0xa0: {  	[sflag:s22] =	ssyncadd.s32 s4;
	_ =	sdelay $0x1  }
0xa1: {  	s23 =	simm.s32 $0x1B8B  }
0xa2: {  	_ =	swait.ge [sflag:s23], $0x1  }
0xa3: {  	[sflag:s23] =	ssyncset.done $0x0  }
0xa4: {  	s25 =	simm.s32 $0x1B8E;
	s24 =	sld [smem:$0x3FFE];
	[sflag:s23] =	ssyncadd.s32 $0xFFFFFFFF  }
0xa5: {  	s26 =	simm.s32 $execute0_lowered;
	[smem:$0x3FD2] =	sst s25  }
0xa6: {  	s5 =	sshll.u32 s26, $0x1;
	_ =	strace $0x80000046;
	[dreg:$0x1] =	wrdreg $0xFFFFFFFF  }
0xa7: {  	s28 =	simm.s32 $_size_execute0_lowered;
	s3 =	sadd.s32 s3, s5;
	[dreg:$0x0] =	wrdreg $0x0  }
0xa8: {  	s5 =	sshll.u32 s28, $0x1;
	[dreg:$0x2] =	wrdreg s3  }
0xa9: {  	[dreg:$0x3] =	wrdreg s5  }
0xaa: {  	[dreg:$0x4] =	wrdreg $0xC0  }
0xab: {  	_ =	task [dreg:s7], $0x5FFFF  }
0xac: {  	[dreg:$0x1] =	wrdreg $0xFFFFFFFF  }
0xad: {  	[dreg:$0x0] =	wrdreg $0x60  }
0xae: {  	[dreg:$0x2] =	wrdreg s2  }
0xaf: {  	[dreg:$0x3] =	wrdreg s24  }
0xb0: {  	[dreg:$0x4] =	wrdreg $0x9  }
0xb1: {  	_ =	task.clear_ibuf [dreg:s7], $0x5FFFF;
	_ =	strace $0x90000046  }
0xb2: {  	s29 =	simm.s32 $0x9;
	_ =	strace $0x80000048  }
0xb3: {  	_ =	swait.ge [sflag:s29], $0x1  }
0xb4: {  	[sflag:s29] =	ssyncadd.s32 $0xFFFFFFFF  }
0xb5: {  	_ =	strace $0x90000048  }
0xb6: {  	_ =	sfence  }
0xb7: {  	s30 =	sld [smem:$0x0];
	_ =	sdelay $0x2  }
0xb8: {  	s31 =	sshll.u32 s1, $0xD;
	s1 =	sshrl.u32 s1, $0x2  }
0xb9: {  	s3 =	sand.u32 $0x4000, s31;
	s1 =	sadd.s32 s1, s30  }
0xba: {  	s0 =	sor.u32 s3, s0;
	s1 =	sshll.u32 s1, $0x11  }
0xbb: {  	s0 =	sor.u32 s1, s0  }
0xbc: {  	s0 =	sadd.s32 $0x8F2B, s0  }
0xbd: {  	[sflag:s0] =	ssyncadd.remote.s32 $0x1  }
0xbe: {  	_ =	sfence.sel $0xFFFF  }
0xbf: {  	[dreg:$0x0] =	wrdreg $0xFFFFFFFF;
	(pc) =	sbr.abs _section_cstart, $3  }
0xc0: {  	[dreg:$0x1] =	wrdreg $0xFFFFFFFF  }
0xc1: {  	_ =	task.clear_ibuf [dreg:s7], $0x2FFFF;
	_ =	strace $0x9FFFFFFF  }
0xc2: {  	(tm) =	ssettm $0x7FFFFFFF  }
0xc3: {  	_ =	shalt  }
tec
execute0_lowered:
.L_overlay_start_1:
0x0: {  	(tag) =	ssettag $0x1  }
0x1: {  	v0 =	vimm.s32 $0xFEDCBA98;
	v1 =	vimm.s32 $0x76543210  }
0x2: {  	v3 =	vimm.s32 $0x32107654;
	v4 =	vimm.s32 $0xDCFE98BA;
	v0 =	vunpack.c.l.s4.s8 v0  }
0x3: {  	v5 =	vimm.s32 $0x54761032;
	v6 =	vimm.s32 $0xEFCDAB89;
	v7 =	vimm.s32 $0x67452301  }
0x4: {  	v1 =	vunpack.c.l.s4.s8 v1;
	v2 =	vunpack.c.0.s8.s32 v0;
	v0 =	vimm.s32 $0xBA98FEDC  }
0x5: {  	v3 =	vunpack.c.l.s4.s8 v3;
	v4 =	vunpack.c.l.s4.s8 v4;
	v0 =	vunpack.c.l.s4.s8 v0  }
0x6: {  	v5 =	vunpack.c.l.s4.s8 v5;
	v6 =	vunpack.c.l.s4.s8 v6;
	v7 =	vunpack.c.l.s4.s8 v7  }
0x7: {  	v3 =	vunpack.c.0.s8.s32 v3;
	v4 =	vunpack.c.0.s8.s32 v4;
	v8 =	vunpack.c.0.s8.s32 v0  }
0x8: {  	v5 =	vunpack.c.0.s8.s32 v5;
	v6 =	vunpack.c.0.s8.s32 v6;
	v7 =	vunpack.c.0.s8.s32 v7  }
0x9: {  	v1 =	vunpack.c.0.s8.s32 v1;
	v2 =	vand.u32 $0xF, v2;
	v3 =	vcombine.low v3, v8  }
0xa: {  	v4 =	vcombine.low v5, v4;
	v5 =	vcombine.low v7, v6;
	v0 =	vimm.f32 $0.0e+00  }
0xb: {  	v1 =	vcombine.low v2, v1;
	v2 =	vand.u32 $0xF, v3;
	v3 =	vlaneseq.u32  }
0xc: {  	v4 =	vand.u32 $0xF, v4;
	v5 =	vand.u32 $0xF, v5;
	v6 =	vor.u32 $0x10, v3  }
0xd: {  	v7 =	vor.u32 $0x20, v3;
	v8 =	vor.u32 $0x30, v3;
	v9 =	vor.u32 $0x40, v3  }
0xe: {  	s3 =	rddreg [dreg:$0x0];
	v10 =	vor.u32 $0x50, v3;
	v11 =	vor.u32 $0x60, v3;
	v12 =	vor.u32 $0x70, v3  }
0xf: {  	s4 =	rddreg [dreg:$0x1];
	v13 =	vor.u32 $0x80, v3;
	v14 =	vor.u32 $0x90, v3;
	v15 =	vor.u32 $0xA0, v3  }
0x10: {  	s0 =	rddreg [dreg:$0x2];
	s5 =	srdreg.scid;
	v16 =	vor.u32 $0xB0, v3;
	v17 =	vor.u32 $0xC0, v3;
	v18 =	vor.u32 $0xD0, v3  }
0x11: {  	s2 =	simm.s32 $0x0;
	s1 =	stileid.u32;
	s8 =	simm.s32 $0x0;
	v19 =	vor.u32 $0xE0, v3;
	v20 =	vor.u32 $0xF0, v3;
	v21 =	vor.u32 $0x100, v3  }
0x12: {  	s5 =	sand.u32 $0x1, s5;
	s6 =	sshll.u32 s1, $0xD;
	[smem:$0x7FF] =	sst s2;
	v22 =	vor.u32 $0x110, v3;
	v23 =	vor.u32 $0x120, v3;
	v24 =	vor.u32 $0x130, v3  }
0x13: {  	s7 =	sshll.u32 s5, $0xC;
	s5 =	ssub.s32 $0x2, s5;
	_ =	strace $0x80000047;
	v25 =	vor.u32 $0x140, v3;
	v26 =	vor.u32 $0x150, v3;
	v27 =	vor.u32 $0x160, v3  }
0x14: {  	s6 =	sor.u32 s7, s6;
	s31 =	sshrl.u32 s5, $0x1;
	s7 =	simm.s32 $0x8000;
	v28 =	vor.u32 $0x170, v3;
	v29 =	vor.u32 $0x180, v3;
	v30 =	vor.u32 $0x190, v3  }
0x15: {  	s4 =	sadd.s32 s6, s4;
	s5 =	ssub.s32 s5, s31;
	s3 =	sadd.s32 s3, s6;
	v31 =	vor.u32 $0x1A0, v3;
	v32 =	vor.u32 $0x1B0, v3;
	v33 =	vor.u32 $0x1C0, v3  }
0x16: {  	s6 =	simm.s32 $0x1;
	s4 =	sadd.s32 $0x1A00, s4;
	s5 =	smax.u32 s5, $0x1;
	v34 =	vor.u32 $0x1D0, v3;
	v35 =	vor.u32 $0x1E0, v3;
	v36 =	vor.u32 $0x1F0, v3  }
.LBB2_1:
0x17: {  	[tilespmem:s2], [sflag:$0x1] =	stream.linear.gather [hbm4b:s3+s2], $0x8000, $0x38;
	[tilespmem:$0x10000] =	vst v63  }
0x18: {  	_ =	swait.ge [sflag:s6], $0x8000  }
0x19: {  	[sflag:s6] =	ssyncset.done $0x0  }
0x1a: {  	s9 =	simm.s32 $0x0;
	[sflag:s6] =	ssyncadd.s32 $0xFFFF8000  }
.LBB2_2:
0x1b: {  	s10 =	sshll.u32 s9, $0x9  }
0x1c: {  	[tilespmem:s10+$0x8000] =	vst v0  }
0x1d: {  	[tilespmem:s10+$0x8010] =	vst v0  }
0x1e: {  	[tilespmem:s10+$0x8020] =	vst v0  }
0x1f: {  	[tilespmem:s10+$0x8030] =	vst v0  }
0x20: {  	[tilespmem:s10+$0x8040] =	vst v0  }
0x21: {  	[tilespmem:s10+$0x8050] =	vst v0  }
0x22: {  	[tilespmem:s10+$0x8060] =	vst v0  }
0x23: {  	[tilespmem:s10+$0x8070] =	vst v0  }
0x24: {  	[tilespmem:s10+$0x8080] =	vst v0  }
0x25: {  	[tilespmem:s10+$0x8090] =	vst v0  }
0x26: {  	[tilespmem:s10+$0x80A0] =	vst v0  }
0x27: {  	[tilespmem:s10+$0x80B0] =	vst v0  }
0x28: {  	[tilespmem:s10+$0x80C0] =	vst v0  }
0x29: {  	[tilespmem:s10+$0x80D0] =	vst v0  }
0x2a: {  	[tilespmem:s10+$0x80E0] =	vst v0  }
0x2b: {  	[tilespmem:s10+$0x80F0] =	vst v0  }
0x2c: {  	[tilespmem:s10+$0x8100] =	vst v0  }
0x2d: {  	[tilespmem:s10+$0x8110] =	vst v0  }
0x2e: {  	[tilespmem:s10+$0x8120] =	vst v0  }
0x2f: {  	[tilespmem:s10+$0x8130] =	vst v0  }
0x30: {  	[tilespmem:s10+$0x8140] =	vst v0  }
0x31: {  	[tilespmem:s10+$0x8150] =	vst v0  }
0x32: {  	[tilespmem:s10+$0x8160] =	vst v0  }
0x33: {  	[tilespmem:s10+$0x8170] =	vst v0  }
0x34: {  	[tilespmem:s10+$0x8180] =	vst v0  }
0x35: {  	[tilespmem:s10+$0x8190] =	vst v0  }
0x36: {  	[tilespmem:s10+$0x81A0] =	vst v0  }
0x37: {  	[tilespmem:s10+$0x81B0] =	vst v0  }
0x38: {  	[tilespmem:s10+$0x81C0] =	vst v0  }
0x39: {  	s11 =	sor.u32 $0x10, s10;
	[tilespmem:s10+$0x81D0] =	vst v0  }
0x3a: {  	[tilespmem:s10+$0x81E0] =	vst v0;
	v37 =	vld [tilespmem:s10+$0x0];
	[dreg:$0x3] =	wrdreg s11  }
0x3b: {  	s16 =	sor.u32 $0x20, s10;
	[tilespmem:s10+$0x81F0] =	vst v0;
	s12 =	rddreg [dreg:$0x3]  }
0x3c: {  	[dreg:$0x4] =	wrdreg s16;
	v38 =	vld [tilespmem:s12+$0x0]  }
0x3d: {  	s17 =	sor.u32 $0x30, s10;
	s13 =	rddreg [dreg:$0x4]  }
0x3e: {  	[dreg:$0x5] =	wrdreg s17;
	v39 =	vld [tilespmem:s13+$0x0]  }
0x3f: {  	s18 =	sor.u32 $0x40, s10;
	s19 =	rddreg [dreg:$0x5];
	vm0 =	vlt.f32 v37, $+Inf  }
0x40: {  	[dreg:$0x6] =	wrdreg s18;
	v40 =	vld [tilespmem:s19+$0x0];
	v37 =	vnsel vm0, $0x7F800000, v37  }
0x41: {  	s20 =	sor.u32 $0x50, s10;
	s21 =	rddreg [dreg:$0x6];
	vm0 =	vlt.f32 v38, v37  }
0x42: {  	[dreg:$0x7] =	wrdreg s20;
	v52 =	vld [tilespmem:s21+$0x0];
	v37 =	vsel vm0, v38, v37  }
0x43: {  	s22 =	sor.u32 $0x60, s10;
	s23 =	rddreg [dreg:$0x7];
	vm1 =	vlt.f32 v39, v37  }
0x44: {  	[dreg:$0x8] =	wrdreg s22;
	v53 =	vld [tilespmem:s23+$0x0];
	v37 =	vsel vm1, v39, v37  }
0x45: {  	s24 =	sor.u32 $0x70, s10;
	s25 =	rddreg [dreg:$0x8];
	vm2 =	vlt.f32 v40, v37  }
0x46: {  	[dreg:$0x9] =	wrdreg s24;
	v54 =	vld [tilespmem:s25+$0x0];
	v37 =	vsel vm2, v40, v37  }
0x47: {  	s26 =	sor.u32 $0x80, s10;
	s29 =	rddreg [dreg:$0x9];
	vm3 =	vlt.f32 v52, v37  }
0x48: {  	[dreg:$0xa] =	wrdreg s26;
	v55 =	vld [tilespmem:s29+$0x0];
	v37 =	vsel vm3, v52, v37  }
0x49: {  	s30 =	sor.u32 $0x90, s10;
	s31 =	rddreg [dreg:$0xa];
	vm4 =	vlt.f32 v53, v37  }
0x4a: {  	v41 =	vimm.s32 $0x0;
	[dreg:$0xb] =	wrdreg s30;
	v56 =	vld [tilespmem:s31+$0x0];
	v37 =	vsel vm4, v53, v37  }
0x4b: {  	s14 =	sor.u32 $0xA0, s10;
	s15 =	rddreg [dreg:$0xb];
	v41 =	vsel vm4, $0xFFFFFFFF, v41;
	vm4 =	vlt.f32 v54, v37  }
0x4c: {  	v57 =	vimm.s32 $0x0;
	[dreg:$0xc] =	wrdreg s14;
	v58 =	vld [tilespmem:s15+$0x0];
	v37 =	vsel vm4, v54, v37  }
0x4d: {  	s16 =	sor.u32 $0xB0, s10;
	s17 =	rddreg [dreg:$0xc];
	[tilespmem:$0x1FF70] =	vst v41;
	v41 =	vsel vm4, $0xFFFFFFFF, v57;
	vm4 =	vlt.f32 v55, v37  }
0x4e: {  	v59 =	vimm.s32 $0x0;
	[dreg:$0xd] =	wrdreg s16;
	v60 =	vld [tilespmem:s17+$0x0];
	v37 =	vsel vm4, v55, v37  }
0x4f: {  	s18 =	sor.u32 $0xC0, s10;
	s19 =	rddreg [dreg:$0xd];
	[tilespmem:$0x1FF80] =	vst v41;
	v41 =	vsel vm4, $0xFFFFFFFF, v59;
	vm4 =	vlt.f32 v56, v37  }
0x50: {  	v61 =	vimm.s32 $0x0;
	[dreg:$0xe] =	wrdreg s18;
	v62 =	vld [tilespmem:s19+$0x0];
	v37 =	vsel vm4, v56, v37  }
0x51: {  	s20 =	sor.u32 $0xD0, s10;
	s21 =	rddreg [dreg:$0xe];
	[tilespmem:$0x1FF90] =	vst v41;
	v41 =	vsel vm4, $0xFFFFFFFF, v61;
	vm4 =	vlt.f32 v58, v37  }
0x52: {  	v63 =	vimm.s32 $0x0;
	[dreg:$0xf] =	wrdreg s20;
	v44 =	vld [tilespmem:s21+$0x0];
	v37 =	vsel vm4, v58, v37  }
0x53: {  	s22 =	sor.u32 $0xE0, s10;
	s23 =	rddreg [dreg:$0xf];
	[tilespmem:$0x1FFA0] =	vst v41;
	v41 =	vsel vm4, $0xFFFFFFFF, v63;
	vm4 =	vlt.f32 v60, v37  }
0x54: {  	v45 =	vimm.s32 $0x0;
	[dreg:$0x10] =	wrdreg s22;
	v46 =	vld [tilespmem:s23+$0x0];
	v37 =	vsel vm4, v60, v37  }
0x55: {  	s24 =	sor.u32 $0xF0, s10;
	s25 =	rddreg [dreg:$0x10];
	[tilespmem:$0x1FFB0] =	vst v41;
	v41 =	vsel vm4, $0xFFFFFFFF, v45;
	vm4 =	vlt.f32 v62, v37  }
0x56: {  	v47 =	vimm.s32 $0x0;
	[dreg:$0x11] =	wrdreg s24;
	v48 =	vld [tilespmem:s25+$0x0];
	v37 =	vsel vm4, v62, v37  }
0x57: {  	s26 =	sor.u32 $0x100, s10;
	s29 =	rddreg [dreg:$0x11];
	[tilespmem:$0x1FFC0] =	vst v41;
	v41 =	vsel vm4, $0xFFFFFFFF, v47;
	vm4 =	vlt.f32 v44, v37  }
0x58: {  	v49 =	vimm.s32 $0x0;
	[dreg:$0x12] =	wrdreg s26;
	v50 =	vld [tilespmem:s29+$0x0];
	v37 =	vsel vm4, v44, v37  }
0x59: {  	s30 =	sor.u32 $0x110, s10;
	s31 =	rddreg [dreg:$0x12];
	[tilespmem:$0x1FFD0] =	vst v41;
	v41 =	vsel vm4, $0xFFFFFFFF, v49;
	vm4 =	vlt.f32 v46, v37  }
0x5a: {  	[dreg:$0x13] =	wrdreg s30;
	v52 =	vld [tilespmem:s31+$0x0];
	v37 =	vsel vm4, v46, v37  }
0x5b: {  	s11 =	rddreg [dreg:$0x13];
	vm13 =	vlt.f32 v48, v37  }
0x5c: {  	v53 =	vld [tilespmem:s11+$0x0];
	v37 =	vsel vm13, v48, v37  }
0x5d: {  	s11 =	sor.u32 $0x120, s10;
	vm14 =	vlt.f32 v50, v37  }
0x5e: {  	v54 =	vld [tilespmem:s11+$0x0];
	v37 =	vsel vm14, v50, v37  }
0x5f: {  	s12 =	sor.u32 $0x130, s10;
	vm15 =	vlt.f32 v52, v37  }
0x60: {  	v55 =	vld [tilespmem:s12+$0x0];
	v37 =	vsel vm15, v52, v37  }
0x61: {  	s13 =	sor.u32 $0x140, s10;
	vm11 =	vlt.f32 v53, v37  }
0x62: {  	s14 =	sor.u32 $0x150, s10;
	v56 =	vld [tilespmem:s13+$0x0];
	v37 =	vsel vm11, v53, v37  }
0x63: {  	v57 =	vld [tilespmem:s14+$0x0];
	vm10 =	vlt.f32 v54, v37  }
0x64: {  	s16 =	sor.u32 $0x170, s10;
	v42 =	vld [tilespmem:$0x1FF70];
	v37 =	vsel vm10, v54, v37  }
0x65: {  	s15 =	sor.u32 $0x160, s10;
	v59 =	vld [tilespmem:s16+$0x0];
	vm9 =	vlt.f32 v55, v37  }
0x66: {  	s18 =	sor.u32 $0x190, s10;
	v58 =	vld [tilespmem:s15+$0x0];
	v37 =	vsel vm9, v55, v37  }
0x67: {  	s19 =	sor.u32 $0x1A0, s10;
	v61 =	vld [tilespmem:s18+$0x0];
	vm8 =	vlt.f32 v56, v37  }
0x68: {  	s17 =	sor.u32 $0x180, s10;
	v63 =	vld [tilespmem:s19+$0x0];
	v37 =	vsel vm8, v56, v37  }
0x69: {  	s20 =	sor.u32 $0x1B0, s10;
	v60 =	vld [tilespmem:s17+$0x0];
	vm7 =	vlt.f32 v57, v37  }
0x6a: {  	s21 =	sor.u32 $0x1C0, s10;
	v45 =	vld [tilespmem:s20+$0x0];
	v37 =	vsel vm7, v57, v37  }
0x6b: {  	v47 =	vld [tilespmem:s21+$0x0];
	vm6 =	vlt.f32 v58, v37  }
0x6c: {  	v51 =	vimm.s32 $0x0;
	v46 =	vld [tilespmem:$0x1FF80];
	v37 =	vsel vm6, v58, v37  }
0x6d: {  	v62 =	vsel vm0, v6, v3;
	[tilespmem:$0x1FFE0] =	vst v41;
	v41 =	vsel vm4, $0xFFFFFFFF, v51;
	v48 =	vld [tilespmem:$0x1FF90];
	vm5 =	vlt.f32 v59, v37  }
0x6e: {  	v49 =	vld [tilespmem:$0x1FFA0];
	[tilespmem:$0x1FFF0] =	vst v41;
	v41 =	vsel vm1, v7, v62;
	v37 =	vsel vm5, v59, v37  }
0x6f: {  	v51 =	vld [tilespmem:$0x1FFB0];
	v41 =	vsel vm2, v8, v41;
	vm4 =	vlt.f32 v60, v37  }
0x70: {  	vm0 =	vnez.u8 v42;
	v41 =	vsel vm3, v9, v41;
	v52 =	vld [tilespmem:$0x1FFC0];
	v37 =	vsel vm4, v60, v37  }
0x71: {  	v41 =	vsel vm0, v10, v41;
	vm0 =	vnez.u8 v46;
	v54 =	vld [tilespmem:$0x1FFD0];
	vm3 =	vlt.f32 v61, v37  }
0x72: {  	v41 =	vsel vm0, v11, v41;
	vm0 =	vnez.u8 v48;
	v55 =	vld [tilespmem:$0x1FFE0];
	v37 =	vsel vm3, v61, v37  }
0x73: {  	s22 =	sor.u32 $0x1D0, s10;
	v41 =	vsel vm0, v12, v41;
	vm0 =	vnez.u8 v49;
	v57 =	vld [tilespmem:$0x1FFF0];
	vm2 =	vlt.f32 v63, v37  }
0x74: {  	v50 =	vld [tilespmem:s22+$0x0];
	v41 =	vsel vm0, v13, v41;
	vm0 =	vnez.u8 v51;
	v37 =	vsel vm2, v63, v37  }
0x75: {  	s23 =	sor.u32 $0x1E0, s10;
	v41 =	vsel vm0, v14, v41;
	vm0 =	vnez.u8 v52;
	vm1 =	vlt.f32 v45, v37  }
0x76: {  	v53 =	vld [tilespmem:s23+$0x0];
	v41 =	vsel vm0, v15, v41;
	vm0 =	vnez.u8 v54;
	v37 =	vsel vm1, v45, v37  }
0x77: {  	s24 =	sor.u32 $0x1F0, s10;
	v41 =	vsel vm0, v16, v41;
	vm12 =	vnez.u8 v55;
	vm0 =	vlt.f32 v47, v37  }
0x78: {  	v56 =	vld [tilespmem:s24+$0x0];
	v41 =	vsel vm12, v17, v41;
	vm12 =	vnez.u8 v57;
	v37 =	vsel vm0, v47, v37  }
0x79: {  	v41 =	vsel vm12, v18, v41;
	vm12 =	vlt.f32 v50, v37  }
0x7a: {  	v41 =	vsel vm13, v19, v41;
	v37 =	vsel vm12, v50, v37  }
0x7b: {  	v58 =	vsel vm14, v20, v41;
	vm13 =	vlt.f32 v53, v37  }
0x7c: {  	v39 =	vsel vm15, v21, v58;
	v37 =	vsel vm13, v53, v37  }
0x7d: {  	v39 =	vsel vm11, v22, v39;
	vm15 =	vlt.f32 v56, v37  }
0x7e: {  	v39 =	vsel vm10, v23, v39;
	v37 =	vsel vm15, v56, v37  }
0x7f: {  	v59 =	vsel vm9, v24, v39;
	v60 =	vperm.xlane v37, v1  }
0x80: {  	v38 =	vsel vm8, v25, v59  }
0x81: {  	v38 =	vsel vm7, v26, v38;
	v39 =	vmin.f32 v37, v60  }
0x82: {  	v38 =	vsel vm6, v27, v38;
	v61 =	vperm.xlane v39, v2  }
0x83: {  	v38 =	vsel vm5, v28, v38  }
0x84: {  	v38 =	vsel vm4, v29, v38;
	v39 =	vmin.f32 v39, v61  }
0x85: {  	v38 =	vsel vm3, v30, v38;
	v40 =	vperm.xlane v39, v4  }
0x86: {  	v38 =	vsel vm2, v31, v38  }
0x87: {  	v38 =	vsel vm1, v32, v38;
	v39 =	vmin.f32 v39, v40  }
0x88: {  	v38 =	vsel vm0, v33, v38;
	v40 =	vperm.xlane v39, v5  }
0x89: {  	v38 =	vsel vm12, v34, v38  }
0x8a: {  	v38 =	vsel vm13, v35, v38;
	v39 =	vmin.f32 v39, v40  }
0x8b: {  	v38 =	vsel vm15, v36, v38;
	vm0 =	veq.f32 v37, v39  }
0x8c: {  	v37 =	vnsel vm0, $0x40000000, v38  }
0x8d: {  	v38 =	vperm.xlane v37, v1;
	_ =	sdelay $0x1  }
0x8e: {  	vm0 =	vlt.s32 v37, v38  }
0x8f: {  	v37 =	vsel vm0, v37, v38  }
0x90: {  	v38 =	vperm.xlane v37, v2;
	_ =	sdelay $0x1  }
0x91: {  	vm0 =	vlt.s32 v37, v38  }
0x92: {  	v37 =	vsel vm0, v37, v38  }
0x93: {  	v38 =	vperm.xlane v37, v4;
	_ =	sdelay $0x1  }
0x94: {  	vm0 =	vlt.s32 v37, v38  }
0x95: {  	v37 =	vsel vm0, v37, v38  }
0x96: {  	v38 =	vperm.xlane v37, v5;
	_ =	sdelay $0x1  }
0x97: {  	vm0 =	vlt.s32 v37, v38  }
0x98: {  	v37 =	vsel vm0, v37, v38  }
0x99: {  	(v2sf) =	vpush v37, $0x0;
	_ =	sdelay $0xe  }
0x9a: {  	s25 =	spop (v2sf)  }
0x9b: {  	s26 =	sshra.s32 s25, $0x1F  }
0x9c: {  	s26 =	sshrl.u32 s26, $0x1C  }
0x9d: {  	s26 =	sadd.s32 s26, s25  }
0x9e: {  	s28 =	sand.u32 $0xFFFFFFF0, s26  }
0x9f: {  	p0 =	slt.s32 s25, $0x1;
	p1 =	sne.s32 s25, s28  }
0xa0: {  	p0 =	por !p0, !p1  }
0xa1: {  	s28 =	simm.s32 $0x1;
	p0 =	por !p0, !p0  }
0xa2: {  	s26 =	sshrl.u32 s26, $0x4;
	s28 =	simm.s32 @!p0 $0x0  }
0xa3: {  	s26 =	ssub.s32 s26, s28  }
0xa4: {  	s26 =	sshll.u32 s26, $0x4  }
0xa5: {  	s28 =	sadd.s32 s10, s26  }
0xa6: {  	s26 =	sand.u32 $0x70, s26;
	s28 =	sand.u32 $0xFFFFFF80, s28  }
0xa7: {  	s28 =	sor.u32 s26, s28  }
0xa8: {  	v62 =	vld [tilespmem:s28+$0x0];
	_ =	sdelay $0x1  }
0xa9: {  	s25 =	sand.u32 $0xF, s25  }
0xaa: {  	v63 =	vmov s25  }
0xab: {  	vm0 =	veq.s32 v63, v3;
	p0 =	por $0x0, $0x0;
	s26 =	simm.f32 $1.000000000e+00  }
0xac: {  	s25 =	simm.s32 $0x8;
	v37 =	vld [tilespmem:s28+$0x8000];
	s26 =	simm.s32 @!p0 $0x0;
	v38 =	vsel vm0, $0x7F800000, v62  }
.LBB2_3:
0xad: {  	_ =	sdelay $0x3  }
0xae: {  	[tilespmem:s28+$0x0] =	vst v38;
	v37 =	vsel vm0, s26, v37  }
0xaf: {  	[tilespmem:s28+$0x8000] =	vst v37  }
0xb0: {  	v37 =	vld [tilespmem:s10+$0x0]  }
0xb1: {  	s29 =	rddreg [dreg:$0x3]  }
0xb2: {  	v38 =	vld [tilespmem:s29+$0x0]  }
0xb3: {  	s28 =	rddreg [dreg:$0x4]  }
0xb4: {  	v39 =	vld [tilespmem:s28+$0x0]  }
0xb5: {  	s31 =	rddreg [dreg:$0x5];
	vm0 =	vlt.f32 v37, $+Inf  }
0xb6: {  	v40 =	vld [tilespmem:s31+$0x0];
	v37 =	vnsel vm0, $0x7F800000, v37  }
0xb7: {  	s28 =	rddreg [dreg:$0x6];
	vm0 =	vlt.f32 v38, v37  }
0xb8: {  	v49 =	vld [tilespmem:s28+$0x0];
	v37 =	vsel vm0, v38, v37  }
0xb9: {  	s30 =	rddreg [dreg:$0x7];
	vm1 =	vlt.f32 v39, v37  }
0xba: {  	v50 =	vld [tilespmem:s30+$0x0];
	v37 =	vsel vm1, v39, v37  }
0xbb: {  	s28 =	rddreg [dreg:$0x8];
	vm2 =	vlt.f32 v40, v37  }
0xbc: {  	v51 =	vld [tilespmem:s28+$0x0];
	v37 =	vsel vm2, v40, v37  }
0xbd: {  	s31 =	rddreg [dreg:$0x9];
	vm3 =	vlt.f32 v49, v37  }
0xbe: {  	v52 =	vld [tilespmem:s31+$0x0];
	v37 =	vsel vm3, v49, v37  }
0xbf: {  	s28 =	rddreg [dreg:$0xa];
	vm4 =	vlt.f32 v50, v37  }
0xc0: {  	v41 =	vimm.s32 $0x0;
	v53 =	vld [tilespmem:s28+$0x0];
	v37 =	vsel vm4, v50, v37  }
0xc1: {  	s30 =	rddreg [dreg:$0xb];
	v41 =	vsel vm4, $0xFFFFFFFF, v41;
	vm4 =	vlt.f32 v51, v37  }
0xc2: {  	v54 =	vimm.s32 $0x0;
	v55 =	vld [tilespmem:s30+$0x0];
	v37 =	vsel vm4, v51, v37  }
0xc3: {  	s28 =	rddreg [dreg:$0xc];
	[tilespmem:$0x1FED0] =	vst v41;
	v41 =	vsel vm4, $0xFFFFFFFF, v54;
	vm4 =	vlt.f32 v52, v37  }
0xc4: {  	v56 =	vimm.s32 $0x0;
	v57 =	vld [tilespmem:s28+$0x0];
	v37 =	vsel vm4, v52, v37  }
0xc5: {  	s31 =	rddreg [dreg:$0xd];
	[tilespmem:$0x1FEE0] =	vst v41;
	v41 =	vsel vm4, $0xFFFFFFFF, v56;
	vm4 =	vlt.f32 v53, v37  }
0xc6: {  	v58 =	vimm.s32 $0x0;
	v59 =	vld [tilespmem:s31+$0x0];
	v37 =	vsel vm4, v53, v37  }
0xc7: {  	s28 =	rddreg [dreg:$0xe];
	[tilespmem:$0x1FEF0] =	vst v41;
	v41 =	vsel vm4, $0xFFFFFFFF, v58;
	vm4 =	vlt.f32 v55, v37  }
0xc8: {  	v60 =	vimm.s32 $0x0;
	v61 =	vld [tilespmem:s28+$0x0];
	v37 =	vsel vm4, v55, v37  }
0xc9: {  	s30 =	rddreg [dreg:$0xf];
	[tilespmem:$0x1FF00] =	vst v41;
	v41 =	vsel vm4, $0xFFFFFFFF, v60;
	vm4 =	vlt.f32 v57, v37  }
0xca: {  	v62 =	vimm.s32 $0x0;
	v63 =	vld [tilespmem:s30+$0x0];
	v37 =	vsel vm4, v57, v37  }
0xcb: {  	s28 =	rddreg [dreg:$0x10];
	[tilespmem:$0x1FF10] =	vst v41;
	v41 =	vsel vm4, $0xFFFFFFFF, v62;
	vm4 =	vlt.f32 v59, v37  }
0xcc: {  	v44 =	vimm.s32 $0x0;
	v45 =	vld [tilespmem:s28+$0x0];
	v37 =	vsel vm4, v59, v37  }
0xcd: {  	s31 =	rddreg [dreg:$0x11];
	[tilespmem:$0x1FF20] =	vst v41;
	v41 =	vsel vm4, $0xFFFFFFFF, v44;
	vm4 =	vlt.f32 v61, v37  }
0xce: {  	v46 =	vimm.s32 $0x0;
	v47 =	vld [tilespmem:s31+$0x0];
	v37 =	vsel vm4, v61, v37  }
0xcf: {  	s28 =	rddreg [dreg:$0x12];
	[tilespmem:$0x1FF30] =	vst v41;
	v41 =	vsel vm4, $0xFFFFFFFF, v46;
	vm4 =	vlt.f32 v63, v37  }
0xd0: {  	v48 =	vimm.s32 $0x0;
	v49 =	vld [tilespmem:s28+$0x0];
	v37 =	vsel vm4, v63, v37  }
0xd1: {  	s30 =	rddreg [dreg:$0x13];
	[tilespmem:$0x1FF40] =	vst v41;
	v41 =	vsel vm4, $0xFFFFFFFF, v48;
	vm4 =	vlt.f32 v45, v37  }
0xd2: {  	v51 =	vld [tilespmem:s30+$0x0];
	v37 =	vsel vm4, v45, v37  }
0xd3: {  	vm14 =	vlt.f32 v47, v37  }
0xd4: {  	v52 =	vld [tilespmem:s11+$0x0];
	v37 =	vsel vm14, v47, v37  }
0xd5: {  	vm15 =	vlt.f32 v49, v37  }
0xd6: {  	v53 =	vld [tilespmem:s12+$0x0];
	v37 =	vsel vm15, v49, v37  }
0xd7: {  	v54 =	vld [tilespmem:s13+$0x0];
	vm12 =	vlt.f32 v51, v37  }
0xd8: {  	v42 =	vld [tilespmem:$0x1FED0];
	v37 =	vsel vm12, v51, v37  }
0xd9: {  	v56 =	vld [tilespmem:s15+$0x0];
	vm11 =	vlt.f32 v52, v37  }
0xda: {  	v55 =	vld [tilespmem:s14+$0x0];
	v37 =	vsel vm11, v52, v37  }
0xdb: {  	v58 =	vld [tilespmem:s17+$0x0];
	vm10 =	vlt.f32 v53, v37  }
0xdc: {  	v57 =	vld [tilespmem:s16+$0x0];
	v37 =	vsel vm10, v53, v37  }
0xdd: {  	v62 =	vld [tilespmem:s20+$0x0];
	vm9 =	vlt.f32 v54, v37  }
0xde: {  	v59 =	vld [tilespmem:s18+$0x0];
	v37 =	vsel vm9, v54, v37  }
0xdf: {  	v61 =	vld [tilespmem:s19+$0x0];
	vm8 =	vlt.f32 v55, v37  }
0xe0: {  	v46 =	vld [tilespmem:$0x1FEF0];
	v37 =	vsel vm8, v55, v37  }
0xe1: {  	v63 =	vld [tilespmem:s21+$0x0];
	vm7 =	vlt.f32 v56, v37  }
0xe2: {  	v50 =	vimm.s32 $0x0;
	v45 =	vld [tilespmem:$0x1FEE0];
	v37 =	vsel vm7, v56, v37  }
0xe3: {  	v60 =	vsel vm0, v6, v3;
	v48 =	vld [tilespmem:$0x1FF00];
	[tilespmem:$0x1FF50] =	vst v41;
	v41 =	vsel vm4, $0xFFFFFFFF, v50;
	vm6 =	vlt.f32 v57, v37  }
0xe4: {  	[tilespmem:$0x1FF60] =	vst v41;
	v41 =	vsel vm1, v7, v60;
	v47 =	vld [tilespmem:s22+$0x0];
	v37 =	vsel vm6, v57, v37  }
0xe5: {  	v41 =	vsel vm2, v8, v41;
	v49 =	vld [tilespmem:$0x1FF10];
	vm5 =	vlt.f32 v58, v37  }
0xe6: {  	vm0 =	vnez.u8 v42;
	v41 =	vsel vm3, v9, v41;
	v51 =	vld [tilespmem:$0x1FF20];
	v37 =	vsel vm5, v58, v37  }
0xe7: {  	v41 =	vsel vm0, v10, v41;
	vm0 =	vnez.u8 v45;
	v52 =	vld [tilespmem:$0x1FF30];
	vm4 =	vlt.f32 v59, v37  }
0xe8: {  	v41 =	vsel vm0, v11, v41;
	vm0 =	vnez.u8 v46;
	v54 =	vld [tilespmem:$0x1FF40];
	v37 =	vsel vm4, v59, v37  }
0xe9: {  	v41 =	vsel vm0, v12, v41;
	vm0 =	vnez.u8 v48;
	v55 =	vld [tilespmem:$0x1FF50];
	vm3 =	vlt.f32 v61, v37  }
0xea: {  	v41 =	vsel vm0, v13, v41;
	vm0 =	vnez.u8 v49;
	v56 =	vld [tilespmem:$0x1FF60];
	v37 =	vsel vm3, v61, v37  }
0xeb: {  	v41 =	vsel vm0, v14, v41;
	vm0 =	vnez.u8 v51;
	vm2 =	vlt.f32 v62, v37  }
0xec: {  	v50 =	vld [tilespmem:s23+$0x0];
	v41 =	vsel vm0, v15, v41;
	vm0 =	vnez.u8 v52;
	v37 =	vsel vm2, v62, v37  }
0xed: {  	v41 =	vsel vm0, v16, v41;
	vm0 =	vnez.u8 v54;
	vm1 =	vlt.f32 v63, v37  }
0xee: {  	v53 =	vld [tilespmem:s24+$0x0];
	v41 =	vsel vm0, v17, v41;
	vm13 =	vnez.u8 v55;
	v37 =	vsel vm1, v63, v37  }
0xef: {  	v41 =	vsel vm13, v18, v41;
	vm13 =	vnez.u8 v56;
	vm0 =	vlt.f32 v47, v37  }
0xf0: {  	v39 =	vsel vm13, v19, v41;
	v37 =	vsel vm0, v47, v37  }
0xf1: {  	v39 =	vsel vm14, v20, v39;
	vm13 =	vlt.f32 v50, v37  }
0xf2: {  	v39 =	vsel vm15, v21, v39;
	v37 =	vsel vm13, v50, v37  }
0xf3: {  	v39 =	vsel vm12, v22, v39;
	vm14 =	vlt.f32 v53, v37  }
0xf4: {  	v57 =	vsel vm11, v23, v39;
	v37 =	vsel vm14, v53, v37  }
0xf5: {  	v38 =	vsel vm10, v24, v57;
	v58 =	vperm.xlane v37, v1  }
0xf6: {  	v38 =	vsel vm9, v25, v38  }
0xf7: {  	v38 =	vsel vm8, v26, v38;
	v39 =	vmin.f32 v37, v58  }
0xf8: {  	v38 =	vsel vm7, v27, v38;
	v59 =	vperm.xlane v39, v2  }
0xf9: {  	v38 =	vsel vm6, v28, v38  }
0xfa: {  	v38 =	vsel vm5, v29, v38;
	v39 =	vmin.f32 v39, v59  }
0xfb: {  	v38 =	vsel vm4, v30, v38;
	v40 =	vperm.xlane v39, v4  }
0xfc: {  	v38 =	vsel vm3, v31, v38  }
0xfd: {  	v38 =	vsel vm2, v32, v38;
	v39 =	vmin.f32 v39, v40  }
0xfe: {  	v38 =	vsel vm1, v33, v38;
	v40 =	vperm.xlane v39, v5  }
0xff: {  	v38 =	vsel vm0, v34, v38  }
0x100: {  	v38 =	vsel vm13, v35, v38;
	v39 =	vmin.f32 v39, v40  }
0x101: {  	v60 =	vsel vm14, v36, v38;
	vm0 =	veq.f32 v37, v39  }
0x102: {  	v37 =	vnsel vm0, $0x40000000, v60  }
0x103: {  	v61 =	vperm.xlane v37, v1;
	_ =	sdelay $0x1  }
0x104: {  	vm0 =	vlt.s32 v37, v61  }
0x105: {  	v37 =	vsel vm0, v37, v61  }
0x106: {  	v38 =	vperm.xlane v37, v2;
	_ =	sdelay $0x1  }
0x107: {  	vm0 =	vlt.s32 v37, v38  }
0x108: {  	v37 =	vsel vm0, v37, v38  }
0x109: {  	v38 =	vperm.xlane v37, v4;
	_ =	sdelay $0x1  }
0x10a: {  	vm0 =	vlt.s32 v37, v38  }
0x10b: {  	v37 =	vsel vm0, v37, v38  }
0x10c: {  	v38 =	vperm.xlane v37, v5;
	_ =	sdelay $0x1  }
0x10d: {  	vm0 =	vlt.s32 v37, v38  }
0x10e: {  	v37 =	vsel vm0, v37, v38  }
0x10f: {  	(v2sf) =	vpush v37, $0x0;
	_ =	sdelay $0xe  }
0x110: {  	s28 =	spop (v2sf)  }
0x111: {  	s31 =	sshra.s32 s28, $0x1F  }
0x112: {  	s29 =	sshrl.u32 s31, $0x1C  }
0x113: {  	s29 =	sadd.s32 s29, s28  }
0x114: {  	s31 =	sand.u32 $0xFFFFFFF0, s29  }
0x115: {  	p1 =	slt.s32 s28, $0x1;
	p2 =	sne.s32 s28, s31  }
0x116: {  	s30 =	sand.u32 $0xF, s28;
	p1 =	por !p1, !p2  }
0x117: {  	s28 =	sshrl.u32 s29, $0x4;
	s29 =	simm.s32 $0x1;
	p1 =	por !p1, !p1  }
0x118: {  	s29 =	simm.s32 @!p1 $0x0  }
0x119: {  	s28 =	ssub.s32 s28, s29  }
0x11a: {  	s28 =	sshll.u32 s28, $0x4  }
0x11b: {  	s31 =	sadd.s32 s10, s28  }
0x11c: {  	s28 =	sand.u32 $0x70, s28;
	s29 =	sand.u32 $0xFFFFFF80, s31  }
0x11d: {  	s28 =	sor.u32 s28, s29  }
0x11e: {  	p0 =	sne.s32 s25, $0x1;
	v63 =	vld [tilespmem:s28+$0x0]  }
.Ltmp0:
0x11f: {  	_ = 	snop;
	(pc) =	sbr.rel @p0 .LBB2_3-.Ltmp0, $4  }
0x120: {  	_ = 	snop  }
0x121: {  	s26 =	smov.u32 s25;
	v62 =	vmov s30  }
0x122: {  	vm0 =	veq.s32 v62, v3;
	p1 =	sne.s32 s26, $0x9;
	s26 =	simm.f32 $1.000000000e+00  }
0x123: {  	s25 =	sadd.s32 $0xFFFFFFFF, s25;
	s26 =	simm.s32 @!p1 $0x0;
	v37 =	vld [tilespmem:s28+$0x8000];
	v38 =	vsel vm0, $0x7F800000, v63  }
0x124: {  	s9 =	sadd.s32 $0x1, s9  }
0x125: {  	p0 =	sne.s32 s9, $0x40  }
.Ltmp1:
0x126: {  	_ = 	snop;
	(pc) =	sbr.rel @p0 .LBB2_2-.Ltmp1, $3  }
0x127: {  	_ =	sdelay $0x1  }
0x128: {  	[tilespmem:s28+$0x0] =	vst v38;
	v37 =	vsel vm0, s26, v37  }
0x129: {  	[tilespmem:s28+$0x8000] =	vst v37  }
0x12a: {  	s8 =	sadd.s32 $0x1, s8  }
0x12b: {  	p0 =	sne.s32 s8, s5  }
.Ltmp2:
0x12c: {  	_ = 	snop;
	(pc) =	sbr.rel @p0 .LBB2_1-.Ltmp2, $4  }
0x12d: {  	[hbm4b:s4+s2] =	stream.linear.scatter [tilespmem:s7], [sflag:$0x1], $0x8000, $0x38;
	[tilespmem:$0x10000] =	vst v63  }
0x12e: {  	_ =	swait.ge [sflag:s6], $0x8000  }
0x12f: {  	[sflag:s6] =	ssyncset.done $0x0  }
0x130: {  	[sflag:s6] =	ssyncadd.s32 $0xFFFF8000  }
0x131: {  	_ =	sfence.sel $0x180000  }
0x132: {  	[bflag:$0x0] =	sbarrier.arrive $0xFFFF  }
0x133: {  	p0 =	sne.s32 s1, $0x0;
	_ =	strace $0x90000047  }
0x134: {  	s0 =	sadd.s32 @!p0 $0x100000, s0;
	[bflag:$0x2] =	sbarrier.arrive $0xFFFF  }
0x135: {  	[sflag:s0] =	ssyncadd.tile.s32 @!p0 $0x1;
	_ =	shalt  }
.Lfunc_end2:
_tile_overlayer_lowered:
.L_overlay_start_2:
0x136: {  	(tag) =	ssettag $0x2  }
0x137: {  	s0 =	rddreg [dreg:$0x0];
	s2 =	stileid.u32  }
0x138: {  	s1 =	rddreg [dreg:$0x1];
	p0 =	sne.s32 s2, $0x0  }
0x139: {  	s3 =	rddreg [dreg:$0x2];
	[bflag:$0x3] =	sbarrier.arrive $0xFFFF;
	s2 =	simm.s32 @!p0 $0x1C01  }
0x13a: {  	[timem:s3], [sflag:s2] =	dma.local @!p0 [hbm:s0], s1  }
0x13b: {  	s0 =	simm.s32 @!p0 $0x1  }
0x13c: {  	_ =	swait.ge @!p0 [sflag:s0], s1  }
0x13d: {  	s1 =	ssub.s32 @!p0 $0x0, s1;
	[sflag:s0] =	ssyncset.done @!p0 $0x0  }
0x13e: {  	[sflag:s0] =	ssyncadd.s32 @!p0 s1  }
0x13f: {  	[bflag:$0x3] =	sbarrier.arrive $0xFFFF  }
0x140: {  	_ =	shalt  }

</sc_bundles>
